<compile_context>
chip_gen: v7x
topology: tpu7x:2x2x1
jax: 0.10.2.dev20260603
libtpu: 0.0.44.dev20260713+nightly
codegen_flags: <defaults>
</compile_context>

<pallas_src>
import jax
import jax.numpy as jnp
from jax import lax
from jax.experimental import pallas as pl
from jax.experimental.pallas import tpu as pltpu
from jax.experimental.pallas import tpu_sc as plsc

N = 100000
E = 1600000
G = 256
D = 32
HALF = 16
NC = 2
NS = 16
CH = 128
NB = 8
CNB = 4
NCHUNK = 12544
EPAD = NCHUNK * CH
GPS = NCHUNK // (NS * CNB)
GPW = NCHUNK // (NS * NC * NB)
NP = 102400
NPAD = 104448
RPS = NPAD // NS

R = 2048
NBLK = NP // R
OFF = NPAD // R

_f32 = jnp.float32


def _sc_mesh():
    return plsc.VectorSubcoreMesh(core_axis_name="c", subcore_axis_name="s")


def _deg_body(dst_hbm, ones_hbm, zeros_hbm, hist_hbm, dst_v, ones_v, sem,
              hist_sh):
    c = lax.axis_index("c")
    s = lax.axis_index("s")
    w = s * NC + c
    pltpu.sync_copy(zeros_hbm, hist_sh.at[pl.ds(s * RPS, RPS)])
    pltpu.sync_copy(ones_hbm, ones_v)
    plsc.subcore_barrier()

    def body(i, carry):
        row0 = (w * GPW + i) * NB
        pltpu.sync_copy(dst_hbm.at[pl.ds(row0, NB)], dst_v)
        descs = [pltpu.async_copy(ones_v, hist_sh.at[dst_v.at[b]], sem,
                                  add=True)
                 for b in range(NB)]
        for d_ in descs:
            d_.wait()
        return carry

    lax.fori_loop(0, GPW, body, 0)
    plsc.subcore_barrier()
    pltpu.sync_copy(hist_sh.at[pl.ds(s * RPS, RPS)],
                    hist_hbm.at[pl.ds(c * NPAD + s * RPS, RPS)])


def _deg_hist(dst2d, ones_ch, zeros_rps):
    return pl.kernel(
        _deg_body,
        out_type=jax.ShapeDtypeStruct((NC * NPAD, HALF), _f32),
        mesh=_sc_mesh(),
        compiler_params=pltpu.CompilerParams(use_tc_tiling_on_sc=False),
        scratch_types=[
            pltpu.VMEM((NB, CH), jnp.int32),
            pltpu.VMEM((CH, HALF), _f32),
            pltpu.SemaphoreType.DMA,
            pltpu.VMEM_SHARED((NPAD, HALF), _f32),
        ],
    )(dst2d, ones_ch, zeros_rps)


def _conv_body(yA_hbm, yB_hbm, src_hbm, dst_hbm, zeros_hbm, acc_hbm,
               src_v, dst_v, rows_v, gsem, ssem, acc_sh):
    c = lax.axis_index("c")
    s = lax.axis_index("s")
    pltpu.sync_copy(zeros_hbm, acc_sh.at[pl.ds(s * RPS, RPS)])
    plsc.subcore_barrier()
    base = s * GPS

    def load_idx(i, p):
        row0 = (base + i) * CNB
        pltpu.sync_copy(src_hbm.at[pl.ds(row0, CNB)], src_v.at[p])
        pltpu.sync_copy(dst_hbm.at[pl.ds(row0, CNB)], dst_v.at[p])

    def fire_gathers(p):
        for y_hbm, cc in ((yA_hbm, 0), (yB_hbm, 1)):
            @pl.when(c == cc)
            def _():
                for b in range(CNB):
                    pltpu.async_copy(
                        y_hbm.at[src_v.at[p].at[b]],
                        rows_v.at[p].at[pl.ds(b * CH, CH)], gsem)

    def drain_gathers(p):
        for y_hbm, cc in ((yA_hbm, 0), (yB_hbm, 1)):
            @pl.when(c == cc)
            def _():
                for b in range(CNB):
                    pltpu.make_async_copy(
                        y_hbm.at[src_v.at[p].at[b]],
                        rows_v.at[p].at[pl.ds(b * CH, CH)], gsem).wait()

    def fire_scatters(p):
        for b in range(CNB):
            pltpu.async_copy(rows_v.at[p].at[pl.ds(b * CH, CH)],
                             acc_sh.at[dst_v.at[p].at[b]], ssem, add=True)

    def drain_scatters(p):
        for b in range(CNB):
            pltpu.make_async_copy(rows_v.at[p].at[pl.ds(b * CH, CH)],
                                  acc_sh.at[dst_v.at[p].at[b]], ssem).wait()

    load_idx(0, 0)
    fire_gathers(0)

    def pair_body(j, carry):
        i0 = 2 * j
        load_idx(i0 + 1, 1)
        drain_gathers(0)
        fire_gathers(1)
        fire_scatters(0)
        drain_scatters(0)

        @pl.when(j + 1 < GPS // 2)
        def _():
            load_idx(i0 + 2, 0)

        drain_gathers(1)

        @pl.when(j + 1 < GPS // 2)
        def _():
            fire_gathers(0)

        fire_scatters(1)
        drain_scatters(1)
        return carry

    lax.fori_loop(0, GPS // 2, pair_body, 0)
    plsc.subcore_barrier()
    pltpu.sync_copy(acc_sh.at[pl.ds(s * RPS, RPS)],
                    acc_hbm.at[pl.ds(c * NPAD + s * RPS, RPS)])


def _edge_pass(yA, yB, src2d, dst2d, zeros_rps):
    return pl.kernel(
        _conv_body,
        out_type=jax.ShapeDtypeStruct((NC * NPAD, HALF), _f32),
        mesh=_sc_mesh(),
        compiler_params=pltpu.CompilerParams(use_tc_tiling_on_sc=False),
        scratch_types=[
            pltpu.VMEM((2, CNB, CH), jnp.int32),
            pltpu.VMEM((2, CNB, CH), jnp.int32),
            pltpu.VMEM((2, CNB * CH, HALF), _f32),
            pltpu.SemaphoreType.DMA,
            pltpu.SemaphoreType.DMA,
            pltpu.VMEM_SHARED((NPAD, HALF), _f32),
        ],
    )(yA, yB, src2d, dst2d, zeros_rps)


def _m1_body(x_ref, h0_ref, h1_ref, w1_ref, ya_ref, yb_ref, dinv_ref):
    deg = 1.0 + h0_ref[:, :1] + h1_ref[:, :1]
    dinv = lax.rsqrt(deg)
    xw = jnp.dot(x_ref[...], w1_ref[...], preferred_element_type=_f32)
    y = xw * dinv
    ya_ref[...] = y[:, :HALF]
    yb_ref[...] = y[:, HALF:]
    dinv_ref[...] = lax.squeeze(dinv, (1,))


def _m1(xp, hist, w1):
    return pl.pallas_call(
        _m1_body,
        grid=(NBLK,),
        in_specs=[
            pl.BlockSpec((R, 128), lambda i: (i, 0)),
            pl.BlockSpec((R, HALF), lambda i: (i, 0)),
            pl.BlockSpec((R, HALF), lambda i: (i + OFF, 0)),
            pl.BlockSpec((128, D), lambda i: (0, 0)),
        ],
        out_specs=[
            pl.BlockSpec((R, HALF), lambda i: (i, 0)),
            pl.BlockSpec((R, HALF), lambda i: (i, 0)),
            pl.BlockSpec((R,), lambda i: (i,)),
        ],
        out_shape=[
            jax.ShapeDtypeStruct((NP, HALF), _f32),
            jax.ShapeDtypeStruct((NP, HALF), _f32),
            jax.ShapeDtypeStruct((NP,), _f32),
        ],
    )(xp, hist, hist, w1)


def _k2_body(a0_ref, a1_ref, ya_ref, yb_ref, dinv_ref, w2_ref, b1_ref,
             y2a_ref, y2b_ref):
    dinv = dinv_ref[...][:, None]
    acc = jnp.concatenate([a0_ref[...] + ya_ref[...],
                           a1_ref[...] + yb_ref[...]], axis=1)
    h1 = jnp.maximum(dinv * acc + b1_ref[...], 0.0)
    y2 = jnp.dot(h1, w2_ref[...], preferred_element_type=_f32) * dinv
    y2a_ref[...] = y2[:, :HALF]
    y2b_ref[...] = y2[:, HALF:]


def _k2(acc1, yA, yB, dinv, w2p, b1r):
    return pl.pallas_call(
        _k2_body,
        grid=(NBLK,),
        in_specs=[
            pl.BlockSpec((R, HALF), lambda i: (i, 0)),
            pl.BlockSpec((R, HALF), lambda i: (i + OFF, 0)),
            pl.BlockSpec((R, HALF), lambda i: (i, 0)),
            pl.BlockSpec((R, HALF), lambda i: (i, 0)),
            pl.BlockSpec((R,), lambda i: (i,)),
            pl.BlockSpec((D, D), lambda i: (0, 0)),
            pl.BlockSpec((1, D), lambda i: (0, 0)),
        ],
        out_specs=[
            pl.BlockSpec((R, HALF), lambda i: (i, 0)),
            pl.BlockSpec((R, HALF), lambda i: (i, 0)),
        ],
        out_shape=[
            jax.ShapeDtypeStruct((NP, HALF), _f32),
            jax.ShapeDtypeStruct((NP, HALF), _f32),
        ],
    )(acc1, acc1, yA, yB, dinv, w2p, b1r)


def _k3_body(a0_ref, a1_ref, y2a_ref, y2b_ref, dinv_ref, b2_ref, wn1_ref,
             bn1_ref, wn2_ref, bn2_ref, batch_ref, h2_ref, nlog_ref,
             sumh_ref, cnt_ref, maxn_ref):
    i = pl.program_id(0)
    dinv = dinv_ref[...][:, None]
    acc = jnp.concatenate([a0_ref[...] + y2a_ref[...],
                           a1_ref[...] + y2b_ref[...]], axis=1)
    h2 = jnp.maximum(dinv * acc + b2_ref[...], 0.0)
    h2_ref[...] = h2
    hn = jnp.maximum(
        jnp.dot(h2, wn1_ref[...], preferred_element_type=_f32) + bn1_ref[...],
        0.0)
    nlog = jnp.sum(hn * wn2_ref[...], axis=1, keepdims=True) + bn2_ref[0, :1]
    nlog_ref[...] = lax.squeeze(nlog, (1,))
    oh = (batch_ref[...][:, None]
          == lax.broadcasted_iota(jnp.int32, (R, G), 1)).astype(_f32)
    psumh = lax.dot_general(oh.astype(jnp.bfloat16), h2.astype(jnp.bfloat16),
                            (((0,), (0,)), ((), ())),
                            preferred_element_type=_f32)
    pcnt = jnp.sum(oh, axis=0)[:, None]
    pmax = jnp.max(jnp.where(oh > 0, nlog, -1e30), axis=0)[:, None]

    @pl.when(i == 0)
    def _():
        sumh_ref[...] = jnp.zeros_like(sumh_ref)
        cnt_ref[...] = jnp.zeros_like(cnt_ref)
        maxn_ref[...] = jnp.full_like(maxn_ref, -1e30)

    sumh_ref[...] += psumh
    cnt_ref[...] += jnp.broadcast_to(pcnt, (G, 8))
    maxn_ref[...] = jnp.maximum(maxn_ref[...], jnp.broadcast_to(pmax, (G, 8)))


def _k3(acc2, y2A, y2B, dinv, b2r, wn1p, bn1r, wn2r, bn2r, batch1):
    return pl.pallas_call(
        _k3_body,
        grid=(NBLK,),
        in_specs=[
            pl.BlockSpec((R, HALF), lambda i: (i, 0)),
            pl.BlockSpec((R, HALF), lambda i: (i + OFF, 0)),
            pl.BlockSpec((R, HALF), lambda i: (i, 0)),
            pl.BlockSpec((R, HALF), lambda i: (i, 0)),
            pl.BlockSpec((R,), lambda i: (i,)),
            pl.BlockSpec((1, D), lambda i: (0, 0)),
            pl.BlockSpec((D, 16), lambda i: (0, 0)),
            pl.BlockSpec((1, 16), lambda i: (0, 0)),
            pl.BlockSpec((1, 16), lambda i: (0, 0)),
            pl.BlockSpec((1, 8), lambda i: (0, 0)),
            pl.BlockSpec((R,), lambda i: (i,)),
        ],
        out_specs=[
            pl.BlockSpec((R, D), lambda i: (i, 0)),
            pl.BlockSpec((R,), lambda i: (i,)),
            pl.BlockSpec((G, D), lambda i: (0, 0)),
            pl.BlockSpec((G, 8), lambda i: (0, 0)),
            pl.BlockSpec((G, 8), lambda i: (0, 0)),
        ],
        out_shape=[
            jax.ShapeDtypeStruct((NP, D), _f32),
            jax.ShapeDtypeStruct((NP,), _f32),
            jax.ShapeDtypeStruct((G, D), _f32),
            jax.ShapeDtypeStruct((G, 8), _f32),
            jax.ShapeDtypeStruct((G, 8), _f32),
        ],
        compiler_params=pltpu.CompilerParams(
            dimension_semantics=("arbitrary",)),
    )(acc2, acc2, y2A, y2B, dinv, b2r, wn1p, bn1r, wn2r, bn2r, batch1)


def _k5_body(nlog_ref, h2_ref, batch_ref, maxn_ref, e_ref, sume_ref,
             sumeh_ref):
    i = pl.program_id(0)
    oh = (batch_ref[...][:, None]
          == lax.broadcasted_iota(jnp.int32, (R, G), 1)).astype(_f32)
    mrow = lax.dot_general(oh, maxn_ref[:, :1], (((1,), (0,)), ((), ())),
                           preferred_element_type=_f32)
    e = jnp.exp(nlog_ref[...][:, None] - mrow)
    e_ref[...] = lax.squeeze(e, (1,))
    ohb = oh.astype(jnp.bfloat16)
    psume = lax.dot_general(ohb, e.astype(jnp.bfloat16),
                            (((0,), (0,)), ((), ())),
                            preferred_element_type=_f32)
    psumeh = lax.dot_general(ohb, (e * h2_ref[...]).astype(jnp.bfloat16),
                             (((0,), (0,)), ((), ())),
                             preferred_element_type=_f32)

    @pl.when(i == 0)
    def _():
        sume_ref[...] = jnp.zeros_like(sume_ref)
        sumeh_ref[...] = jnp.zeros_like(sumeh_ref)

    sume_ref[...] += jnp.broadcast_to(psume, (G, 8))
    sumeh_ref[...] += psumeh


def _k5(nlog, h2, batch1, maxn):
    return pl.pallas_call(
        _k5_body,
        grid=(NBLK,),
        in_specs=[
            pl.BlockSpec((R,), lambda i: (i,)),
            pl.BlockSpec((R, D), lambda i: (i, 0)),
            pl.BlockSpec((R,), lambda i: (i,)),
            pl.BlockSpec((G, 8), lambda i: (0, 0)),
        ],
        out_specs=[
            pl.BlockSpec((R,), lambda i: (i,)),
            pl.BlockSpec((G, 8), lambda i: (0, 0)),
            pl.BlockSpec((G, D), lambda i: (0, 0)),
        ],
        out_shape=[
            jax.ShapeDtypeStruct((NP,), _f32),
            jax.ShapeDtypeStruct((G, 8), _f32),
            jax.ShapeDtypeStruct((G, D), _f32),
        ],
        compiler_params=pltpu.CompilerParams(
            dimension_semantics=("arbitrary",)),
    )(nlog, h2, batch1, maxn)


def _k6_body(e_ref, batch_ref, sume_ref, n_ref):
    oh = (batch_ref[...][:, None]
          == lax.broadcasted_iota(jnp.int32, (R, G), 1)).astype(_f32)
    rinv = 1.0 / jnp.maximum(sume_ref[:, :1], 1e-30)
    rrow = lax.dot_general(oh, rinv, (((1,), (0,)), ((), ())),
                           preferred_element_type=_f32)
    n_ref[...] = e_ref[...] * lax.squeeze(rrow, (1,))


def _k6(e, batch1, sume):
    return pl.pallas_call(
        _k6_body,
        grid=(NBLK,),
        in_specs=[
            pl.BlockSpec((R,), lambda i: (i,)),
            pl.BlockSpec((R,), lambda i: (i,)),
            pl.BlockSpec((G, 8), lambda i: (0, 0)),
        ],
        out_specs=pl.BlockSpec((R,), lambda i: (i,)),
        out_shape=jax.ShapeDtypeStruct((NP,), _f32),
    )(e, batch1, sume)


def _k7_body(sumh_ref, cnt_ref, sumeh_ref, sume_ref, wg_ref, bg_ref,
             wt_ref, bt_ref, wb1_ref, bb1_ref, wb2_ref, bb2_ref,
             t_ref, bout_ref):
    gm = sumh_ref[...] / jnp.maximum(cnt_ref[:, :1], 1.0)
    g = jnp.dot(gm, wg_ref[...], preferred_element_type=_f32) + bg_ref[...]
    logit = jnp.dot(g, wt_ref[...], preferred_element_type=_f32) + bt_ref[...]
    m = jnp.max(logit, axis=1, keepdims=True)
    ez = jnp.exp(logit - m)
    t_ref[...] = (ez / jnp.sum(ez, axis=1, keepdims=True))[:, :2]

    rinv = 1.0 / jnp.maximum(sume_ref[:, :1], 1e-30)
    bpool = sumeh_ref[...] * rinv
    hb = jnp.maximum(
        jnp.dot(bpool, wb1_ref[...], preferred_element_type=_f32)
        + bb1_ref[...], 0.0)
    z = jnp.dot(hb, wb2_ref[...], preferred_element_type=_f32) + bb2_ref[...]
    mz = jnp.max(z, axis=0, keepdims=True)
    ezz = jnp.exp(z - mz)
    bout_ref[...] = (ezz / jnp.sum(ezz, axis=0, keepdims=True))[:, :3]


def _k7(sumh, cnt, sumeh, sume, wgp, bgr, wtp, btp, wb1p, bb1r, wb2p, bb2r):
    def full(s):
        return pl.BlockSpec(s, lambda: (0, 0))
    return pl.pallas_call(
        _k7_body,
        grid=(),
        in_specs=[
            full((G, D)), full((G, 8)), full((G, D)), full((G, 8)),
            full((D, D)), full((1, D)), full((D, 8)), full((1, 8)),
            full((D, 16)), full((1, 16)), full((16, 8)), full((1, 8)),
        ],
        out_specs=[full((G, 2)), full((G, 3))],
        out_shape=[
            jax.ShapeDtypeStruct((G, 2), _f32),
            jax.ShapeDtypeStruct((G, 3), _f32),
        ],
    )(sumh, cnt, sumeh, sume, wgp, bgr, wtp, btp, wb1p, bb1r, wb2p, bb2r)


def kernel(x, edge_index, batch, W1, b1, W2, b2, Wg, bg, Wt, bt,
           Wn1, bn1, Wn2, bn2, Wb1, bb1, Wb2, bb2):
    src2d = jnp.concatenate(
        [edge_index[0], jnp.zeros((EPAD - E,), jnp.int32)]).reshape(NCHUNK,
                                                                    CH)
    dst2d = jnp.concatenate(
        [edge_index[1], jnp.full((EPAD - E,), NP, jnp.int32)]).reshape(NCHUNK,
                                                                       CH)
    xp = jnp.pad(x, ((0, NP - N), (0, 0)))
    batch1 = jnp.pad(batch, (0, NP - N), constant_values=G)

    W2p = jnp.pad(W2, ((0, 0), (0, D - 24)))
    b1r = b1.reshape(1, D)
    b2r = jnp.pad(b2, (0, D - 24)).reshape(1, D)
    Wn1p = jnp.pad(Wn1, ((0, D - 24), (0, 0)))
    bn1r = bn1.reshape(1, 16)
    wn2r = Wn2.reshape(1, 16)
    bn2r = jnp.pad(bn2, (0, 7)).reshape(1, 8)
    Wgp = jnp.pad(Wg, ((0, D - 24), (0, 0)))
    bgr = bg.reshape(1, D)
    Wtp = jnp.pad(Wt, ((0, 0), (0, 6)))
    btp = jnp.pad(bt, (0, 6), constant_values=-1e30).reshape(1, 8)
    Wb1p = jnp.pad(Wb1, ((0, D - 24), (0, 0)))
    bb1r = bb1.reshape(1, 16)
    Wb2p = jnp.pad(Wb2, ((0, 0), (0, 5)))
    bb2r = jnp.pad(bb2, (0, 5)).reshape(1, 8)

    ones_ch = jnp.ones((CH, HALF), _f32)
    zeros_rps = jnp.zeros((RPS, HALF), _f32)

    hist = _deg_hist(dst2d, ones_ch, zeros_rps)
    yA, yB, dinv = _m1(xp, hist, W1)

    acc1 = _edge_pass(yA, yB, src2d, dst2d, zeros_rps)
    y2A, y2B = _k2(acc1, yA, yB, dinv, W2p, b1r)

    acc2 = _edge_pass(y2A, y2B, src2d, dst2d, zeros_rps)
    h2, nlog, sumh, cnt, maxn = _k3(acc2, y2A, y2B, dinv, b2r,
                                    Wn1p, bn1r, wn2r, bn2r, batch1)

    e, sume, sumeh = _k5(nlog, h2, batch1, maxn)
    n1 = _k6(e, batch1, sume)
    t, bout = _k7(sumh, cnt, sumeh, sume, Wgp, bgr, Wtp, btp,
                  Wb1p, bb1r, Wb2p, bb2r)
    return (t, n1[:N, None], bout)

# --- scband reference (transcript-rebuilt; emitter-appended) ---
"""Pipeline reference for scband-ppo-policy-44607530336656 (READ-ONLY COPY).

The authoritative reference and input builder live on the scoring server;
editing this copy changes nothing except your own understanding.
"""

import jax, jax.numpy as jnp
import numpy as np

N_NODES = 100000
N_EDGES = 1600000
N_GRAPHS = 256
D_IN = 128


def gcn_conv(x, edge_index, W, b):
    # torch_geometric GCNConv: x' = D^{-1/2} (A+I) D^{-1/2} (x W) + b
    n = x.shape[0]
    xw = x @ W
    loop = jnp.arange(n, dtype=edge_index.dtype)
    src = jnp.concatenate([edge_index[0], loop])
    dst = jnp.concatenate([edge_index[1], loop])
    deg = jnp.zeros((n,), x.dtype).at[dst].add(1.0)
    dinv = jnp.where(deg > 0, deg ** -0.5, 0.0)
    norm = dinv[src] * dinv[dst]
    msg = xw[src] * norm[:, None]
    out = jnp.zeros_like(xw).at[dst].add(msg)
    return out + b


def segment_softmax(vals, seg, num_segments):
    m = jax.ops.segment_max(vals, seg, num_segments=num_segments)
    e = jnp.exp(vals - m[seg])
    s = jax.ops.segment_sum(e, seg, num_segments=num_segments)
    return e / s[seg]


def setup_inputs(seed: int = 0) -> dict:
    key = jax.random.key(seed)
    ks = jax.random.split(key, 20)
    x = jax.random.normal(ks[0], (N_NODES, D_IN), dtype=jnp.float32)
    edge_index = jax.random.randint(ks[1], (2, N_EDGES), 0, N_NODES, dtype=jnp.int32)
    batch = jnp.sort(jax.random.randint(ks[2], (N_NODES,), 0, N_GRAPHS, dtype=jnp.int32))
    def lin(k, fan_in, fan_out):
        s = 1.0 / np.sqrt(fan_in)
        return jax.random.uniform(k, (fan_in, fan_out), jnp.float32, -s, s)
    W1 = lin(ks[3], D_IN, 32); b1 = jnp.zeros((32,), jnp.float32)
    W2 = lin(ks[4], 32, 24); b2 = jnp.zeros((24,), jnp.float32)
    Wg = lin(ks[5], 24, 32); bg = jnp.zeros((32,), jnp.float32)
    Wt = lin(ks[6], 32, 2); bt = jnp.zeros((2,), jnp.float32)
    Wn1 = lin(ks[7], 24, 16); bn1 = jnp.zeros((16,), jnp.float32)
    Wn2 = lin(ks[8], 16, 1); bn2 = jnp.zeros((1,), jnp.float32)
    Wb1 = lin(ks[9], 24, 16); bb1 = jnp.zeros((16,), jnp.float32)
    Wb2 = lin(ks[10], 16, 3); bb2 = jnp.zeros((3,), jnp.float32)
    return {"x": x, "edge_index": edge_index, "batch": batch,
            "W1": W1, "b1": b1, "W2": W2, "b2": b2,
            "Wg": Wg, "bg": bg, "Wt": Wt, "bt": bt,
            "Wn1": Wn1, "bn1": bn1, "Wn2": Wn2, "bn2": bn2,
            "Wb1": Wb1, "bb1": bb1, "Wb2": Wb2, "bb2": bb2}


def reference(x, edge_index, batch, W1, b1, W2, b2, Wg, bg, Wt, bt,
              Wn1, bn1, Wn2, bn2, Wb1, bb1, Wb2, bb2):
    h = jax.nn.relu(gcn_conv(x, edge_index, W1, b1))
    h = jax.nn.relu(gcn_conv(h, edge_index, W2, b2))
    counts = jax.ops.segment_sum(jnp.ones((h.shape[0],), h.dtype), batch, num_segments=N_GRAPHS)
    g = jax.ops.segment_sum(h, batch, num_segments=N_GRAPHS) / jnp.maximum(counts, 1.0)[:, None]
    g = g @ Wg + bg
    t = jax.nn.softmax(g @ Wt + bt, axis=1)
    n = jax.nn.relu(h @ Wn1 + bn1)
    n = n @ Wn2 + bn2
    n = segment_softmax(n, batch, N_GRAPHS)
    bfeat = n * h
    bpool = jax.ops.segment_sum(bfeat, batch, num_segments=N_GRAPHS)
    bout = jax.nn.relu(bpool @ Wb1 + bb1) @ Wb2 + bb2
    bout = jax.nn.softmax(bout, axis=0)
    return (t, n, bout)

if __name__ == "__main__":
    import jax
    _d = setup_inputs()
    print(jax.jit(kernel)(*tuple(_d.values())))

</pallas_src>

<mosaic_0001>
#map = affine_map<(d0, d1) -> (0, 0)>
module attributes {stable_mosaic.version = 14 : i64} {
  func.func @_conv_body(%arg0: i32, %arg1: i32, %arg2: memref<102400x16xf32, #tpu.memory_space<hbm>>, %arg3: memref<102400x16xf32, #tpu.memory_space<hbm>>, %arg4: memref<12544x128xi32, #tpu.memory_space<hbm>>, %arg5: memref<12544x128xi32, #tpu.memory_space<hbm>>, %arg6: memref<6528x16xf32, #tpu.memory_space<hbm>>, %arg7: memref<208896x16xf32, #tpu.memory_space<hbm>>, %arg8: memref<2x4x128xi32, #tpu.memory_space<vmem>>, %arg9: memref<2x4x128xi32, #tpu.memory_space<vmem>>, %arg10: memref<2x512x16xf32, #tpu.memory_space<vmem>>, %arg11: memref<!tpu.dma_semaphore, #tpu.memory_space<semaphore_mem>>, %arg12: memref<!tpu.dma_semaphore, #tpu.memory_space<semaphore_mem>>, %arg13: memref<104448x16xf32, #tpu.memory_space<vmem_shared>>) attributes {dimension_semantics = [#tpu.dimension_semantics<core_parallel>, #tpu.dimension_semantics<subcore_parallel>], iteration_bounds = array<i64: 2, 16>, scalar_prefetch = 0 : i64, scratch_operands = 6 : i64, tpu.core_type = #tpu.core_type<sc_vector_subcore>, window_params = [{transform_indices = #map}, {transform_indices = #map}, {transform_indices = #map}, {transform_indices = #map}, {transform_indices = #map}, {transform_indices = #map}]} {
    %mul3A = arith.constant 6528 : i32
    %mul3A_0 = arith.muli %arg1, %mul3A : i32
    "tpu.region"() ({
      %run_scoped3A_27 = tpu.sem_alloc : memref<!tpu.dma_semaphore, #tpu.memory_space<semaphore_mem>>
      %dma_start3A = arith.constant 0 : i32
      %dma_start3A_28 = tpu.memref_slice %arg13[%mul3A_0, %dma_start3A] : memref<104448x16xf32, #tpu.memory_space<vmem_shared>> -> memref<6528x16xf32, #tpu.memory_space<vmem_shared>>
      tpu.enqueue_dma source(%arg6 : memref<6528x16xf32, #tpu.memory_space<hbm>>) target(%dma_start3A_28 : memref<6528x16xf32, #tpu.memory_space<vmem_shared>>) target_semaphore(%run_scoped3A_27 : memref<!tpu.dma_semaphore, #tpu.memory_space<semaphore_mem>>)
      %dma_wait3A = arith.constant 0 : i32
      %dma_wait3A_29 = tpu.memref_slice %arg13[%mul3A_0, %dma_wait3A] : memref<104448x16xf32, #tpu.memory_space<vmem_shared>> -> memref<6528x16xf32, #tpu.memory_space<vmem_shared>>
      tpu.wait_dma2 semaphore(%run_scoped3A_27 : memref<!tpu.dma_semaphore, #tpu.memory_space<semaphore_mem>>) src(%arg6 : memref<6528x16xf32, #tpu.memory_space<hbm>>) dst(%dma_wait3A_29 : memref<6528x16xf32, #tpu.memory_space<vmem_shared>>)
      tpu.yield
    }) : () -> ()
    %barrier3A = arith.constant 0 : index
    tpu.barrier barrier_id(%barrier3A)
    %mul3A_1 = arith.constant 196 : i32
    %mul3A_2 = arith.muli %arg1, %mul3A_1 : i32
    %add3A = arith.constant 0 : i32
    %add3A_3 = arith.addi %mul3A_2, %add3A : i32
    %mul3A_4 = arith.constant 4 : i32
    %mul3A_5 = arith.muli %add3A_3, %mul3A_4 : i32
    %run_scoped3A = arith.constant 0 : i32
    "tpu.region"() ({
      %run_scoped3A_27 = tpu.sem_alloc : memref<!tpu.dma_semaphore, #tpu.memory_space<semaphore_mem>>
      %dma_start3A = arith.constant 0 : i32
      %dma_start3A_28 = arith.constant 0 : i32
      %dma_start3A_29 = tpu.memref_slice %arg8[%run_scoped3A, %dma_start3A, %dma_start3A_28] : memref<2x4x128xi32, #tpu.memory_space<vmem>> -> memref<1x4x128xi32, #tpu.memory_space<vmem>>
      %dma_start3A_30 = tpu.memref_squeeze %dma_start3A_29 : memref<1x4x128xi32, #tpu.memory_space<vmem>> -> memref<4x128xi32, #tpu.memory_space<vmem>>
      %dma_start3A_31 = arith.constant 0 : i32
      %dma_start3A_32 = tpu.memref_slice %arg4[%mul3A_5, %dma_start3A_31] : memref<12544x128xi32, #tpu.memory_space<hbm>> -> memref<4x128xi32, #tpu.memory_space<hbm>>
      %dma_start3A_33 = arith.constant 0 : i32
      %dma_start3A_34 = arith.constant 0 : i32
      %dma_start3A_35 = tpu.memref_slice %arg8[%run_scoped3A, %dma_start3A_33, %dma_start3A_34] : memref<2x4x128xi32, #tpu.memory_space<vmem>> -> memref<1x4x128xi32, #tpu.memory_space<vmem>>
      %dma_start3A_36 = tpu.memref_squeeze %dma_start3A_35 : memref<1x4x128xi32, #tpu.memory_space<vmem>> -> memref<4x128xi32, #tpu.memory_space<vmem>>
      %dma_start3A_37 = arith.constant 0 : i32
      %dma_start3A_38 = tpu.memref_slice %arg4[%mul3A_5, %dma_start3A_37] : memref<12544x128xi32, #tpu.memory_space<hbm>> -> memref<4x128xi32, #tpu.memory_space<hbm>>
      tpu.enqueue_dma source(%dma_start3A_38 : memref<4x128xi32, #tpu.memory_space<hbm>>) target(%dma_start3A_36 : memref<4x128xi32, #tpu.memory_space<vmem>>) target_semaphore(%run_scoped3A_27 : memref<!tpu.dma_semaphore, #tpu.memory_space<semaphore_mem>>)
      %dma_wait3A = arith.constant 0 : i32
      %dma_wait3A_39 = arith.constant 0 : i32
      %dma_wait3A_40 = tpu.memref_slice %arg8[%run_scoped3A, %dma_wait3A, %dma_wait3A_39] : memref<2x4x128xi32, #tpu.memory_space<vmem>> -> memref<1x4x128xi32, #tpu.memory_space<vmem>>
      %dma_wait3A_41 = tpu.memref_squeeze %dma_wait3A_40 : memref<1x4x128xi32, #tpu.memory_space<vmem>> -> memref<4x128xi32, #tpu.memory_space<vmem>>
      %dma_wait3A_42 = arith.constant 0 : i32
      %dma_wait3A_43 = tpu.memref_slice %arg4[%mul3A_5, %dma_wait3A_42] : memref<12544x128xi32, #tpu.memory_space<hbm>> -> memref<4x128xi32, #tpu.memory_space<hbm>>
      %dma_wait3A_44 = arith.constant 0 : i32
      %dma_wait3A_45 = arith.constant 0 : i32
      %dma_wait3A_46 = tpu.memref_slice %arg8[%run_scoped3A, %dma_wait3A_44, %dma_wait3A_45] : memref<2x4x128xi32, #tpu.memory_space<vmem>> -> memref<1x4x128xi32, #tpu.memory_space<vmem>>
      %dma_wait3A_47 = tpu.memref_squeeze %dma_wait3A_46 : memref<1x4x128xi32, #tpu.memory_space<vmem>> -> memref<4x128xi32, #tpu.memory_space<vmem>>
      %dma_wait3A_48 = arith.constant 0 : i32
      %dma_wait3A_49 = tpu.memref_slice %arg4[%mul3A_5, %dma_wait3A_48] : memref<12544x128xi32, #tpu.memory_space<hbm>> -> memref<4x128xi32, #tpu.memory_space<hbm>>
      tpu.wait_dma2 semaphore(%run_scoped3A_27 : memref<!tpu.dma_semaphore, #tpu.memory_space<semaphore_mem>>) src(%dma_wait3A_49 : memref<4x128xi32, #tpu.memory_space<hbm>>) dst(%dma_wait3A_47 : memref<4x128xi32, #tpu.memory_space<vmem>>)
      tpu.yield
    }) : () -> ()
    %run_scoped3A_6 = arith.constant 0 : i32
    "tpu.region"() ({
      %run_scoped3A_27 = tpu.sem_alloc : memref<!tpu.dma_semaphore, #tpu.memory_space<semaphore_mem>>
      %dma_start3A = arith.constant 0 : i32
      %dma_start3A_28 = arith.constant 0 : i32
      %dma_start3A_29 = tpu.memref_slice %arg9[%run_scoped3A_6, %dma_start3A, %dma_start3A_28] : memref<2x4x128xi32, #tpu.memory_space<vmem>> -> memref<1x4x128xi32, #tpu.memory_space<vmem>>
      %dma_start3A_30 = tpu.memref_squeeze %dma_start3A_29 : memref<1x4x128xi32, #tpu.memory_space<vmem>> -> memref<4x128xi32, #tpu.memory_space<vmem>>
      %dma_start3A_31 = arith.constant 0 : i32
      %dma_start3A_32 = tpu.memref_slice %arg5[%mul3A_5, %dma_start3A_31] : memref<12544x128xi32, #tpu.memory_space<hbm>> -> memref<4x128xi32, #tpu.memory_space<hbm>>
      %dma_start3A_33 = arith.constant 0 : i32
      %dma_start3A_34 = arith.constant 0 : i32
      %dma_start3A_35 = tpu.memref_slice %arg9[%run_scoped3A_6, %dma_start3A_33, %dma_start3A_34] : memref<2x4x128xi32, #tpu.memory_space<vmem>> -> memref<1x4x128xi32, #tpu.memory_space<vmem>>
      %dma_start3A_36 = tpu.memref_squeeze %dma_start3A_35 : memref<1x4x128xi32, #tpu.memory_space<vmem>> -> memref<4x128xi32, #tpu.memory_space<vmem>>
      %dma_start3A_37 = arith.constant 0 : i32
      %dma_start3A_38 = tpu.memref_slice %arg5[%mul3A_5, %dma_start3A_37] : memref<12544x128xi32, #tpu.memory_space<hbm>> -> memref<4x128xi32, #tpu.memory_space<hbm>>
      tpu.enqueue_dma source(%dma_start3A_38 : memref<4x128xi32, #tpu.memory_space<hbm>>) target(%dma_start3A_36 : memref<4x128xi32, #tpu.memory_space<vmem>>) target_semaphore(%run_scoped3A_27 : memref<!tpu.dma_semaphore, #tpu.memory_space<semaphore_mem>>)
      %dma_wait3A = arith.constant 0 : i32
      %dma_wait3A_39 = arith.constant 0 : i32
      %dma_wait3A_40 = tpu.memref_slice %arg9[%run_scoped3A_6, %dma_wait3A, %dma_wait3A_39] : memref<2x4x128xi32, #tpu.memory_space<vmem>> -> memref<1x4x128xi32, #tpu.memory_space<vmem>>
      %dma_wait3A_41 = tpu.memref_squeeze %dma_wait3A_40 : memref<1x4x128xi32, #tpu.memory_space<vmem>> -> memref<4x128xi32, #tpu.memory_space<vmem>>
      %dma_wait3A_42 = arith.constant 0 : i32
      %dma_wait3A_43 = tpu.memref_slice %arg5[%mul3A_5, %dma_wait3A_42] : memref<12544x128xi32, #tpu.memory_space<hbm>> -> memref<4x128xi32, #tpu.memory_space<hbm>>
      %dma_wait3A_44 = arith.constant 0 : i32
      %dma_wait3A_45 = arith.constant 0 : i32
      %dma_wait3A_46 = tpu.memref_slice %arg9[%run_scoped3A_6, %dma_wait3A_44, %dma_wait3A_45] : memref<2x4x128xi32, #tpu.memory_space<vmem>> -> memref<1x4x128xi32, #tpu.memory_space<vmem>>
      %dma_wait3A_47 = tpu.memref_squeeze %dma_wait3A_46 : memref<1x4x128xi32, #tpu.memory_space<vmem>> -> memref<4x128xi32, #tpu.memory_space<vmem>>
      %dma_wait3A_48 = arith.constant 0 : i32
      %dma_wait3A_49 = tpu.memref_slice %arg5[%mul3A_5, %dma_wait3A_48] : memref<12544x128xi32, #tpu.memory_space<hbm>> -> memref<4x128xi32, #tpu.memory_space<hbm>>
      tpu.wait_dma2 semaphore(%run_scoped3A_27 : memref<!tpu.dma_semaphore, #tpu.memory_space<semaphore_mem>>) src(%dma_wait3A_49 : memref<4x128xi32, #tpu.memory_space<hbm>>) dst(%dma_wait3A_47 : memref<4x128xi32, #tpu.memory_space<vmem>>)
      tpu.yield
    }) : () -> ()
    %eq3A = arith.constant 0 : i32
    %eq3A_7 = arith.cmpi eq, %arg0, %eq3A : i32
    %convert_element_type3A = arith.extui %eq3A_7 : i1 to i32
    %cond3A = arith.constant 0 : i32
    %cond3A_8 = arith.cmpi ne, %convert_element_type3A, %cond3A : i32
    scf.if %cond3A_8 {
      %dma_start3A = arith.constant 0 : i32
      %dma_start3A_27 = arith.constant 0 : i32
      %dma_start3A_28 = arith.constant 0 : i32
      %dma_start3A_29 = arith.constant 0 : i32
      %dma_start3A_30 = arith.constant 0 : i32
      %dma_start3A_31 = tpu.memref_slice %arg10[%dma_start3A_28, %dma_start3A_29, %dma_start3A_30] : memref<2x512x16xf32, #tpu.memory_space<vmem>> -> memref<1x512x16xf32, #tpu.memory_space<vmem>>
      %dma_start3A_32 = tpu.memref_squeeze %dma_start3A_31 : memref<1x512x16xf32, #tpu.memory_space<vmem>> -> memref<512x16xf32, #tpu.memory_space<vmem>>
      %dma_start3A_33 = arith.constant 0 : i32
      %dma_start3A_34 = arith.constant 0 : i32
      %dma_start3A_35 = tpu.memref_slice %dma_start3A_32[%dma_start3A_33, %dma_start3A_34] : memref<512x16xf32, #tpu.memory_space<vmem>> -> memref<128x16xf32, #tpu.memory_space<vmem>>
      %dma_start3A_36 = arith.constant 0 : i32
      %dma_start3A_37 = arith.constant 0 : i32
      %dma_start3A_38 = tpu.memref_slice %arg8[%dma_start3A, %dma_start3A_36, %dma_start3A_37] : memref<2x4x128xi32, #tpu.memory_space<vmem>> -> memref<1x4x128xi32, #tpu.memory_space<vmem>>
      %dma_start3A_39 = tpu.memref_squeeze %dma_start3A_38 : memref<1x4x128xi32, #tpu.memory_space<vmem>> -> memref<4x128xi32, #tpu.memory_space<vmem>>
      %dma_start3A_40 = arith.constant 0 : i32
      %dma_start3A_41 = tpu.memref_slice %dma_start3A_39[%dma_start3A_27, %dma_start3A_40] : memref<4x128xi32, #tpu.memory_space<vmem>> -> memref<1x128xi32, #tpu.memory_space<vmem>>
      %dma_start3A_42 = tpu.memref_squeeze %dma_start3A_41 : memref<1x128xi32, #tpu.memory_space<vmem>> -> memref<128xi32, #tpu.memory_space<vmem>>
      %dma_start3A_43 = arith.constant 0 : i32
      %dma_start3A_44 = arith.constant 0 : i32
      %dma_start3A_45 = tpu.memref_slice %arg2[%dma_start3A_43, %dma_start3A_44] : memref<102400x16xf32, #tpu.memory_space<hbm>> -> memref<102400x16xf32, #tpu.memory_space<hbm>>
      tpu.enqueue_indirect_dma source(%dma_start3A_45 : memref<102400x16xf32, #tpu.memory_space<hbm>>) target(%dma_start3A_35 : memref<128x16xf32, #tpu.memory_space<vmem>>) offsets(%dma_start3A_42 : memref<128xi32, #tpu.memory_space<vmem>>) semaphore(%arg11 : memref<!tpu.dma_semaphore, #tpu.memory_space<semaphore_mem>>)
      %dma_start3A_46 = arith.constant 0 : i32
      %dma_start3A_47 = arith.constant 1 : i32
      %dma_start3A_48 = arith.constant 0 : i32
      %dma_start3A_49 = arith.constant 0 : i32
      %dma_start3A_50 = arith.constant 0 : i32
      %dma_start3A_51 = tpu.memref_slice %arg10[%dma_start3A_48, %dma_start3A_49, %dma_start3A_50] : memref<2x512x16xf32, #tpu.memory_space<vmem>> -> memref<1x512x16xf32, #tpu.memory_space<vmem>>
      %dma_start3A_52 = tpu.memref_squeeze %dma_start3A_51 : memref<1x512x16xf32, #tpu.memory_space<vmem>> -> memref<512x16xf32, #tpu.memory_space<vmem>>
      %dma_start3A_53 = arith.constant 128 : i32
      %dma_start3A_54 = arith.constant 0 : i32
      %dma_start3A_55 = tpu.memref_slice %dma_start3A_52[%dma_start3A_53, %dma_start3A_54] : memref<512x16xf32, #tpu.memory_space<vmem>> -> memref<128x16xf32, #tpu.memory_space<vmem>>
      %dma_start3A_56 = arith.constant 0 : i32
      %dma_start3A_57 = arith.constant 0 : i32
      %dma_start3A_58 = tpu.memref_slice %arg8[%dma_start3A_46, %dma_start3A_56, %dma_start3A_57] : memref<2x4x128xi32, #tpu.memory_space<vmem>> -> memref<1x4x128xi32, #tpu.memory_space<vmem>>
      %dma_start3A_59 = tpu.memref_squeeze %dma_start3A_58 : memref<1x4x128xi32, #tpu.memory_space<vmem>> -> memref<4x128xi32, #tpu.memory_space<vmem>>
      %dma_start3A_60 = arith.constant 0 : i32
      %dma_start3A_61 = tpu.memref_slice %dma_start3A_59[%dma_start3A_47, %dma_start3A_60] : memref<4x128xi32, #tpu.memory_space<vmem>> -> memref<1x128xi32, #tpu.memory_space<vmem>>
      %dma_start3A_62 = tpu.memref_squeeze %dma_start3A_61 : memref<1x128xi32, #tpu.memory_space<vmem>> -> memref<128xi32, #tpu.memory_space<vmem>>
      %dma_start3A_63 = arith.constant 0 : i32
      %dma_start3A_64 = arith.constant 0 : i32
      %dma_start3A_65 = tpu.memref_slice %arg2[%dma_start3A_63, %dma_start3A_64] : memref<102400x16xf32, #tpu.memory_space<hbm>> -> memref<102400x16xf32, #tpu.memory_space<hbm>>
      tpu.enqueue_indirect_dma source(%dma_start3A_65 : memref<102400x16xf32, #tpu.memory_space<hbm>>) target(%dma_start3A_55 : memref<128x16xf32, #tpu.memory_space<vmem>>) offsets(%dma_start3A_62 : memref<128xi32, #tpu.memory_space<vmem>>) semaphore(%arg11 : memref<!tpu.dma_semaphore, #tpu.memory_space<semaphore_mem>>)
      %dma_start3A_66 = arith.constant 0 : i32
      %dma_start3A_67 = arith.constant 2 : i32
      %dma_start3A_68 = arith.constant 0 : i32
      %dma_start3A_69 = arith.constant 0 : i32
      %dma_start3A_70 = arith.constant 0 : i32
      %dma_start3A_71 = tpu.memref_slice %arg10[%dma_start3A_68, %dma_start3A_69, %dma_start3A_70] : memref<2x512x16xf32, #tpu.memory_space<vmem>> -> memref<1x512x16xf32, #tpu.memory_space<vmem>>
      %dma_start3A_72 = tpu.memref_squeeze %dma_start3A_71 : memref<1x512x16xf32, #tpu.memory_space<vmem>> -> memref<512x16xf32, #tpu.memory_space<vmem>>
      %dma_start3A_73 = arith.constant 256 : i32
      %dma_start3A_74 = arith.constant 0 : i32
      %dma_start3A_75 = tpu.memref_slice %dma_start3A_72[%dma_start3A_73, %dma_start3A_74] : memref<512x16xf32, #tpu.memory_space<vmem>> -> memref<128x16xf32, #tpu.memory_space<vmem>>
      %dma_start3A_76 = arith.constant 0 : i32
      %dma_start3A_77 = arith.constant 0 : i32
      %dma_start3A_78 = tpu.memref_slice %arg8[%dma_start3A_66, %dma_start3A_76, %dma_start3A_77] : memref<2x4x128xi32, #tpu.memory_space<vmem>> -> memref<1x4x128xi32, #tpu.memory_space<vmem>>
      %dma_start3A_79 = tpu.memref_squeeze %dma_start3A_78 : memref<1x4x128xi32, #tpu.memory_space<vmem>> -> memref<4x128xi32, #tpu.memory_space<vmem>>
      %dma_start3A_80 = arith.constant 0 : i32
      %dma_start3A_81 = tpu.memref_slice %dma_start3A_79[%dma_start3A_67, %dma_start3A_80] : memref<4x128xi32, #tpu.memory_space<vmem>> -> memref<1x128xi32, #tpu.memory_space<vmem>>
      %dma_start3A_82 = tpu.memref_squeeze %dma_start3A_81 : memref<1x128xi32, #tpu.memory_space<vmem>> -> memref<128xi32, #tpu.memory_space<vmem>>
      %dma_start3A_83 = arith.constant 0 : i32
      %dma_start3A_84 = arith.constant 0 : i32
      %dma_start3A_85 = tpu.memref_slice %arg2[%dma_start3A_83, %dma_start3A_84] : memref<102400x16xf32, #tpu.memory_space<hbm>> -> memref<102400x16xf32, #tpu.memory_space<hbm>>
      tpu.enqueue_indirect_dma source(%dma_start3A_85 : memref<102400x16xf32, #tpu.memory_space<hbm>>) target(%dma_start3A_75 : memref<128x16xf32, #tpu.memory_space<vmem>>) offsets(%dma_start3A_82 : memref<128xi32, #tpu.memory_space<vmem>>) semaphore(%arg11 : memref<!tpu.dma_semaphore, #tpu.memory_space<semaphore_mem>>)
      %dma_start3A_86 = arith.constant 0 : i32
      %dma_start3A_87 = arith.constant 3 : i32
      %dma_start3A_88 = arith.constant 0 : i32
      %dma_start3A_89 = arith.constant 0 : i32
      %dma_start3A_90 = arith.constant 0 : i32
      %dma_start3A_91 = tpu.memref_slice %arg10[%dma_start3A_88, %dma_start3A_89, %dma_start3A_90] : memref<2x512x16xf32, #tpu.memory_space<vmem>> -> memref<1x512x16xf32, #tpu.memory_space<vmem>>
      %dma_start3A_92 = tpu.memref_squeeze %dma_start3A_91 : memref<1x512x16xf32, #tpu.memory_space<vmem>> -> memref<512x16xf32, #tpu.memory_space<vmem>>
      %dma_start3A_93 = arith.constant 384 : i32
      %dma_start3A_94 = arith.constant 0 : i32
      %dma_start3A_95 = tpu.memref_slice %dma_start3A_92[%dma_start3A_93, %dma_start3A_94] : memref<512x16xf32, #tpu.memory_space<vmem>> -> memref<128x16xf32, #tpu.memory_space<vmem>>
      %dma_start3A_96 = arith.constant 0 : i32
      %dma_start3A_97 = arith.constant 0 : i32
      %dma_start3A_98 = tpu.memref_slice %arg8[%dma_start3A_86, %dma_start3A_96, %dma_start3A_97] : memref<2x4x128xi32, #tpu.memory_space<vmem>> -> memref<1x4x128xi32, #tpu.memory_space<vmem>>
      %dma_start3A_99 = tpu.memref_squeeze %dma_start3A_98 : memref<1x4x128xi32, #tpu.memory_space<vmem>> -> memref<4x128xi32, #tpu.memory_space<vmem>>
      %dma_start3A_100 = arith.constant 0 : i32
      %dma_start3A_101 = tpu.memref_slice %dma_start3A_99[%dma_start3A_87, %dma_start3A_100] : memref<4x128xi32, #tpu.memory_space<vmem>> -> memref<1x128xi32, #tpu.memory_space<vmem>>
      %dma_start3A_102 = tpu.memref_squeeze %dma_start3A_101 : memref<1x128xi32, #tpu.memory_space<vmem>> -> memref<128xi32, #tpu.memory_space<vmem>>
      %dma_start3A_103 = arith.constant 0 : i32
      %dma_start3A_104 = arith.constant 0 : i32
      %dma_start3A_105 = tpu.memref_slice %arg2[%dma_start3A_103, %dma_start3A_104] : memref<102400x16xf32, #tpu.memory_space<hbm>> -> memref<102400x16xf32, #tpu.memory_space<hbm>>
      tpu.enqueue_indirect_dma source(%dma_start3A_105 : memref<102400x16xf32, #tpu.memory_space<hbm>>) target(%dma_start3A_95 : memref<128x16xf32, #tpu.memory_space<vmem>>) offsets(%dma_start3A_102 : memref<128xi32, #tpu.memory_space<vmem>>) semaphore(%arg11 : memref<!tpu.dma_semaphore, #tpu.memory_space<semaphore_mem>>)
    } else {
    }
    %eq3A_9 = arith.constant 1 : i32
    %eq3A_10 = arith.cmpi eq, %arg0, %eq3A_9 : i32
    %convert_element_type3A_11 = arith.extui %eq3A_10 : i1 to i32
    %cond3A_12 = arith.constant 0 : i32
    %cond3A_13 = arith.cmpi ne, %convert_element_type3A_11, %cond3A_12 : i32
    scf.if %cond3A_13 {
      %dma_start3A = arith.constant 0 : i32
      %dma_start3A_27 = arith.constant 0 : i32
      %dma_start3A_28 = arith.constant 0 : i32
      %dma_start3A_29 = arith.constant 0 : i32
      %dma_start3A_30 = arith.constant 0 : i32
      %dma_start3A_31 = tpu.memref_slice %arg10[%dma_start3A_28, %dma_start3A_29, %dma_start3A_30] : memref<2x512x16xf32, #tpu.memory_space<vmem>> -> memref<1x512x16xf32, #tpu.memory_space<vmem>>
      %dma_start3A_32 = tpu.memref_squeeze %dma_start3A_31 : memref<1x512x16xf32, #tpu.memory_space<vmem>> -> memref<512x16xf32, #tpu.memory_space<vmem>>
      %dma_start3A_33 = arith.constant 0 : i32
      %dma_start3A_34 = arith.constant 0 : i32
      %dma_start3A_35 = tpu.memref_slice %dma_start3A_32[%dma_start3A_33, %dma_start3A_34] : memref<512x16xf32, #tpu.memory_space<vmem>> -> memref<128x16xf32, #tpu.memory_space<vmem>>
      %dma_start3A_36 = arith.constant 0 : i32
      %dma_start3A_37 = arith.constant 0 : i32
      %dma_start3A_38 = tpu.memref_slice %arg8[%dma_start3A, %dma_start3A_36, %dma_start3A_37] : memref<2x4x128xi32, #tpu.memory_space<vmem>> -> memref<1x4x128xi32, #tpu.memory_space<vmem>>
      %dma_start3A_39 = tpu.memref_squeeze %dma_start3A_38 : memref<1x4x128xi32, #tpu.memory_space<vmem>> -> memref<4x128xi32, #tpu.memory_space<vmem>>
      %dma_start3A_40 = arith.constant 0 : i32
      %dma_start3A_41 = tpu.memref_slice %dma_start3A_39[%dma_start3A_27, %dma_start3A_40] : memref<4x128xi32, #tpu.memory_space<vmem>> -> memref<1x128xi32, #tpu.memory_space<vmem>>
      %dma_start3A_42 = tpu.memref_squeeze %dma_start3A_41 : memref<1x128xi32, #tpu.memory_space<vmem>> -> memref<128xi32, #tpu.memory_space<vmem>>
      %dma_start3A_43 = arith.constant 0 : i32
      %dma_start3A_44 = arith.constant 0 : i32
      %dma_start3A_45 = tpu.memref_slice %arg3[%dma_start3A_43, %dma_start3A_44] : memref<102400x16xf32, #tpu.memory_space<hbm>> -> memref<102400x16xf32, #tpu.memory_space<hbm>>
      tpu.enqueue_indirect_dma source(%dma_start3A_45 : memref<102400x16xf32, #tpu.memory_space<hbm>>) target(%dma_start3A_35 : memref<128x16xf32, #tpu.memory_space<vmem>>) offsets(%dma_start3A_42 : memref<128xi32, #tpu.memory_space<vmem>>) semaphore(%arg11 : memref<!tpu.dma_semaphore, #tpu.memory_space<semaphore_mem>>)
      %dma_start3A_46 = arith.constant 0 : i32
      %dma_start3A_47 = arith.constant 1 : i32
      %dma_start3A_48 = arith.constant 0 : i32
      %dma_start3A_49 = arith.constant 0 : i32
      %dma_start3A_50 = arith.constant 0 : i32
      %dma_start3A_51 = tpu.memref_slice %arg10[%dma_start3A_48, %dma_start3A_49, %dma_start3A_50] : memref<2x512x16xf32, #tpu.memory_space<vmem>> -> memref<1x512x16xf32, #tpu.memory_space<vmem>>
      %dma_start3A_52 = tpu.memref_squeeze %dma_start3A_51 : memref<1x512x16xf32, #tpu.memory_space<vmem>> -> memref<512x16xf32, #tpu.memory_space<vmem>>
      %dma_start3A_53 = arith.constant 128 : i32
      %dma_start3A_54 = arith.constant 0 : i32
      %dma_start3A_55 = tpu.memref_slice %dma_start3A_52[%dma_start3A_53, %dma_start3A_54] : memref<512x16xf32, #tpu.memory_space<vmem>> -> memref<128x16xf32, #tpu.memory_space<vmem>>
      %dma_start3A_56 = arith.constant 0 : i32
      %dma_start3A_57 = arith.constant 0 : i32
      %dma_start3A_58 = tpu.memref_slice %arg8[%dma_start3A_46, %dma_start3A_56, %dma_start3A_57] : memref<2x4x128xi32, #tpu.memory_space<vmem>> -> memref<1x4x128xi32, #tpu.memory_space<vmem>>
      %dma_start3A_59 = tpu.memref_squeeze %dma_start3A_58 : memref<1x4x128xi32, #tpu.memory_space<vmem>> -> memref<4x128xi32, #tpu.memory_space<vmem>>
      %dma_start3A_60 = arith.constant 0 : i32
      %dma_start3A_61 = tpu.memref_slice %dma_start3A_59[%dma_start3A_47, %dma_start3A_60] : memref<4x128xi32, #tpu.memory_space<vmem>> -> memref<1x128xi32, #tpu.memory_space<vmem>>
      %dma_start3A_62 = tpu.memref_squeeze %dma_start3A_61 : memref<1x128xi32, #tpu.memory_space<vmem>> -> memref<128xi32, #tpu.memory_space<vmem>>
      %dma_start3A_63 = arith.constant 0 : i32
      %dma_start3A_64 = arith.constant 0 : i32
      %dma_start3A_65 = tpu.memref_slice %arg3[%dma_start3A_63, %dma_start3A_64] : memref<102400x16xf32, #tpu.memory_space<hbm>> -> memref<102400x16xf32, #tpu.memory_space<hbm>>
      tpu.enqueue_indirect_dma source(%dma_start3A_65 : memref<102400x16xf32, #tpu.memory_space<hbm>>) target(%dma_start3A_55 : memref<128x16xf32, #tpu.memory_space<vmem>>) offsets(%dma_start3A_62 : memref<128xi32, #tpu.memory_space<vmem>>) semaphore(%arg11 : memref<!tpu.dma_semaphore, #tpu.memory_space<semaphore_mem>>)
      %dma_start3A_66 = arith.constant 0 : i32
      %dma_start3A_67 = arith.constant 2 : i32
      %dma_start3A_68 = arith.constant 0 : i32
      %dma_start3A_69 = arith.constant 0 : i32
      %dma_start3A_70 = arith.constant 0 : i32
      %dma_start3A_71 = tpu.memref_slice %arg10[%dma_start3A_68, %dma_start3A_69, %dma_start3A_70] : memref<2x512x16xf32, #tpu.memory_space<vmem>> -> memref<1x512x16xf32, #tpu.memory_space<vmem>>
      %dma_start3A_72 = tpu.memref_squeeze %dma_start3A_71 : memref<1x512x16xf32, #tpu.memory_space<vmem>> -> memref<512x16xf32, #tpu.memory_space<vmem>>
      %dma_start3A_73 = arith.constant 256 : i32
      %dma_start3A_74 = arith.constant 0 : i32
      %dma_start3A_75 = tpu.memref_slice %dma_start3A_72[%dma_start3A_73, %dma_start3A_74] : memref<512x16xf32, #tpu.memory_space<vmem>> -> memref<128x16xf32, #tpu.memory_space<vmem>>
      %dma_start3A_76 = arith.constant 0 : i32
      %dma_start3A_77 = arith.constant 0 : i32
      %dma_start3A_78 = tpu.memref_slice %arg8[%dma_start3A_66, %dma_start3A_76, %dma_start3A_77] : memref<2x4x128xi32, #tpu.memory_space<vmem>> -> memref<1x4x128xi32, #tpu.memory_space<vmem>>
      %dma_start3A_79 = tpu.memref_squeeze %dma_start3A_78 : memref<1x4x128xi32, #tpu.memory_space<vmem>> -> memref<4x128xi32, #tpu.memory_space<vmem>>
      %dma_start3A_80 = arith.constant 0 : i32
      %dma_start3A_81 = tpu.memref_slice %dma_start3A_79[%dma_start3A_67, %dma_start3A_80] : memref<4x128xi32, #tpu.memory_space<vmem>> -> memref<1x128xi32, #tpu.memory_space<vmem>>
      %dma_start3A_82 = tpu.memref_squeeze %dma_start3A_81 : memref<1x128xi32, #tpu.memory_space<vmem>> -> memref<128xi32, #tpu.memory_space<vmem>>
      %dma_start3A_83 = arith.constant 0 : i32
      %dma_start3A_84 = arith.constant 0 : i32
      %dma_start3A_85 = tpu.memref_slice %arg3[%dma_start3A_83, %dma_start3A_84] : memref<102400x16xf32, #tpu.memory_space<hbm>> -> memref<102400x16xf32, #tpu.memory_space<hbm>>
      tpu.enqueue_indirect_dma source(%dma_start3A_85 : memref<102400x16xf32, #tpu.memory_space<hbm>>) target(%dma_start3A_75 : memref<128x16xf32, #tpu.memory_space<vmem>>) offsets(%dma_start3A_82 : memref<128xi32, #tpu.memory_space<vmem>>) semaphore(%arg11 : memref<!tpu.dma_semaphore, #tpu.memory_space<semaphore_mem>>)
      %dma_start3A_86 = arith.constant 0 : i32
      %dma_start3A_87 = arith.constant 3 : i32
      %dma_start3A_88 = arith.constant 0 : i32
      %dma_start3A_89 = arith.constant 0 : i32
      %dma_start3A_90 = arith.constant 0 : i32
      %dma_start3A_91 = tpu.memref_slice %arg10[%dma_start3A_88, %dma_start3A_89, %dma_start3A_90] : memref<2x512x16xf32, #tpu.memory_space<vmem>> -> memref<1x512x16xf32, #tpu.memory_space<vmem>>
      %dma_start3A_92 = tpu.memref_squeeze %dma_start3A_91 : memref<1x512x16xf32, #tpu.memory_space<vmem>> -> memref<512x16xf32, #tpu.memory_space<vmem>>
      %dma_start3A_93 = arith.constant 384 : i32
      %dma_start3A_94 = arith.constant 0 : i32
      %dma_start3A_95 = tpu.memref_slice %dma_start3A_92[%dma_start3A_93, %dma_start3A_94] : memref<512x16xf32, #tpu.memory_space<vmem>> -> memref<128x16xf32, #tpu.memory_space<vmem>>
      %dma_start3A_96 = arith.constant 0 : i32
      %dma_start3A_97 = arith.constant 0 : i32
      %dma_start3A_98 = tpu.memref_slice %arg8[%dma_start3A_86, %dma_start3A_96, %dma_start3A_97] : memref<2x4x128xi32, #tpu.memory_space<vmem>> -> memref<1x4x128xi32, #tpu.memory_space<vmem>>
      %dma_start3A_99 = tpu.memref_squeeze %dma_start3A_98 : memref<1x4x128xi32, #tpu.memory_space<vmem>> -> memref<4x128xi32, #tpu.memory_space<vmem>>
      %dma_start3A_100 = arith.constant 0 : i32
      %dma_start3A_101 = tpu.memref_slice %dma_start3A_99[%dma_start3A_87, %dma_start3A_100] : memref<4x128xi32, #tpu.memory_space<vmem>> -> memref<1x128xi32, #tpu.memory_space<vmem>>
      %dma_start3A_102 = tpu.memref_squeeze %dma_start3A_101 : memref<1x128xi32, #tpu.memory_space<vmem>> -> memref<128xi32, #tpu.memory_space<vmem>>
      %dma_start3A_103 = arith.constant 0 : i32
      %dma_start3A_104 = arith.constant 0 : i32
      %dma_start3A_105 = tpu.memref_slice %arg3[%dma_start3A_103, %dma_start3A_104] : memref<102400x16xf32, #tpu.memory_space<hbm>> -> memref<102400x16xf32, #tpu.memory_space<hbm>>
      tpu.enqueue_indirect_dma source(%dma_start3A_105 : memref<102400x16xf32, #tpu.memory_space<hbm>>) target(%dma_start3A_95 : memref<128x16xf32, #tpu.memory_space<vmem>>) offsets(%dma_start3A_102 : memref<128xi32, #tpu.memory_space<vmem>>) semaphore(%arg11 : memref<!tpu.dma_semaphore, #tpu.memory_space<semaphore_mem>>)
    } else {
    }
    %scan3A = arith.constant 0 : i32
    %scan3A_14 = arith.constant 0 : i32
    %scan3A_15 = arith.constant 98 : i32
    %scan3A_16 = arith.addi %scan3A_14, %scan3A_15 : i32
    %scan3A_17 = arith.constant 1 : i32
    scf.for %scan3A_27 = %scan3A_14 to %scan3A_16 step %scan3A_17  : i32 {
      %mul3A_28 = arith.constant 2 : i32
      %mul3A_29 = arith.muli %mul3A_28, %scan3A_27 : i32
      %add3A_30 = arith.constant 1 : i32
      %add3A_31 = arith.addi %mul3A_29, %add3A_30 : i32
      %add3A_32 = arith.addi %mul3A_2, %add3A_31 : i32
      %mul3A_33 = arith.constant 4 : i32
      %mul3A_34 = arith.muli %add3A_32, %mul3A_33 : i32
      %run_scoped3A_35 = arith.constant 1 : i32
      "tpu.region"() ({
        %run_scoped3A_398 = tpu.sem_alloc : memref<!tpu.dma_semaphore, #tpu.memory_space<semaphore_mem>>
        %dma_start3A_399 = arith.constant 0 : i32
        %dma_start3A_400 = arith.constant 0 : i32
        %dma_start3A_401 = tpu.memref_slice %arg8[%run_scoped3A_35, %dma_start3A_399, %dma_start3A_400] : memref<2x4x128xi32, #tpu.memory_space<vmem>> -> memref<1x4x128xi32, #tpu.memory_space<vmem>>
        %dma_start3A_402 = tpu.memref_squeeze %dma_start3A_401 : memref<1x4x128xi32, #tpu.memory_space<vmem>> -> memref<4x128xi32, #tpu.memory_space<vmem>>
        %dma_start3A_403 = arith.constant 0 : i32
        %dma_start3A_404 = tpu.memref_slice %arg4[%mul3A_34, %dma_start3A_403] : memref<12544x128xi32, #tpu.memory_space<hbm>> -> memref<4x128xi32, #tpu.memory_space<hbm>>
        %dma_start3A_405 = arith.constant 0 : i32
        %dma_start3A_406 = arith.constant 0 : i32
        %dma_start3A_407 = tpu.memref_slice %arg8[%run_scoped3A_35, %dma_start3A_405, %dma_start3A_406] : memref<2x4x128xi32, #tpu.memory_space<vmem>> -> memref<1x4x128xi32, #tpu.memory_space<vmem>>
        %dma_start3A_408 = tpu.memref_squeeze %dma_start3A_407 : memref<1x4x128xi32, #tpu.memory_space<vmem>> -> memref<4x128xi32, #tpu.memory_space<vmem>>
        %dma_start3A_409 = arith.constant 0 : i32
        %dma_start3A_410 = tpu.memref_slice %arg4[%mul3A_34, %dma_start3A_409] : memref<12544x128xi32, #tpu.memory_space<hbm>> -> memref<4x128xi32, #tpu.memory_space<hbm>>
        tpu.enqueue_dma source(%dma_start3A_410 : memref<4x128xi32, #tpu.memory_space<hbm>>) target(%dma_start3A_408 : memref<4x128xi32, #tpu.memory_space<vmem>>) target_semaphore(%run_scoped3A_398 : memref<!tpu.dma_semaphore, #tpu.memory_space<semaphore_mem>>)
        %dma_wait3A_411 = arith.constant 0 : i32
        %dma_wait3A_412 = arith.constant 0 : i32
        %dma_wait3A_413 = tpu.memref_slice %arg8[%run_scoped3A_35, %dma_wait3A_411, %dma_wait3A_412] : memref<2x4x128xi32, #tpu.memory_space<vmem>> -> memref<1x4x128xi32, #tpu.memory_space<vmem>>
        %dma_wait3A_414 = tpu.memref_squeeze %dma_wait3A_413 : memref<1x4x128xi32, #tpu.memory_space<vmem>> -> memref<4x128xi32, #tpu.memory_space<vmem>>
        %dma_wait3A_415 = arith.constant 0 : i32
        %dma_wait3A_416 = tpu.memref_slice %arg4[%mul3A_34, %dma_wait3A_415] : memref<12544x128xi32, #tpu.memory_space<hbm>> -> memref<4x128xi32, #tpu.memory_space<hbm>>
        %dma_wait3A_417 = arith.constant 0 : i32
        %dma_wait3A_418 = arith.constant 0 : i32
        %dma_wait3A_419 = tpu.memref_slice %arg8[%run_scoped3A_35, %dma_wait3A_417, %dma_wait3A_418] : memref<2x4x128xi32, #tpu.memory_space<vmem>> -> memref<1x4x128xi32, #tpu.memory_space<vmem>>
        %dma_wait3A_420 = tpu.memref_squeeze %dma_wait3A_419 : memref<1x4x128xi32, #tpu.memory_space<vmem>> -> memref<4x128xi32, #tpu.memory_space<vmem>>
        %dma_wait3A_421 = arith.constant 0 : i32
        %dma_wait3A_422 = tpu.memref_slice %arg4[%mul3A_34, %dma_wait3A_421] : memref<12544x128xi32, #tpu.memory_space<hbm>> -> memref<4x128xi32, #tpu.memory_space<hbm>>
        tpu.wait_dma2 semaphore(%run_scoped3A_398 : memref<!tpu.dma_semaphore, #tpu.memory_space<semaphore_mem>>) src(%dma_wait3A_422 : memref<4x128xi32, #tpu.memory_space<hbm>>) dst(%dma_wait3A_420 : memref<4x128xi32, #tpu.memory_space<vmem>>)
        tpu.yield
      }) : () -> ()
      %run_scoped3A_36 = arith.constant 1 : i32
      "tpu.region"() ({
        %run_scoped3A_398 = tpu.sem_alloc : memref<!tpu.dma_semaphore, #tpu.memory_space<semaphore_mem>>
        %dma_start3A_399 = arith.constant 0 : i32
        %dma_start3A_400 = arith.constant 0 : i32
        %dma_start3A_401 = tpu.memref_slice %arg9[%run_scoped3A_36, %dma_start3A_399, %dma_start3A_400] : memref<2x4x128xi32, #tpu.memory_space<vmem>> -> memref<1x4x128xi32, #tpu.memory_space<vmem>>
        %dma_start3A_402 = tpu.memref_squeeze %dma_start3A_401 : memref<1x4x128xi32, #tpu.memory_space<vmem>> -> memref<4x128xi32, #tpu.memory_space<vmem>>
        %dma_start3A_403 = arith.constant 0 : i32
        %dma_start3A_404 = tpu.memref_slice %arg5[%mul3A_34, %dma_start3A_403] : memref<12544x128xi32, #tpu.memory_space<hbm>> -> memref<4x128xi32, #tpu.memory_space<hbm>>
        %dma_start3A_405 = arith.constant 0 : i32
        %dma_start3A_406 = arith.constant 0 : i32
        %dma_start3A_407 = tpu.memref_slice %arg9[%run_scoped3A_36, %dma_start3A_405, %dma_start3A_406] : memref<2x4x128xi32, #tpu.memory_space<vmem>> -> memref<1x4x128xi32, #tpu.memory_space<vmem>>
        %dma_start3A_408 = tpu.memref_squeeze %dma_start3A_407 : memref<1x4x128xi32, #tpu.memory_space<vmem>> -> memref<4x128xi32, #tpu.memory_space<vmem>>
        %dma_start3A_409 = arith.constant 0 : i32
        %dma_start3A_410 = tpu.memref_slice %arg5[%mul3A_34, %dma_start3A_409] : memref<12544x128xi32, #tpu.memory_space<hbm>> -> memref<4x128xi32, #tpu.memory_space<hbm>>
        tpu.enqueue_dma source(%dma_start3A_410 : memref<4x128xi32, #tpu.memory_space<hbm>>) target(%dma_start3A_408 : memref<4x128xi32, #tpu.memory_space<vmem>>) target_semaphore(%run_scoped3A_398 : memref<!tpu.dma_semaphore, #tpu.memory_space<semaphore_mem>>)
        %dma_wait3A_411 = arith.constant 0 : i32
        %dma_wait3A_412 = arith.constant 0 : i32
        %dma_wait3A_413 = tpu.memref_slice %arg9[%run_scoped3A_36, %dma_wait3A_411, %dma_wait3A_412] : memref<2x4x128xi32, #tpu.memory_space<vmem>> -> memref<1x4x128xi32, #tpu.memory_space<vmem>>
        %dma_wait3A_414 = tpu.memref_squeeze %dma_wait3A_413 : memref<1x4x128xi32, #tpu.memory_space<vmem>> -> memref<4x128xi32, #tpu.memory_space<vmem>>
        %dma_wait3A_415 = arith.constant 0 : i32
        %dma_wait3A_416 = tpu.memref_slice %arg5[%mul3A_34, %dma_wait3A_415] : memref<12544x128xi32, #tpu.memory_space<hbm>> -> memref<4x128xi32, #tpu.memory_space<hbm>>
        %dma_wait3A_417 = arith.constant 0 : i32
        %dma_wait3A_418 = arith.constant 0 : i32
        %dma_wait3A_419 = tpu.memref_slice %arg9[%run_scoped3A_36, %dma_wait3A_417, %dma_wait3A_418] : memref<2x4x128xi32, #tpu.memory_space<vmem>> -> memref<1x4x128xi32, #tpu.memory_space<vmem>>
        %dma_wait3A_420 = tpu.memref_squeeze %dma_wait3A_419 : memref<1x4x128xi32, #tpu.memory_space<vmem>> -> memref<4x128xi32, #tpu.memory_space<vmem>>
        %dma_wait3A_421 = arith.constant 0 : i32
        %dma_wait3A_422 = tpu.memref_slice %arg5[%mul3A_34, %dma_wait3A_421] : memref<12544x128xi32, #tpu.memory_space<hbm>> -> memref<4x128xi32, #tpu.memory_space<hbm>>
        tpu.wait_dma2 semaphore(%run_scoped3A_398 : memref<!tpu.dma_semaphore, #tpu.memory_space<semaphore_mem>>) src(%dma_wait3A_422 : memref<4x128xi32, #tpu.memory_space<hbm>>) dst(%dma_wait3A_420 : memref<4x128xi32, #tpu.memory_space<vmem>>)
        tpu.yield
      }) : () -> ()
      %eq3A_37 = arith.constant 0 : i32
      %eq3A_38 = arith.cmpi eq, %arg0, %eq3A_37 : i32
      %convert_element_type3A_39 = arith.extui %eq3A_38 : i1 to i32
      %cond3A_40 = arith.constant 0 : i32
      %cond3A_41 = arith.cmpi ne, %convert_element_type3A_39, %cond3A_40 : i32
      scf.if %cond3A_41 {
        %dma_wait3A_398 = arith.constant 0 : i32
        %dma_wait3A_399 = arith.constant 0 : i32
        %dma_wait3A_400 = arith.constant 0 : i32
        %dma_wait3A_401 = arith.constant 0 : i32
        %dma_wait3A_402 = arith.constant 0 : i32
        %dma_wait3A_403 = tpu.memref_slice %arg10[%dma_wait3A_400, %dma_wait3A_401, %dma_wait3A_402] : memref<2x512x16xf32, #tpu.memory_space<vmem>> -> memref<1x512x16xf32, #tpu.memory_space<vmem>>
        %dma_wait3A_404 = tpu.memref_squeeze %dma_wait3A_403 : memref<1x512x16xf32, #tpu.memory_space<vmem>> -> memref<512x16xf32, #tpu.memory_space<vmem>>
        %dma_wait3A_405 = arith.constant 0 : i32
        %dma_wait3A_406 = arith.constant 0 : i32
        %dma_wait3A_407 = tpu.memref_slice %dma_wait3A_404[%dma_wait3A_405, %dma_wait3A_406] : memref<512x16xf32, #tpu.memory_space<vmem>> -> memref<128x16xf32, #tpu.memory_space<vmem>>
        %dma_wait3A_408 = arith.constant 0 : i32
        %dma_wait3A_409 = arith.constant 0 : i32
        %dma_wait3A_410 = tpu.memref_slice %arg8[%dma_wait3A_398, %dma_wait3A_408, %dma_wait3A_409] : memref<2x4x128xi32, #tpu.memory_space<vmem>> -> memref<1x4x128xi32, #tpu.memory_space<vmem>>
        %dma_wait3A_411 = tpu.memref_squeeze %dma_wait3A_410 : memref<1x4x128xi32, #tpu.memory_space<vmem>> -> memref<4x128xi32, #tpu.memory_space<vmem>>
        %dma_wait3A_412 = arith.constant 0 : i32
        %dma_wait3A_413 = tpu.memref_slice %dma_wait3A_411[%dma_wait3A_399, %dma_wait3A_412] : memref<4x128xi32, #tpu.memory_space<vmem>> -> memref<1x128xi32, #tpu.memory_space<vmem>>
        %dma_wait3A_414 = tpu.memref_squeeze %dma_wait3A_413 : memref<1x128xi32, #tpu.memory_space<vmem>> -> memref<128xi32, #tpu.memory_space<vmem>>
        %dma_wait3A_415 = arith.constant 0 : i32
        %dma_wait3A_416 = arith.constant 0 : i32
        %dma_wait3A_417 = tpu.memref_slice %arg2[%dma_wait3A_415, %dma_wait3A_416] : memref<102400x16xf32, #tpu.memory_space<hbm>> -> memref<102400x16xf32, #tpu.memory_space<hbm>>
        tpu.wait_indirect_dma semaphore(%arg11 : memref<!tpu.dma_semaphore, #tpu.memory_space<semaphore_mem>>) src(%dma_wait3A_417 : memref<102400x16xf32, #tpu.memory_space<hbm>>) dst(%dma_wait3A_407 : memref<128x16xf32, #tpu.memory_space<vmem>>)
        %dma_wait3A_418 = arith.constant 0 : i32
        %dma_wait3A_419 = arith.constant 1 : i32
        %dma_wait3A_420 = arith.constant 0 : i32
        %dma_wait3A_421 = arith.constant 0 : i32
        %dma_wait3A_422 = arith.constant 0 : i32
        %dma_wait3A_423 = tpu.memref_slice %arg10[%dma_wait3A_420, %dma_wait3A_421, %dma_wait3A_422] : memref<2x512x16xf32, #tpu.memory_space<vmem>> -> memref<1x512x16xf32, #tpu.memory_space<vmem>>
        %dma_wait3A_424 = tpu.memref_squeeze %dma_wait3A_423 : memref<1x512x16xf32, #tpu.memory_space<vmem>> -> memref<512x16xf32, #tpu.memory_space<vmem>>
        %dma_wait3A_425 = arith.constant 128 : i32
        %dma_wait3A_426 = arith.constant 0 : i32
        %dma_wait3A_427 = tpu.memref_slice %dma_wait3A_424[%dma_wait3A_425, %dma_wait3A_426] : memref<512x16xf32, #tpu.memory_space<vmem>> -> memref<128x16xf32, #tpu.memory_space<vmem>>
        %dma_wait3A_428 = arith.constant 0 : i32
        %dma_wait3A_429 = arith.constant 0 : i32
        %dma_wait3A_430 = tpu.memref_slice %arg8[%dma_wait3A_418, %dma_wait3A_428, %dma_wait3A_429] : memref<2x4x128xi32, #tpu.memory_space<vmem>> -> memref<1x4x128xi32, #tpu.memory_space<vmem>>
        %dma_wait3A_431 = tpu.memref_squeeze %dma_wait3A_430 : memref<1x4x128xi32, #tpu.memory_space<vmem>> -> memref<4x128xi32, #tpu.memory_space<vmem>>
        %dma_wait3A_432 = arith.constant 0 : i32
        %dma_wait3A_433 = tpu.memref_slice %dma_wait3A_431[%dma_wait3A_419, %dma_wait3A_432] : memref<4x128xi32, #tpu.memory_space<vmem>> -> memref<1x128xi32, #tpu.memory_space<vmem>>
        %dma_wait3A_434 = tpu.memref_squeeze %dma_wait3A_433 : memref<1x128xi32, #tpu.memory_space<vmem>> -> memref<128xi32, #tpu.memory_space<vmem>>
        %dma_wait3A_435 = arith.constant 0 : i32
        %dma_wait3A_436 = arith.constant 0 : i32
        %dma_wait3A_437 = tpu.memref_slice %arg2[%dma_wait3A_435, %dma_wait3A_436] : memref<102400x16xf32, #tpu.memory_space<hbm>> -> memref<102400x16xf32, #tpu.memory_space<hbm>>
        tpu.wait_indirect_dma semaphore(%arg11 : memref<!tpu.dma_semaphore, #tpu.memory_space<semaphore_mem>>) src(%dma_wait3A_437 : memref<102400x16xf32, #tpu.memory_space<hbm>>) dst(%dma_wait3A_427 : memref<128x16xf32, #tpu.memory_space<vmem>>)
        %dma_wait3A_438 = arith.constant 0 : i32
        %dma_wait3A_439 = arith.constant 2 : i32
        %dma_wait3A_440 = arith.constant 0 : i32
        %dma_wait3A_441 = arith.constant 0 : i32
        %dma_wait3A_442 = arith.constant 0 : i32
        %dma_wait3A_443 = tpu.memref_slice %arg10[%dma_wait3A_440, %dma_wait3A_441, %dma_wait3A_442] : memref<2x512x16xf32, #tpu.memory_space<vmem>> -> memref<1x512x16xf32, #tpu.memory_space<vmem>>
        %dma_wait3A_444 = tpu.memref_squeeze %dma_wait3A_443 : memref<1x512x16xf32, #tpu.memory_space<vmem>> -> memref<512x16xf32, #tpu.memory_space<vmem>>
        %dma_wait3A_445 = arith.constant 256 : i32
        %dma_wait3A_446 = arith.constant 0 : i32
        %dma_wait3A_447 = tpu.memref_slice %dma_wait3A_444[%dma_wait3A_445, %dma_wait3A_446] : memref<512x16xf32, #tpu.memory_space<vmem>> -> memref<128x16xf32, #tpu.memory_space<vmem>>
        %dma_wait3A_448 = arith.constant 0 : i32
        %dma_wait3A_449 = arith.constant 0 : i32
        %dma_wait3A_450 = tpu.memref_slice %arg8[%dma_wait3A_438, %dma_wait3A_448, %dma_wait3A_449] : memref<2x4x128xi32, #tpu.memory_space<vmem>> -> memref<1x4x128xi32, #tpu.memory_space<vmem>>
        %dma_wait3A_451 = tpu.memref_squeeze %dma_wait3A_450 : memref<1x4x128xi32, #tpu.memory_space<vmem>> -> memref<4x128xi32, #tpu.memory_space<vmem>>
        %dma_wait3A_452 = arith.constant 0 : i32
        %dma_wait3A_453 = tpu.memref_slice %dma_wait3A_451[%dma_wait3A_439, %dma_wait3A_452] : memref<4x128xi32, #tpu.memory_space<vmem>> -> memref<1x128xi32, #tpu.memory_space<vmem>>
        %dma_wait3A_454 = tpu.memref_squeeze %dma_wait3A_453 : memref<1x128xi32, #tpu.memory_space<vmem>> -> memref<128xi32, #tpu.memory_space<vmem>>
        %dma_wait3A_455 = arith.constant 0 : i32
        %dma_wait3A_456 = arith.constant 0 : i32
        %dma_wait3A_457 = tpu.memref_slice %arg2[%dma_wait3A_455, %dma_wait3A_456] : memref<102400x16xf32, #tpu.memory_space<hbm>> -> memref<102400x16xf32, #tpu.memory_space<hbm>>
        tpu.wait_indirect_dma semaphore(%arg11 : memref<!tpu.dma_semaphore, #tpu.memory_space<semaphore_mem>>) src(%dma_wait3A_457 : memref<102400x16xf32, #tpu.memory_space<hbm>>) dst(%dma_wait3A_447 : memref<128x16xf32, #tpu.memory_space<vmem>>)
        %dma_wait3A_458 = arith.constant 0 : i32
        %dma_wait3A_459 = arith.constant 3 : i32
        %dma_wait3A_460 = arith.constant 0 : i32
        %dma_wait3A_461 = arith.constant 0 : i32
        %dma_wait3A_462 = arith.constant 0 : i32
        %dma_wait3A_463 = tpu.memref_slice %arg10[%dma_wait3A_460, %dma_wait3A_461, %dma_wait3A_462] : memref<2x512x16xf32, #tpu.memory_space<vmem>> -> memref<1x512x16xf32, #tpu.memory_space<vmem>>
        %dma_wait3A_464 = tpu.memref_squeeze %dma_wait3A_463 : memref<1x512x16xf32, #tpu.memory_space<vmem>> -> memref<512x16xf32, #tpu.memory_space<vmem>>
        %dma_wait3A_465 = arith.constant 384 : i32
        %dma_wait3A_466 = arith.constant 0 : i32
        %dma_wait3A_467 = tpu.memref_slice %dma_wait3A_464[%dma_wait3A_465, %dma_wait3A_466] : memref<512x16xf32, #tpu.memory_space<vmem>> -> memref<128x16xf32, #tpu.memory_space<vmem>>
        %dma_wait3A_468 = arith.constant 0 : i32
        %dma_wait3A_469 = arith.constant 0 : i32
        %dma_wait3A_470 = tpu.memref_slice %arg8[%dma_wait3A_458, %dma_wait3A_468, %dma_wait3A_469] : memref<2x4x128xi32, #tpu.memory_space<vmem>> -> memref<1x4x128xi32, #tpu.memory_space<vmem>>
        %dma_wait3A_471 = tpu.memref_squeeze %dma_wait3A_470 : memref<1x4x128xi32, #tpu.memory_space<vmem>> -> memref<4x128xi32, #tpu.memory_space<vmem>>
        %dma_wait3A_472 = arith.constant 0 : i32
        %dma_wait3A_473 = tpu.memref_slice %dma_wait3A_471[%dma_wait3A_459, %dma_wait3A_472] : memref<4x128xi32, #tpu.memory_space<vmem>> -> memref<1x128xi32, #tpu.memory_space<vmem>>
        %dma_wait3A_474 = tpu.memref_squeeze %dma_wait3A_473 : memref<1x128xi32, #tpu.memory_space<vmem>> -> memref<128xi32, #tpu.memory_space<vmem>>
        %dma_wait3A_475 = arith.constant 0 : i32
        %dma_wait3A_476 = arith.constant 0 : i32
        %dma_wait3A_477 = tpu.memref_slice %arg2[%dma_wait3A_475, %dma_wait3A_476] : memref<102400x16xf32, #tpu.memory_space<hbm>> -> memref<102400x16xf32, #tpu.memory_space<hbm>>
        tpu.wait_indirect_dma semaphore(%arg11 : memref<!tpu.dma_semaphore, #tpu.memory_space<semaphore_mem>>) src(%dma_wait3A_477 : memref<102400x16xf32, #tpu.memory_space<hbm>>) dst(%dma_wait3A_467 : memref<128x16xf32, #tpu.memory_space<vmem>>)
      } else {
      }
      %eq3A_42 = arith.constant 1 : i32
      %eq3A_43 = arith.cmpi eq, %arg0, %eq3A_42 : i32
      %convert_element_type3A_44 = arith.extui %eq3A_43 : i1 to i32
      %cond3A_45 = arith.constant 0 : i32
      %cond3A_46 = arith.cmpi ne, %convert_element_type3A_44, %cond3A_45 : i32
      scf.if %cond3A_46 {
        %dma_wait3A_398 = arith.constant 0 : i32
        %dma_wait3A_399 = arith.constant 0 : i32
        %dma_wait3A_400 = arith.constant 0 : i32
        %dma_wait3A_401 = arith.constant 0 : i32
        %dma_wait3A_402 = arith.constant 0 : i32
        %dma_wait3A_403 = tpu.memref_slice %arg10[%dma_wait3A_400, %dma_wait3A_401, %dma_wait3A_402] : memref<2x512x16xf32, #tpu.memory_space<vmem>> -> memref<1x512x16xf32, #tpu.memory_space<vmem>>
        %dma_wait3A_404 = tpu.memref_squeeze %dma_wait3A_403 : memref<1x512x16xf32, #tpu.memory_space<vmem>> -> memref<512x16xf32, #tpu.memory_space<vmem>>
        %dma_wait3A_405 = arith.constant 0 : i32
        %dma_wait3A_406 = arith.constant 0 : i32
        %dma_wait3A_407 = tpu.memref_slice %dma_wait3A_404[%dma_wait3A_405, %dma_wait3A_406] : memref<512x16xf32, #tpu.memory_space<vmem>> -> memref<128x16xf32, #tpu.memory_space<vmem>>
        %dma_wait3A_408 = arith.constant 0 : i32
        %dma_wait3A_409 = arith.constant 0 : i32
        %dma_wait3A_410 = tpu.memref_slice %arg8[%dma_wait3A_398, %dma_wait3A_408, %dma_wait3A_409] : memref<2x4x128xi32, #tpu.memory_space<vmem>> -> memref<1x4x128xi32, #tpu.memory_space<vmem>>
        %dma_wait3A_411 = tpu.memref_squeeze %dma_wait3A_410 : memref<1x4x128xi32, #tpu.memory_space<vmem>> -> memref<4x128xi32, #tpu.memory_space<vmem>>
        %dma_wait3A_412 = arith.constant 0 : i32
        %dma_wait3A_413 = tpu.memref_slice %dma_wait3A_411[%dma_wait3A_399, %dma_wait3A_412] : memref<4x128xi32, #tpu.memory_space<vmem>> -> memref<1x128xi32, #tpu.memory_space<vmem>>
        %dma_wait3A_414 = tpu.memref_squeeze %dma_wait3A_413 : memref<1x128xi32, #tpu.memory_space<vmem>> -> memref<128xi32, #tpu.memory_space<vmem>>
        %dma_wait3A_415 = arith.constant 0 : i32
        %dma_wait3A_416 = arith.constant 0 : i32
        %dma_wait3A_417 = tpu.memref_slice %arg3[%dma_wait3A_415, %dma_wait3A_416] : memref<102400x16xf32, #tpu.memory_space<hbm>> -> memref<102400x16xf32, #tpu.memory_space<hbm>>
        tpu.wait_indirect_dma semaphore(%arg11 : memref<!tpu.dma_semaphore, #tpu.memory_space<semaphore_mem>>) src(%dma_wait3A_417 : memref<102400x16xf32, #tpu.memory_space<hbm>>) dst(%dma_wait3A_407 : memref<128x16xf32, #tpu.memory_space<vmem>>)
        %dma_wait3A_418 = arith.constant 0 : i32
        %dma_wait3A_419 = arith.constant 1 : i32
        %dma_wait3A_420 = arith.constant 0 : i32
        %dma_wait3A_421 = arith.constant 0 : i32
        %dma_wait3A_422 = arith.constant 0 : i32
        %dma_wait3A_423 = tpu.memref_slice %arg10[%dma_wait3A_420, %dma_wait3A_421, %dma_wait3A_422] : memref<2x512x16xf32, #tpu.memory_space<vmem>> -> memref<1x512x16xf32, #tpu.memory_space<vmem>>
        %dma_wait3A_424 = tpu.memref_squeeze %dma_wait3A_423 : memref<1x512x16xf32, #tpu.memory_space<vmem>> -> memref<512x16xf32, #tpu.memory_space<vmem>>
        %dma_wait3A_425 = arith.constant 128 : i32
        %dma_wait3A_426 = arith.constant 0 : i32
        %dma_wait3A_427 = tpu.memref_slice %dma_wait3A_424[%dma_wait3A_425, %dma_wait3A_426] : memref<512x16xf32, #tpu.memory_space<vmem>> -> memref<128x16xf32, #tpu.memory_space<vmem>>
        %dma_wait3A_428 = arith.constant 0 : i32
        %dma_wait3A_429 = arith.constant 0 : i32
        %dma_wait3A_430 = tpu.memref_slice %arg8[%dma_wait3A_418, %dma_wait3A_428, %dma_wait3A_429] : memref<2x4x128xi32, #tpu.memory_space<vmem>> -> memref<1x4x128xi32, #tpu.memory_space<vmem>>
        %dma_wait3A_431 = tpu.memref_squeeze %dma_wait3A_430 : memref<1x4x128xi32, #tpu.memory_space<vmem>> -> memref<4x128xi32, #tpu.memory_space<vmem>>
        %dma_wait3A_432 = arith.constant 0 : i32
        %dma_wait3A_433 = tpu.memref_slice %dma_wait3A_431[%dma_wait3A_419, %dma_wait3A_432] : memref<4x128xi32, #tpu.memory_space<vmem>> -> memref<1x128xi32, #tpu.memory_space<vmem>>
        %dma_wait3A_434 = tpu.memref_squeeze %dma_wait3A_433 : memref<1x128xi32, #tpu.memory_space<vmem>> -> memref<128xi32, #tpu.memory_space<vmem>>
        %dma_wait3A_435 = arith.constant 0 : i32
        %dma_wait3A_436 = arith.constant 0 : i32
        %dma_wait3A_437 = tpu.memref_slice %arg3[%dma_wait3A_435, %dma_wait3A_436] : memref<102400x16xf32, #tpu.memory_space<hbm>> -> memref<102400x16xf32, #tpu.memory_space<hbm>>
        tpu.wait_indirect_dma semaphore(%arg11 : memref<!tpu.dma_semaphore, #tpu.memory_space<semaphore_mem>>) src(%dma_wait3A_437 : memref<102400x16xf32, #tpu.memory_space<hbm>>) dst(%dma_wait3A_427 : memref<128x16xf32, #tpu.memory_space<vmem>>)
        %dma_wait3A_438 = arith.constant 0 : i32
        %dma_wait3A_439 = arith.constant 2 : i32
        %dma_wait3A_440 = arith.constant 0 : i32
        %dma_wait3A_441 = arith.constant 0 : i32
        %dma_wait3A_442 = arith.constant 0 : i32
        %dma_wait3A_443 = tpu.memref_slice %arg10[%dma_wait3A_440, %dma_wait3A_441, %dma_wait3A_442] : memref<2x512x16xf32, #tpu.memory_space<vmem>> -> memref<1x512x16xf32, #tpu.memory_space<vmem>>
        %dma_wait3A_444 = tpu.memref_squeeze %dma_wait3A_443 : memref<1x512x16xf32, #tpu.memory_space<vmem>> -> memref<512x16xf32, #tpu.memory_space<vmem>>
        %dma_wait3A_445 = arith.constant 256 : i32
        %dma_wait3A_446 = arith.constant 0 : i32
        %dma_wait3A_447 = tpu.memref_slice %dma_wait3A_444[%dma_wait3A_445, %dma_wait3A_446] : memref<512x16xf32, #tpu.memory_space<vmem>> -> memref<128x16xf32, #tpu.memory_space<vmem>>
        %dma_wait3A_448 = arith.constant 0 : i32
        %dma_wait3A_449 = arith.constant 0 : i32
        %dma_wait3A_450 = tpu.memref_slice %arg8[%dma_wait3A_438, %dma_wait3A_448, %dma_wait3A_449] : memref<2x4x128xi32, #tpu.memory_space<vmem>> -> memref<1x4x128xi32, #tpu.memory_space<vmem>>
        %dma_wait3A_451 = tpu.memref_squeeze %dma_wait3A_450 : memref<1x4x128xi32, #tpu.memory_space<vmem>> -> memref<4x128xi32, #tpu.memory_space<vmem>>
        %dma_wait3A_452 = arith.constant 0 : i32
        %dma_wait3A_453 = tpu.memref_slice %dma_wait3A_451[%dma_wait3A_439, %dma_wait3A_452] : memref<4x128xi32, #tpu.memory_space<vmem>> -> memref<1x128xi32, #tpu.memory_space<vmem>>
        %dma_wait3A_454 = tpu.memref_squeeze %dma_wait3A_453 : memref<1x128xi32, #tpu.memory_space<vmem>> -> memref<128xi32, #tpu.memory_space<vmem>>
        %dma_wait3A_455 = arith.constant 0 : i32
        %dma_wait3A_456 = arith.constant 0 : i32
        %dma_wait3A_457 = tpu.memref_slice %arg3[%dma_wait3A_455, %dma_wait3A_456] : memref<102400x16xf32, #tpu.memory_space<hbm>> -> memref<102400x16xf32, #tpu.memory_space<hbm>>
        tpu.wait_indirect_dma semaphore(%arg11 : memref<!tpu.dma_semaphore, #tpu.memory_space<semaphore_mem>>) src(%dma_wait3A_457 : memref<102400x16xf32, #tpu.memory_space<hbm>>) dst(%dma_wait3A_447 : memref<128x16xf32, #tpu.memory_space<vmem>>)
        %dma_wait3A_458 = arith.constant 0 : i32
        %dma_wait3A_459 = arith.constant 3 : i32
        %dma_wait3A_460 = arith.constant 0 : i32
        %dma_wait3A_461 = arith.constant 0 : i32
        %dma_wait3A_462 = arith.constant 0 : i32
        %dma_wait3A_463 = tpu.memref_slice %arg10[%dma_wait3A_460, %dma_wait3A_461, %dma_wait3A_462] : memref<2x512x16xf32, #tpu.memory_space<vmem>> -> memref<1x512x16xf32, #tpu.memory_space<vmem>>
        %dma_wait3A_464 = tpu.memref_squeeze %dma_wait3A_463 : memref<1x512x16xf32, #tpu.memory_space<vmem>> -> memref<512x16xf32, #tpu.memory_space<vmem>>
        %dma_wait3A_465 = arith.constant 384 : i32
        %dma_wait3A_466 = arith.constant 0 : i32
        %dma_wait3A_467 = tpu.memref_slice %dma_wait3A_464[%dma_wait3A_465, %dma_wait3A_466] : memref<512x16xf32, #tpu.memory_space<vmem>> -> memref<128x16xf32, #tpu.memory_space<vmem>>
        %dma_wait3A_468 = arith.constant 0 : i32
        %dma_wait3A_469 = arith.constant 0 : i32
        %dma_wait3A_470 = tpu.memref_slice %arg8[%dma_wait3A_458, %dma_wait3A_468, %dma_wait3A_469] : memref<2x4x128xi32, #tpu.memory_space<vmem>> -> memref<1x4x128xi32, #tpu.memory_space<vmem>>
        %dma_wait3A_471 = tpu.memref_squeeze %dma_wait3A_470 : memref<1x4x128xi32, #tpu.memory_space<vmem>> -> memref<4x128xi32, #tpu.memory_space<vmem>>
        %dma_wait3A_472 = arith.constant 0 : i32
        %dma_wait3A_473 = tpu.memref_slice %dma_wait3A_471[%dma_wait3A_459, %dma_wait3A_472] : memref<4x128xi32, #tpu.memory_space<vmem>> -> memref<1x128xi32, #tpu.memory_space<vmem>>
        %dma_wait3A_474 = tpu.memref_squeeze %dma_wait3A_473 : memref<1x128xi32, #tpu.memory_space<vmem>> -> memref<128xi32, #tpu.memory_space<vmem>>
        %dma_wait3A_475 = arith.constant 0 : i32
        %dma_wait3A_476 = arith.constant 0 : i32
        %dma_wait3A_477 = tpu.memref_slice %arg3[%dma_wait3A_475, %dma_wait3A_476] : memref<102400x16xf32, #tpu.memory_space<hbm>> -> memref<102400x16xf32, #tpu.memory_space<hbm>>
        tpu.wait_indirect_dma semaphore(%arg11 : memref<!tpu.dma_semaphore, #tpu.memory_space<semaphore_mem>>) src(%dma_wait3A_477 : memref<102400x16xf32, #tpu.memory_space<hbm>>) dst(%dma_wait3A_467 : memref<128x16xf32, #tpu.memory_space<vmem>>)
      } else {
      }
      %eq3A_47 = arith.constant 0 : i32
      %eq3A_48 = arith.cmpi eq, %arg0, %eq3A_47 : i32
      %convert_element_type3A_49 = arith.extui %eq3A_48 : i1 to i32
      %cond3A_50 = arith.constant 0 : i32
      %cond3A_51 = arith.cmpi ne, %convert_element_type3A_49, %cond3A_50 : i32
      scf.if %cond3A_51 {
        %dma_start3A_398 = arith.constant 1 : i32
        %dma_start3A_399 = arith.constant 0 : i32
        %dma_start3A_400 = arith.constant 1 : i32
        %dma_start3A_401 = arith.constant 0 : i32
        %dma_start3A_402 = arith.constant 0 : i32
        %dma_start3A_403 = tpu.memref_slice %arg10[%dma_start3A_400, %dma_start3A_401, %dma_start3A_402] : memref<2x512x16xf32, #tpu.memory_space<vmem>> -> memref<1x512x16xf32, #tpu.memory_space<vmem>>
        %dma_start3A_404 = tpu.memref_squeeze %dma_start3A_403 : memref<1x512x16xf32, #tpu.memory_space<vmem>> -> memref<512x16xf32, #tpu.memory_space<vmem>>
        %dma_start3A_405 = arith.constant 0 : i32
        %dma_start3A_406 = arith.constant 0 : i32
        %dma_start3A_407 = tpu.memref_slice %dma_start3A_404[%dma_start3A_405, %dma_start3A_406] : memref<512x16xf32, #tpu.memory_space<vmem>> -> memref<128x16xf32, #tpu.memory_space<vmem>>
        %dma_start3A_408 = arith.constant 0 : i32
        %dma_start3A_409 = arith.constant 0 : i32
        %dma_start3A_410 = tpu.memref_slice %arg8[%dma_start3A_398, %dma_start3A_408, %dma_start3A_409] : memref<2x4x128xi32, #tpu.memory_space<vmem>> -> memref<1x4x128xi32, #tpu.memory_space<vmem>>
        %dma_start3A_411 = tpu.memref_squeeze %dma_start3A_410 : memref<1x4x128xi32, #tpu.memory_space<vmem>> -> memref<4x128xi32, #tpu.memory_space<vmem>>
        %dma_start3A_412 = arith.constant 0 : i32
        %dma_start3A_413 = tpu.memref_slice %dma_start3A_411[%dma_start3A_399, %dma_start3A_412] : memref<4x128xi32, #tpu.memory_space<vmem>> -> memref<1x128xi32, #tpu.memory_space<vmem>>
        %dma_start3A_414 = tpu.memref_squeeze %dma_start3A_413 : memref<1x128xi32, #tpu.memory_space<vmem>> -> memref<128xi32, #tpu.memory_space<vmem>>
        %dma_start3A_415 = arith.constant 0 : i32
        %dma_start3A_416 = arith.constant 0 : i32
        %dma_start3A_417 = tpu.memref_slice %arg2[%dma_start3A_415, %dma_start3A_416] : memref<102400x16xf32, #tpu.memory_space<hbm>> -> memref<102400x16xf32, #tpu.memory_space<hbm>>
        tpu.enqueue_indirect_dma source(%dma_start3A_417 : memref<102400x16xf32, #tpu.memory_space<hbm>>) target(%dma_start3A_407 : memref<128x16xf32, #tpu.memory_space<vmem>>) offsets(%dma_start3A_414 : memref<128xi32, #tpu.memory_space<vmem>>) semaphore(%arg11 : memref<!tpu.dma_semaphore, #tpu.memory_space<semaphore_mem>>)
        %dma_start3A_418 = arith.constant 1 : i32
        %dma_start3A_419 = arith.constant 1 : i32
        %dma_start3A_420 = arith.constant 1 : i32
        %dma_start3A_421 = arith.constant 0 : i32
        %dma_start3A_422 = arith.constant 0 : i32
        %dma_start3A_423 = tpu.memref_slice %arg10[%dma_start3A_420, %dma_start3A_421, %dma_start3A_422] : memref<2x512x16xf32, #tpu.memory_space<vmem>> -> memref<1x512x16xf32, #tpu.memory_space<vmem>>
        %dma_start3A_424 = tpu.memref_squeeze %dma_start3A_423 : memref<1x512x16xf32, #tpu.memory_space<vmem>> -> memref<512x16xf32, #tpu.memory_space<vmem>>
        %dma_start3A_425 = arith.constant 128 : i32
        %dma_start3A_426 = arith.constant 0 : i32
        %dma_start3A_427 = tpu.memref_slice %dma_start3A_424[%dma_start3A_425, %dma_start3A_426] : memref<512x16xf32, #tpu.memory_space<vmem>> -> memref<128x16xf32, #tpu.memory_space<vmem>>
        %dma_start3A_428 = arith.constant 0 : i32
        %dma_start3A_429 = arith.constant 0 : i32
        %dma_start3A_430 = tpu.memref_slice %arg8[%dma_start3A_418, %dma_start3A_428, %dma_start3A_429] : memref<2x4x128xi32, #tpu.memory_space<vmem>> -> memref<1x4x128xi32, #tpu.memory_space<vmem>>
        %dma_start3A_431 = tpu.memref_squeeze %dma_start3A_430 : memref<1x4x128xi32, #tpu.memory_space<vmem>> -> memref<4x128xi32, #tpu.memory_space<vmem>>
        %dma_start3A_432 = arith.constant 0 : i32
        %dma_start3A_433 = tpu.memref_slice %dma_start3A_431[%dma_start3A_419, %dma_start3A_432] : memref<4x128xi32, #tpu.memory_space<vmem>> -> memref<1x128xi32, #tpu.memory_space<vmem>>
        %dma_start3A_434 = tpu.memref_squeeze %dma_start3A_433 : memref<1x128xi32, #tpu.memory_space<vmem>> -> memref<128xi32, #tpu.memory_space<vmem>>
        %dma_start3A_435 = arith.constant 0 : i32
        %dma_start3A_436 = arith.constant 0 : i32
        %dma_start3A_437 = tpu.memref_slice %arg2[%dma_start3A_435, %dma_start3A_436] : memref<102400x16xf32, #tpu.memory_space<hbm>> -> memref<102400x16xf32, #tpu.memory_space<hbm>>
        tpu.enqueue_indirect_dma source(%dma_start3A_437 : memref<102400x16xf32, #tpu.memory_space<hbm>>) target(%dma_start3A_427 : memref<128x16xf32, #tpu.memory_space<vmem>>) offsets(%dma_start3A_434 : memref<128xi32, #tpu.memory_space<vmem>>) semaphore(%arg11 : memref<!tpu.dma_semaphore, #tpu.memory_space<semaphore_mem>>)
        %dma_start3A_438 = arith.constant 1 : i32
        %dma_start3A_439 = arith.constant 2 : i32
        %dma_start3A_440 = arith.constant 1 : i32
        %dma_start3A_441 = arith.constant 0 : i32
        %dma_start3A_442 = arith.constant 0 : i32
        %dma_start3A_443 = tpu.memref_slice %arg10[%dma_start3A_440, %dma_start3A_441, %dma_start3A_442] : memref<2x512x16xf32, #tpu.memory_space<vmem>> -> memref<1x512x16xf32, #tpu.memory_space<vmem>>
        %dma_start3A_444 = tpu.memref_squeeze %dma_start3A_443 : memref<1x512x16xf32, #tpu.memory_space<vmem>> -> memref<512x16xf32, #tpu.memory_space<vmem>>
        %dma_start3A_445 = arith.constant 256 : i32
        %dma_start3A_446 = arith.constant 0 : i32
        %dma_start3A_447 = tpu.memref_slice %dma_start3A_444[%dma_start3A_445, %dma_start3A_446] : memref<512x16xf32, #tpu.memory_space<vmem>> -> memref<128x16xf32, #tpu.memory_space<vmem>>
        %dma_start3A_448 = arith.constant 0 : i32
        %dma_start3A_449 = arith.constant 0 : i32
        %dma_start3A_450 = tpu.memref_slice %arg8[%dma_start3A_438, %dma_start3A_448, %dma_start3A_449] : memref<2x4x128xi32, #tpu.memory_space<vmem>> -> memref<1x4x128xi32, #tpu.memory_space<vmem>>
        %dma_start3A_451 = tpu.memref_squeeze %dma_start3A_450 : memref<1x4x128xi32, #tpu.memory_space<vmem>> -> memref<4x128xi32, #tpu.memory_space<vmem>>
        %dma_start3A_452 = arith.constant 0 : i32
        %dma_start3A_453 = tpu.memref_slice %dma_start3A_451[%dma_start3A_439, %dma_start3A_452] : memref<4x128xi32, #tpu.memory_space<vmem>> -> memref<1x128xi32, #tpu.memory_space<vmem>>
        %dma_start3A_454 = tpu.memref_squeeze %dma_start3A_453 : memref<1x128xi32, #tpu.memory_space<vmem>> -> memref<128xi32, #tpu.memory_space<vmem>>
        %dma_start3A_455 = arith.constant 0 : i32
        %dma_start3A_456 = arith.constant 0 : i32
        %dma_start3A_457 = tpu.memref_slice %arg2[%dma_start3A_455, %dma_start3A_456] : memref<102400x16xf32, #tpu.memory_space<hbm>> -> memref<102400x16xf32, #tpu.memory_space<hbm>>
        tpu.enqueue_indirect_dma source(%dma_start3A_457 : memref<102400x16xf32, #tpu.memory_space<hbm>>) target(%dma_start3A_447 : memref<128x16xf32, #tpu.memory_space<vmem>>) offsets(%dma_start3A_454 : memref<128xi32, #tpu.memory_space<vmem>>) semaphore(%arg11 : memref<!tpu.dma_semaphore, #tpu.memory_space<semaphore_mem>>)
        %dma_start3A_458 = arith.constant 1 : i32
        %dma_start3A_459 = arith.constant 3 : i32
        %dma_start3A_460 = arith.constant 1 : i32
        %dma_start3A_461 = arith.constant 0 : i32
        %dma_start3A_462 = arith.constant 0 : i32
        %dma_start3A_463 = tpu.memref_slice %arg10[%dma_start3A_460, %dma_start3A_461, %dma_start3A_462] : memref<2x512x16xf32, #tpu.memory_space<vmem>> -> memref<1x512x16xf32, #tpu.memory_space<vmem>>
        %dma_start3A_464 = tpu.memref_squeeze %dma_start3A_463 : memref<1x512x16xf32, #tpu.memory_space<vmem>> -> memref<512x16xf32, #tpu.memory_space<vmem>>
        %dma_start3A_465 = arith.constant 384 : i32
        %dma_start3A_466 = arith.constant 0 : i32
        %dma_start3A_467 = tpu.memref_slice %dma_start3A_464[%dma_start3A_465, %dma_start3A_466] : memref<512x16xf32, #tpu.memory_space<vmem>> -> memref<128x16xf32, #tpu.memory_space<vmem>>
        %dma_start3A_468 = arith.constant 0 : i32
        %dma_start3A_469 = arith.constant 0 : i32
        %dma_start3A_470 = tpu.memref_slice %arg8[%dma_start3A_458, %dma_start3A_468, %dma_start3A_469] : memref<2x4x128xi32, #tpu.memory_space<vmem>> -> memref<1x4x128xi32, #tpu.memory_space<vmem>>
        %dma_start3A_471 = tpu.memref_squeeze %dma_start3A_470 : memref<1x4x128xi32, #tpu.memory_space<vmem>> -> memref<4x128xi32, #tpu.memory_space<vmem>>
        %dma_start3A_472 = arith.constant 0 : i32
        %dma_start3A_473 = tpu.memref_slice %dma_start3A_471[%dma_start3A_459, %dma_start3A_472] : memref<4x128xi32, #tpu.memory_space<vmem>> -> memref<1x128xi32, #tpu.memory_space<vmem>>
        %dma_start3A_474 = tpu.memref_squeeze %dma_start3A_473 : memref<1x128xi32, #tpu.memory_space<vmem>> -> memref<128xi32, #tpu.memory_space<vmem>>
        %dma_start3A_475 = arith.constant 0 : i32
        %dma_start3A_476 = arith.constant 0 : i32
        %dma_start3A_477 = tpu.memref_slice %arg2[%dma_start3A_475, %dma_start3A_476] : memref<102400x16xf32, #tpu.memory_space<hbm>> -> memref<102400x16xf32, #tpu.memory_space<hbm>>
        tpu.enqueue_indirect_dma source(%dma_start3A_477 : memref<102400x16xf32, #tpu.memory_space<hbm>>) target(%dma_start3A_467 : memref<128x16xf32, #tpu.memory_space<vmem>>) offsets(%dma_start3A_474 : memref<128xi32, #tpu.memory_space<vmem>>) semaphore(%arg11 : memref<!tpu.dma_semaphore, #tpu.memory_space<semaphore_mem>>)
      } else {
      }
      %eq3A_52 = arith.constant 1 : i32
      %eq3A_53 = arith.cmpi eq, %arg0, %eq3A_52 : i32
      %convert_element_type3A_54 = arith.extui %eq3A_53 : i1 to i32
      %cond3A_55 = arith.constant 0 : i32
      %cond3A_56 = arith.cmpi ne, %convert_element_type3A_54, %cond3A_55 : i32
      scf.if %cond3A_56 {
        %dma_start3A_398 = arith.constant 1 : i32
        %dma_start3A_399 = arith.constant 0 : i32
        %dma_start3A_400 = arith.constant 1 : i32
        %dma_start3A_401 = arith.constant 0 : i32
        %dma_start3A_402 = arith.constant 0 : i32
        %dma_start3A_403 = tpu.memref_slice %arg10[%dma_start3A_400, %dma_start3A_401, %dma_start3A_402] : memref<2x512x16xf32, #tpu.memory_space<vmem>> -> memref<1x512x16xf32, #tpu.memory_space<vmem>>
        %dma_start3A_404 = tpu.memref_squeeze %dma_start3A_403 : memref<1x512x16xf32, #tpu.memory_space<vmem>> -> memref<512x16xf32, #tpu.memory_space<vmem>>
        %dma_start3A_405 = arith.constant 0 : i32
        %dma_start3A_406 = arith.constant 0 : i32
        %dma_start3A_407 = tpu.memref_slice %dma_start3A_404[%dma_start3A_405, %dma_start3A_406] : memref<512x16xf32, #tpu.memory_space<vmem>> -> memref<128x16xf32, #tpu.memory_space<vmem>>
        %dma_start3A_408 = arith.constant 0 : i32
        %dma_start3A_409 = arith.constant 0 : i32
        %dma_start3A_410 = tpu.memref_slice %arg8[%dma_start3A_398, %dma_start3A_408, %dma_start3A_409] : memref<2x4x128xi32, #tpu.memory_space<vmem>> -> memref<1x4x128xi32, #tpu.memory_space<vmem>>
        %dma_start3A_411 = tpu.memref_squeeze %dma_start3A_410 : memref<1x4x128xi32, #tpu.memory_space<vmem>> -> memref<4x128xi32, #tpu.memory_space<vmem>>
        %dma_start3A_412 = arith.constant 0 : i32
        %dma_start3A_413 = tpu.memref_slice %dma_start3A_411[%dma_start3A_399, %dma_start3A_412] : memref<4x128xi32, #tpu.memory_space<vmem>> -> memref<1x128xi32, #tpu.memory_space<vmem>>
        %dma_start3A_414 = tpu.memref_squeeze %dma_start3A_413 : memref<1x128xi32, #tpu.memory_space<vmem>> -> memref<128xi32, #tpu.memory_space<vmem>>
        %dma_start3A_415 = arith.constant 0 : i32
        %dma_start3A_416 = arith.constant 0 : i32
        %dma_start3A_417 = tpu.memref_slice %arg3[%dma_start3A_415, %dma_start3A_416] : memref<102400x16xf32, #tpu.memory_space<hbm>> -> memref<102400x16xf32, #tpu.memory_space<hbm>>
        tpu.enqueue_indirect_dma source(%dma_start3A_417 : memref<102400x16xf32, #tpu.memory_space<hbm>>) target(%dma_start3A_407 : memref<128x16xf32, #tpu.memory_space<vmem>>) offsets(%dma_start3A_414 : memref<128xi32, #tpu.memory_space<vmem>>) semaphore(%arg11 : memref<!tpu.dma_semaphore, #tpu.memory_space<semaphore_mem>>)
        %dma_start3A_418 = arith.constant 1 : i32
        %dma_start3A_419 = arith.constant 1 : i32
        %dma_start3A_420 = arith.constant 1 : i32
        %dma_start3A_421 = arith.constant 0 : i32
        %dma_start3A_422 = arith.constant 0 : i32
        %dma_start3A_423 = tpu.memref_slice %arg10[%dma_start3A_420, %dma_start3A_421, %dma_start3A_422] : memref<2x512x16xf32, #tpu.memory_space<vmem>> -> memref<1x512x16xf32, #tpu.memory_space<vmem>>
        %dma_start3A_424 = tpu.memref_squeeze %dma_start3A_423 : memref<1x512x16xf32, #tpu.memory_space<vmem>> -> memref<512x16xf32, #tpu.memory_space<vmem>>
        %dma_start3A_425 = arith.constant 128 : i32
        %dma_start3A_426 = arith.constant 0 : i32
        %dma_start3A_427 = tpu.memref_slice %dma_start3A_424[%dma_start3A_425, %dma_start3A_426] : memref<512x16xf32, #tpu.memory_space<vmem>> -> memref<128x16xf32, #tpu.memory_space<vmem>>
        %dma_start3A_428 = arith.constant 0 : i32
        %dma_start3A_429 = arith.constant 0 : i32
        %dma_start3A_430 = tpu.memref_slice %arg8[%dma_start3A_418, %dma_start3A_428, %dma_start3A_429] : memref<2x4x128xi32, #tpu.memory_space<vmem>> -> memref<1x4x128xi32, #tpu.memory_space<vmem>>
        %dma_start3A_431 = tpu.memref_squeeze %dma_start3A_430 : memref<1x4x128xi32, #tpu.memory_space<vmem>> -> memref<4x128xi32, #tpu.memory_space<vmem>>
        %dma_start3A_432 = arith.constant 0 : i32
        %dma_start3A_433 = tpu.memref_slice %dma_start3A_431[%dma_start3A_419, %dma_start3A_432] : memref<4x128xi32, #tpu.memory_space<vmem>> -> memref<1x128xi32, #tpu.memory_space<vmem>>
        %dma_start3A_434 = tpu.memref_squeeze %dma_start3A_433 : memref<1x128xi32, #tpu.memory_space<vmem>> -> memref<128xi32, #tpu.memory_space<vmem>>
        %dma_start3A_435 = arith.constant 0 : i32
        %dma_start3A_436 = arith.constant 0 : i32
        %dma_start3A_437 = tpu.memref_slice %arg3[%dma_start3A_435, %dma_start3A_436] : memref<102400x16xf32, #tpu.memory_space<hbm>> -> memref<102400x16xf32, #tpu.memory_space<hbm>>
        tpu.enqueue_indirect_dma source(%dma_start3A_437 : memref<102400x16xf32, #tpu.memory_space<hbm>>) target(%dma_start3A_427 : memref<128x16xf32, #tpu.memory_space<vmem>>) offsets(%dma_start3A_434 : memref<128xi32, #tpu.memory_space<vmem>>) semaphore(%arg11 : memref<!tpu.dma_semaphore, #tpu.memory_space<semaphore_mem>>)
        %dma_start3A_438 = arith.constant 1 : i32
        %dma_start3A_439 = arith.constant 2 : i32
        %dma_start3A_440 = arith.constant 1 : i32
        %dma_start3A_441 = arith.constant 0 : i32
        %dma_start3A_442 = arith.constant 0 : i32
        %dma_start3A_443 = tpu.memref_slice %arg10[%dma_start3A_440, %dma_start3A_441, %dma_start3A_442] : memref<2x512x16xf32, #tpu.memory_space<vmem>> -> memref<1x512x16xf32, #tpu.memory_space<vmem>>
        %dma_start3A_444 = tpu.memref_squeeze %dma_start3A_443 : memref<1x512x16xf32, #tpu.memory_space<vmem>> -> memref<512x16xf32, #tpu.memory_space<vmem>>
        %dma_start3A_445 = arith.constant 256 : i32
        %dma_start3A_446 = arith.constant 0 : i32
        %dma_start3A_447 = tpu.memref_slice %dma_start3A_444[%dma_start3A_445, %dma_start3A_446] : memref<512x16xf32, #tpu.memory_space<vmem>> -> memref<128x16xf32, #tpu.memory_space<vmem>>
        %dma_start3A_448 = arith.constant 0 : i32
        %dma_start3A_449 = arith.constant 0 : i32
        %dma_start3A_450 = tpu.memref_slice %arg8[%dma_start3A_438, %dma_start3A_448, %dma_start3A_449] : memref<2x4x128xi32, #tpu.memory_space<vmem>> -> memref<1x4x128xi32, #tpu.memory_space<vmem>>
        %dma_start3A_451 = tpu.memref_squeeze %dma_start3A_450 : memref<1x4x128xi32, #tpu.memory_space<vmem>> -> memref<4x128xi32, #tpu.memory_space<vmem>>
        %dma_start3A_452 = arith.constant 0 : i32
        %dma_start3A_453 = tpu.memref_slice %dma_start3A_451[%dma_start3A_439, %dma_start3A_452] : memref<4x128xi32, #tpu.memory_space<vmem>> -> memref<1x128xi32, #tpu.memory_space<vmem>>
        %dma_start3A_454 = tpu.memref_squeeze %dma_start3A_453 : memref<1x128xi32, #tpu.memory_space<vmem>> -> memref<128xi32, #tpu.memory_space<vmem>>
        %dma_start3A_455 = arith.constant 0 : i32
        %dma_start3A_456 = arith.constant 0 : i32
        %dma_start3A_457 = tpu.memref_slice %arg3[%dma_start3A_455, %dma_start3A_456] : memref<102400x16xf32, #tpu.memory_space<hbm>> -> memref<102400x16xf32, #tpu.memory_space<hbm>>
        tpu.enqueue_indirect_dma source(%dma_start3A_457 : memref<102400x16xf32, #tpu.memory_space<hbm>>) target(%dma_start3A_447 : memref<128x16xf32, #tpu.memory_space<vmem>>) offsets(%dma_start3A_454 : memref<128xi32, #tpu.memory_space<vmem>>) semaphore(%arg11 : memref<!tpu.dma_semaphore, #tpu.memory_space<semaphore_mem>>)
        %dma_start3A_458 = arith.constant 1 : i32
        %dma_start3A_459 = arith.constant 3 : i32
        %dma_start3A_460 = arith.constant 1 : i32
        %dma_start3A_461 = arith.constant 0 : i32
        %dma_start3A_462 = arith.constant 0 : i32
        %dma_start3A_463 = tpu.memref_slice %arg10[%dma_start3A_460, %dma_start3A_461, %dma_start3A_462] : memref<2x512x16xf32, #tpu.memory_space<vmem>> -> memref<1x512x16xf32, #tpu.memory_space<vmem>>
        %dma_start3A_464 = tpu.memref_squeeze %dma_start3A_463 : memref<1x512x16xf32, #tpu.memory_space<vmem>> -> memref<512x16xf32, #tpu.memory_space<vmem>>
        %dma_start3A_465 = arith.constant 384 : i32
        %dma_start3A_466 = arith.constant 0 : i32
        %dma_start3A_467 = tpu.memref_slice %dma_start3A_464[%dma_start3A_465, %dma_start3A_466] : memref<512x16xf32, #tpu.memory_space<vmem>> -> memref<128x16xf32, #tpu.memory_space<vmem>>
        %dma_start3A_468 = arith.constant 0 : i32
        %dma_start3A_469 = arith.constant 0 : i32
        %dma_start3A_470 = tpu.memref_slice %arg8[%dma_start3A_458, %dma_start3A_468, %dma_start3A_469] : memref<2x4x128xi32, #tpu.memory_space<vmem>> -> memref<1x4x128xi32, #tpu.memory_space<vmem>>
        %dma_start3A_471 = tpu.memref_squeeze %dma_start3A_470 : memref<1x4x128xi32, #tpu.memory_space<vmem>> -> memref<4x128xi32, #tpu.memory_space<vmem>>
        %dma_start3A_472 = arith.constant 0 : i32
        %dma_start3A_473 = tpu.memref_slice %dma_start3A_471[%dma_start3A_459, %dma_start3A_472] : memref<4x128xi32, #tpu.memory_space<vmem>> -> memref<1x128xi32, #tpu.memory_space<vmem>>
        %dma_start3A_474 = tpu.memref_squeeze %dma_start3A_473 : memref<1x128xi32, #tpu.memory_space<vmem>> -> memref<128xi32, #tpu.memory_space<vmem>>
        %dma_start3A_475 = arith.constant 0 : i32
        %dma_start3A_476 = arith.constant 0 : i32
        %dma_start3A_477 = tpu.memref_slice %arg3[%dma_start3A_475, %dma_start3A_476] : memref<102400x16xf32, #tpu.memory_space<hbm>> -> memref<102400x16xf32, #tpu.memory_space<hbm>>
        tpu.enqueue_indirect_dma source(%dma_start3A_477 : memref<102400x16xf32, #tpu.memory_space<hbm>>) target(%dma_start3A_467 : memref<128x16xf32, #tpu.memory_space<vmem>>) offsets(%dma_start3A_474 : memref<128xi32, #tpu.memory_space<vmem>>) semaphore(%arg11 : memref<!tpu.dma_semaphore, #tpu.memory_space<semaphore_mem>>)
      } else {
      }
      %dma_start3A = arith.constant 0 : i32
      %dma_start3A_57 = arith.constant 0 : i32
      %dma_start3A_58 = arith.constant 0 : i32
      %dma_start3A_59 = arith.constant 0 : i32
      %dma_start3A_60 = arith.constant 0 : i32
      %dma_start3A_61 = tpu.memref_slice %arg10[%dma_start3A, %dma_start3A_59, %dma_start3A_60] : memref<2x512x16xf32, #tpu.memory_space<vmem>> -> memref<1x512x16xf32, #tpu.memory_space<vmem>>
      %dma_start3A_62 = tpu.memref_squeeze %dma_start3A_61 : memref<1x512x16xf32, #tpu.memory_space<vmem>> -> memref<512x16xf32, #tpu.memory_space<vmem>>
      %dma_start3A_63 = arith.constant 0 : i32
      %dma_start3A_64 = arith.constant 0 : i32
      %dma_start3A_65 = tpu.memref_slice %dma_start3A_62[%dma_start3A_63, %dma_start3A_64] : memref<512x16xf32, #tpu.memory_space<vmem>> -> memref<128x16xf32, #tpu.memory_space<vmem>>
      %dma_start3A_66 = arith.constant 0 : i32
      %dma_start3A_67 = arith.constant 0 : i32
      %dma_start3A_68 = tpu.memref_slice %arg9[%dma_start3A_57, %dma_start3A_66, %dma_start3A_67] : memref<2x4x128xi32, #tpu.memory_space<vmem>> -> memref<1x4x128xi32, #tpu.memory_space<vmem>>
      %dma_start3A_69 = tpu.memref_squeeze %dma_start3A_68 : memref<1x4x128xi32, #tpu.memory_space<vmem>> -> memref<4x128xi32, #tpu.memory_space<vmem>>
      %dma_start3A_70 = arith.constant 0 : i32
      %dma_start3A_71 = tpu.memref_slice %dma_start3A_69[%dma_start3A_58, %dma_start3A_70] : memref<4x128xi32, #tpu.memory_space<vmem>> -> memref<1x128xi32, #tpu.memory_space<vmem>>
      %dma_start3A_72 = tpu.memref_squeeze %dma_start3A_71 : memref<1x128xi32, #tpu.memory_space<vmem>> -> memref<128xi32, #tpu.memory_space<vmem>>
      %dma_start3A_73 = arith.constant 0 : i32
      %dma_start3A_74 = arith.constant 0 : i32
      %dma_start3A_75 = tpu.memref_slice %arg13[%dma_start3A_73, %dma_start3A_74] : memref<104448x16xf32, #tpu.memory_space<vmem_shared>> -> memref<104448x16xf32, #tpu.memory_space<vmem_shared>>
      tpu.enqueue_indirect_dma source(%dma_start3A_65 : memref<128x16xf32, #tpu.memory_space<vmem>>) target(%dma_start3A_75 : memref<104448x16xf32, #tpu.memory_space<vmem_shared>>) offsets(%dma_start3A_72 : memref<128xi32, #tpu.memory_space<vmem>>) semaphore(%arg12 : memref<!tpu.dma_semaphore, #tpu.memory_space<semaphore_mem>>) {add = true}
      %dma_start3A_76 = arith.constant 0 : i32
      %dma_start3A_77 = arith.constant 0 : i32
      %dma_start3A_78 = arith.constant 1 : i32
      %dma_start3A_79 = arith.constant 0 : i32
      %dma_start3A_80 = arith.constant 0 : i32
      %dma_start3A_81 = tpu.memref_slice %arg10[%dma_start3A_76, %dma_start3A_79, %dma_start3A_80] : memref<2x512x16xf32, #tpu.memory_space<vmem>> -> memref<1x512x16xf32, #tpu.memory_space<vmem>>
      %dma_start3A_82 = tpu.memref_squeeze %dma_start3A_81 : memref<1x512x16xf32, #tpu.memory_space<vmem>> -> memref<512x16xf32, #tpu.memory_space<vmem>>
      %dma_start3A_83 = arith.constant 128 : i32
      %dma_start3A_84 = arith.constant 0 : i32
      %dma_start3A_85 = tpu.memref_slice %dma_start3A_82[%dma_start3A_83, %dma_start3A_84] : memref<512x16xf32, #tpu.memory_space<vmem>> -> memref<128x16xf32, #tpu.memory_space<vmem>>
      %dma_start3A_86 = arith.constant 0 : i32
      %dma_start3A_87 = arith.constant 0 : i32
      %dma_start3A_88 = tpu.memref_slice %arg9[%dma_start3A_77, %dma_start3A_86, %dma_start3A_87] : memref<2x4x128xi32, #tpu.memory_space<vmem>> -> memref<1x4x128xi32, #tpu.memory_space<vmem>>
      %dma_start3A_89 = tpu.memref_squeeze %dma_start3A_88 : memref<1x4x128xi32, #tpu.memory_space<vmem>> -> memref<4x128xi32, #tpu.memory_space<vmem>>
      %dma_start3A_90 = arith.constant 0 : i32
      %dma_start3A_91 = tpu.memref_slice %dma_start3A_89[%dma_start3A_78, %dma_start3A_90] : memref<4x128xi32, #tpu.memory_space<vmem>> -> memref<1x128xi32, #tpu.memory_space<vmem>>
      %dma_start3A_92 = tpu.memref_squeeze %dma_start3A_91 : memref<1x128xi32, #tpu.memory_space<vmem>> -> memref<128xi32, #tpu.memory_space<vmem>>
      %dma_start3A_93 = arith.constant 0 : i32
      %dma_start3A_94 = arith.constant 0 : i32
      %dma_start3A_95 = tpu.memref_slice %arg13[%dma_start3A_93, %dma_start3A_94] : memref<104448x16xf32, #tpu.memory_space<vmem_shared>> -> memref<104448x16xf32, #tpu.memory_space<vmem_shared>>
      tpu.enqueue_indirect_dma source(%dma_start3A_85 : memref<128x16xf32, #tpu.memory_space<vmem>>) target(%dma_start3A_95 : memref<104448x16xf32, #tpu.memory_space<vmem_shared>>) offsets(%dma_start3A_92 : memref<128xi32, #tpu.memory_space<vmem>>) semaphore(%arg12 : memref<!tpu.dma_semaphore, #tpu.memory_space<semaphore_mem>>) {add = true}
      %dma_start3A_96 = arith.constant 0 : i32
      %dma_start3A_97 = arith.constant 0 : i32
      %dma_start3A_98 = arith.constant 2 : i32
      %dma_start3A_99 = arith.constant 0 : i32
      %dma_start3A_100 = arith.constant 0 : i32
      %dma_start3A_101 = tpu.memref_slice %arg10[%dma_start3A_96, %dma_start3A_99, %dma_start3A_100] : memref<2x512x16xf32, #tpu.memory_space<vmem>> -> memref<1x512x16xf32, #tpu.memory_space<vmem>>
      %dma_start3A_102 = tpu.memref_squeeze %dma_start3A_101 : memref<1x512x16xf32, #tpu.memory_space<vmem>> -> memref<512x16xf32, #tpu.memory_space<vmem>>
      %dma_start3A_103 = arith.constant 256 : i32
      %dma_start3A_104 = arith.constant 0 : i32
      %dma_start3A_105 = tpu.memref_slice %dma_start3A_102[%dma_start3A_103, %dma_start3A_104] : memref<512x16xf32, #tpu.memory_space<vmem>> -> memref<128x16xf32, #tpu.memory_space<vmem>>
      %dma_start3A_106 = arith.constant 0 : i32
      %dma_start3A_107 = arith.constant 0 : i32
      %dma_start3A_108 = tpu.memref_slice %arg9[%dma_start3A_97, %dma_start3A_106, %dma_start3A_107] : memref<2x4x128xi32, #tpu.memory_space<vmem>> -> memref<1x4x128xi32, #tpu.memory_space<vmem>>
      %dma_start3A_109 = tpu.memref_squeeze %dma_start3A_108 : memref<1x4x128xi32, #tpu.memory_space<vmem>> -> memref<4x128xi32, #tpu.memory_space<vmem>>
      %dma_start3A_110 = arith.constant 0 : i32
      %dma_start3A_111 = tpu.memref_slice %dma_start3A_109[%dma_start3A_98, %dma_start3A_110] : memref<4x128xi32, #tpu.memory_space<vmem>> -> memref<1x128xi32, #tpu.memory_space<vmem>>
      %dma_start3A_112 = tpu.memref_squeeze %dma_start3A_111 : memref<1x128xi32, #tpu.memory_space<vmem>> -> memref<128xi32, #tpu.memory_space<vmem>>
      %dma_start3A_113 = arith.constant 0 : i32
      %dma_start3A_114 = arith.constant 0 : i32
      %dma_start3A_115 = tpu.memref_slice %arg13[%dma_start3A_113, %dma_start3A_114] : memref<104448x16xf32, #tpu.memory_space<vmem_shared>> -> memref<104448x16xf32, #tpu.memory_space<vmem_shared>>
      tpu.enqueue_indirect_dma source(%dma_start3A_105 : memref<128x16xf32, #tpu.memory_space<vmem>>) target(%dma_start3A_115 : memref<104448x16xf32, #tpu.memory_space<vmem_shared>>) offsets(%dma_start3A_112 : memref<128xi32, #tpu.memory_space<vmem>>) semaphore(%arg12 : memref<!tpu.dma_semaphore, #tpu.memory_space<semaphore_mem>>) {add = true}
      %dma_start3A_116 = arith.constant 0 : i32
      %dma_start3A_117 = arith.constant 0 : i32
      %dma_start3A_118 = arith.constant 3 : i32
      %dma_start3A_119 = arith.constant 0 : i32
      %dma_start3A_120 = arith.constant 0 : i32
      %dma_start3A_121 = tpu.memref_slice %arg10[%dma_start3A_116, %dma_start3A_119, %dma_start3A_120] : memref<2x512x16xf32, #tpu.memory_space<vmem>> -> memref<1x512x16xf32, #tpu.memory_space<vmem>>
      %dma_start3A_122 = tpu.memref_squeeze %dma_start3A_121 : memref<1x512x16xf32, #tpu.memory_space<vmem>> -> memref<512x16xf32, #tpu.memory_space<vmem>>
      %dma_start3A_123 = arith.constant 384 : i32
      %dma_start3A_124 = arith.constant 0 : i32
      %dma_start3A_125 = tpu.memref_slice %dma_start3A_122[%dma_start3A_123, %dma_start3A_124] : memref<512x16xf32, #tpu.memory_space<vmem>> -> memref<128x16xf32, #tpu.memory_space<vmem>>
      %dma_start3A_126 = arith.constant 0 : i32
      %dma_start3A_127 = arith.constant 0 : i32
      %dma_start3A_128 = tpu.memref_slice %arg9[%dma_start3A_117, %dma_start3A_126, %dma_start3A_127] : memref<2x4x128xi32, #tpu.memory_space<vmem>> -> memref<1x4x128xi32, #tpu.memory_space<vmem>>
      %dma_start3A_129 = tpu.memref_squeeze %dma_start3A_128 : memref<1x4x128xi32, #tpu.memory_space<vmem>> -> memref<4x128xi32, #tpu.memory_space<vmem>>
      %dma_start3A_130 = arith.constant 0 : i32
      %dma_start3A_131 = tpu.memref_slice %dma_start3A_129[%dma_start3A_118, %dma_start3A_130] : memref<4x128xi32, #tpu.memory_space<vmem>> -> memref<1x128xi32, #tpu.memory_space<vmem>>
      %dma_start3A_132 = tpu.memref_squeeze %dma_start3A_131 : memref<1x128xi32, #tpu.memory_space<vmem>> -> memref<128xi32, #tpu.memory_space<vmem>>
      %dma_start3A_133 = arith.constant 0 : i32
      %dma_start3A_134 = arith.constant 0 : i32
      %dma_start3A_135 = tpu.memref_slice %arg13[%dma_start3A_133, %dma_start3A_134] : memref<104448x16xf32, #tpu.memory_space<vmem_shared>> -> memref<104448x16xf32, #tpu.memory_space<vmem_shared>>
      tpu.enqueue_indirect_dma source(%dma_start3A_125 : memref<128x16xf32, #tpu.memory_space<vmem>>) target(%dma_start3A_135 : memref<104448x16xf32, #tpu.memory_space<vmem_shared>>) offsets(%dma_start3A_132 : memref<128xi32, #tpu.memory_space<vmem>>) semaphore(%arg12 : memref<!tpu.dma_semaphore, #tpu.memory_space<semaphore_mem>>) {add = true}
      %dma_wait3A = arith.constant 0 : i32
      %dma_wait3A_136 = arith.constant 0 : i32
      %dma_wait3A_137 = arith.constant 0 : i32
      %dma_wait3A_138 = arith.constant 0 : i32
      %dma_wait3A_139 = arith.constant 0 : i32
      %dma_wait3A_140 = tpu.memref_slice %arg10[%dma_wait3A, %dma_wait3A_138, %dma_wait3A_139] : memref<2x512x16xf32, #tpu.memory_space<vmem>> -> memref<1x512x16xf32, #tpu.memory_space<vmem>>
      %dma_wait3A_141 = tpu.memref_squeeze %dma_wait3A_140 : memref<1x512x16xf32, #tpu.memory_space<vmem>> -> memref<512x16xf32, #tpu.memory_space<vmem>>
      %dma_wait3A_142 = arith.constant 0 : i32
      %dma_wait3A_143 = arith.constant 0 : i32
      %dma_wait3A_144 = tpu.memref_slice %dma_wait3A_141[%dma_wait3A_142, %dma_wait3A_143] : memref<512x16xf32, #tpu.memory_space<vmem>> -> memref<128x16xf32, #tpu.memory_space<vmem>>
      %dma_wait3A_145 = arith.constant 0 : i32
      %dma_wait3A_146 = arith.constant 0 : i32
      %dma_wait3A_147 = tpu.memref_slice %arg9[%dma_wait3A_136, %dma_wait3A_145, %dma_wait3A_146] : memref<2x4x128xi32, #tpu.memory_space<vmem>> -> memref<1x4x128xi32, #tpu.memory_space<vmem>>
      %dma_wait3A_148 = tpu.memref_squeeze %dma_wait3A_147 : memref<1x4x128xi32, #tpu.memory_space<vmem>> -> memref<4x128xi32, #tpu.memory_space<vmem>>
      %dma_wait3A_149 = arith.constant 0 : i32
      %dma_wait3A_150 = tpu.memref_slice %dma_wait3A_148[%dma_wait3A_137, %dma_wait3A_149] : memref<4x128xi32, #tpu.memory_space<vmem>> -> memref<1x128xi32, #tpu.memory_space<vmem>>
      %dma_wait3A_151 = tpu.memref_squeeze %dma_wait3A_150 : memref<1x128xi32, #tpu.memory_space<vmem>> -> memref<128xi32, #tpu.memory_space<vmem>>
      %dma_wait3A_152 = arith.constant 0 : i32
      %dma_wait3A_153 = arith.constant 0 : i32
      %dma_wait3A_154 = tpu.memref_slice %arg13[%dma_wait3A_152, %dma_wait3A_153] : memref<104448x16xf32, #tpu.memory_space<vmem_shared>> -> memref<104448x16xf32, #tpu.memory_space<vmem_shared>>
      tpu.wait_indirect_dma semaphore(%arg12 : memref<!tpu.dma_semaphore, #tpu.memory_space<semaphore_mem>>) src(%dma_wait3A_144 : memref<128x16xf32, #tpu.memory_space<vmem>>) dst(%dma_wait3A_154 : memref<104448x16xf32, #tpu.memory_space<vmem_shared>>)
      %dma_wait3A_155 = arith.constant 0 : i32
      %dma_wait3A_156 = arith.constant 0 : i32
      %dma_wait3A_157 = arith.constant 1 : i32
      %dma_wait3A_158 = arith.constant 0 : i32
      %dma_wait3A_159 = arith.constant 0 : i32
      %dma_wait3A_160 = tpu.memref_slice %arg10[%dma_wait3A_155, %dma_wait3A_158, %dma_wait3A_159] : memref<2x512x16xf32, #tpu.memory_space<vmem>> -> memref<1x512x16xf32, #tpu.memory_space<vmem>>
      %dma_wait3A_161 = tpu.memref_squeeze %dma_wait3A_160 : memref<1x512x16xf32, #tpu.memory_space<vmem>> -> memref<512x16xf32, #tpu.memory_space<vmem>>
      %dma_wait3A_162 = arith.constant 128 : i32
      %dma_wait3A_163 = arith.constant 0 : i32
      %dma_wait3A_164 = tpu.memref_slice %dma_wait3A_161[%dma_wait3A_162, %dma_wait3A_163] : memref<512x16xf32, #tpu.memory_space<vmem>> -> memref<128x16xf32, #tpu.memory_space<vmem>>
      %dma_wait3A_165 = arith.constant 0 : i32
      %dma_wait3A_166 = arith.constant 0 : i32
      %dma_wait3A_167 = tpu.memref_slice %arg9[%dma_wait3A_156, %dma_wait3A_165, %dma_wait3A_166] : memref<2x4x128xi32, #tpu.memory_space<vmem>> -> memref<1x4x128xi32, #tpu.memory_space<vmem>>
      %dma_wait3A_168 = tpu.memref_squeeze %dma_wait3A_167 : memref<1x4x128xi32, #tpu.memory_space<vmem>> -> memref<4x128xi32, #tpu.memory_space<vmem>>
      %dma_wait3A_169 = arith.constant 0 : i32
      %dma_wait3A_170 = tpu.memref_slice %dma_wait3A_168[%dma_wait3A_157, %dma_wait3A_169] : memref<4x128xi32, #tpu.memory_space<vmem>> -> memref<1x128xi32, #tpu.memory_space<vmem>>
      %dma_wait3A_171 = tpu.memref_squeeze %dma_wait3A_170 : memref<1x128xi32, #tpu.memory_space<vmem>> -> memref<128xi32, #tpu.memory_space<vmem>>
      %dma_wait3A_172 = arith.constant 0 : i32
      %dma_wait3A_173 = arith.constant 0 : i32
      %dma_wait3A_174 = tpu.memref_slice %arg13[%dma_wait3A_172, %dma_wait3A_173] : memref<104448x16xf32, #tpu.memory_space<vmem_shared>> -> memref<104448x16xf32, #tpu.memory_space<vmem_shared>>
      tpu.wait_indirect_dma semaphore(%arg12 : memref<!tpu.dma_semaphore, #tpu.memory_space<semaphore_mem>>) src(%dma_wait3A_164 : memref<128x16xf32, #tpu.memory_space<vmem>>) dst(%dma_wait3A_174 : memref<104448x16xf32, #tpu.memory_space<vmem_shared>>)
      %dma_wait3A_175 = arith.constant 0 : i32
      %dma_wait3A_176 = arith.constant 0 : i32
      %dma_wait3A_177 = arith.constant 2 : i32
      %dma_wait3A_178 = arith.constant 0 : i32
      %dma_wait3A_179 = arith.constant 0 : i32
      %dma_wait3A_180 = tpu.memref_slice %arg10[%dma_wait3A_175, %dma_wait3A_178, %dma_wait3A_179] : memref<2x512x16xf32, #tpu.memory_space<vmem>> -> memref<1x512x16xf32, #tpu.memory_space<vmem>>
      %dma_wait3A_181 = tpu.memref_squeeze %dma_wait3A_180 : memref<1x512x16xf32, #tpu.memory_space<vmem>> -> memref<512x16xf32, #tpu.memory_space<vmem>>
      %dma_wait3A_182 = arith.constant 256 : i32
      %dma_wait3A_183 = arith.constant 0 : i32
      %dma_wait3A_184 = tpu.memref_slice %dma_wait3A_181[%dma_wait3A_182, %dma_wait3A_183] : memref<512x16xf32, #tpu.memory_space<vmem>> -> memref<128x16xf32, #tpu.memory_space<vmem>>
      %dma_wait3A_185 = arith.constant 0 : i32
      %dma_wait3A_186 = arith.constant 0 : i32
      %dma_wait3A_187 = tpu.memref_slice %arg9[%dma_wait3A_176, %dma_wait3A_185, %dma_wait3A_186] : memref<2x4x128xi32, #tpu.memory_space<vmem>> -> memref<1x4x128xi32, #tpu.memory_space<vmem>>
      %dma_wait3A_188 = tpu.memref_squeeze %dma_wait3A_187 : memref<1x4x128xi32, #tpu.memory_space<vmem>> -> memref<4x128xi32, #tpu.memory_space<vmem>>
      %dma_wait3A_189 = arith.constant 0 : i32
      %dma_wait3A_190 = tpu.memref_slice %dma_wait3A_188[%dma_wait3A_177, %dma_wait3A_189] : memref<4x128xi32, #tpu.memory_space<vmem>> -> memref<1x128xi32, #tpu.memory_space<vmem>>
      %dma_wait3A_191 = tpu.memref_squeeze %dma_wait3A_190 : memref<1x128xi32, #tpu.memory_space<vmem>> -> memref<128xi32, #tpu.memory_space<vmem>>
      %dma_wait3A_192 = arith.constant 0 : i32
      %dma_wait3A_193 = arith.constant 0 : i32
      %dma_wait3A_194 = tpu.memref_slice %arg13[%dma_wait3A_192, %dma_wait3A_193] : memref<104448x16xf32, #tpu.memory_space<vmem_shared>> -> memref<104448x16xf32, #tpu.memory_space<vmem_shared>>
      tpu.wait_indirect_dma semaphore(%arg12 : memref<!tpu.dma_semaphore, #tpu.memory_space<semaphore_mem>>) src(%dma_wait3A_184 : memref<128x16xf32, #tpu.memory_space<vmem>>) dst(%dma_wait3A_194 : memref<104448x16xf32, #tpu.memory_space<vmem_shared>>)
      %dma_wait3A_195 = arith.constant 0 : i32
      %dma_wait3A_196 = arith.constant 0 : i32
      %dma_wait3A_197 = arith.constant 3 : i32
      %dma_wait3A_198 = arith.constant 0 : i32
      %dma_wait3A_199 = arith.constant 0 : i32
      %dma_wait3A_200 = tpu.memref_slice %arg10[%dma_wait3A_195, %dma_wait3A_198, %dma_wait3A_199] : memref<2x512x16xf32, #tpu.memory_space<vmem>> -> memref<1x512x16xf32, #tpu.memory_space<vmem>>
      %dma_wait3A_201 = tpu.memref_squeeze %dma_wait3A_200 : memref<1x512x16xf32, #tpu.memory_space<vmem>> -> memref<512x16xf32, #tpu.memory_space<vmem>>
      %dma_wait3A_202 = arith.constant 384 : i32
      %dma_wait3A_203 = arith.constant 0 : i32
      %dma_wait3A_204 = tpu.memref_slice %dma_wait3A_201[%dma_wait3A_202, %dma_wait3A_203] : memref<512x16xf32, #tpu.memory_space<vmem>> -> memref<128x16xf32, #tpu.memory_space<vmem>>
      %dma_wait3A_205 = arith.constant 0 : i32
      %dma_wait3A_206 = arith.constant 0 : i32
      %dma_wait3A_207 = tpu.memref_slice %arg9[%dma_wait3A_196, %dma_wait3A_205, %dma_wait3A_206] : memref<2x4x128xi32, #tpu.memory_space<vmem>> -> memref<1x4x128xi32, #tpu.memory_space<vmem>>
      %dma_wait3A_208 = tpu.memref_squeeze %dma_wait3A_207 : memref<1x4x128xi32, #tpu.memory_space<vmem>> -> memref<4x128xi32, #tpu.memory_space<vmem>>
      %dma_wait3A_209 = arith.constant 0 : i32
      %dma_wait3A_210 = tpu.memref_slice %dma_wait3A_208[%dma_wait3A_197, %dma_wait3A_209] : memref<4x128xi32, #tpu.memory_space<vmem>> -> memref<1x128xi32, #tpu.memory_space<vmem>>
      %dma_wait3A_211 = tpu.memref_squeeze %dma_wait3A_210 : memref<1x128xi32, #tpu.memory_space<vmem>> -> memref<128xi32, #tpu.memory_space<vmem>>
      %dma_wait3A_212 = arith.constant 0 : i32
      %dma_wait3A_213 = arith.constant 0 : i32
      %dma_wait3A_214 = tpu.memref_slice %arg13[%dma_wait3A_212, %dma_wait3A_213] : memref<104448x16xf32, #tpu.memory_space<vmem_shared>> -> memref<104448x16xf32, #tpu.memory_space<vmem_shared>>
      tpu.wait_indirect_dma semaphore(%arg12 : memref<!tpu.dma_semaphore, #tpu.memory_space<semaphore_mem>>) src(%dma_wait3A_204 : memref<128x16xf32, #tpu.memory_space<vmem>>) dst(%dma_wait3A_214 : memref<104448x16xf32, #tpu.memory_space<vmem_shared>>)
      %add3A_215 = arith.constant 1 : i32
      %add3A_216 = arith.addi %scan3A_27, %add3A_215 : i32
      %lt3A = arith.constant 98 : i32
      %lt3A_217 = arith.cmpi slt, %add3A_216, %lt3A : i32
      %convert_element_type3A_218 = arith.extui %lt3A_217 : i1 to i32
      %cond3A_219 = arith.constant 0 : i32
      %cond3A_220 = arith.cmpi ne, %convert_element_type3A_218, %cond3A_219 : i32
      scf.if %cond3A_220 {
        %add3A_398 = arith.constant 2 : i32
        %add3A_399 = arith.addi %mul3A_29, %add3A_398 : i32
        %add3A_400 = arith.addi %mul3A_2, %add3A_399 : i32
        %mul3A_401 = arith.constant 4 : i32
        %mul3A_402 = arith.muli %add3A_400, %mul3A_401 : i32
        %run_scoped3A_403 = arith.constant 0 : i32
        "tpu.region"() ({
          %run_scoped3A_405 = tpu.sem_alloc : memref<!tpu.dma_semaphore, #tpu.memory_space<semaphore_mem>>
          %dma_start3A_406 = arith.constant 0 : i32
          %dma_start3A_407 = arith.constant 0 : i32
          %dma_start3A_408 = tpu.memref_slice %arg8[%run_scoped3A_403, %dma_start3A_406, %dma_start3A_407] : memref<2x4x128xi32, #tpu.memory_space<vmem>> -> memref<1x4x128xi32, #tpu.memory_space<vmem>>
          %dma_start3A_409 = tpu.memref_squeeze %dma_start3A_408 : memref<1x4x128xi32, #tpu.memory_space<vmem>> -> memref<4x128xi32, #tpu.memory_space<vmem>>
          %dma_start3A_410 = arith.constant 0 : i32
          %dma_start3A_411 = tpu.memref_slice %arg4[%mul3A_402, %dma_start3A_410] : memref<12544x128xi32, #tpu.memory_space<hbm>> -> memref<4x128xi32, #tpu.memory_space<hbm>>
          %dma_start3A_412 = arith.constant 0 : i32
          %dma_start3A_413 = arith.constant 0 : i32
          %dma_start3A_414 = tpu.memref_slice %arg8[%run_scoped3A_403, %dma_start3A_412, %dma_start3A_413] : memref<2x4x128xi32, #tpu.memory_space<vmem>> -> memref<1x4x128xi32, #tpu.memory_space<vmem>>
          %dma_start3A_415 = tpu.memref_squeeze %dma_start3A_414 : memref<1x4x128xi32, #tpu.memory_space<vmem>> -> memref<4x128xi32, #tpu.memory_space<vmem>>
          %dma_start3A_416 = arith.constant 0 : i32
          %dma_start3A_417 = tpu.memref_slice %arg4[%mul3A_402, %dma_start3A_416] : memref<12544x128xi32, #tpu.memory_space<hbm>> -> memref<4x128xi32, #tpu.memory_space<hbm>>
          tpu.enqueue_dma source(%dma_start3A_417 : memref<4x128xi32, #tpu.memory_space<hbm>>) target(%dma_start3A_415 : memref<4x128xi32, #tpu.memory_space<vmem>>) target_semaphore(%run_scoped3A_405 : memref<!tpu.dma_semaphore, #tpu.memory_space<semaphore_mem>>)
          %dma_wait3A_418 = arith.constant 0 : i32
          %dma_wait3A_419 = arith.constant 0 : i32
          %dma_wait3A_420 = tpu.memref_slice %arg8[%run_scoped3A_403, %dma_wait3A_418, %dma_wait3A_419] : memref<2x4x128xi32, #tpu.memory_space<vmem>> -> memref<1x4x128xi32, #tpu.memory_space<vmem>>
          %dma_wait3A_421 = tpu.memref_squeeze %dma_wait3A_420 : memref<1x4x128xi32, #tpu.memory_space<vmem>> -> memref<4x128xi32, #tpu.memory_space<vmem>>
          %dma_wait3A_422 = arith.constant 0 : i32
          %dma_wait3A_423 = tpu.memref_slice %arg4[%mul3A_402, %dma_wait3A_422] : memref<12544x128xi32, #tpu.memory_space<hbm>> -> memref<4x128xi32, #tpu.memory_space<hbm>>
          %dma_wait3A_424 = arith.constant 0 : i32
          %dma_wait3A_425 = arith.constant 0 : i32
          %dma_wait3A_426 = tpu.memref_slice %arg8[%run_scoped3A_403, %dma_wait3A_424, %dma_wait3A_425] : memref<2x4x128xi32, #tpu.memory_space<vmem>> -> memref<1x4x128xi32, #tpu.memory_space<vmem>>
          %dma_wait3A_427 = tpu.memref_squeeze %dma_wait3A_426 : memref<1x4x128xi32, #tpu.memory_space<vmem>> -> memref<4x128xi32, #tpu.memory_space<vmem>>
          %dma_wait3A_428 = arith.constant 0 : i32
          %dma_wait3A_429 = tpu.memref_slice %arg4[%mul3A_402, %dma_wait3A_428] : memref<12544x128xi32, #tpu.memory_space<hbm>> -> memref<4x128xi32, #tpu.memory_space<hbm>>
          tpu.wait_dma2 semaphore(%run_scoped3A_405 : memref<!tpu.dma_semaphore, #tpu.memory_space<semaphore_mem>>) src(%dma_wait3A_429 : memref<4x128xi32, #tpu.memory_space<hbm>>) dst(%dma_wait3A_427 : memref<4x128xi32, #tpu.memory_space<vmem>>)
          tpu.yield
        }) : () -> ()
        %run_scoped3A_404 = arith.constant 0 : i32
        "tpu.region"() ({
          %run_scoped3A_405 = tpu.sem_alloc : memref<!tpu.dma_semaphore, #tpu.memory_space<semaphore_mem>>
          %dma_start3A_406 = arith.constant 0 : i32
          %dma_start3A_407 = arith.constant 0 : i32
          %dma_start3A_408 = tpu.memref_slice %arg9[%run_scoped3A_404, %dma_start3A_406, %dma_start3A_407] : memref<2x4x128xi32, #tpu.memory_space<vmem>> -> memref<1x4x128xi32, #tpu.memory_space<vmem>>
          %dma_start3A_409 = tpu.memref_squeeze %dma_start3A_408 : memref<1x4x128xi32, #tpu.memory_space<vmem>> -> memref<4x128xi32, #tpu.memory_space<vmem>>
          %dma_start3A_410 = arith.constant 0 : i32
          %dma_start3A_411 = tpu.memref_slice %arg5[%mul3A_402, %dma_start3A_410] : memref<12544x128xi32, #tpu.memory_space<hbm>> -> memref<4x128xi32, #tpu.memory_space<hbm>>
          %dma_start3A_412 = arith.constant 0 : i32
          %dma_start3A_413 = arith.constant 0 : i32
          %dma_start3A_414 = tpu.memref_slice %arg9[%run_scoped3A_404, %dma_start3A_412, %dma_start3A_413] : memref<2x4x128xi32, #tpu.memory_space<vmem>> -> memref<1x4x128xi32, #tpu.memory_space<vmem>>
          %dma_start3A_415 = tpu.memref_squeeze %dma_start3A_414 : memref<1x4x128xi32, #tpu.memory_space<vmem>> -> memref<4x128xi32, #tpu.memory_space<vmem>>
          %dma_start3A_416 = arith.constant 0 : i32
          %dma_start3A_417 = tpu.memref_slice %arg5[%mul3A_402, %dma_start3A_416] : memref<12544x128xi32, #tpu.memory_space<hbm>> -> memref<4x128xi32, #tpu.memory_space<hbm>>
          tpu.enqueue_dma source(%dma_start3A_417 : memref<4x128xi32, #tpu.memory_space<hbm>>) target(%dma_start3A_415 : memref<4x128xi32, #tpu.memory_space<vmem>>) target_semaphore(%run_scoped3A_405 : memref<!tpu.dma_semaphore, #tpu.memory_space<semaphore_mem>>)
          %dma_wait3A_418 = arith.constant 0 : i32
          %dma_wait3A_419 = arith.constant 0 : i32
          %dma_wait3A_420 = tpu.memref_slice %arg9[%run_scoped3A_404, %dma_wait3A_418, %dma_wait3A_419] : memref<2x4x128xi32, #tpu.memory_space<vmem>> -> memref<1x4x128xi32, #tpu.memory_space<vmem>>
          %dma_wait3A_421 = tpu.memref_squeeze %dma_wait3A_420 : memref<1x4x128xi32, #tpu.memory_space<vmem>> -> memref<4x128xi32, #tpu.memory_space<vmem>>
          %dma_wait3A_422 = arith.constant 0 : i32
          %dma_wait3A_423 = tpu.memref_slice %arg5[%mul3A_402, %dma_wait3A_422] : memref<12544x128xi32, #tpu.memory_space<hbm>> -> memref<4x128xi32, #tpu.memory_space<hbm>>
          %dma_wait3A_424 = arith.constant 0 : i32
          %dma_wait3A_425 = arith.constant 0 : i32
          %dma_wait3A_426 = tpu.memref_slice %arg9[%run_scoped3A_404, %dma_wait3A_424, %dma_wait3A_425] : memref<2x4x128xi32, #tpu.memory_space<vmem>> -> memref<1x4x128xi32, #tpu.memory_space<vmem>>
          %dma_wait3A_427 = tpu.memref_squeeze %dma_wait3A_426 : memref<1x4x128xi32, #tpu.memory_space<vmem>> -> memref<4x128xi32, #tpu.memory_space<vmem>>
          %dma_wait3A_428 = arith.constant 0 : i32
          %dma_wait3A_429 = tpu.memref_slice %arg5[%mul3A_402, %dma_wait3A_428] : memref<12544x128xi32, #tpu.memory_space<hbm>> -> memref<4x128xi32, #tpu.memory_space<hbm>>
          tpu.wait_dma2 semaphore(%run_scoped3A_405 : memref<!tpu.dma_semaphore, #tpu.memory_space<semaphore_mem>>) src(%dma_wait3A_429 : memref<4x128xi32, #tpu.memory_space<hbm>>) dst(%dma_wait3A_427 : memref<4x128xi32, #tpu.memory_space<vmem>>)
          tpu.yield
        }) : () -> ()
      } else {
      }
      %eq3A_221 = arith.constant 0 : i32
      %eq3A_222 = arith.cmpi eq, %arg0, %eq3A_221 : i32
      %convert_element_type3A_223 = arith.extui %eq3A_222 : i1 to i32
      %cond3A_224 = arith.constant 0 : i32
      %cond3A_225 = arith.cmpi ne, %convert_element_type3A_223, %cond3A_224 : i32
      scf.if %cond3A_225 {
        %dma_wait3A_398 = arith.constant 1 : i32
        %dma_wait3A_399 = arith.constant 0 : i32
        %dma_wait3A_400 = arith.constant 1 : i32
        %dma_wait3A_401 = arith.constant 0 : i32
        %dma_wait3A_402 = arith.constant 0 : i32
        %dma_wait3A_403 = tpu.memref_slice %arg10[%dma_wait3A_400, %dma_wait3A_401, %dma_wait3A_402] : memref<2x512x16xf32, #tpu.memory_space<vmem>> -> memref<1x512x16xf32, #tpu.memory_space<vmem>>
        %dma_wait3A_404 = tpu.memref_squeeze %dma_wait3A_403 : memref<1x512x16xf32, #tpu.memory_space<vmem>> -> memref<512x16xf32, #tpu.memory_space<vmem>>
        %dma_wait3A_405 = arith.constant 0 : i32
        %dma_wait3A_406 = arith.constant 0 : i32
        %dma_wait3A_407 = tpu.memref_slice %dma_wait3A_404[%dma_wait3A_405, %dma_wait3A_406] : memref<512x16xf32, #tpu.memory_space<vmem>> -> memref<128x16xf32, #tpu.memory_space<vmem>>
        %dma_wait3A_408 = arith.constant 0 : i32
        %dma_wait3A_409 = arith.constant 0 : i32
        %dma_wait3A_410 = tpu.memref_slice %arg8[%dma_wait3A_398, %dma_wait3A_408, %dma_wait3A_409] : memref<2x4x128xi32, #tpu.memory_space<vmem>> -> memref<1x4x128xi32, #tpu.memory_space<vmem>>
        %dma_wait3A_411 = tpu.memref_squeeze %dma_wait3A_410 : memref<1x4x128xi32, #tpu.memory_space<vmem>> -> memref<4x128xi32, #tpu.memory_space<vmem>>
        %dma_wait3A_412 = arith.constant 0 : i32
        %dma_wait3A_413 = tpu.memref_slice %dma_wait3A_411[%dma_wait3A_399, %dma_wait3A_412] : memref<4x128xi32, #tpu.memory_space<vmem>> -> memref<1x128xi32, #tpu.memory_space<vmem>>
        %dma_wait3A_414 = tpu.memref_squeeze %dma_wait3A_413 : memref<1x128xi32, #tpu.memory_space<vmem>> -> memref<128xi32, #tpu.memory_space<vmem>>
        %dma_wait3A_415 = arith.constant 0 : i32
        %dma_wait3A_416 = arith.constant 0 : i32
        %dma_wait3A_417 = tpu.memref_slice %arg2[%dma_wait3A_415, %dma_wait3A_416] : memref<102400x16xf32, #tpu.memory_space<hbm>> -> memref<102400x16xf32, #tpu.memory_space<hbm>>
        tpu.wait_indirect_dma semaphore(%arg11 : memref<!tpu.dma_semaphore, #tpu.memory_space<semaphore_mem>>) src(%dma_wait3A_417 : memref<102400x16xf32, #tpu.memory_space<hbm>>) dst(%dma_wait3A_407 : memref<128x16xf32, #tpu.memory_space<vmem>>)
        %dma_wait3A_418 = arith.constant 1 : i32
        %dma_wait3A_419 = arith.constant 1 : i32
        %dma_wait3A_420 = arith.constant 1 : i32
        %dma_wait3A_421 = arith.constant 0 : i32
        %dma_wait3A_422 = arith.constant 0 : i32
        %dma_wait3A_423 = tpu.memref_slice %arg10[%dma_wait3A_420, %dma_wait3A_421, %dma_wait3A_422] : memref<2x512x16xf32, #tpu.memory_space<vmem>> -> memref<1x512x16xf32, #tpu.memory_space<vmem>>
        %dma_wait3A_424 = tpu.memref_squeeze %dma_wait3A_423 : memref<1x512x16xf32, #tpu.memory_space<vmem>> -> memref<512x16xf32, #tpu.memory_space<vmem>>
        %dma_wait3A_425 = arith.constant 128 : i32
        %dma_wait3A_426 = arith.constant 0 : i32
        %dma_wait3A_427 = tpu.memref_slice %dma_wait3A_424[%dma_wait3A_425, %dma_wait3A_426] : memref<512x16xf32, #tpu.memory_space<vmem>> -> memref<128x16xf32, #tpu.memory_space<vmem>>
        %dma_wait3A_428 = arith.constant 0 : i32
        %dma_wait3A_429 = arith.constant 0 : i32
        %dma_wait3A_430 = tpu.memref_slice %arg8[%dma_wait3A_418, %dma_wait3A_428, %dma_wait3A_429] : memref<2x4x128xi32, #tpu.memory_space<vmem>> -> memref<1x4x128xi32, #tpu.memory_space<vmem>>
        %dma_wait3A_431 = tpu.memref_squeeze %dma_wait3A_430 : memref<1x4x128xi32, #tpu.memory_space<vmem>> -> memref<4x128xi32, #tpu.memory_space<vmem>>
        %dma_wait3A_432 = arith.constant 0 : i32
        %dma_wait3A_433 = tpu.memref_slice %dma_wait3A_431[%dma_wait3A_419, %dma_wait3A_432] : memref<4x128xi32, #tpu.memory_space<vmem>> -> memref<1x128xi32, #tpu.memory_space<vmem>>
        %dma_wait3A_434 = tpu.memref_squeeze %dma_wait3A_433 : memref<1x128xi32, #tpu.memory_space<vmem>> -> memref<128xi32, #tpu.memory_space<vmem>>
        %dma_wait3A_435 = arith.constant 0 : i32
        %dma_wait3A_436 = arith.constant 0 : i32
        %dma_wait3A_437 = tpu.memref_slice %arg2[%dma_wait3A_435, %dma_wait3A_436] : memref<102400x16xf32, #tpu.memory_space<hbm>> -> memref<102400x16xf32, #tpu.memory_space<hbm>>
        tpu.wait_indirect_dma semaphore(%arg11 : memref<!tpu.dma_semaphore, #tpu.memory_space<semaphore_mem>>) src(%dma_wait3A_437 : memref<102400x16xf32, #tpu.memory_space<hbm>>) dst(%dma_wait3A_427 : memref<128x16xf32, #tpu.memory_space<vmem>>)
        %dma_wait3A_438 = arith.constant 1 : i32
        %dma_wait3A_439 = arith.constant 2 : i32
        %dma_wait3A_440 = arith.constant 1 : i32
        %dma_wait3A_441 = arith.constant 0 : i32
        %dma_wait3A_442 = arith.constant 0 : i32
        %dma_wait3A_443 = tpu.memref_slice %arg10[%dma_wait3A_440, %dma_wait3A_441, %dma_wait3A_442] : memref<2x512x16xf32, #tpu.memory_space<vmem>> -> memref<1x512x16xf32, #tpu.memory_space<vmem>>
        %dma_wait3A_444 = tpu.memref_squeeze %dma_wait3A_443 : memref<1x512x16xf32, #tpu.memory_space<vmem>> -> memref<512x16xf32, #tpu.memory_space<vmem>>
        %dma_wait3A_445 = arith.constant 256 : i32
        %dma_wait3A_446 = arith.constant 0 : i32
        %dma_wait3A_447 = tpu.memref_slice %dma_wait3A_444[%dma_wait3A_445, %dma_wait3A_446] : memref<512x16xf32, #tpu.memory_space<vmem>> -> memref<128x16xf32, #tpu.memory_space<vmem>>
        %dma_wait3A_448 = arith.constant 0 : i32
        %dma_wait3A_449 = arith.constant 0 : i32
        %dma_wait3A_450 = tpu.memref_slice %arg8[%dma_wait3A_438, %dma_wait3A_448, %dma_wait3A_449] : memref<2x4x128xi32, #tpu.memory_space<vmem>> -> memref<1x4x128xi32, #tpu.memory_space<vmem>>
        %dma_wait3A_451 = tpu.memref_squeeze %dma_wait3A_450 : memref<1x4x128xi32, #tpu.memory_space<vmem>> -> memref<4x128xi32, #tpu.memory_space<vmem>>
        %dma_wait3A_452 = arith.constant 0 : i32
        %dma_wait3A_453 = tpu.memref_slice %dma_wait3A_451[%dma_wait3A_439, %dma_wait3A_452] : memref<4x128xi32, #tpu.memory_space<vmem>> -> memref<1x128xi32, #tpu.memory_space<vmem>>
        %dma_wait3A_454 = tpu.memref_squeeze %dma_wait3A_453 : memref<1x128xi32, #tpu.memory_space<vmem>> -> memref<128xi32, #tpu.memory_space<vmem>>
        %dma_wait3A_455 = arith.constant 0 : i32
        %dma_wait3A_456 = arith.constant 0 : i32
        %dma_wait3A_457 = tpu.memref_slice %arg2[%dma_wait3A_455, %dma_wait3A_456] : memref<102400x16xf32, #tpu.memory_space<hbm>> -> memref<102400x16xf32, #tpu.memory_space<hbm>>
        tpu.wait_indirect_dma semaphore(%arg11 : memref<!tpu.dma_semaphore, #tpu.memory_space<semaphore_mem>>) src(%dma_wait3A_457 : memref<102400x16xf32, #tpu.memory_space<hbm>>) dst(%dma_wait3A_447 : memref<128x16xf32, #tpu.memory_space<vmem>>)
        %dma_wait3A_458 = arith.constant 1 : i32
        %dma_wait3A_459 = arith.constant 3 : i32
        %dma_wait3A_460 = arith.constant 1 : i32
        %dma_wait3A_461 = arith.constant 0 : i32
        %dma_wait3A_462 = arith.constant 0 : i32
        %dma_wait3A_463 = tpu.memref_slice %arg10[%dma_wait3A_460, %dma_wait3A_461, %dma_wait3A_462] : memref<2x512x16xf32, #tpu.memory_space<vmem>> -> memref<1x512x16xf32, #tpu.memory_space<vmem>>
        %dma_wait3A_464 = tpu.memref_squeeze %dma_wait3A_463 : memref<1x512x16xf32, #tpu.memory_space<vmem>> -> memref<512x16xf32, #tpu.memory_space<vmem>>
        %dma_wait3A_465 = arith.constant 384 : i32
        %dma_wait3A_466 = arith.constant 0 : i32
        %dma_wait3A_467 = tpu.memref_slice %dma_wait3A_464[%dma_wait3A_465, %dma_wait3A_466] : memref<512x16xf32, #tpu.memory_space<vmem>> -> memref<128x16xf32, #tpu.memory_space<vmem>>
        %dma_wait3A_468 = arith.constant 0 : i32
        %dma_wait3A_469 = arith.constant 0 : i32
        %dma_wait3A_470 = tpu.memref_slice %arg8[%dma_wait3A_458, %dma_wait3A_468, %dma_wait3A_469] : memref<2x4x128xi32, #tpu.memory_space<vmem>> -> memref<1x4x128xi32, #tpu.memory_space<vmem>>
        %dma_wait3A_471 = tpu.memref_squeeze %dma_wait3A_470 : memref<1x4x128xi32, #tpu.memory_space<vmem>> -> memref<4x128xi32, #tpu.memory_space<vmem>>
        %dma_wait3A_472 = arith.constant 0 : i32
        %dma_wait3A_473 = tpu.memref_slice %dma_wait3A_471[%dma_wait3A_459, %dma_wait3A_472] : memref<4x128xi32, #tpu.memory_space<vmem>> -> memref<1x128xi32, #tpu.memory_space<vmem>>
        %dma_wait3A_474 = tpu.memref_squeeze %dma_wait3A_473 : memref<1x128xi32, #tpu.memory_space<vmem>> -> memref<128xi32, #tpu.memory_space<vmem>>
        %dma_wait3A_475 = arith.constant 0 : i32
        %dma_wait3A_476 = arith.constant 0 : i32
        %dma_wait3A_477 = tpu.memref_slice %arg2[%dma_wait3A_475, %dma_wait3A_476] : memref<102400x16xf32, #tpu.memory_space<hbm>> -> memref<102400x16xf32, #tpu.memory_space<hbm>>
        tpu.wait_indirect_dma semaphore(%arg11 : memref<!tpu.dma_semaphore, #tpu.memory_space<semaphore_mem>>) src(%dma_wait3A_477 : memref<102400x16xf32, #tpu.memory_space<hbm>>) dst(%dma_wait3A_467 : memref<128x16xf32, #tpu.memory_space<vmem>>)
      } else {
      }
      %eq3A_226 = arith.constant 1 : i32
      %eq3A_227 = arith.cmpi eq, %arg0, %eq3A_226 : i32
      %convert_element_type3A_228 = arith.extui %eq3A_227 : i1 to i32
      %cond3A_229 = arith.constant 0 : i32
      %cond3A_230 = arith.cmpi ne, %convert_element_type3A_228, %cond3A_229 : i32
      scf.if %cond3A_230 {
        %dma_wait3A_398 = arith.constant 1 : i32
        %dma_wait3A_399 = arith.constant 0 : i32
        %dma_wait3A_400 = arith.constant 1 : i32
        %dma_wait3A_401 = arith.constant 0 : i32
        %dma_wait3A_402 = arith.constant 0 : i32
        %dma_wait3A_403 = tpu.memref_slice %arg10[%dma_wait3A_400, %dma_wait3A_401, %dma_wait3A_402] : memref<2x512x16xf32, #tpu.memory_space<vmem>> -> memref<1x512x16xf32, #tpu.memory_space<vmem>>
        %dma_wait3A_404 = tpu.memref_squeeze %dma_wait3A_403 : memref<1x512x16xf32, #tpu.memory_space<vmem>> -> memref<512x16xf32, #tpu.memory_space<vmem>>
        %dma_wait3A_405 = arith.constant 0 : i32
        %dma_wait3A_406 = arith.constant 0 : i32
        %dma_wait3A_407 = tpu.memref_slice %dma_wait3A_404[%dma_wait3A_405, %dma_wait3A_406] : memref<512x16xf32, #tpu.memory_space<vmem>> -> memref<128x16xf32, #tpu.memory_space<vmem>>
        %dma_wait3A_408 = arith.constant 0 : i32
        %dma_wait3A_409 = arith.constant 0 : i32
        %dma_wait3A_410 = tpu.memref_slice %arg8[%dma_wait3A_398, %dma_wait3A_408, %dma_wait3A_409] : memref<2x4x128xi32, #tpu.memory_space<vmem>> -> memref<1x4x128xi32, #tpu.memory_space<vmem>>
        %dma_wait3A_411 = tpu.memref_squeeze %dma_wait3A_410 : memref<1x4x128xi32, #tpu.memory_space<vmem>> -> memref<4x128xi32, #tpu.memory_space<vmem>>
        %dma_wait3A_412 = arith.constant 0 : i32
        %dma_wait3A_413 = tpu.memref_slice %dma_wait3A_411[%dma_wait3A_399, %dma_wait3A_412] : memref<4x128xi32, #tpu.memory_space<vmem>> -> memref<1x128xi32, #tpu.memory_space<vmem>>
        %dma_wait3A_414 = tpu.memref_squeeze %dma_wait3A_413 : memref<1x128xi32, #tpu.memory_space<vmem>> -> memref<128xi32, #tpu.memory_space<vmem>>
        %dma_wait3A_415 = arith.constant 0 : i32
        %dma_wait3A_416 = arith.constant 0 : i32
        %dma_wait3A_417 = tpu.memref_slice %arg3[%dma_wait3A_415, %dma_wait3A_416] : memref<102400x16xf32, #tpu.memory_space<hbm>> -> memref<102400x16xf32, #tpu.memory_space<hbm>>
        tpu.wait_indirect_dma semaphore(%arg11 : memref<!tpu.dma_semaphore, #tpu.memory_space<semaphore_mem>>) src(%dma_wait3A_417 : memref<102400x16xf32, #tpu.memory_space<hbm>>) dst(%dma_wait3A_407 : memref<128x16xf32, #tpu.memory_space<vmem>>)
        %dma_wait3A_418 = arith.constant 1 : i32
        %dma_wait3A_419 = arith.constant 1 : i32
        %dma_wait3A_420 = arith.constant 1 : i32
        %dma_wait3A_421 = arith.constant 0 : i32
        %dma_wait3A_422 = arith.constant 0 : i32
        %dma_wait3A_423 = tpu.memref_slice %arg10[%dma_wait3A_420, %dma_wait3A_421, %dma_wait3A_422] : memref<2x512x16xf32, #tpu.memory_space<vmem>> -> memref<1x512x16xf32, #tpu.memory_space<vmem>>
        %dma_wait3A_424 = tpu.memref_squeeze %dma_wait3A_423 : memref<1x512x16xf32, #tpu.memory_space<vmem>> -> memref<512x16xf32, #tpu.memory_space<vmem>>
        %dma_wait3A_425 = arith.constant 128 : i32
        %dma_wait3A_426 = arith.constant 0 : i32
        %dma_wait3A_427 = tpu.memref_slice %dma_wait3A_424[%dma_wait3A_425, %dma_wait3A_426] : memref<512x16xf32, #tpu.memory_space<vmem>> -> memref<128x16xf32, #tpu.memory_space<vmem>>
        %dma_wait3A_428 = arith.constant 0 : i32
        %dma_wait3A_429 = arith.constant 0 : i32
        %dma_wait3A_430 = tpu.memref_slice %arg8[%dma_wait3A_418, %dma_wait3A_428, %dma_wait3A_429] : memref<2x4x128xi32, #tpu.memory_space<vmem>> -> memref<1x4x128xi32, #tpu.memory_space<vmem>>
        %dma_wait3A_431 = tpu.memref_squeeze %dma_wait3A_430 : memref<1x4x128xi32, #tpu.memory_space<vmem>> -> memref<4x128xi32, #tpu.memory_space<vmem>>
        %dma_wait3A_432 = arith.constant 0 : i32
        %dma_wait3A_433 = tpu.memref_slice %dma_wait3A_431[%dma_wait3A_419, %dma_wait3A_432] : memref<4x128xi32, #tpu.memory_space<vmem>> -> memref<1x128xi32, #tpu.memory_space<vmem>>
        %dma_wait3A_434 = tpu.memref_squeeze %dma_wait3A_433 : memref<1x128xi32, #tpu.memory_space<vmem>> -> memref<128xi32, #tpu.memory_space<vmem>>
        %dma_wait3A_435 = arith.constant 0 : i32
        %dma_wait3A_436 = arith.constant 0 : i32
        %dma_wait3A_437 = tpu.memref_slice %arg3[%dma_wait3A_435, %dma_wait3A_436] : memref<102400x16xf32, #tpu.memory_space<hbm>> -> memref<102400x16xf32, #tpu.memory_space<hbm>>
        tpu.wait_indirect_dma semaphore(%arg11 : memref<!tpu.dma_semaphore, #tpu.memory_space<semaphore_mem>>) src(%dma_wait3A_437 : memref<102400x16xf32, #tpu.memory_space<hbm>>) dst(%dma_wait3A_427 : memref<128x16xf32, #tpu.memory_space<vmem>>)
        %dma_wait3A_438 = arith.constant 1 : i32
        %dma_wait3A_439 = arith.constant 2 : i32
        %dma_wait3A_440 = arith.constant 1 : i32
        %dma_wait3A_441 = arith.constant 0 : i32
        %dma_wait3A_442 = arith.constant 0 : i32
        %dma_wait3A_443 = tpu.memref_slice %arg10[%dma_wait3A_440, %dma_wait3A_441, %dma_wait3A_442] : memref<2x512x16xf32, #tpu.memory_space<vmem>> -> memref<1x512x16xf32, #tpu.memory_space<vmem>>
        %dma_wait3A_444 = tpu.memref_squeeze %dma_wait3A_443 : memref<1x512x16xf32, #tpu.memory_space<vmem>> -> memref<512x16xf32, #tpu.memory_space<vmem>>
        %dma_wait3A_445 = arith.constant 256 : i32
        %dma_wait3A_446 = arith.constant 0 : i32
        %dma_wait3A_447 = tpu.memref_slice %dma_wait3A_444[%dma_wait3A_445, %dma_wait3A_446] : memref<512x16xf32, #tpu.memory_space<vmem>> -> memref<128x16xf32, #tpu.memory_space<vmem>>
        %dma_wait3A_448 = arith.constant 0 : i32
        %dma_wait3A_449 = arith.constant 0 : i32
        %dma_wait3A_450 = tpu.memref_slice %arg8[%dma_wait3A_438, %dma_wait3A_448, %dma_wait3A_449] : memref<2x4x128xi32, #tpu.memory_space<vmem>> -> memref<1x4x128xi32, #tpu.memory_space<vmem>>
        %dma_wait3A_451 = tpu.memref_squeeze %dma_wait3A_450 : memref<1x4x128xi32, #tpu.memory_space<vmem>> -> memref<4x128xi32, #tpu.memory_space<vmem>>
        %dma_wait3A_452 = arith.constant 0 : i32
        %dma_wait3A_453 = tpu.memref_slice %dma_wait3A_451[%dma_wait3A_439, %dma_wait3A_452] : memref<4x128xi32, #tpu.memory_space<vmem>> -> memref<1x128xi32, #tpu.memory_space<vmem>>
        %dma_wait3A_454 = tpu.memref_squeeze %dma_wait3A_453 : memref<1x128xi32, #tpu.memory_space<vmem>> -> memref<128xi32, #tpu.memory_space<vmem>>
        %dma_wait3A_455 = arith.constant 0 : i32
        %dma_wait3A_456 = arith.constant 0 : i32
        %dma_wait3A_457 = tpu.memref_slice %arg3[%dma_wait3A_455, %dma_wait3A_456] : memref<102400x16xf32, #tpu.memory_space<hbm>> -> memref<102400x16xf32, #tpu.memory_space<hbm>>
        tpu.wait_indirect_dma semaphore(%arg11 : memref<!tpu.dma_semaphore, #tpu.memory_space<semaphore_mem>>) src(%dma_wait3A_457 : memref<102400x16xf32, #tpu.memory_space<hbm>>) dst(%dma_wait3A_447 : memref<128x16xf32, #tpu.memory_space<vmem>>)
        %dma_wait3A_458 = arith.constant 1 : i32
        %dma_wait3A_459 = arith.constant 3 : i32
        %dma_wait3A_460 = arith.constant 1 : i32
        %dma_wait3A_461 = arith.constant 0 : i32
        %dma_wait3A_462 = arith.constant 0 : i32
        %dma_wait3A_463 = tpu.memref_slice %arg10[%dma_wait3A_460, %dma_wait3A_461, %dma_wait3A_462] : memref<2x512x16xf32, #tpu.memory_space<vmem>> -> memref<1x512x16xf32, #tpu.memory_space<vmem>>
        %dma_wait3A_464 = tpu.memref_squeeze %dma_wait3A_463 : memref<1x512x16xf32, #tpu.memory_space<vmem>> -> memref<512x16xf32, #tpu.memory_space<vmem>>
        %dma_wait3A_465 = arith.constant 384 : i32
        %dma_wait3A_466 = arith.constant 0 : i32
        %dma_wait3A_467 = tpu.memref_slice %dma_wait3A_464[%dma_wait3A_465, %dma_wait3A_466] : memref<512x16xf32, #tpu.memory_space<vmem>> -> memref<128x16xf32, #tpu.memory_space<vmem>>
        %dma_wait3A_468 = arith.constant 0 : i32
        %dma_wait3A_469 = arith.constant 0 : i32
        %dma_wait3A_470 = tpu.memref_slice %arg8[%dma_wait3A_458, %dma_wait3A_468, %dma_wait3A_469] : memref<2x4x128xi32, #tpu.memory_space<vmem>> -> memref<1x4x128xi32, #tpu.memory_space<vmem>>
        %dma_wait3A_471 = tpu.memref_squeeze %dma_wait3A_470 : memref<1x4x128xi32, #tpu.memory_space<vmem>> -> memref<4x128xi32, #tpu.memory_space<vmem>>
        %dma_wait3A_472 = arith.constant 0 : i32
        %dma_wait3A_473 = tpu.memref_slice %dma_wait3A_471[%dma_wait3A_459, %dma_wait3A_472] : memref<4x128xi32, #tpu.memory_space<vmem>> -> memref<1x128xi32, #tpu.memory_space<vmem>>
        %dma_wait3A_474 = tpu.memref_squeeze %dma_wait3A_473 : memref<1x128xi32, #tpu.memory_space<vmem>> -> memref<128xi32, #tpu.memory_space<vmem>>
        %dma_wait3A_475 = arith.constant 0 : i32
        %dma_wait3A_476 = arith.constant 0 : i32
        %dma_wait3A_477 = tpu.memref_slice %arg3[%dma_wait3A_475, %dma_wait3A_476] : memref<102400x16xf32, #tpu.memory_space<hbm>> -> memref<102400x16xf32, #tpu.memory_space<hbm>>
        tpu.wait_indirect_dma semaphore(%arg11 : memref<!tpu.dma_semaphore, #tpu.memory_space<semaphore_mem>>) src(%dma_wait3A_477 : memref<102400x16xf32, #tpu.memory_space<hbm>>) dst(%dma_wait3A_467 : memref<128x16xf32, #tpu.memory_space<vmem>>)
      } else {
      }
      %add3A_231 = arith.constant 1 : i32
      %add3A_232 = arith.addi %scan3A_27, %add3A_231 : i32
      %lt3A_233 = arith.constant 98 : i32
      %lt3A_234 = arith.cmpi slt, %add3A_232, %lt3A_233 : i32
      %convert_element_type3A_235 = arith.extui %lt3A_234 : i1 to i32
      %cond3A_236 = arith.constant 0 : i32
      %cond3A_237 = arith.cmpi ne, %convert_element_type3A_235, %cond3A_236 : i32
      scf.if %cond3A_237 {
        %eq3A_398 = arith.constant 0 : i32
        %eq3A_399 = arith.cmpi eq, %arg0, %eq3A_398 : i32
        %convert_element_type3A_400 = arith.extui %eq3A_399 : i1 to i32
        %cond3A_401 = arith.constant 0 : i32
        %cond3A_402 = arith.cmpi ne, %convert_element_type3A_400, %cond3A_401 : i32
        scf.if %cond3A_402 {
          %dma_start3A_408 = arith.constant 0 : i32
          %dma_start3A_409 = arith.constant 0 : i32
          %dma_start3A_410 = arith.constant 0 : i32
          %dma_start3A_411 = arith.constant 0 : i32
          %dma_start3A_412 = arith.constant 0 : i32
          %dma_start3A_413 = tpu.memref_slice %arg10[%dma_start3A_410, %dma_start3A_411, %dma_start3A_412] : memref<2x512x16xf32, #tpu.memory_space<vmem>> -> memref<1x512x16xf32, #tpu.memory_space<vmem>>
          %dma_start3A_414 = tpu.memref_squeeze %dma_start3A_413 : memref<1x512x16xf32, #tpu.memory_space<vmem>> -> memref<512x16xf32, #tpu.memory_space<vmem>>
          %dma_start3A_415 = arith.constant 0 : i32
          %dma_start3A_416 = arith.constant 0 : i32
          %dma_start3A_417 = tpu.memref_slice %dma_start3A_414[%dma_start3A_415, %dma_start3A_416] : memref<512x16xf32, #tpu.memory_space<vmem>> -> memref<128x16xf32, #tpu.memory_space<vmem>>
          %dma_start3A_418 = arith.constant 0 : i32
          %dma_start3A_419 = arith.constant 0 : i32
          %dma_start3A_420 = tpu.memref_slice %arg8[%dma_start3A_408, %dma_start3A_418, %dma_start3A_419] : memref<2x4x128xi32, #tpu.memory_space<vmem>> -> memref<1x4x128xi32, #tpu.memory_space<vmem>>
          %dma_start3A_421 = tpu.memref_squeeze %dma_start3A_420 : memref<1x4x128xi32, #tpu.memory_space<vmem>> -> memref<4x128xi32, #tpu.memory_space<vmem>>
          %dma_start3A_422 = arith.constant 0 : i32
          %dma_start3A_423 = tpu.memref_slice %dma_start3A_421[%dma_start3A_409, %dma_start3A_422] : memref<4x128xi32, #tpu.memory_space<vmem>> -> memref<1x128xi32, #tpu.memory_space<vmem>>
          %dma_start3A_424 = tpu.memref_squeeze %dma_start3A_423 : memref<1x128xi32, #tpu.memory_space<vmem>> -> memref<128xi32, #tpu.memory_space<vmem>>
          %dma_start3A_425 = arith.constant 0 : i32
          %dma_start3A_426 = arith.constant 0 : i32
          %dma_start3A_427 = tpu.memref_slice %arg2[%dma_start3A_425, %dma_start3A_426] : memref<102400x16xf32, #tpu.memory_space<hbm>> -> memref<102400x16xf32, #tpu.memory_space<hbm>>
          tpu.enqueue_indirect_dma source(%dma_start3A_427 : memref<102400x16xf32, #tpu.memory_space<hbm>>) target(%dma_start3A_417 : memref<128x16xf32, #tpu.memory_space<vmem>>) offsets(%dma_start3A_424 : memref<128xi32, #tpu.memory_space<vmem>>) semaphore(%arg11 : memref<!tpu.dma_semaphore, #tpu.memory_space<semaphore_mem>>)
          %dma_start3A_428 = arith.constant 0 : i32
          %dma_start3A_429 = arith.constant 1 : i32
          %dma_start3A_430 = arith.constant 0 : i32
          %dma_start3A_431 = arith.constant 0 : i32
          %dma_start3A_432 = arith.constant 0 : i32
          %dma_start3A_433 = tpu.memref_slice %arg10[%dma_start3A_430, %dma_start3A_431, %dma_start3A_432] : memref<2x512x16xf32, #tpu.memory_space<vmem>> -> memref<1x512x16xf32, #tpu.memory_space<vmem>>
          %dma_start3A_434 = tpu.memref_squeeze %dma_start3A_433 : memref<1x512x16xf32, #tpu.memory_space<vmem>> -> memref<512x16xf32, #tpu.memory_space<vmem>>
          %dma_start3A_435 = arith.constant 128 : i32
          %dma_start3A_436 = arith.constant 0 : i32
          %dma_start3A_437 = tpu.memref_slice %dma_start3A_434[%dma_start3A_435, %dma_start3A_436] : memref<512x16xf32, #tpu.memory_space<vmem>> -> memref<128x16xf32, #tpu.memory_space<vmem>>
          %dma_start3A_438 = arith.constant 0 : i32
          %dma_start3A_439 = arith.constant 0 : i32
          %dma_start3A_440 = tpu.memref_slice %arg8[%dma_start3A_428, %dma_start3A_438, %dma_start3A_439] : memref<2x4x128xi32, #tpu.memory_space<vmem>> -> memref<1x4x128xi32, #tpu.memory_space<vmem>>
          %dma_start3A_441 = tpu.memref_squeeze %dma_start3A_440 : memref<1x4x128xi32, #tpu.memory_space<vmem>> -> memref<4x128xi32, #tpu.memory_space<vmem>>
          %dma_start3A_442 = arith.constant 0 : i32
          %dma_start3A_443 = tpu.memref_slice %dma_start3A_441[%dma_start3A_429, %dma_start3A_442] : memref<4x128xi32, #tpu.memory_space<vmem>> -> memref<1x128xi32, #tpu.memory_space<vmem>>
          %dma_start3A_444 = tpu.memref_squeeze %dma_start3A_443 : memref<1x128xi32, #tpu.memory_space<vmem>> -> memref<128xi32, #tpu.memory_space<vmem>>
          %dma_start3A_445 = arith.constant 0 : i32
          %dma_start3A_446 = arith.constant 0 : i32
          %dma_start3A_447 = tpu.memref_slice %arg2[%dma_start3A_445, %dma_start3A_446] : memref<102400x16xf32, #tpu.memory_space<hbm>> -> memref<102400x16xf32, #tpu.memory_space<hbm>>
          tpu.enqueue_indirect_dma source(%dma_start3A_447 : memref<102400x16xf32, #tpu.memory_space<hbm>>) target(%dma_start3A_437 : memref<128x16xf32, #tpu.memory_space<vmem>>) offsets(%dma_start3A_444 : memref<128xi32, #tpu.memory_space<vmem>>) semaphore(%arg11 : memref<!tpu.dma_semaphore, #tpu.memory_space<semaphore_mem>>)
          %dma_start3A_448 = arith.constant 0 : i32
          %dma_start3A_449 = arith.constant 2 : i32
          %dma_start3A_450 = arith.constant 0 : i32
          %dma_start3A_451 = arith.constant 0 : i32
          %dma_start3A_452 = arith.constant 0 : i32
          %dma_start3A_453 = tpu.memref_slice %arg10[%dma_start3A_450, %dma_start3A_451, %dma_start3A_452] : memref<2x512x16xf32, #tpu.memory_space<vmem>> -> memref<1x512x16xf32, #tpu.memory_space<vmem>>
          %dma_start3A_454 = tpu.memref_squeeze %dma_start3A_453 : memref<1x512x16xf32, #tpu.memory_space<vmem>> -> memref<512x16xf32, #tpu.memory_space<vmem>>
          %dma_start3A_455 = arith.constant 256 : i32
          %dma_start3A_456 = arith.constant 0 : i32
          %dma_start3A_457 = tpu.memref_slice %dma_start3A_454[%dma_start3A_455, %dma_start3A_456] : memref<512x16xf32, #tpu.memory_space<vmem>> -> memref<128x16xf32, #tpu.memory_space<vmem>>
          %dma_start3A_458 = arith.constant 0 : i32
          %dma_start3A_459 = arith.constant 0 : i32
          %dma_start3A_460 = tpu.memref_slice %arg8[%dma_start3A_448, %dma_start3A_458, %dma_start3A_459] : memref<2x4x128xi32, #tpu.memory_space<vmem>> -> memref<1x4x128xi32, #tpu.memory_space<vmem>>
          %dma_start3A_461 = tpu.memref_squeeze %dma_start3A_460 : memref<1x4x128xi32, #tpu.memory_space<vmem>> -> memref<4x128xi32, #tpu.memory_space<vmem>>
          %dma_start3A_462 = arith.constant 0 : i32
          %dma_start3A_463 = tpu.memref_slice %dma_start3A_461[%dma_start3A_449, %dma_start3A_462] : memref<4x128xi32, #tpu.memory_space<vmem>> -> memref<1x128xi32, #tpu.memory_space<vmem>>
          %dma_start3A_464 = tpu.memref_squeeze %dma_start3A_463 : memref<1x128xi32, #tpu.memory_space<vmem>> -> memref<128xi32, #tpu.memory_space<vmem>>
          %dma_start3A_465 = arith.constant 0 : i32
          %dma_start3A_466 = arith.constant 0 : i32
          %dma_start3A_467 = tpu.memref_slice %arg2[%dma_start3A_465, %dma_start3A_466] : memref<102400x16xf32, #tpu.memory_space<hbm>> -> memref<102400x16xf32, #tpu.memory_space<hbm>>
          tpu.enqueue_indirect_dma source(%dma_start3A_467 : memref<102400x16xf32, #tpu.memory_space<hbm>>) target(%dma_start3A_457 : memref<128x16xf32, #tpu.memory_space<vmem>>) offsets(%dma_start3A_464 : memref<128xi32, #tpu.memory_space<vmem>>) semaphore(%arg11 : memref<!tpu.dma_semaphore, #tpu.memory_space<semaphore_mem>>)
          %dma_start3A_468 = arith.constant 0 : i32
          %dma_start3A_469 = arith.constant 3 : i32
          %dma_start3A_470 = arith.constant 0 : i32
          %dma_start3A_471 = arith.constant 0 : i32
          %dma_start3A_472 = arith.constant 0 : i32
          %dma_start3A_473 = tpu.memref_slice %arg10[%dma_start3A_470, %dma_start3A_471, %dma_start3A_472] : memref<2x512x16xf32, #tpu.memory_space<vmem>> -> memref<1x512x16xf32, #tpu.memory_space<vmem>>
          %dma_start3A_474 = tpu.memref_squeeze %dma_start3A_473 : memref<1x512x16xf32, #tpu.memory_space<vmem>> -> memref<512x16xf32, #tpu.memory_space<vmem>>
          %dma_start3A_475 = arith.constant 384 : i32
          %dma_start3A_476 = arith.constant 0 : i32
          %dma_start3A_477 = tpu.memref_slice %dma_start3A_474[%dma_start3A_475, %dma_start3A_476] : memref<512x16xf32, #tpu.memory_space<vmem>> -> memref<128x16xf32, #tpu.memory_space<vmem>>
          %dma_start3A_478 = arith.constant 0 : i32
          %dma_start3A_479 = arith.constant 0 : i32
          %dma_start3A_480 = tpu.memref_slice %arg8[%dma_start3A_468, %dma_start3A_478, %dma_start3A_479] : memref<2x4x128xi32, #tpu.memory_space<vmem>> -> memref<1x4x128xi32, #tpu.memory_space<vmem>>
          %dma_start3A_481 = tpu.memref_squeeze %dma_start3A_480 : memref<1x4x128xi32, #tpu.memory_space<vmem>> -> memref<4x128xi32, #tpu.memory_space<vmem>>
          %dma_start3A_482 = arith.constant 0 : i32
          %dma_start3A_483 = tpu.memref_slice %dma_start3A_481[%dma_start3A_469, %dma_start3A_482] : memref<4x128xi32, #tpu.memory_space<vmem>> -> memref<1x128xi32, #tpu.memory_space<vmem>>
          %dma_start3A_484 = tpu.memref_squeeze %dma_start3A_483 : memref<1x128xi32, #tpu.memory_space<vmem>> -> memref<128xi32, #tpu.memory_space<vmem>>
          %dma_start3A_485 = arith.constant 0 : i32
          %dma_start3A_486 = arith.constant 0 : i32
          %dma_start3A_487 = tpu.memref_slice %arg2[%dma_start3A_485, %dma_start3A_486] : memref<102400x16xf32, #tpu.memory_space<hbm>> -> memref<102400x16xf32, #tpu.memory_space<hbm>>
          tpu.enqueue_indirect_dma source(%dma_start3A_487 : memref<102400x16xf32, #tpu.memory_space<hbm>>) target(%dma_start3A_477 : memref<128x16xf32, #tpu.memory_space<vmem>>) offsets(%dma_start3A_484 : memref<128xi32, #tpu.memory_space<vmem>>) semaphore(%arg11 : memref<!tpu.dma_semaphore, #tpu.memory_space<semaphore_mem>>)
        } else {
        }
        %eq3A_403 = arith.constant 1 : i32
        %eq3A_404 = arith.cmpi eq, %arg0, %eq3A_403 : i32
        %convert_element_type3A_405 = arith.extui %eq3A_404 : i1 to i32
        %cond3A_406 = arith.constant 0 : i32
        %cond3A_407 = arith.cmpi ne, %convert_element_type3A_405, %cond3A_406 : i32
        scf.if %cond3A_407 {
          %dma_start3A_408 = arith.constant 0 : i32
          %dma_start3A_409 = arith.constant 0 : i32
          %dma_start3A_410 = arith.constant 0 : i32
          %dma_start3A_411 = arith.constant 0 : i32
          %dma_start3A_412 = arith.constant 0 : i32
          %dma_start3A_413 = tpu.memref_slice %arg10[%dma_start3A_410, %dma_start3A_411, %dma_start3A_412] : memref<2x512x16xf32, #tpu.memory_space<vmem>> -> memref<1x512x16xf32, #tpu.memory_space<vmem>>
          %dma_start3A_414 = tpu.memref_squeeze %dma_start3A_413 : memref<1x512x16xf32, #tpu.memory_space<vmem>> -> memref<512x16xf32, #tpu.memory_space<vmem>>
          %dma_start3A_415 = arith.constant 0 : i32
          %dma_start3A_416 = arith.constant 0 : i32
          %dma_start3A_417 = tpu.memref_slice %dma_start3A_414[%dma_start3A_415, %dma_start3A_416] : memref<512x16xf32, #tpu.memory_space<vmem>> -> memref<128x16xf32, #tpu.memory_space<vmem>>
          %dma_start3A_418 = arith.constant 0 : i32
          %dma_start3A_419 = arith.constant 0 : i32
          %dma_start3A_420 = tpu.memref_slice %arg8[%dma_start3A_408, %dma_start3A_418, %dma_start3A_419] : memref<2x4x128xi32, #tpu.memory_space<vmem>> -> memref<1x4x128xi32, #tpu.memory_space<vmem>>
          %dma_start3A_421 = tpu.memref_squeeze %dma_start3A_420 : memref<1x4x128xi32, #tpu.memory_space<vmem>> -> memref<4x128xi32, #tpu.memory_space<vmem>>
          %dma_start3A_422 = arith.constant 0 : i32
          %dma_start3A_423 = tpu.memref_slice %dma_start3A_421[%dma_start3A_409, %dma_start3A_422] : memref<4x128xi32, #tpu.memory_space<vmem>> -> memref<1x128xi32, #tpu.memory_space<vmem>>
          %dma_start3A_424 = tpu.memref_squeeze %dma_start3A_423 : memref<1x128xi32, #tpu.memory_space<vmem>> -> memref<128xi32, #tpu.memory_space<vmem>>
          %dma_start3A_425 = arith.constant 0 : i32
          %dma_start3A_426 = arith.constant 0 : i32
          %dma_start3A_427 = tpu.memref_slice %arg3[%dma_start3A_425, %dma_start3A_426] : memref<102400x16xf32, #tpu.memory_space<hbm>> -> memref<102400x16xf32, #tpu.memory_space<hbm>>
          tpu.enqueue_indirect_dma source(%dma_start3A_427 : memref<102400x16xf32, #tpu.memory_space<hbm>>) target(%dma_start3A_417 : memref<128x16xf32, #tpu.memory_space<vmem>>) offsets(%dma_start3A_424 : memref<128xi32, #tpu.memory_space<vmem>>) semaphore(%arg11 : memref<!tpu.dma_semaphore, #tpu.memory_space<semaphore_mem>>)
          %dma_start3A_428 = arith.constant 0 : i32
          %dma_start3A_429 = arith.constant 1 : i32
          %dma_start3A_430 = arith.constant 0 : i32
          %dma_start3A_431 = arith.constant 0 : i32
          %dma_start3A_432 = arith.constant 0 : i32
          %dma_start3A_433 = tpu.memref_slice %arg10[%dma_start3A_430, %dma_start3A_431, %dma_start3A_432] : memref<2x512x16xf32, #tpu.memory_space<vmem>> -> memref<1x512x16xf32, #tpu.memory_space<vmem>>
          %dma_start3A_434 = tpu.memref_squeeze %dma_start3A_433 : memref<1x512x16xf32, #tpu.memory_space<vmem>> -> memref<512x16xf32, #tpu.memory_space<vmem>>
          %dma_start3A_435 = arith.constant 128 : i32
          %dma_start3A_436 = arith.constant 0 : i32
          %dma_start3A_437 = tpu.memref_slice %dma_start3A_434[%dma_start3A_435, %dma_start3A_436] : memref<512x16xf32, #tpu.memory_space<vmem>> -> memref<128x16xf32, #tpu.memory_space<vmem>>
          %dma_start3A_438 = arith.constant 0 : i32
          %dma_start3A_439 = arith.constant 0 : i32
          %dma_start3A_440 = tpu.memref_slice %arg8[%dma_start3A_428, %dma_start3A_438, %dma_start3A_439] : memref<2x4x128xi32, #tpu.memory_space<vmem>> -> memref<1x4x128xi32, #tpu.memory_space<vmem>>
          %dma_start3A_441 = tpu.memref_squeeze %dma_start3A_440 : memref<1x4x128xi32, #tpu.memory_space<vmem>> -> memref<4x128xi32, #tpu.memory_space<vmem>>
          %dma_start3A_442 = arith.constant 0 : i32
          %dma_start3A_443 = tpu.memref_slice %dma_start3A_441[%dma_start3A_429, %dma_start3A_442] : memref<4x128xi32, #tpu.memory_space<vmem>> -> memref<1x128xi32, #tpu.memory_space<vmem>>
          %dma_start3A_444 = tpu.memref_squeeze %dma_start3A_443 : memref<1x128xi32, #tpu.memory_space<vmem>> -> memref<128xi32, #tpu.memory_space<vmem>>
          %dma_start3A_445 = arith.constant 0 : i32
          %dma_start3A_446 = arith.constant 0 : i32
          %dma_start3A_447 = tpu.memref_slice %arg3[%dma_start3A_445, %dma_start3A_446] : memref<102400x16xf32, #tpu.memory_space<hbm>> -> memref<102400x16xf32, #tpu.memory_space<hbm>>
          tpu.enqueue_indirect_dma source(%dma_start3A_447 : memref<102400x16xf32, #tpu.memory_space<hbm>>) target(%dma_start3A_437 : memref<128x16xf32, #tpu.memory_space<vmem>>) offsets(%dma_start3A_444 : memref<128xi32, #tpu.memory_space<vmem>>) semaphore(%arg11 : memref<!tpu.dma_semaphore, #tpu.memory_space<semaphore_mem>>)
          %dma_start3A_448 = arith.constant 0 : i32
          %dma_start3A_449 = arith.constant 2 : i32
          %dma_start3A_450 = arith.constant 0 : i32
          %dma_start3A_451 = arith.constant 0 : i32
          %dma_start3A_452 = arith.constant 0 : i32
          %dma_start3A_453 = tpu.memref_slice %arg10[%dma_start3A_450, %dma_start3A_451, %dma_start3A_452] : memref<2x512x16xf32, #tpu.memory_space<vmem>> -> memref<1x512x16xf32, #tpu.memory_space<vmem>>
          %dma_start3A_454 = tpu.memref_squeeze %dma_start3A_453 : memref<1x512x16xf32, #tpu.memory_space<vmem>> -> memref<512x16xf32, #tpu.memory_space<vmem>>
          %dma_start3A_455 = arith.constant 256 : i32
          %dma_start3A_456 = arith.constant 0 : i32
          %dma_start3A_457 = tpu.memref_slice %dma_start3A_454[%dma_start3A_455, %dma_start3A_456] : memref<512x16xf32, #tpu.memory_space<vmem>> -> memref<128x16xf32, #tpu.memory_space<vmem>>
          %dma_start3A_458 = arith.constant 0 : i32
          %dma_start3A_459 = arith.constant 0 : i32
          %dma_start3A_460 = tpu.memref_slice %arg8[%dma_start3A_448, %dma_start3A_458, %dma_start3A_459] : memref<2x4x128xi32, #tpu.memory_space<vmem>> -> memref<1x4x128xi32, #tpu.memory_space<vmem>>
          %dma_start3A_461 = tpu.memref_squeeze %dma_start3A_460 : memref<1x4x128xi32, #tpu.memory_space<vmem>> -> memref<4x128xi32, #tpu.memory_space<vmem>>
          %dma_start3A_462 = arith.constant 0 : i32
          %dma_start3A_463 = tpu.memref_slice %dma_start3A_461[%dma_start3A_449, %dma_start3A_462] : memref<4x128xi32, #tpu.memory_space<vmem>> -> memref<1x128xi32, #tpu.memory_space<vmem>>
          %dma_start3A_464 = tpu.memref_squeeze %dma_start3A_463 : memref<1x128xi32, #tpu.memory_space<vmem>> -> memref<128xi32, #tpu.memory_space<vmem>>
          %dma_start3A_465 = arith.constant 0 : i32
          %dma_start3A_466 = arith.constant 0 : i32
          %dma_start3A_467 = tpu.memref_slice %arg3[%dma_start3A_465, %dma_start3A_466] : memref<102400x16xf32, #tpu.memory_space<hbm>> -> memref<102400x16xf32, #tpu.memory_space<hbm>>
          tpu.enqueue_indirect_dma source(%dma_start3A_467 : memref<102400x16xf32, #tpu.memory_space<hbm>>) target(%dma_start3A_457 : memref<128x16xf32, #tpu.memory_space<vmem>>) offsets(%dma_start3A_464 : memref<128xi32, #tpu.memory_space<vmem>>) semaphore(%arg11 : memref<!tpu.dma_semaphore, #tpu.memory_space<semaphore_mem>>)
          %dma_start3A_468 = arith.constant 0 : i32
          %dma_start3A_469 = arith.constant 3 : i32
          %dma_start3A_470 = arith.constant 0 : i32
          %dma_start3A_471 = arith.constant 0 : i32
          %dma_start3A_472 = arith.constant 0 : i32
          %dma_start3A_473 = tpu.memref_slice %arg10[%dma_start3A_470, %dma_start3A_471, %dma_start3A_472] : memref<2x512x16xf32, #tpu.memory_space<vmem>> -> memref<1x512x16xf32, #tpu.memory_space<vmem>>
          %dma_start3A_474 = tpu.memref_squeeze %dma_start3A_473 : memref<1x512x16xf32, #tpu.memory_space<vmem>> -> memref<512x16xf32, #tpu.memory_space<vmem>>
          %dma_start3A_475 = arith.constant 384 : i32
          %dma_start3A_476 = arith.constant 0 : i32
          %dma_start3A_477 = tpu.memref_slice %dma_start3A_474[%dma_start3A_475, %dma_start3A_476] : memref<512x16xf32, #tpu.memory_space<vmem>> -> memref<128x16xf32, #tpu.memory_space<vmem>>
          %dma_start3A_478 = arith.constant 0 : i32
          %dma_start3A_479 = arith.constant 0 : i32
          %dma_start3A_480 = tpu.memref_slice %arg8[%dma_start3A_468, %dma_start3A_478, %dma_start3A_479] : memref<2x4x128xi32, #tpu.memory_space<vmem>> -> memref<1x4x128xi32, #tpu.memory_space<vmem>>
          %dma_start3A_481 = tpu.memref_squeeze %dma_start3A_480 : memref<1x4x128xi32, #tpu.memory_space<vmem>> -> memref<4x128xi32, #tpu.memory_space<vmem>>
          %dma_start3A_482 = arith.constant 0 : i32
          %dma_start3A_483 = tpu.memref_slice %dma_start3A_481[%dma_start3A_469, %dma_start3A_482] : memref<4x128xi32, #tpu.memory_space<vmem>> -> memref<1x128xi32, #tpu.memory_space<vmem>>
          %dma_start3A_484 = tpu.memref_squeeze %dma_start3A_483 : memref<1x128xi32, #tpu.memory_space<vmem>> -> memref<128xi32, #tpu.memory_space<vmem>>
          %dma_start3A_485 = arith.constant 0 : i32
          %dma_start3A_486 = arith.constant 0 : i32
          %dma_start3A_487 = tpu.memref_slice %arg3[%dma_start3A_485, %dma_start3A_486] : memref<102400x16xf32, #tpu.memory_space<hbm>> -> memref<102400x16xf32, #tpu.memory_space<hbm>>
          tpu.enqueue_indirect_dma source(%dma_start3A_487 : memref<102400x16xf32, #tpu.memory_space<hbm>>) target(%dma_start3A_477 : memref<128x16xf32, #tpu.memory_space<vmem>>) offsets(%dma_start3A_484 : memref<128xi32, #tpu.memory_space<vmem>>) semaphore(%arg11 : memref<!tpu.dma_semaphore, #tpu.memory_space<semaphore_mem>>)
        } else {
        }
      } else {
      }
      %dma_start3A_238 = arith.constant 1 : i32
      %dma_start3A_239 = arith.constant 1 : i32
      %dma_start3A_240 = arith.constant 0 : i32
      %dma_start3A_241 = arith.constant 0 : i32
      %dma_start3A_242 = arith.constant 0 : i32
      %dma_start3A_243 = tpu.memref_slice %arg10[%dma_start3A_238, %dma_start3A_241, %dma_start3A_242] : memref<2x512x16xf32, #tpu.memory_space<vmem>> -> memref<1x512x16xf32, #tpu.memory_space<vmem>>
      %dma_start3A_244 = tpu.memref_squeeze %dma_start3A_243 : memref<1x512x16xf32, #tpu.memory_space<vmem>> -> memref<512x16xf32, #tpu.memory_space<vmem>>
      %dma_start3A_245 = arith.constant 0 : i32
      %dma_start3A_246 = arith.constant 0 : i32
      %dma_start3A_247 = tpu.memref_slice %dma_start3A_244[%dma_start3A_245, %dma_start3A_246] : memref<512x16xf32, #tpu.memory_space<vmem>> -> memref<128x16xf32, #tpu.memory_space<vmem>>
      %dma_start3A_248 = arith.constant 0 : i32
      %dma_start3A_249 = arith.constant 0 : i32
      %dma_start3A_250 = tpu.memref_slice %arg9[%dma_start3A_239, %dma_start3A_248, %dma_start3A_249] : memref<2x4x128xi32, #tpu.memory_space<vmem>> -> memref<1x4x128xi32, #tpu.memory_space<vmem>>
      %dma_start3A_251 = tpu.memref_squeeze %dma_start3A_250 : memref<1x4x128xi32, #tpu.memory_space<vmem>> -> memref<4x128xi32, #tpu.memory_space<vmem>>
      %dma_start3A_252 = arith.constant 0 : i32
      %dma_start3A_253 = tpu.memref_slice %dma_start3A_251[%dma_start3A_240, %dma_start3A_252] : memref<4x128xi32, #tpu.memory_space<vmem>> -> memref<1x128xi32, #tpu.memory_space<vmem>>
      %dma_start3A_254 = tpu.memref_squeeze %dma_start3A_253 : memref<1x128xi32, #tpu.memory_space<vmem>> -> memref<128xi32, #tpu.memory_space<vmem>>
      %dma_start3A_255 = arith.constant 0 : i32
      %dma_start3A_256 = arith.constant 0 : i32
      %dma_start3A_257 = tpu.memref_slice %arg13[%dma_start3A_255, %dma_start3A_256] : memref<104448x16xf32, #tpu.memory_space<vmem_shared>> -> memref<104448x16xf32, #tpu.memory_space<vmem_shared>>
      tpu.enqueue_indirect_dma source(%dma_start3A_247 : memref<128x16xf32, #tpu.memory_space<vmem>>) target(%dma_start3A_257 : memref<104448x16xf32, #tpu.memory_space<vmem_shared>>) offsets(%dma_start3A_254 : memref<128xi32, #tpu.memory_space<vmem>>) semaphore(%arg12 : memref<!tpu.dma_semaphore, #tpu.memory_space<semaphore_mem>>) {add = true}
      %dma_start3A_258 = arith.constant 1 : i32
      %dma_start3A_259 = arith.constant 1 : i32
      %dma_start3A_260 = arith.constant 1 : i32
      %dma_start3A_261 = arith.constant 0 : i32
      %dma_start3A_262 = arith.constant 0 : i32
      %dma_start3A_263 = tpu.memref_slice %arg10[%dma_start3A_258, %dma_start3A_261, %dma_start3A_262] : memref<2x512x16xf32, #tpu.memory_space<vmem>> -> memref<1x512x16xf32, #tpu.memory_space<vmem>>
      %dma_start3A_264 = tpu.memref_squeeze %dma_start3A_263 : memref<1x512x16xf32, #tpu.memory_space<vmem>> -> memref<512x16xf32, #tpu.memory_space<vmem>>
      %dma_start3A_265 = arith.constant 128 : i32
      %dma_start3A_266 = arith.constant 0 : i32
      %dma_start3A_267 = tpu.memref_slice %dma_start3A_264[%dma_start3A_265, %dma_start3A_266] : memref<512x16xf32, #tpu.memory_space<vmem>> -> memref<128x16xf32, #tpu.memory_space<vmem>>
      %dma_start3A_268 = arith.constant 0 : i32
      %dma_start3A_269 = arith.constant 0 : i32
      %dma_start3A_270 = tpu.memref_slice %arg9[%dma_start3A_259, %dma_start3A_268, %dma_start3A_269] : memref<2x4x128xi32, #tpu.memory_space<vmem>> -> memref<1x4x128xi32, #tpu.memory_space<vmem>>
      %dma_start3A_271 = tpu.memref_squeeze %dma_start3A_270 : memref<1x4x128xi32, #tpu.memory_space<vmem>> -> memref<4x128xi32, #tpu.memory_space<vmem>>
      %dma_start3A_272 = arith.constant 0 : i32
      %dma_start3A_273 = tpu.memref_slice %dma_start3A_271[%dma_start3A_260, %dma_start3A_272] : memref<4x128xi32, #tpu.memory_space<vmem>> -> memref<1x128xi32, #tpu.memory_space<vmem>>
      %dma_start3A_274 = tpu.memref_squeeze %dma_start3A_273 : memref<1x128xi32, #tpu.memory_space<vmem>> -> memref<128xi32, #tpu.memory_space<vmem>>
      %dma_start3A_275 = arith.constant 0 : i32
      %dma_start3A_276 = arith.constant 0 : i32
      %dma_start3A_277 = tpu.memref_slice %arg13[%dma_start3A_275, %dma_start3A_276] : memref<104448x16xf32, #tpu.memory_space<vmem_shared>> -> memref<104448x16xf32, #tpu.memory_space<vmem_shared>>
      tpu.enqueue_indirect_dma source(%dma_start3A_267 : memref<128x16xf32, #tpu.memory_space<vmem>>) target(%dma_start3A_277 : memref<104448x16xf32, #tpu.memory_space<vmem_shared>>) offsets(%dma_start3A_274 : memref<128xi32, #tpu.memory_space<vmem>>) semaphore(%arg12 : memref<!tpu.dma_semaphore, #tpu.memory_space<semaphore_mem>>) {add = true}
      %dma_start3A_278 = arith.constant 1 : i32
      %dma_start3A_279 = arith.constant 1 : i32
      %dma_start3A_280 = arith.constant 2 : i32
      %dma_start3A_281 = arith.constant 0 : i32
      %dma_start3A_282 = arith.constant 0 : i32
      %dma_start3A_283 = tpu.memref_slice %arg10[%dma_start3A_278, %dma_start3A_281, %dma_start3A_282] : memref<2x512x16xf32, #tpu.memory_space<vmem>> -> memref<1x512x16xf32, #tpu.memory_space<vmem>>
      %dma_start3A_284 = tpu.memref_squeeze %dma_start3A_283 : memref<1x512x16xf32, #tpu.memory_space<vmem>> -> memref<512x16xf32, #tpu.memory_space<vmem>>
      %dma_start3A_285 = arith.constant 256 : i32
      %dma_start3A_286 = arith.constant 0 : i32
      %dma_start3A_287 = tpu.memref_slice %dma_start3A_284[%dma_start3A_285, %dma_start3A_286] : memref<512x16xf32, #tpu.memory_space<vmem>> -> memref<128x16xf32, #tpu.memory_space<vmem>>
      %dma_start3A_288 = arith.constant 0 : i32
      %dma_start3A_289 = arith.constant 0 : i32
      %dma_start3A_290 = tpu.memref_slice %arg9[%dma_start3A_279, %dma_start3A_288, %dma_start3A_289] : memref<2x4x128xi32, #tpu.memory_space<vmem>> -> memref<1x4x128xi32, #tpu.memory_space<vmem>>
      %dma_start3A_291 = tpu.memref_squeeze %dma_start3A_290 : memref<1x4x128xi32, #tpu.memory_space<vmem>> -> memref<4x128xi32, #tpu.memory_space<vmem>>
      %dma_start3A_292 = arith.constant 0 : i32
      %dma_start3A_293 = tpu.memref_slice %dma_start3A_291[%dma_start3A_280, %dma_start3A_292] : memref<4x128xi32, #tpu.memory_space<vmem>> -> memref<1x128xi32, #tpu.memory_space<vmem>>
      %dma_start3A_294 = tpu.memref_squeeze %dma_start3A_293 : memref<1x128xi32, #tpu.memory_space<vmem>> -> memref<128xi32, #tpu.memory_space<vmem>>
      %dma_start3A_295 = arith.constant 0 : i32
      %dma_start3A_296 = arith.constant 0 : i32
      %dma_start3A_297 = tpu.memref_slice %arg13[%dma_start3A_295, %dma_start3A_296] : memref<104448x16xf32, #tpu.memory_space<vmem_shared>> -> memref<104448x16xf32, #tpu.memory_space<vmem_shared>>
      tpu.enqueue_indirect_dma source(%dma_start3A_287 : memref<128x16xf32, #tpu.memory_space<vmem>>) target(%dma_start3A_297 : memref<104448x16xf32, #tpu.memory_space<vmem_shared>>) offsets(%dma_start3A_294 : memref<128xi32, #tpu.memory_space<vmem>>) semaphore(%arg12 : memref<!tpu.dma_semaphore, #tpu.memory_space<semaphore_mem>>) {add = true}
      %dma_start3A_298 = arith.constant 1 : i32
      %dma_start3A_299 = arith.constant 1 : i32
      %dma_start3A_300 = arith.constant 3 : i32
      %dma_start3A_301 = arith.constant 0 : i32
      %dma_start3A_302 = arith.constant 0 : i32
      %dma_start3A_303 = tpu.memref_slice %arg10[%dma_start3A_298, %dma_start3A_301, %dma_start3A_302] : memref<2x512x16xf32, #tpu.memory_space<vmem>> -> memref<1x512x16xf32, #tpu.memory_space<vmem>>
      %dma_start3A_304 = tpu.memref_squeeze %dma_start3A_303 : memref<1x512x16xf32, #tpu.memory_space<vmem>> -> memref<512x16xf32, #tpu.memory_space<vmem>>
      %dma_start3A_305 = arith.constant 384 : i32
      %dma_start3A_306 = arith.constant 0 : i32
      %dma_start3A_307 = tpu.memref_slice %dma_start3A_304[%dma_start3A_305, %dma_start3A_306] : memref<512x16xf32, #tpu.memory_space<vmem>> -> memref<128x16xf32, #tpu.memory_space<vmem>>
      %dma_start3A_308 = arith.constant 0 : i32
      %dma_start3A_309 = arith.constant 0 : i32
      %dma_start3A_310 = tpu.memref_slice %arg9[%dma_start3A_299, %dma_start3A_308, %dma_start3A_309] : memref<2x4x128xi32, #tpu.memory_space<vmem>> -> memref<1x4x128xi32, #tpu.memory_space<vmem>>
      %dma_start3A_311 = tpu.memref_squeeze %dma_start3A_310 : memref<1x4x128xi32, #tpu.memory_space<vmem>> -> memref<4x128xi32, #tpu.memory_space<vmem>>
      %dma_start3A_312 = arith.constant 0 : i32
      %dma_start3A_313 = tpu.memref_slice %dma_start3A_311[%dma_start3A_300, %dma_start3A_312] : memref<4x128xi32, #tpu.memory_space<vmem>> -> memref<1x128xi32, #tpu.memory_space<vmem>>
      %dma_start3A_314 = tpu.memref_squeeze %dma_start3A_313 : memref<1x128xi32, #tpu.memory_space<vmem>> -> memref<128xi32, #tpu.memory_space<vmem>>
      %dma_start3A_315 = arith.constant 0 : i32
      %dma_start3A_316 = arith.constant 0 : i32
      %dma_start3A_317 = tpu.memref_slice %arg13[%dma_start3A_315, %dma_start3A_316] : memref<104448x16xf32, #tpu.memory_space<vmem_shared>> -> memref<104448x16xf32, #tpu.memory_space<vmem_shared>>
      tpu.enqueue_indirect_dma source(%dma_start3A_307 : memref<128x16xf32, #tpu.memory_space<vmem>>) target(%dma_start3A_317 : memref<104448x16xf32, #tpu.memory_space<vmem_shared>>) offsets(%dma_start3A_314 : memref<128xi32, #tpu.memory_space<vmem>>) semaphore(%arg12 : memref<!tpu.dma_semaphore, #tpu.memory_space<semaphore_mem>>) {add = true}
      %dma_wait3A_318 = arith.constant 1 : i32
      %dma_wait3A_319 = arith.constant 1 : i32
      %dma_wait3A_320 = arith.constant 0 : i32
      %dma_wait3A_321 = arith.constant 0 : i32
      %dma_wait3A_322 = arith.constant 0 : i32
      %dma_wait3A_323 = tpu.memref_slice %arg10[%dma_wait3A_318, %dma_wait3A_321, %dma_wait3A_322] : memref<2x512x16xf32, #tpu.memory_space<vmem>> -> memref<1x512x16xf32, #tpu.memory_space<vmem>>
      %dma_wait3A_324 = tpu.memref_squeeze %dma_wait3A_323 : memref<1x512x16xf32, #tpu.memory_space<vmem>> -> memref<512x16xf32, #tpu.memory_space<vmem>>
      %dma_wait3A_325 = arith.constant 0 : i32
      %dma_wait3A_326 = arith.constant 0 : i32
      %dma_wait3A_327 = tpu.memref_slice %dma_wait3A_324[%dma_wait3A_325, %dma_wait3A_326] : memref<512x16xf32, #tpu.memory_space<vmem>> -> memref<128x16xf32, #tpu.memory_space<vmem>>
      %dma_wait3A_328 = arith.constant 0 : i32
      %dma_wait3A_329 = arith.constant 0 : i32
      %dma_wait3A_330 = tpu.memref_slice %arg9[%dma_wait3A_319, %dma_wait3A_328, %dma_wait3A_329] : memref<2x4x128xi32, #tpu.memory_space<vmem>> -> memref<1x4x128xi32, #tpu.memory_space<vmem>>
      %dma_wait3A_331 = tpu.memref_squeeze %dma_wait3A_330 : memref<1x4x128xi32, #tpu.memory_space<vmem>> -> memref<4x128xi32, #tpu.memory_space<vmem>>
      %dma_wait3A_332 = arith.constant 0 : i32
      %dma_wait3A_333 = tpu.memref_slice %dma_wait3A_331[%dma_wait3A_320, %dma_wait3A_332] : memref<4x128xi32, #tpu.memory_space<vmem>> -> memref<1x128xi32, #tpu.memory_space<vmem>>
      %dma_wait3A_334 = tpu.memref_squeeze %dma_wait3A_333 : memref<1x128xi32, #tpu.memory_space<vmem>> -> memref<128xi32, #tpu.memory_space<vmem>>
      %dma_wait3A_335 = arith.constant 0 : i32
      %dma_wait3A_336 = arith.constant 0 : i32
      %dma_wait3A_337 = tpu.memref_slice %arg13[%dma_wait3A_335, %dma_wait3A_336] : memref<104448x16xf32, #tpu.memory_space<vmem_shared>> -> memref<104448x16xf32, #tpu.memory_space<vmem_shared>>
      tpu.wait_indirect_dma semaphore(%arg12 : memref<!tpu.dma_semaphore, #tpu.memory_space<semaphore_mem>>) src(%dma_wait3A_327 : memref<128x16xf32, #tpu.memory_space<vmem>>) dst(%dma_wait3A_337 : memref<104448x16xf32, #tpu.memory_space<vmem_shared>>)
      %dma_wait3A_338 = arith.constant 1 : i32
      %dma_wait3A_339 = arith.constant 1 : i32
      %dma_wait3A_340 = arith.constant 1 : i32
      %dma_wait3A_341 = arith.constant 0 : i32
      %dma_wait3A_342 = arith.constant 0 : i32
      %dma_wait3A_343 = tpu.memref_slice %arg10[%dma_wait3A_338, %dma_wait3A_341, %dma_wait3A_342] : memref<2x512x16xf32, #tpu.memory_space<vmem>> -> memref<1x512x16xf32, #tpu.memory_space<vmem>>
      %dma_wait3A_344 = tpu.memref_squeeze %dma_wait3A_343 : memref<1x512x16xf32, #tpu.memory_space<vmem>> -> memref<512x16xf32, #tpu.memory_space<vmem>>
      %dma_wait3A_345 = arith.constant 128 : i32
      %dma_wait3A_346 = arith.constant 0 : i32
      %dma_wait3A_347 = tpu.memref_slice %dma_wait3A_344[%dma_wait3A_345, %dma_wait3A_346] : memref<512x16xf32, #tpu.memory_space<vmem>> -> memref<128x16xf32, #tpu.memory_space<vmem>>
      %dma_wait3A_348 = arith.constant 0 : i32
      %dma_wait3A_349 = arith.constant 0 : i32
      %dma_wait3A_350 = tpu.memref_slice %arg9[%dma_wait3A_339, %dma_wait3A_348, %dma_wait3A_349] : memref<2x4x128xi32, #tpu.memory_space<vmem>> -> memref<1x4x128xi32, #tpu.memory_space<vmem>>
      %dma_wait3A_351 = tpu.memref_squeeze %dma_wait3A_350 : memref<1x4x128xi32, #tpu.memory_space<vmem>> -> memref<4x128xi32, #tpu.memory_space<vmem>>
      %dma_wait3A_352 = arith.constant 0 : i32
      %dma_wait3A_353 = tpu.memref_slice %dma_wait3A_351[%dma_wait3A_340, %dma_wait3A_352] : memref<4x128xi32, #tpu.memory_space<vmem>> -> memref<1x128xi32, #tpu.memory_space<vmem>>
      %dma_wait3A_354 = tpu.memref_squeeze %dma_wait3A_353 : memref<1x128xi32, #tpu.memory_space<vmem>> -> memref<128xi32, #tpu.memory_space<vmem>>
      %dma_wait3A_355 = arith.constant 0 : i32
      %dma_wait3A_356 = arith.constant 0 : i32
      %dma_wait3A_357 = tpu.memref_slice %arg13[%dma_wait3A_355, %dma_wait3A_356] : memref<104448x16xf32, #tpu.memory_space<vmem_shared>> -> memref<104448x16xf32, #tpu.memory_space<vmem_shared>>
      tpu.wait_indirect_dma semaphore(%arg12 : memref<!tpu.dma_semaphore, #tpu.memory_space<semaphore_mem>>) src(%dma_wait3A_347 : memref<128x16xf32, #tpu.memory_space<vmem>>) dst(%dma_wait3A_357 : memref<104448x16xf32, #tpu.memory_space<vmem_shared>>)
      %dma_wait3A_358 = arith.constant 1 : i32
      %dma_wait3A_359 = arith.constant 1 : i32
      %dma_wait3A_360 = arith.constant 2 : i32
      %dma_wait3A_361 = arith.constant 0 : i32
      %dma_wait3A_362 = arith.constant 0 : i32
      %dma_wait3A_363 = tpu.memref_slice %arg10[%dma_wait3A_358, %dma_wait3A_361, %dma_wait3A_362] : memref<2x512x16xf32, #tpu.memory_space<vmem>> -> memref<1x512x16xf32, #tpu.memory_space<vmem>>
      %dma_wait3A_364 = tpu.memref_squeeze %dma_wait3A_363 : memref<1x512x16xf32, #tpu.memory_space<vmem>> -> memref<512x16xf32, #tpu.memory_space<vmem>>
      %dma_wait3A_365 = arith.constant 256 : i32
      %dma_wait3A_366 = arith.constant 0 : i32
      %dma_wait3A_367 = tpu.memref_slice %dma_wait3A_364[%dma_wait3A_365, %dma_wait3A_366] : memref<512x16xf32, #tpu.memory_space<vmem>> -> memref<128x16xf32, #tpu.memory_space<vmem>>
      %dma_wait3A_368 = arith.constant 0 : i32
      %dma_wait3A_369 = arith.constant 0 : i32
      %dma_wait3A_370 = tpu.memref_slice %arg9[%dma_wait3A_359, %dma_wait3A_368, %dma_wait3A_369] : memref<2x4x128xi32, #tpu.memory_space<vmem>> -> memref<1x4x128xi32, #tpu.memory_space<vmem>>
      %dma_wait3A_371 = tpu.memref_squeeze %dma_wait3A_370 : memref<1x4x128xi32, #tpu.memory_space<vmem>> -> memref<4x128xi32, #tpu.memory_space<vmem>>
      %dma_wait3A_372 = arith.constant 0 : i32
      %dma_wait3A_373 = tpu.memref_slice %dma_wait3A_371[%dma_wait3A_360, %dma_wait3A_372] : memref<4x128xi32, #tpu.memory_space<vmem>> -> memref<1x128xi32, #tpu.memory_space<vmem>>
      %dma_wait3A_374 = tpu.memref_squeeze %dma_wait3A_373 : memref<1x128xi32, #tpu.memory_space<vmem>> -> memref<128xi32, #tpu.memory_space<vmem>>
      %dma_wait3A_375 = arith.constant 0 : i32
      %dma_wait3A_376 = arith.constant 0 : i32
      %dma_wait3A_377 = tpu.memref_slice %arg13[%dma_wait3A_375, %dma_wait3A_376] : memref<104448x16xf32, #tpu.memory_space<vmem_shared>> -> memref<104448x16xf32, #tpu.memory_space<vmem_shared>>
      tpu.wait_indirect_dma semaphore(%arg12 : memref<!tpu.dma_semaphore, #tpu.memory_space<semaphore_mem>>) src(%dma_wait3A_367 : memref<128x16xf32, #tpu.memory_space<vmem>>) dst(%dma_wait3A_377 : memref<104448x16xf32, #tpu.memory_space<vmem_shared>>)
      %dma_wait3A_378 = arith.constant 1 : i32
      %dma_wait3A_379 = arith.constant 1 : i32
      %dma_wait3A_380 = arith.constant 3 : i32
      %dma_wait3A_381 = arith.constant 0 : i32
      %dma_wait3A_382 = arith.constant 0 : i32
      %dma_wait3A_383 = tpu.memref_slice %arg10[%dma_wait3A_378, %dma_wait3A_381, %dma_wait3A_382] : memref<2x512x16xf32, #tpu.memory_space<vmem>> -> memref<1x512x16xf32, #tpu.memory_space<vmem>>
      %dma_wait3A_384 = tpu.memref_squeeze %dma_wait3A_383 : memref<1x512x16xf32, #tpu.memory_space<vmem>> -> memref<512x16xf32, #tpu.memory_space<vmem>>
      %dma_wait3A_385 = arith.constant 384 : i32
      %dma_wait3A_386 = arith.constant 0 : i32
      %dma_wait3A_387 = tpu.memref_slice %dma_wait3A_384[%dma_wait3A_385, %dma_wait3A_386] : memref<512x16xf32, #tpu.memory_space<vmem>> -> memref<128x16xf32, #tpu.memory_space<vmem>>
      %dma_wait3A_388 = arith.constant 0 : i32
      %dma_wait3A_389 = arith.constant 0 : i32
      %dma_wait3A_390 = tpu.memref_slice %arg9[%dma_wait3A_379, %dma_wait3A_388, %dma_wait3A_389] : memref<2x4x128xi32, #tpu.memory_space<vmem>> -> memref<1x4x128xi32, #tpu.memory_space<vmem>>
      %dma_wait3A_391 = tpu.memref_squeeze %dma_wait3A_390 : memref<1x4x128xi32, #tpu.memory_space<vmem>> -> memref<4x128xi32, #tpu.memory_space<vmem>>
      %dma_wait3A_392 = arith.constant 0 : i32
      %dma_wait3A_393 = tpu.memref_slice %dma_wait3A_391[%dma_wait3A_380, %dma_wait3A_392] : memref<4x128xi32, #tpu.memory_space<vmem>> -> memref<1x128xi32, #tpu.memory_space<vmem>>
      %dma_wait3A_394 = tpu.memref_squeeze %dma_wait3A_393 : memref<1x128xi32, #tpu.memory_space<vmem>> -> memref<128xi32, #tpu.memory_space<vmem>>
      %dma_wait3A_395 = arith.constant 0 : i32
      %dma_wait3A_396 = arith.constant 0 : i32
      %dma_wait3A_397 = tpu.memref_slice %arg13[%dma_wait3A_395, %dma_wait3A_396] : memref<104448x16xf32, #tpu.memory_space<vmem_shared>> -> memref<104448x16xf32, #tpu.memory_space<vmem_shared>>
      tpu.wait_indirect_dma semaphore(%arg12 : memref<!tpu.dma_semaphore, #tpu.memory_space<semaphore_mem>>) src(%dma_wait3A_387 : memref<128x16xf32, #tpu.memory_space<vmem>>) dst(%dma_wait3A_397 : memref<104448x16xf32, #tpu.memory_space<vmem_shared>>)
    }
    %scan3A_18 = arith.constant 98 : i32
    %barrier3A_19 = arith.constant 0 : index
    tpu.barrier barrier_id(%barrier3A_19)
    %mul3A_20 = arith.constant 6528 : i32
    %mul3A_21 = arith.muli %arg1, %mul3A_20 : i32
    %mul3A_22 = arith.constant 104448 : i32
    %mul3A_23 = arith.muli %arg0, %mul3A_22 : i32
    %mul3A_24 = arith.constant 6528 : i32
    %mul3A_25 = arith.muli %arg1, %mul3A_24 : i32
    %add3A_26 = arith.addi %mul3A_23, %mul3A_25 : i32
    "tpu.region"() ({
      %run_scoped3A_27 = tpu.sem_alloc : memref<!tpu.dma_semaphore, #tpu.memory_space<semaphore_mem>>
      %dma_start3A = arith.constant 0 : i32
      %dma_start3A_28 = tpu.memref_slice %arg7[%add3A_26, %dma_start3A] : memref<208896x16xf32, #tpu.memory_space<hbm>> -> memref<6528x16xf32, #tpu.memory_space<hbm>>
      %dma_start3A_29 = arith.constant 0 : i32
      %dma_start3A_30 = tpu.memref_slice %arg13[%mul3A_21, %dma_start3A_29] : memref<104448x16xf32, #tpu.memory_space<vmem_shared>> -> memref<6528x16xf32, #tpu.memory_space<vmem_shared>>
      tpu.enqueue_dma source(%dma_start3A_30 : memref<6528x16xf32, #tpu.memory_space<vmem_shared>>) target(%dma_start3A_28 : memref<6528x16xf32, #tpu.memory_space<hbm>>) target_semaphore(%run_scoped3A_27 : memref<!tpu.dma_semaphore, #tpu.memory_space<semaphore_mem>>)
      %dma_wait3A = arith.constant 0 : i32
      %dma_wait3A_31 = tpu.memref_slice %arg7[%add3A_26, %dma_wait3A] : memref<208896x16xf32, #tpu.memory_space<hbm>> -> memref<6528x16xf32, #tpu.memory_space<hbm>>
      %dma_wait3A_32 = arith.constant 0 : i32
      %dma_wait3A_33 = tpu.memref_slice %arg13[%mul3A_21, %dma_wait3A_32] : memref<104448x16xf32, #tpu.memory_space<vmem_shared>> -> memref<6528x16xf32, #tpu.memory_space<vmem_shared>>
      tpu.wait_dma2 semaphore(%run_scoped3A_27 : memref<!tpu.dma_semaphore, #tpu.memory_space<semaphore_mem>>) src(%dma_wait3A_33 : memref<6528x16xf32, #tpu.memory_space<vmem_shared>>) dst(%dma_wait3A_31 : memref<6528x16xf32, #tpu.memory_space<hbm>>)
      tpu.yield
    }) : () -> ()
    return
  }
}

#map = affine_map<(d0, d1) -> (0, 0)>
module attributes {stable_mosaic.version = 14 : i64} {
  func.func @_conv_body(%arg0: i32, %arg1: i32, %arg2: memref<102400x16xf32, #tpu.memory_space<hbm>>, %arg3: memref<102400x16xf32, #tpu.memory_space<hbm>>, %arg4: memref<12544x128xi32, #tpu.memory_space<hbm>>, %arg5: memref<12544x128xi32, #tpu.memory_space<hbm>>, %arg6: memref<6528x16xf32, #tpu.memory_space<hbm>>, %arg7: memref<208896x16xf32, #tpu.memory_space<hbm>>, %arg8: memref<2x4x128xi32, #tpu.memory_space<vmem>>, %arg9: memref<2x4x128xi32, #tpu.memory_space<vmem>>, %arg10: memref<2x512x16xf32, #tpu.memory_space<vmem>>, %arg11: memref<!tpu.dma_semaphore, #tpu.memory_space<semaphore_mem>>, %arg12: memref<!tpu.dma_semaphore, #tpu.memory_space<semaphore_mem>>, %arg13: memref<104448x16xf32, #tpu.memory_space<vmem_shared>>) attributes {dimension_semantics = [#tpu.dimension_semantics<core_parallel>, #tpu.dimension_semantics<subcore_parallel>], iteration_bounds = array<i64: 2, 16>, scalar_prefetch = 0 : i64, scratch_operands = 6 : i64, tpu.core_type = #tpu.core_type<sc_vector_subcore>, window_params = [{transform_indices = #map}, {transform_indices = #map}, {transform_indices = #map}, {transform_indices = #map}, {transform_indices = #map}, {transform_indices = #map}]} {
    %mul3A = arith.constant 6528 : i32
    %mul3A_0 = arith.muli %arg1, %mul3A : i32
    "tpu.region"() ({
      %run_scoped3A_27 = tpu.sem_alloc : memref<!tpu.dma_semaphore, #tpu.memory_space<semaphore_mem>>
      %dma_start3A = arith.constant 0 : i32
      %dma_start3A_28 = tpu.memref_slice %arg13[%mul3A_0, %dma_start3A] : memref<104448x16xf32, #tpu.memory_space<vmem_shared>> -> memref<6528x16xf32, #tpu.memory_space<vmem_shared>>
      tpu.enqueue_dma source(%arg6 : memref<6528x16xf32, #tpu.memory_space<hbm>>) target(%dma_start3A_28 : memref<6528x16xf32, #tpu.memory_space<vmem_shared>>) target_semaphore(%run_scoped3A_27 : memref<!tpu.dma_semaphore, #tpu.memory_space<semaphore_mem>>)
      %dma_wait3A = arith.constant 0 : i32
      %dma_wait3A_29 = tpu.memref_slice %arg13[%mul3A_0, %dma_wait3A] : memref<104448x16xf32, #tpu.memory_space<vmem_shared>> -> memref<6528x16xf32, #tpu.memory_space<vmem_shared>>
      tpu.wait_dma2 semaphore(%run_scoped3A_27 : memref<!tpu.dma_semaphore, #tpu.memory_space<semaphore_mem>>) src(%arg6 : memref<6528x16xf32, #tpu.memory_space<hbm>>) dst(%dma_wait3A_29 : memref<6528x16xf32, #tpu.memory_space<vmem_shared>>)
      tpu.yield
    }) : () -> ()
    %barrier3A = arith.constant 0 : index
    tpu.barrier barrier_id(%barrier3A)
    %mul3A_1 = arith.constant 196 : i32
    %mul3A_2 = arith.muli %arg1, %mul3A_1 : i32
    %add3A = arith.constant 0 : i32
    %add3A_3 = arith.addi %mul3A_2, %add3A : i32
    %mul3A_4 = arith.constant 4 : i32
    %mul3A_5 = arith.muli %add3A_3, %mul3A_4 : i32
    %run_scoped3A = arith.constant 0 : i32
    "tpu.region"() ({
      %run_scoped3A_27 = tpu.sem_alloc : memref<!tpu.dma_semaphore, #tpu.memory_space<semaphore_mem>>
      %dma_start3A = arith.constant 0 : i32
      %dma_start3A_28 = arith.constant 0 : i32
      %dma_start3A_29 = tpu.memref_slice %arg8[%run_scoped3A, %dma_start3A, %dma_start3A_28] : memref<2x4x128xi32, #tpu.memory_space<vmem>> -> memref<1x4x128xi32, #tpu.memory_space<vmem>>
      %dma_start3A_30 = tpu.memref_squeeze %dma_start3A_29 : memref<1x4x128xi32, #tpu.memory_space<vmem>> -> memref<4x128xi32, #tpu.memory_space<vmem>>
      %dma_start3A_31 = arith.constant 0 : i32
      %dma_start3A_32 = tpu.memref_slice %arg4[%mul3A_5, %dma_start3A_31] : memref<12544x128xi32, #tpu.memory_space<hbm>> -> memref<4x128xi32, #tpu.memory_space<hbm>>
      %dma_start3A_33 = arith.constant 0 : i32
      %dma_start3A_34 = arith.constant 0 : i32
      %dma_start3A_35 = tpu.memref_slice %arg8[%run_scoped3A, %dma_start3A_33, %dma_start3A_34] : memref<2x4x128xi32, #tpu.memory_space<vmem>> -> memref<1x4x128xi32, #tpu.memory_space<vmem>>
      %dma_start3A_36 = tpu.memref_squeeze %dma_start3A_35 : memref<1x4x128xi32, #tpu.memory_space<vmem>> -> memref<4x128xi32, #tpu.memory_space<vmem>>
      %dma_start3A_37 = arith.constant 0 : i32
      %dma_start3A_38 = tpu.memref_slice %arg4[%mul3A_5, %dma_start3A_37] : memref<12544x128xi32, #tpu.memory_space<hbm>> -> memref<4x128xi32, #tpu.memory_space<hbm>>
      tpu.enqueue_dma source(%dma_start3A_38 : memref<4x128xi32, #tpu.memory_space<hbm>>) target(%dma_start3A_36 : memref<4x128xi32, #tpu.memory_space<vmem>>) target_semaphore(%run_scoped3A_27 : memref<!tpu.dma_semaphore, #tpu.memory_space<semaphore_mem>>)
      %dma_wait3A = arith.constant 0 : i32
      %dma_wait3A_39 = arith.constant 0 : i32
      %dma_wait3A_40 = tpu.memref_slice %arg8[%run_scoped3A, %dma_wait3A, %dma_wait3A_39] : memref<2x4x128xi32, #tpu.memory_space<vmem>> -> memref<1x4x128xi32, #tpu.memory_space<vmem>>
      %dma_wait3A_41 = tpu.memref_squeeze %dma_wait3A_40 : memref<1x4x128xi32, #tpu.memory_space<vmem>> -> memref<4x128xi32, #tpu.memory_space<vmem>>
      %dma_wait3A_42 = arith.constant 0 : i32
      %dma_wait3A_43 = tpu.memref_slice %arg4[%mul3A_5, %dma_wait3A_42] : memref<12544x128xi32, #tpu.memory_space<hbm>> -> memref<4x128xi32, #tpu.memory_space<hbm>>
      %dma_wait3A_44 = arith.constant 0 : i32
      %dma_wait3A_45 = arith.constant 0 : i32
      %dma_wait3A_46 = tpu.memref_slice %arg8[%run_scoped3A, %dma_wait3A_44, %dma_wait3A_45] : memref<2x4x128xi32, #tpu.memory_space<vmem>> -> memref<1x4x128xi32, #tpu.memory_space<vmem>>
      %dma_wait3A_47 = tpu.memref_squeeze %dma_wait3A_46 : memref<1x4x128xi32, #tpu.memory_space<vmem>> -> memref<4x128xi32, #tpu.memory_space<vmem>>
      %dma_wait3A_48 = arith.constant 0 : i32
      %dma_wait3A_49 = tpu.memref_slice %arg4[%mul3A_5, %dma_wait3A_48] : memref<12544x128xi32, #tpu.memory_space<hbm>> -> memref<4x128xi32, #tpu.memory_space<hbm>>
      tpu.wait_dma2 semaphore(%run_scoped3A_27 : memref<!tpu.dma_semaphore, #tpu.memory_space<semaphore_mem>>) src(%dma_wait3A_49 : memref<4x128xi32, #tpu.memory_space<hbm>>) dst(%dma_wait3A_47 : memref<4x128xi32, #tpu.memory_space<vmem>>)
      tpu.yield
    }) : () -> ()
    %run_scoped3A_6 = arith.constant 0 : i32
    "tpu.region"() ({
      %run_scoped3A_27 = tpu.sem_alloc : memref<!tpu.dma_semaphore, #tpu.memory_space<semaphore_mem>>
      %dma_start3A = arith.constant 0 : i32
      %dma_start3A_28 = arith.constant 0 : i32
      %dma_start3A_29 = tpu.memref_slice %arg9[%run_scoped3A_6, %dma_start3A, %dma_start3A_28] : memref<2x4x128xi32, #tpu.memory_space<vmem>> -> memref<1x4x128xi32, #tpu.memory_space<vmem>>
      %dma_start3A_30 = tpu.memref_squeeze %dma_start3A_29 : memref<1x4x128xi32, #tpu.memory_space<vmem>> -> memref<4x128xi32, #tpu.memory_space<vmem>>
      %dma_start3A_31 = arith.constant 0 : i32
      %dma_start3A_32 = tpu.memref_slice %arg5[%mul3A_5, %dma_start3A_31] : memref<12544x128xi32, #tpu.memory_space<hbm>> -> memref<4x128xi32, #tpu.memory_space<hbm>>
      %dma_start3A_33 = arith.constant 0 : i32
      %dma_start3A_34 = arith.constant 0 : i32
      %dma_start3A_35 = tpu.memref_slice %arg9[%run_scoped3A_6, %dma_start3A_33, %dma_start3A_34] : memref<2x4x128xi32, #tpu.memory_space<vmem>> -> memref<1x4x128xi32, #tpu.memory_space<vmem>>
      %dma_start3A_36 = tpu.memref_squeeze %dma_start3A_35 : memref<1x4x128xi32, #tpu.memory_space<vmem>> -> memref<4x128xi32, #tpu.memory_space<vmem>>
      %dma_start3A_37 = arith.constant 0 : i32
      %dma_start3A_38 = tpu.memref_slice %arg5[%mul3A_5, %dma_start3A_37] : memref<12544x128xi32, #tpu.memory_space<hbm>> -> memref<4x128xi32, #tpu.memory_space<hbm>>
      tpu.enqueue_dma source(%dma_start3A_38 : memref<4x128xi32, #tpu.memory_space<hbm>>) target(%dma_start3A_36 : memref<4x128xi32, #tpu.memory_space<vmem>>) target_semaphore(%run_scoped3A_27 : memref<!tpu.dma_semaphore, #tpu.memory_space<semaphore_mem>>)
      %dma_wait3A = arith.constant 0 : i32
      %dma_wait3A_39 = arith.constant 0 : i32
      %dma_wait3A_40 = tpu.memref_slice %arg9[%run_scoped3A_6, %dma_wait3A, %dma_wait3A_39] : memref<2x4x128xi32, #tpu.memory_space<vmem>> -> memref<1x4x128xi32, #tpu.memory_space<vmem>>
      %dma_wait3A_41 = tpu.memref_squeeze %dma_wait3A_40 : memref<1x4x128xi32, #tpu.memory_space<vmem>> -> memref<4x128xi32, #tpu.memory_space<vmem>>
      %dma_wait3A_42 = arith.constant 0 : i32
      %dma_wait3A_43 = tpu.memref_slice %arg5[%mul3A_5, %dma_wait3A_42] : memref<12544x128xi32, #tpu.memory_space<hbm>> -> memref<4x128xi32, #tpu.memory_space<hbm>>
      %dma_wait3A_44 = arith.constant 0 : i32
      %dma_wait3A_45 = arith.constant 0 : i32
      %dma_wait3A_46 = tpu.memref_slice %arg9[%run_scoped3A_6, %dma_wait3A_44, %dma_wait3A_45] : memref<2x4x128xi32, #tpu.memory_space<vmem>> -> memref<1x4x128xi32, #tpu.memory_space<vmem>>
      %dma_wait3A_47 = tpu.memref_squeeze %dma_wait3A_46 : memref<1x4x128xi32, #tpu.memory_space<vmem>> -> memref<4x128xi32, #tpu.memory_space<vmem>>
      %dma_wait3A_48 = arith.constant 0 : i32
      %dma_wait3A_49 = tpu.memref_slice %arg5[%mul3A_5, %dma_wait3A_48] : memref<12544x128xi32, #tpu.memory_space<hbm>> -> memref<4x128xi32, #tpu.memory_space<hbm>>
      tpu.wait_dma2 semaphore(%run_scoped3A_27 : memref<!tpu.dma_semaphore, #tpu.memory_space<semaphore_mem>>) src(%dma_wait3A_49 : memref<4x128xi32, #tpu.memory_space<hbm>>) dst(%dma_wait3A_47 : memref<4x128xi32, #tpu.memory_space<vmem>>)
      tpu.yield
    }) : () -> ()
    %eq3A = arith.constant 0 : i32
    %eq3A_7 = arith.cmpi eq, %arg0, %eq3A : i32
    %convert_element_type3A = arith.extui %eq3A_7 : i1 to i32
    %cond3A = arith.constant 0 : i32
    %cond3A_8 = arith.cmpi ne, %convert_element_type3A, %cond3A : i32
    scf.if %cond3A_8 {
      %dma_start3A = arith.constant 0 : i32
      %dma_start3A_27 = arith.constant 0 : i32
      %dma_start3A_28 = arith.constant 0 : i32
      %dma_start3A_29 = arith.constant 0 : i32
      %dma_start3A_30 = arith.constant 0 : i32
      %dma_start3A_31 = tpu.memref_slice %arg10[%dma_start3A_28, %dma_start3A_29, %dma_start3A_30] : memref<2x512x16xf32, #tpu.memory_space<vmem>> -> memref<1x512x16xf32, #tpu.memory_space<vmem>>
      %dma_start3A_32 = tpu.memref_squeeze %dma_start3A_31 : memref<1x512x16xf32, #tpu.memory_space<vmem>> -> memref<512x16xf32, #tpu.memory_space<vmem>>
      %dma_start3A_33 = arith.constant 0 : i32
      %dma_start3A_34 = arith.constant 0 : i32
      %dma_start3A_35 = tpu.memref_slice %dma_start3A_32[%dma_start3A_33, %dma_start3A_34] : memref<512x16xf32, #tpu.memory_space<vmem>> -> memref<128x16xf32, #tpu.memory_space<vmem>>
      %dma_start3A_36 = arith.constant 0 : i32
      %dma_start3A_37 = arith.constant 0 : i32
      %dma_start3A_38 = tpu.memref_slice %arg8[%dma_start3A, %dma_start3A_36, %dma_start3A_37] : memref<2x4x128xi32, #tpu.memory_space<vmem>> -> memref<1x4x128xi32, #tpu.memory_space<vmem>>
      %dma_start3A_39 = tpu.memref_squeeze %dma_start3A_38 : memref<1x4x128xi32, #tpu.memory_space<vmem>> -> memref<4x128xi32, #tpu.memory_space<vmem>>
      %dma_start3A_40 = arith.constant 0 : i32
      %dma_start3A_41 = tpu.memref_slice %dma_start3A_39[%dma_start3A_27, %dma_start3A_40] : memref<4x128xi32, #tpu.memory_space<vmem>> -> memref<1x128xi32, #tpu.memory_space<vmem>>
      %dma_start3A_42 = tpu.memref_squeeze %dma_start3A_41 : memref<1x128xi32, #tpu.memory_space<vmem>> -> memref<128xi32, #tpu.memory_space<vmem>>
      %dma_start3A_43 = arith.constant 0 : i32
      %dma_start3A_44 = arith.constant 0 : i32
      %dma_start3A_45 = tpu.memref_slice %arg2[%dma_start3A_43, %dma_start3A_44] : memref<102400x16xf32, #tpu.memory_space<hbm>> -> memref<102400x16xf32, #tpu.memory_space<hbm>>
      tpu.enqueue_indirect_dma source(%dma_start3A_45 : memref<102400x16xf32, #tpu.memory_space<hbm>>) target(%dma_start3A_35 : memref<128x16xf32, #tpu.memory_space<vmem>>) offsets(%dma_start3A_42 : memref<128xi32, #tpu.memory_space<vmem>>) semaphore(%arg11 : memref<!tpu.dma_semaphore, #tpu.memory_space<semaphore_mem>>)
      %dma_start3A_46 = arith.constant 0 : i32
      %dma_start3A_47 = arith.constant 1 : i32
      %dma_start3A_48 = arith.constant 0 : i32
      %dma_start3A_49 = arith.constant 0 : i32
      %dma_start3A_50 = arith.constant 0 : i32
      %dma_start3A_51 = tpu.memref_slice %arg10[%dma_start3A_48, %dma_start3A_49, %dma_start3A_50] : memref<2x512x16xf32, #tpu.memory_space<vmem>> -> memref<1x512x16xf32, #tpu.memory_space<vmem>>
      %dma_start3A_52 = tpu.memref_squeeze %dma_start3A_51 : memref<1x512x16xf32, #tpu.memory_space<vmem>> -> memref<512x16xf32, #tpu.memory_space<vmem>>
      %dma_start3A_53 = arith.constant 128 : i32
      %dma_start3A_54 = arith.constant 0 : i32
      %dma_start3A_55 = tpu.memref_slice %dma_start3A_52[%dma_start3A_53, %dma_start3A_54] : memref<512x16xf32, #tpu.memory_space<vmem>> -> memref<128x16xf32, #tpu.memory_space<vmem>>
      %dma_start3A_56 = arith.constant 0 : i32
      %dma_start3A_57 = arith.constant 0 : i32
      %dma_start3A_58 = tpu.memref_slice %arg8[%dma_start3A_46, %dma_start3A_56, %dma_start3A_57] : memref<2x4x128xi32, #tpu.memory_space<vmem>> -> memref<1x4x128xi32, #tpu.memory_space<vmem>>
      %dma_start3A_59 = tpu.memref_squeeze %dma_start3A_58 : memref<1x4x128xi32, #tpu.memory_space<vmem>> -> memref<4x128xi32, #tpu.memory_space<vmem>>
      %dma_start3A_60 = arith.constant 0 : i32
      %dma_start3A_61 = tpu.memref_slice %dma_start3A_59[%dma_start3A_47, %dma_start3A_60] : memref<4x128xi32, #tpu.memory_space<vmem>> -> memref<1x128xi32, #tpu.memory_space<vmem>>
      %dma_start3A_62 = tpu.memref_squeeze %dma_start3A_61 : memref<1x128xi32, #tpu.memory_space<vmem>> -> memref<128xi32, #tpu.memory_space<vmem>>
      %dma_start3A_63 = arith.constant 0 : i32
      %dma_start3A_64 = arith.constant 0 : i32
      %dma_start3A_65 = tpu.memref_slice %arg2[%dma_start3A_63, %dma_start3A_64] : memref<102400x16xf32, #tpu.memory_space<hbm>> -> memref<102400x16xf32, #tpu.memory_space<hbm>>
      tpu.enqueue_indirect_dma source(%dma_start3A_65 : memref<102400x16xf32, #tpu.memory_space<hbm>>) target(%dma_start3A_55 : memref<128x16xf32, #tpu.memory_space<vmem>>) offsets(%dma_start3A_62 : memref<128xi32, #tpu.memory_space<vmem>>) semaphore(%arg11 : memref<!tpu.dma_semaphore, #tpu.memory_space<semaphore_mem>>)
      %dma_start3A_66 = arith.constant 0 : i32
      %dma_start3A_67 = arith.constant 2 : i32
      %dma_start3A_68 = arith.constant 0 : i32
      %dma_start3A_69 = arith.constant 0 : i32
      %dma_start3A_70 = arith.constant 0 : i32
      %dma_start3A_71 = tpu.memref_slice %arg10[%dma_start3A_68, %dma_start3A_69, %dma_start3A_70] : memref<2x512x16xf32, #tpu.memory_space<vmem>> -> memref<1x512x16xf32, #tpu.memory_space<vmem>>
      %dma_start3A_72 = tpu.memref_squeeze %dma_start3A_71 : memref<1x512x16xf32, #tpu.memory_space<vmem>> -> memref<512x16xf32, #tpu.memory_space<vmem>>
      %dma_start3A_73 = arith.constant 256 : i32
      %dma_start3A_74 = arith.constant 0 : i32
      %dma_start3A_75 = tpu.memref_slice %dma_start3A_72[%dma_start3A_73, %dma_start3A_74] : memref<512x16xf32, #tpu.memory_space<vmem>> -> memref<128x16xf32, #tpu.memory_space<vmem>>
      %dma_start3A_76 = arith.constant 0 : i32
      %dma_start3A_77 = arith.constant 0 : i32
      %dma_start3A_78 = tpu.memref_slice %arg8[%dma_start3A_66, %dma_start3A_76, %dma_start3A_77] : memref<2x4x128xi32, #tpu.memory_space<vmem>> -> memref<1x4x128xi32, #tpu.memory_space<vmem>>
      %dma_start3A_79 = tpu.memref_squeeze %dma_start3A_78 : memref<1x4x128xi32, #tpu.memory_space<vmem>> -> memref<4x128xi32, #tpu.memory_space<vmem>>
      %dma_start3A_80 = arith.constant 0 : i32
      %dma_start3A_81 = tpu.memref_slice %dma_start3A_79[%dma_start3A_67, %dma_start3A_80] : memref<4x128xi32, #tpu.memory_space<vmem>> -> memref<1x128xi32, #tpu.memory_space<vmem>>
      %dma_start3A_82 = tpu.memref_squeeze %dma_start3A_81 : memref<1x128xi32, #tpu.memory_space<vmem>> -> memref<128xi32, #tpu.memory_space<vmem>>
      %dma_start3A_83 = arith.constant 0 : i32
      %dma_start3A_84 = arith.constant 0 : i32
      %dma_start3A_85 = tpu.memref_slice %arg2[%dma_start3A_83, %dma_start3A_84] : memref<102400x16xf32, #tpu.memory_space<hbm>> -> memref<102400x16xf32, #tpu.memory_space<hbm>>
      tpu.enqueue_indirect_dma source(%dma_start3A_85 : memref<102400x16xf32, #tpu.memory_space<hbm>>) target(%dma_start3A_75 : memref<128x16xf32, #tpu.memory_space<vmem>>) offsets(%dma_start3A_82 : memref<128xi32, #tpu.memory_space<vmem>>) semaphore(%arg11 : memref<!tpu.dma_semaphore, #tpu.memory_space<semaphore_mem>>)
      %dma_start3A_86 = arith.constant 0 : i32
      %dma_start3A_87 = arith.constant 3 : i32
      %dma_start3A_88 = arith.constant 0 : i32
      %dma_start3A_89 = arith.constant 0 : i32
      %dma_start3A_90 = arith.constant 0 : i32
      %dma_start3A_91 = tpu.memref_slice %arg10[%dma_start3A_88, %dma_start3A_89, %dma_start3A_90] : memref<2x512x16xf32, #tpu.memory_space<vmem>> -> memref<1x512x16xf32, #tpu.memory_space<vmem>>
      %dma_start3A_92 = tpu.memref_squeeze %dma_start3A_91 : memref<1x512x16xf32, #tpu.memory_space<vmem>> -> memref<512x16xf32, #tpu.memory_space<vmem>>
      %dma_start3A_93 = arith.constant 384 : i32
      %dma_start3A_94 = arith.constant 0 : i32
      %dma_start3A_95 = tpu.memref_slice %dma_start3A_92[%dma_start3A_93, %dma_start3A_94] : memref<512x16xf32, #tpu.memory_space<vmem>> -> memref<128x16xf32, #tpu.memory_space<vmem>>
      %dma_start3A_96 = arith.constant 0 : i32
      %dma_start3A_97 = arith.constant 0 : i32
      %dma_start3A_98 = tpu.memref_slice %arg8[%dma_start3A_86, %dma_start3A_96, %dma_start3A_97] : memref<2x4x128xi32, #tpu.memory_space<vmem>> -> memref<1x4x128xi32, #tpu.memory_space<vmem>>
      %dma_start3A_99 = tpu.memref_squeeze %dma_start3A_98 : memref<1x4x128xi32, #tpu.memory_space<vmem>> -> memref<4x128xi32, #tpu.memory_space<vmem>>
      %dma_start3A_100 = arith.constant 0 : i32
      %dma_start3A_101 = tpu.memref_slice %dma_start3A_99[%dma_start3A_87, %dma_start3A_100] : memref<4x128xi32, #tpu.memory_space<vmem>> -> memref<1x128xi32, #tpu.memory_space<vmem>>
      %dma_start3A_102 = tpu.memref_squeeze %dma_start3A_101 : memref<1x128xi32, #tpu.memory_space<vmem>> -> memref<128xi32, #tpu.memory_space<vmem>>
      %dma_start3A_103 = arith.constant 0 : i32
      %dma_start3A_104 = arith.constant 0 : i32
      %dma_start3A_105 = tpu.memref_slice %arg2[%dma_start3A_103, %dma_start3A_104] : memref<102400x16xf32, #tpu.memory_space<hbm>> -> memref<102400x16xf32, #tpu.memory_space<hbm>>
      tpu.enqueue_indirect_dma source(%dma_start3A_105 : memref<102400x16xf32, #tpu.memory_space<hbm>>) target(%dma_start3A_95 : memref<128x16xf32, #tpu.memory_space<vmem>>) offsets(%dma_start3A_102 : memref<128xi32, #tpu.memory_space<vmem>>) semaphore(%arg11 : memref<!tpu.dma_semaphore, #tpu.memory_space<semaphore_mem>>)
    } else {
    }
    %eq3A_9 = arith.constant 1 : i32
    %eq3A_10 = arith.cmpi eq, %arg0, %eq3A_9 : i32
    %convert_element_type3A_11 = arith.extui %eq3A_10 : i1 to i32
    %cond3A_12 = arith.constant 0 : i32
    %cond3A_13 = arith.cmpi ne, %convert_element_type3A_11, %cond3A_12 : i32
    scf.if %cond3A_13 {
      %dma_start3A = arith.constant 0 : i32
      %dma_start3A_27 = arith.constant 0 : i32
      %dma_start3A_28 = arith.constant 0 : i32
      %dma_start3A_29 = arith.constant 0 : i32
      %dma_start3A_30 = arith.constant 0 : i32
      %dma_start3A_31 = tpu.memref_slice %arg10[%dma_start3A_28, %dma_start3A_29, %dma_start3A_30] : memref<2x512x16xf32, #tpu.memory_space<vmem>> -> memref<1x512x16xf32, #tpu.memory_space<vmem>>
      %dma_start3A_32 = tpu.memref_squeeze %dma_start3A_31 : memref<1x512x16xf32, #tpu.memory_space<vmem>> -> memref<512x16xf32, #tpu.memory_space<vmem>>
      %dma_start3A_33 = arith.constant 0 : i32
      %dma_start3A_34 = arith.constant 0 : i32
      %dma_start3A_35 = tpu.memref_slice %dma_start3A_32[%dma_start3A_33, %dma_start3A_34] : memref<512x16xf32, #tpu.memory_space<vmem>> -> memref<128x16xf32, #tpu.memory_space<vmem>>
      %dma_start3A_36 = arith.constant 0 : i32
      %dma_start3A_37 = arith.constant 0 : i32
      %dma_start3A_38 = tpu.memref_slice %arg8[%dma_start3A, %dma_start3A_36, %dma_start3A_37] : memref<2x4x128xi32, #tpu.memory_space<vmem>> -> memref<1x4x128xi32, #tpu.memory_space<vmem>>
      %dma_start3A_39 = tpu.memref_squeeze %dma_start3A_38 : memref<1x4x128xi32, #tpu.memory_space<vmem>> -> memref<4x128xi32, #tpu.memory_space<vmem>>
      %dma_start3A_40 = arith.constant 0 : i32
      %dma_start3A_41 = tpu.memref_slice %dma_start3A_39[%dma_start3A_27, %dma_start3A_40] : memref<4x128xi32, #tpu.memory_space<vmem>> -> memref<1x128xi32, #tpu.memory_space<vmem>>
      %dma_start3A_42 = tpu.memref_squeeze %dma_start3A_41 : memref<1x128xi32, #tpu.memory_space<vmem>> -> memref<128xi32, #tpu.memory_space<vmem>>
      %dma_start3A_43 = arith.constant 0 : i32
      %dma_start3A_44 = arith.constant 0 : i32
      %dma_start3A_45 = tpu.memref_slice %arg3[%dma_start3A_43, %dma_start3A_44] : memref<102400x16xf32, #tpu.memory_space<hbm>> -> memref<102400x16xf32, #tpu.memory_space<hbm>>
      tpu.enqueue_indirect_dma source(%dma_start3A_45 : memref<102400x16xf32, #tpu.memory_space<hbm>>) target(%dma_start3A_35 : memref<128x16xf32, #tpu.memory_space<vmem>>) offsets(%dma_start3A_42 : memref<128xi32, #tpu.memory_space<vmem>>) semaphore(%arg11 : memref<!tpu.dma_semaphore, #tpu.memory_space<semaphore_mem>>)
      %dma_start3A_46 = arith.constant 0 : i32
      %dma_start3A_47 = arith.constant 1 : i32
      %dma_start3A_48 = arith.constant 0 : i32
      %dma_start3A_49 = arith.constant 0 : i32
      %dma_start3A_50 = arith.constant 0 : i32
      %dma_start3A_51 = tpu.memref_slice %arg10[%dma_start3A_48, %dma_start3A_49, %dma_start3A_50] : memref<2x512x16xf32, #tpu.memory_space<vmem>> -> memref<1x512x16xf32, #tpu.memory_space<vmem>>
      %dma_start3A_52 = tpu.memref_squeeze %dma_start3A_51 : memref<1x512x16xf32, #tpu.memory_space<vmem>> -> memref<512x16xf32, #tpu.memory_space<vmem>>
      %dma_start3A_53 = arith.constant 128 : i32
      %dma_start3A_54 = arith.constant 0 : i32
      %dma_start3A_55 = tpu.memref_slice %dma_start3A_52[%dma_start3A_53, %dma_start3A_54] : memref<512x16xf32, #tpu.memory_space<vmem>> -> memref<128x16xf32, #tpu.memory_space<vmem>>
      %dma_start3A_56 = arith.constant 0 : i32
      %dma_start3A_57 = arith.constant 0 : i32
      %dma_start3A_58 = tpu.memref_slice %arg8[%dma_start3A_46, %dma_start3A_56, %dma_start3A_57] : memref<2x4x128xi32, #tpu.memory_space<vmem>> -> memref<1x4x128xi32, #tpu.memory_space<vmem>>
      %dma_start3A_59 = tpu.memref_squeeze %dma_start3A_58 : memref<1x4x128xi32, #tpu.memory_space<vmem>> -> memref<4x128xi32, #tpu.memory_space<vmem>>
      %dma_start3A_60 = arith.constant 0 : i32
      %dma_start3A_61 = tpu.memref_slice %dma_start3A_59[%dma_start3A_47, %dma_start3A_60] : memref<4x128xi32, #tpu.memory_space<vmem>> -> memref<1x128xi32, #tpu.memory_space<vmem>>
      %dma_start3A_62 = tpu.memref_squeeze %dma_start3A_61 : memref<1x128xi32, #tpu.memory_space<vmem>> -> memref<128xi32, #tpu.memory_space<vmem>>
      %dma_start3A_63 = arith.constant 0 : i32
      %dma_start3A_64 = arith.constant 0 : i32
      %dma_start3A_65 = tpu.memref_slice %arg3[%dma_start3A_63, %dma_start3A_64] : memref<102400x16xf32, #tpu.memory_space<hbm>> -> memref<102400x16xf32, #tpu.memory_space<hbm>>
      tpu.enqueue_indirect_dma source(%dma_start3A_65 : memref<102400x16xf32, #tpu.memory_space<hbm>>) target(%dma_start3A_55 : memref<128x16xf32, #tpu.memory_space<vmem>>) offsets(%dma_start3A_62 : memref<128xi32, #tpu.memory_space<vmem>>) semaphore(%arg11 : memref<!tpu.dma_semaphore, #tpu.memory_space<semaphore_mem>>)
      %dma_start3A_66 = arith.constant 0 : i32
      %dma_start3A_67 = arith.constant 2 : i32
      %dma_start3A_68 = arith.constant 0 : i32
      %dma_start3A_69 = arith.constant 0 : i32
      %dma_start3A_70 = arith.constant 0 : i32
      %dma_start3A_71 = tpu.memref_slice %arg10[%dma_start3A_68, %dma_start3A_69, %dma_start3A_70] : memref<2x512x16xf32, #tpu.memory_space<vmem>> -> memref<1x512x16xf32, #tpu.memory_space<vmem>>
      %dma_start3A_72 = tpu.memref_squeeze %dma_start3A_71 : memref<1x512x16xf32, #tpu.memory_space<vmem>> -> memref<512x16xf32, #tpu.memory_space<vmem>>
      %dma_start3A_73 = arith.constant 256 : i32
      %dma_start3A_74 = arith.constant 0 : i32
      %dma_start3A_75 = tpu.memref_slice %dma_start3A_72[%dma_start3A_73, %dma_start3A_74] : memref<512x16xf32, #tpu.memory_space<vmem>> -> memref<128x16xf32, #tpu.memory_space<vmem>>
      %dma_start3A_76 = arith.constant 0 : i32
      %dma_start3A_77 = arith.constant 0 : i32
      %dma_start3A_78 = tpu.memref_slice %arg8[%dma_start3A_66, %dma_start3A_76, %dma_start3A_77] : memref<2x4x128xi32, #tpu.memory_space<vmem>> -> memref<1x4x128xi32, #tpu.memory_space<vmem>>
      %dma_start3A_79 = tpu.memref_squeeze %dma_start3A_78 : memref<1x4x128xi32, #tpu.memory_space<vmem>> -> memref<4x128xi32, #tpu.memory_space<vmem>>
      %dma_start3A_80 = arith.constant 0 : i32
      %dma_start3A_81 = tpu.memref_slice %dma_start3A_79[%dma_start3A_67, %dma_start3A_80] : memref<4x128xi32, #tpu.memory_space<vmem>> -> memref<1x128xi32, #tpu.memory_space<vmem>>
      %dma_start3A_82 = tpu.memref_squeeze %dma_start3A_81 : memref<1x128xi32, #tpu.memory_space<vmem>> -> memref<128xi32, #tpu.memory_space<vmem>>
      %dma_start3A_83 = arith.constant 0 : i32
      %dma_start3A_84 = arith.constant 0 : i32
      %dma_start3A_85 = tpu.memref_slice %arg3[%dma_start3A_83, %dma_start3A_84] : memref<102400x16xf32, #tpu.memory_space<hbm>> -> memref<102400x16xf32, #tpu.memory_space<hbm>>
      tpu.enqueue_indirect_dma source(%dma_start3A_85 : memref<102400x16xf32, #tpu.memory_space<hbm>>) target(%dma_start3A_75 : memref<128x16xf32, #tpu.memory_space<vmem>>) offsets(%dma_start3A_82 : memref<128xi32, #tpu.memory_space<vmem>>) semaphore(%arg11 : memref<!tpu.dma_semaphore, #tpu.memory_space<semaphore_mem>>)
      %dma_start3A_86 = arith.constant 0 : i32
      %dma_start3A_87 = arith.constant 3 : i32
      %dma_start3A_88 = arith.constant 0 : i32
      %dma_start3A_89 = arith.constant 0 : i32
      %dma_start3A_90 = arith.constant 0 : i32
      %dma_start3A_91 = tpu.memref_slice %arg10[%dma_start3A_88, %dma_start3A_89, %dma_start3A_90] : memref<2x512x16xf32, #tpu.memory_space<vmem>> -> memref<1x512x16xf32, #tpu.memory_space<vmem>>
      %dma_start3A_92 = tpu.memref_squeeze %dma_start3A_91 : memref<1x512x16xf32, #tpu.memory_space<vmem>> -> memref<512x16xf32, #tpu.memory_space<vmem>>
      %dma_start3A_93 = arith.constant 384 : i32
      %dma_start3A_94 = arith.constant 0 : i32
      %dma_start3A_95 = tpu.memref_slice %dma_start3A_92[%dma_start3A_93, %dma_start3A_94] : memref<512x16xf32, #tpu.memory_space<vmem>> -> memref<128x16xf32, #tpu.memory_space<vmem>>
      %dma_start3A_96 = arith.constant 0 : i32
      %dma_start3A_97 = arith.constant 0 : i32
      %dma_start3A_98 = tpu.memref_slice %arg8[%dma_start3A_86, %dma_start3A_96, %dma_start3A_97] : memref<2x4x128xi32, #tpu.memory_space<vmem>> -> memref<1x4x128xi32, #tpu.memory_space<vmem>>
      %dma_start3A_99 = tpu.memref_squeeze %dma_start3A_98 : memref<1x4x128xi32, #tpu.memory_space<vmem>> -> memref<4x128xi32, #tpu.memory_space<vmem>>
      %dma_start3A_100 = arith.constant 0 : i32
      %dma_start3A_101 = tpu.memref_slice %dma_start3A_99[%dma_start3A_87, %dma_start3A_100] : memref<4x128xi32, #tpu.memory_space<vmem>> -> memref<1x128xi32, #tpu.memory_space<vmem>>
      %dma_start3A_102 = tpu.memref_squeeze %dma_start3A_101 : memref<1x128xi32, #tpu.memory_space<vmem>> -> memref<128xi32, #tpu.memory_space<vmem>>
      %dma_start3A_103 = arith.constant 0 : i32
      %dma_start3A_104 = arith.constant 0 : i32
      %dma_start3A_105 = tpu.memref_slice %arg3[%dma_start3A_103, %dma_start3A_104] : memref<102400x16xf32, #tpu.memory_space<hbm>> -> memref<102400x16xf32, #tpu.memory_space<hbm>>
      tpu.enqueue_indirect_dma source(%dma_start3A_105 : memref<102400x16xf32, #tpu.memory_space<hbm>>) target(%dma_start3A_95 : memref<128x16xf32, #tpu.memory_space<vmem>>) offsets(%dma_start3A_102 : memref<128xi32, #tpu.memory_space<vmem>>) semaphore(%arg11 : memref<!tpu.dma_semaphore, #tpu.memory_space<semaphore_mem>>)
    } else {
    }
    %scan3A = arith.constant 0 : i32
    %scan3A_14 = arith.constant 0 : i32
    %scan3A_15 = arith.constant 98 : i32
    %scan3A_16 = arith.addi %scan3A_14, %scan3A_15 : i32
    %scan3A_17 = arith.constant 1 : i32
    scf.for %scan3A_27 = %scan3A_14 to %scan3A_16 step %scan3A_17  : i32 {
      %mul3A_28 = arith.constant 2 : i32
      %mul3A_29 = arith.muli %mul3A_28, %scan3A_27 : i32
      %add3A_30 = arith.constant 1 : i32
      %add3A_31 = arith.addi %mul3A_29, %add3A_30 : i32
      %add3A_32 = arith.addi %mul3A_2, %add3A_31 : i32
      %mul3A_33 = arith.constant 4 : i32
      %mul3A_34 = arith.muli %add3A_32, %mul3A_33 : i32
      %run_scoped3A_35 = arith.constant 1 : i32
      "tpu.region"() ({
        %run_scoped3A_398 = tpu.sem_alloc : memref<!tpu.dma_semaphore, #tpu.memory_space<semaphore_mem>>
        %dma_start3A_399 = arith.constant 0 : i32
        %dma_start3A_400 = arith.constant 0 : i32
        %dma_start3A_401 = tpu.memref_slice %arg8[%run_scoped3A_35, %dma_start3A_399, %dma_start3A_400] : memref<2x4x128xi32, #tpu.memory_space<vmem>> -> memref<1x4x128xi32, #tpu.memory_space<vmem>>
        %dma_start3A_402 = tpu.memref_squeeze %dma_start3A_401 : memref<1x4x128xi32, #tpu.memory_space<vmem>> -> memref<4x128xi32, #tpu.memory_space<vmem>>
        %dma_start3A_403 = arith.constant 0 : i32
        %dma_start3A_404 = tpu.memref_slice %arg4[%mul3A_34, %dma_start3A_403] : memref<12544x128xi32, #tpu.memory_space<hbm>> -> memref<4x128xi32, #tpu.memory_space<hbm>>
        %dma_start3A_405 = arith.constant 0 : i32
        %dma_start3A_406 = arith.constant 0 : i32
        %dma_start3A_407 = tpu.memref_slice %arg8[%run_scoped3A_35, %dma_start3A_405, %dma_start3A_406] : memref<2x4x128xi32, #tpu.memory_space<vmem>> -> memref<1x4x128xi32, #tpu.memory_space<vmem>>
        %dma_start3A_408 = tpu.memref_squeeze %dma_start3A_407 : memref<1x4x128xi32, #tpu.memory_space<vmem>> -> memref<4x128xi32, #tpu.memory_space<vmem>>
        %dma_start3A_409 = arith.constant 0 : i32
        %dma_start3A_410 = tpu.memref_slice %arg4[%mul3A_34, %dma_start3A_409] : memref<12544x128xi32, #tpu.memory_space<hbm>> -> memref<4x128xi32, #tpu.memory_space<hbm>>
        tpu.enqueue_dma source(%dma_start3A_410 : memref<4x128xi32, #tpu.memory_space<hbm>>) target(%dma_start3A_408 : memref<4x128xi32, #tpu.memory_space<vmem>>) target_semaphore(%run_scoped3A_398 : memref<!tpu.dma_semaphore, #tpu.memory_space<semaphore_mem>>)
        %dma_wait3A_411 = arith.constant 0 : i32
        %dma_wait3A_412 = arith.constant 0 : i32
        %dma_wait3A_413 = tpu.memref_slice %arg8[%run_scoped3A_35, %dma_wait3A_411, %dma_wait3A_412] : memref<2x4x128xi32, #tpu.memory_space<vmem>> -> memref<1x4x128xi32, #tpu.memory_space<vmem>>
        %dma_wait3A_414 = tpu.memref_squeeze %dma_wait3A_413 : memref<1x4x128xi32, #tpu.memory_space<vmem>> -> memref<4x128xi32, #tpu.memory_space<vmem>>
        %dma_wait3A_415 = arith.constant 0 : i32
        %dma_wait3A_416 = tpu.memref_slice %arg4[%mul3A_34, %dma_wait3A_415] : memref<12544x128xi32, #tpu.memory_space<hbm>> -> memref<4x128xi32, #tpu.memory_space<hbm>>
        %dma_wait3A_417 = arith.constant 0 : i32
        %dma_wait3A_418 = arith.constant 0 : i32
        %dma_wait3A_419 = tpu.memref_slice %arg8[%run_scoped3A_35, %dma_wait3A_417, %dma_wait3A_418] : memref<2x4x128xi32, #tpu.memory_space<vmem>> -> memref<1x4x128xi32, #tpu.memory_space<vmem>>
        %dma_wait3A_420 = tpu.memref_squeeze %dma_wait3A_419 : memref<1x4x128xi32, #tpu.memory_space<vmem>> -> memref<4x128xi32, #tpu.memory_space<vmem>>
        %dma_wait3A_421 = arith.constant 0 : i32
        %dma_wait3A_422 = tpu.memref_slice %arg4[%mul3A_34, %dma_wait3A_421] : memref<12544x128xi32, #tpu.memory_space<hbm>> -> memref<4x128xi32, #tpu.memory_space<hbm>>
        tpu.wait_dma2 semaphore(%run_scoped3A_398 : memref<!tpu.dma_semaphore, #tpu.memory_space<semaphore_mem>>) src(%dma_wait3A_422 : memref<4x128xi32, #tpu.memory_space<hbm>>) dst(%dma_wait3A_420 : memref<4x128xi32, #tpu.memory_space<vmem>>)
        tpu.yield
      }) : () -> ()
      %run_scoped3A_36 = arith.constant 1 : i32
      "tpu.region"() ({
        %run_scoped3A_398 = tpu.sem_alloc : memref<!tpu.dma_semaphore, #tpu.memory_space<semaphore_mem>>
        %dma_start3A_399 = arith.constant 0 : i32
        %dma_start3A_400 = arith.constant 0 : i32
        %dma_start3A_401 = tpu.memref_slice %arg9[%run_scoped3A_36, %dma_start3A_399, %dma_start3A_400] : memref<2x4x128xi32, #tpu.memory_space<vmem>> -> memref<1x4x128xi32, #tpu.memory_space<vmem>>
        %dma_start3A_402 = tpu.memref_squeeze %dma_start3A_401 : memref<1x4x128xi32, #tpu.memory_space<vmem>> -> memref<4x128xi32, #tpu.memory_space<vmem>>
        %dma_start3A_403 = arith.constant 0 : i32
        %dma_start3A_404 = tpu.memref_slice %arg5[%mul3A_34, %dma_start3A_403] : memref<12544x128xi32, #tpu.memory_space<hbm>> -> memref<4x128xi32, #tpu.memory_space<hbm>>
        %dma_start3A_405 = arith.constant 0 : i32
        %dma_start3A_406 = arith.constant 0 : i32
        %dma_start3A_407 = tpu.memref_slice %arg9[%run_scoped3A_36, %dma_start3A_405, %dma_start3A_406] : memref<2x4x128xi32, #tpu.memory_space<vmem>> -> memref<1x4x128xi32, #tpu.memory_space<vmem>>
        %dma_start3A_408 = tpu.memref_squeeze %dma_start3A_407 : memref<1x4x128xi32, #tpu.memory_space<vmem>> -> memref<4x128xi32, #tpu.memory_space<vmem>>
        %dma_start3A_409 = arith.constant 0 : i32
        %dma_start3A_410 = tpu.memref_slice %arg5[%mul3A_34, %dma_start3A_409] : memref<12544x128xi32, #tpu.memory_space<hbm>> -> memref<4x128xi32, #tpu.memory_space<hbm>>
        tpu.enqueue_dma source(%dma_start3A_410 : memref<4x128xi32, #tpu.memory_space<hbm>>) target(%dma_start3A_408 : memref<4x128xi32, #tpu.memory_space<vmem>>) target_semaphore(%run_scoped3A_398 : memref<!tpu.dma_semaphore, #tpu.memory_space<semaphore_mem>>)
        %dma_wait3A_411 = arith.constant 0 : i32
        %dma_wait3A_412 = arith.constant 0 : i32
        %dma_wait3A_413 = tpu.memref_slice %arg9[%run_scoped3A_36, %dma_wait3A_411, %dma_wait3A_412] : memref<2x4x128xi32, #tpu.memory_space<vmem>> -> memref<1x4x128xi32, #tpu.memory_space<vmem>>
        %dma_wait3A_414 = tpu.memref_squeeze %dma_wait3A_413 : memref<1x4x128xi32, #tpu.memory_space<vmem>> -> memref<4x128xi32, #tpu.memory_space<vmem>>
        %dma_wait3A_415 = arith.constant 0 : i32
        %dma_wait3A_416 = tpu.memref_slice %arg5[%mul3A_34, %dma_wait3A_415] : memref<12544x128xi32, #tpu.memory_space<hbm>> -> memref<4x128xi32, #tpu.memory_space<hbm>>
        %dma_wait3A_417 = arith.constant 0 : i32
        %dma_wait3A_418 = arith.constant 0 : i32
        %dma_wait3A_419 = tpu.memref_slice %arg9[%run_scoped3A_36, %dma_wait3A_417, %dma_wait3A_418] : memref<2x4x128xi32, #tpu.memory_space<vmem>> -> memref<1x4x128xi32, #tpu.memory_space<vmem>>
        %dma_wait3A_420 = tpu.memref_squeeze %dma_wait3A_419 : memref<1x4x128xi32, #tpu.memory_space<vmem>> -> memref<4x128xi32, #tpu.memory_space<vmem>>
        %dma_wait3A_421 = arith.constant 0 : i32
        %dma_wait3A_422 = tpu.memref_slice %arg5[%mul3A_34, %dma_wait3A_421] : memref<12544x128xi32, #tpu.memory_space<hbm>> -> memref<4x128xi32, #tpu.memory_space<hbm>>
        tpu.wait_dma2 semaphore(%run_scoped3A_398 : memref<!tpu.dma_semaphore, #tpu.memory_space<semaphore_mem>>) src(%dma_wait3A_422 : memref<4x128xi32, #tpu.memory_space<hbm>>) dst(%dma_wait3A_420 : memref<4x128xi32, #tpu.memory_space<vmem>>)
        tpu.yield
      }) : () -> ()
      %eq3A_37 = arith.constant 0 : i32
      %eq3A_38 = arith.cmpi eq, %arg0, %eq3A_37 : i32
      %convert_element_type3A_39 = arith.extui %eq3A_38 : i1 to i32
      %cond3A_40 = arith.constant 0 : i32
      %cond3A_41 = arith.cmpi ne, %convert_element_type3A_39, %cond3A_40 : i32
      scf.if %cond3A_41 {
        %dma_wait3A_398 = arith.constant 0 : i32
        %dma_wait3A_399 = arith.constant 0 : i32
        %dma_wait3A_400 = arith.constant 0 : i32
        %dma_wait3A_401 = arith.constant 0 : i32
        %dma_wait3A_402 = arith.constant 0 : i32
        %dma_wait3A_403 = tpu.memref_slice %arg10[%dma_wait3A_400, %dma_wait3A_401, %dma_wait3A_402] : memref<2x512x16xf32, #tpu.memory_space<vmem>> -> memref<1x512x16xf32, #tpu.memory_space<vmem>>
        %dma_wait3A_404 = tpu.memref_squeeze %dma_wait3A_403 : memref<1x512x16xf32, #tpu.memory_space<vmem>> -> memref<512x16xf32, #tpu.memory_space<vmem>>
        %dma_wait3A_405 = arith.constant 0 : i32
        %dma_wait3A_406 = arith.constant 0 : i32
        %dma_wait3A_407 = tpu.memref_slice %dma_wait3A_404[%dma_wait3A_405, %dma_wait3A_406] : memref<512x16xf32, #tpu.memory_space<vmem>> -> memref<128x16xf32, #tpu.memory_space<vmem>>
        %dma_wait3A_408 = arith.constant 0 : i32
        %dma_wait3A_409 = arith.constant 0 : i32
        %dma_wait3A_410 = tpu.memref_slice %arg8[%dma_wait3A_398, %dma_wait3A_408, %dma_wait3A_409] : memref<2x4x128xi32, #tpu.memory_space<vmem>> -> memref<1x4x128xi32, #tpu.memory_space<vmem>>
        %dma_wait3A_411 = tpu.memref_squeeze %dma_wait3A_410 : memref<1x4x128xi32, #tpu.memory_space<vmem>> -> memref<4x128xi32, #tpu.memory_space<vmem>>
        %dma_wait3A_412 = arith.constant 0 : i32
        %dma_wait3A_413 = tpu.memref_slice %dma_wait3A_411[%dma_wait3A_399, %dma_wait3A_412] : memref<4x128xi32, #tpu.memory_space<vmem>> -> memref<1x128xi32, #tpu.memory_space<vmem>>
        %dma_wait3A_414 = tpu.memref_squeeze %dma_wait3A_413 : memref<1x128xi32, #tpu.memory_space<vmem>> -> memref<128xi32, #tpu.memory_space<vmem>>
        %dma_wait3A_415 = arith.constant 0 : i32
        %dma_wait3A_416 = arith.constant 0 : i32
        %dma_wait3A_417 = tpu.memref_slice %arg2[%dma_wait3A_415, %dma_wait3A_416] : memref<102400x16xf32, #tpu.memory_space<hbm>> -> memref<102400x16xf32, #tpu.memory_space<hbm>>
        tpu.wait_indirect_dma semaphore(%arg11 : memref<!tpu.dma_semaphore, #tpu.memory_space<semaphore_mem>>) src(%dma_wait3A_417 : memref<102400x16xf32, #tpu.memory_space<hbm>>) dst(%dma_wait3A_407 : memref<128x16xf32, #tpu.memory_space<vmem>>)
        %dma_wait3A_418 = arith.constant 0 : i32
        %dma_wait3A_419 = arith.constant 1 : i32
        %dma_wait3A_420 = arith.constant 0 : i32
        %dma_wait3A_421 = arith.constant 0 : i32
        %dma_wait3A_422 = arith.constant 0 : i32
        %dma_wait3A_423 = tpu.memref_slice %arg10[%dma_wait3A_420, %dma_wait3A_421, %dma_wait3A_422] : memref<2x512x16xf32, #tpu.memory_space<vmem>> -> memref<1x512x16xf32, #tpu.memory_space<vmem>>
        %dma_wait3A_424 = tpu.memref_squeeze %dma_wait3A_423 : memref<1x512x16xf32, #tpu.memory_space<vmem>> -> memref<512x16xf32, #tpu.memory_space<vmem>>
        %dma_wait3A_425 = arith.constant 128 : i32
        %dma_wait3A_426 = arith.constant 0 : i32
        %dma_wait3A_427 = tpu.memref_slice %dma_wait3A_424[%dma_wait3A_425, %dma_wait3A_426] : memref<512x16xf32, #tpu.memory_space<vmem>> -> memref<128x16xf32, #tpu.memory_space<vmem>>
        %dma_wait3A_428 = arith.constant 0 : i32
        %dma_wait3A_429 = arith.constant 0 : i32
        %dma_wait3A_430 = tpu.memref_slice %arg8[%dma_wait3A_418, %dma_wait3A_428, %dma_wait3A_429] : memref<2x4x128xi32, #tpu.memory_space<vmem>> -> memref<1x4x128xi32, #tpu.memory_space<vmem>>
        %dma_wait3A_431 = tpu.memref_squeeze %dma_wait3A_430 : memref<1x4x128xi32, #tpu.memory_space<vmem>> -> memref<4x128xi32, #tpu.memory_space<vmem>>
        %dma_wait3A_432 = arith.constant 0 : i32
        %dma_wait3A_433 = tpu.memref_slice %dma_wait3A_431[%dma_wait3A_419, %dma_wait3A_432] : memref<4x128xi32, #tpu.memory_space<vmem>> -> memref<1x128xi32, #tpu.memory_space<vmem>>
        %dma_wait3A_434 = tpu.memref_squeeze %dma_wait3A_433 : memref<1x128xi32, #tpu.memory_space<vmem>> -> memref<128xi32, #tpu.memory_space<vmem>>
        %dma_wait3A_435 = arith.constant 0 : i32
        %dma_wait3A_436 = arith.constant 0 : i32
        %dma_wait3A_437 = tpu.memref_slice %arg2[%dma_wait3A_435, %dma_wait3A_436] : memref<102400x16xf32, #tpu.memory_space<hbm>> -> memref<102400x16xf32, #tpu.memory_space<hbm>>
        tpu.wait_indirect_dma semaphore(%arg11 : memref<!tpu.dma_semaphore, #tpu.memory_space<semaphore_mem>>) src(%dma_wait3A_437 : memref<102400x16xf32, #tpu.memory_space<hbm>>) dst(%dma_wait3A_427 : memref<128x16xf32, #tpu.memory_space<vmem>>)
        %dma_wait3A_438 = arith.constant 0 : i32
        %dma_wait3A_439 = arith.constant 2 : i32
        %dma_wait3A_440 = arith.constant 0 : i32
        %dma_wait3A_441 = arith.constant 0 : i32
        %dma_wait3A_442 = arith.constant 0 : i32
        %dma_wait3A_443 = tpu.memref_slice %arg10[%dma_wait3A_440, %dma_wait3A_441, %dma_wait3A_442] : memref<2x512x16xf32, #tpu.memory_space<vmem>> -> memref<1x512x16xf32, #tpu.memory_space<vmem>>
        %dma_wait3A_444 = tpu.memref_squeeze %dma_wait3A_443 : memref<1x512x16xf32, #tpu.memory_space<vmem>> -> memref<512x16xf32, #tpu.memory_space<vmem>>
        %dma_wait3A_445 = arith.constant 256 : i32
        %dma_wait3A_446 = arith.constant 0 : i32
        %dma_wait3A_447 = tpu.memref_slice %dma_wait3A_444[%dma_wait3A_445, %dma_wait3A_446] : memref<512x16xf32, #tpu.memory_space<vmem>> -> memref<128x16xf32, #tpu.memory_space<vmem>>
        %dma_wait3A_448 = arith.constant 0 : i32
        %dma_wait3A_449 = arith.constant 0 : i32
        %dma_wait3A_450 = tpu.memref_slice %arg8[%dma_wait3A_438, %dma_wait3A_448, %dma_wait3A_449] : memref<2x4x128xi32, #tpu.memory_space<vmem>> -> memref<1x4x128xi32, #tpu.memory_space<vmem>>
        %dma_wait3A_451 = tpu.memref_squeeze %dma_wait3A_450 : memref<1x4x128xi32, #tpu.memory_space<vmem>> -> memref<4x128xi32, #tpu.memory_space<vmem>>
        %dma_wait3A_452 = arith.constant 0 : i32
        %dma_wait3A_453 = tpu.memref_slice %dma_wait3A_451[%dma_wait3A_439, %dma_wait3A_452] : memref<4x128xi32, #tpu.memory_space<vmem>> -> memref<1x128xi32, #tpu.memory_space<vmem>>
        %dma_wait3A_454 = tpu.memref_squeeze %dma_wait3A_453 : memref<1x128xi32, #tpu.memory_space<vmem>> -> memref<128xi32, #tpu.memory_space<vmem>>
        %dma_wait3A_455 = arith.constant 0 : i32
        %dma_wait3A_456 = arith.constant 0 : i32
        %dma_wait3A_457 = tpu.memref_slice %arg2[%dma_wait3A_455, %dma_wait3A_456] : memref<102400x16xf32, #tpu.memory_space<hbm>> -> memref<102400x16xf32, #tpu.memory_space<hbm>>
        tpu.wait_indirect_dma semaphore(%arg11 : memref<!tpu.dma_semaphore, #tpu.memory_space<semaphore_mem>>) src(%dma_wait3A_457 : memref<102400x16xf32, #tpu.memory_space<hbm>>) dst(%dma_wait3A_447 : memref<128x16xf32, #tpu.memory_space<vmem>>)
        %dma_wait3A_458 = arith.constant 0 : i32
        %dma_wait3A_459 = arith.constant 3 : i32
        %dma_wait3A_460 = arith.constant 0 : i32
        %dma_wait3A_461 = arith.constant 0 : i32
        %dma_wait3A_462 = arith.constant 0 : i32
        %dma_wait3A_463 = tpu.memref_slice %arg10[%dma_wait3A_460, %dma_wait3A_461, %dma_wait3A_462] : memref<2x512x16xf32, #tpu.memory_space<vmem>> -> memref<1x512x16xf32, #tpu.memory_space<vmem>>
        %dma_wait3A_464 = tpu.memref_squeeze %dma_wait3A_463 : memref<1x512x16xf32, #tpu.memory_space<vmem>> -> memref<512x16xf32, #tpu.memory_space<vmem>>
        %dma_wait3A_465 = arith.constant 384 : i32
        %dma_wait3A_466 = arith.constant 0 : i32
        %dma_wait3A_467 = tpu.memref_slice %dma_wait3A_464[%dma_wait3A_465, %dma_wait3A_466] : memref<512x16xf32, #tpu.memory_space<vmem>> -> memref<128x16xf32, #tpu.memory_space<vmem>>
        %dma_wait3A_468 = arith.constant 0 : i32
        %dma_wait3A_469 = arith.constant 0 : i32
        %dma_wait3A_470 = tpu.memref_slice %arg8[%dma_wait3A_458, %dma_wait3A_468, %dma_wait3A_469] : memref<2x4x128xi32, #tpu.memory_space<vmem>> -> memref<1x4x128xi32, #tpu.memory_space<vmem>>
        %dma_wait3A_471 = tpu.memref_squeeze %dma_wait3A_470 : memref<1x4x128xi32, #tpu.memory_space<vmem>> -> memref<4x128xi32, #tpu.memory_space<vmem>>
        %dma_wait3A_472 = arith.constant 0 : i32
        %dma_wait3A_473 = tpu.memref_slice %dma_wait3A_471[%dma_wait3A_459, %dma_wait3A_472] : memref<4x128xi32, #tpu.memory_space<vmem>> -> memref<1x128xi32, #tpu.memory_space<vmem>>
        %dma_wait3A_474 = tpu.memref_squeeze %dma_wait3A_473 : memref<1x128xi32, #tpu.memory_space<vmem>> -> memref<128xi32, #tpu.memory_space<vmem>>
        %dma_wait3A_475 = arith.constant 0 : i32
        %dma_wait3A_476 = arith.constant 0 : i32
        %dma_wait3A_477 = tpu.memref_slice %arg2[%dma_wait3A_475, %dma_wait3A_476] : memref<102400x16xf32, #tpu.memory_space<hbm>> -> memref<102400x16xf32, #tpu.memory_space<hbm>>
        tpu.wait_indirect_dma semaphore(%arg11 : memref<!tpu.dma_semaphore, #tpu.memory_space<semaphore_mem>>) src(%dma_wait3A_477 : memref<102400x16xf32, #tpu.memory_space<hbm>>) dst(%dma_wait3A_467 : memref<128x16xf32, #tpu.memory_space<vmem>>)
      } else {
      }
      %eq3A_42 = arith.constant 1 : i32
      %eq3A_43 = arith.cmpi eq, %arg0, %eq3A_42 : i32
      %convert_element_type3A_44 = arith.extui %eq3A_43 : i1 to i32
      %cond3A_45 = arith.constant 0 : i32
      %cond3A_46 = arith.cmpi ne, %convert_element_type3A_44, %cond3A_45 : i32
      scf.if %cond3A_46 {
        %dma_wait3A_398 = arith.constant 0 : i32
        %dma_wait3A_399 = arith.constant 0 : i32
        %dma_wait3A_400 = arith.constant 0 : i32
        %dma_wait3A_401 = arith.constant 0 : i32
        %dma_wait3A_402 = arith.constant 0 : i32
        %dma_wait3A_403 = tpu.memref_slice %arg10[%dma_wait3A_400, %dma_wait3A_401, %dma_wait3A_402] : memref<2x512x16xf32, #tpu.memory_space<vmem>> -> memref<1x512x16xf32, #tpu.memory_space<vmem>>
        %dma_wait3A_404 = tpu.memref_squeeze %dma_wait3A_403 : memref<1x512x16xf32, #tpu.memory_space<vmem>> -> memref<512x16xf32, #tpu.memory_space<vmem>>
        %dma_wait3A_405 = arith.constant 0 : i32
        %dma_wait3A_406 = arith.constant 0 : i32
        %dma_wait3A_407 = tpu.memref_slice %dma_wait3A_404[%dma_wait3A_405, %dma_wait3A_406] : memref<512x16xf32, #tpu.memory_space<vmem>> -> memref<128x16xf32, #tpu.memory_space<vmem>>
        %dma_wait3A_408 = arith.constant 0 : i32
        %dma_wait3A_409 = arith.constant 0 : i32
        %dma_wait3A_410 = tpu.memref_slice %arg8[%dma_wait3A_398, %dma_wait3A_408, %dma_wait3A_409] : memref<2x4x128xi32, #tpu.memory_space<vmem>> -> memref<1x4x128xi32, #tpu.memory_space<vmem>>
        %dma_wait3A_411 = tpu.memref_squeeze %dma_wait3A_410 : memref<1x4x128xi32, #tpu.memory_space<vmem>> -> memref<4x128xi32, #tpu.memory_space<vmem>>
        %dma_wait3A_412 = arith.constant 0 : i32
        %dma_wait3A_413 = tpu.memref_slice %dma_wait3A_411[%dma_wait3A_399, %dma_wait3A_412] : memref<4x128xi32, #tpu.memory_space<vmem>> -> memref<1x128xi32, #tpu.memory_space<vmem>>
        %dma_wait3A_414 = tpu.memref_squeeze %dma_wait3A_413 : memref<1x128xi32, #tpu.memory_space<vmem>> -> memref<128xi32, #tpu.memory_space<vmem>>
        %dma_wait3A_415 = arith.constant 0 : i32
        %dma_wait3A_416 = arith.constant 0 : i32
        %dma_wait3A_417 = tpu.memref_slice %arg3[%dma_wait3A_415, %dma_wait3A_416] : memref<102400x16xf32, #tpu.memory_space<hbm>> -> memref<102400x16xf32, #tpu.memory_space<hbm>>
        tpu.wait_indirect_dma semaphore(%arg11 : memref<!tpu.dma_semaphore, #tpu.memory_space<semaphore_mem>>) src(%dma_wait3A_417 : memref<102400x16xf32, #tpu.memory_space<hbm>>) dst(%dma_wait3A_407 : memref<128x16xf32, #tpu.memory_space<vmem>>)
        %dma_wait3A_418 = arith.constant 0 : i32
        %dma_wait3A_419 = arith.constant 1 : i32
        %dma_wait3A_420 = arith.constant 0 : i32
        %dma_wait3A_421 = arith.constant 0 : i32
        %dma_wait3A_422 = arith.constant 0 : i32
        %dma_wait3A_423 = tpu.memref_slice %arg10[%dma_wait3A_420, %dma_wait3A_421, %dma_wait3A_422] : memref<2x512x16xf32, #tpu.memory_space<vmem>> -> memref<1x512x16xf32, #tpu.memory_space<vmem>>
        %dma_wait3A_424 = tpu.memref_squeeze %dma_wait3A_423 : memref<1x512x16xf32, #tpu.memory_space<vmem>> -> memref<512x16xf32, #tpu.memory_space<vmem>>
        %dma_wait3A_425 = arith.constant 128 : i32
        %dma_wait3A_426 = arith.constant 0 : i32
        %dma_wait3A_427 = tpu.memref_slice %dma_wait3A_424[%dma_wait3A_425, %dma_wait3A_426] : memref<512x16xf32, #tpu.memory_space<vmem>> -> memref<128x16xf32, #tpu.memory_space<vmem>>
        %dma_wait3A_428 = arith.constant 0 : i32
        %dma_wait3A_429 = arith.constant 0 : i32
        %dma_wait3A_430 = tpu.memref_slice %arg8[%dma_wait3A_418, %dma_wait3A_428, %dma_wait3A_429] : memref<2x4x128xi32, #tpu.memory_space<vmem>> -> memref<1x4x128xi32, #tpu.memory_space<vmem>>
        %dma_wait3A_431 = tpu.memref_squeeze %dma_wait3A_430 : memref<1x4x128xi32, #tpu.memory_space<vmem>> -> memref<4x128xi32, #tpu.memory_space<vmem>>
        %dma_wait3A_432 = arith.constant 0 : i32
        %dma_wait3A_433 = tpu.memref_slice %dma_wait3A_431[%dma_wait3A_419, %dma_wait3A_432] : memref<4x128xi32, #tpu.memory_space<vmem>> -> memref<1x128xi32, #tpu.memory_space<vmem>>
        %dma_wait3A_434 = tpu.memref_squeeze %dma_wait3A_433 : memref<1x128xi32, #tpu.memory_space<vmem>> -> memref<128xi32, #tpu.memory_space<vmem>>
        %dma_wait3A_435 = arith.constant 0 : i32
        %dma_wait3A_436 = arith.constant 0 : i32
        %dma_wait3A_437 = tpu.memref_slice %arg3[%dma_wait3A_435, %dma_wait3A_436] : memref<102400x16xf32, #tpu.memory_space<hbm>> -> memref<102400x16xf32, #tpu.memory_space<hbm>>
        tpu.wait_indirect_dma semaphore(%arg11 : memref<!tpu.dma_semaphore, #tpu.memory_space<semaphore_mem>>) src(%dma_wait3A_437 : memref<102400x16xf32, #tpu.memory_space<hbm>>) dst(%dma_wait3A_427 : memref<128x16xf32, #tpu.memory_space<vmem>>)
        %dma_wait3A_438 = arith.constant 0 : i32
        %dma_wait3A_439 = arith.constant 2 : i32
        %dma_wait3A_440 = arith.constant 0 : i32
        %dma_wait3A_441 = arith.constant 0 : i32
        %dma_wait3A_442 = arith.constant 0 : i32
        %dma_wait3A_443 = tpu.memref_slice %arg10[%dma_wait3A_440, %dma_wait3A_441, %dma_wait3A_442] : memref<2x512x16xf32, #tpu.memory_space<vmem>> -> memref<1x512x16xf32, #tpu.memory_space<vmem>>
        %dma_wait3A_444 = tpu.memref_squeeze %dma_wait3A_443 : memref<1x512x16xf32, #tpu.memory_space<vmem>> -> memref<512x16xf32, #tpu.memory_space<vmem>>
        %dma_wait3A_445 = arith.constant 256 : i32
        %dma_wait3A_446 = arith.constant 0 : i32
        %dma_wait3A_447 = tpu.memref_slice %dma_wait3A_444[%dma_wait3A_445, %dma_wait3A_446] : memref<512x16xf32, #tpu.memory_space<vmem>> -> memref<128x16xf32, #tpu.memory_space<vmem>>
        %dma_wait3A_448 = arith.constant 0 : i32
        %dma_wait3A_449 = arith.constant 0 : i32
        %dma_wait3A_450 = tpu.memref_slice %arg8[%dma_wait3A_438, %dma_wait3A_448, %dma_wait3A_449] : memref<2x4x128xi32, #tpu.memory_space<vmem>> -> memref<1x4x128xi32, #tpu.memory_space<vmem>>
        %dma_wait3A_451 = tpu.memref_squeeze %dma_wait3A_450 : memref<1x4x128xi32, #tpu.memory_space<vmem>> -> memref<4x128xi32, #tpu.memory_space<vmem>>
        %dma_wait3A_452 = arith.constant 0 : i32
        %dma_wait3A_453 = tpu.memref_slice %dma_wait3A_451[%dma_wait3A_439, %dma_wait3A_452] : memref<4x128xi32, #tpu.memory_space<vmem>> -> memref<1x128xi32, #tpu.memory_space<vmem>>
        %dma_wait3A_454 = tpu.memref_squeeze %dma_wait3A_453 : memref<1x128xi32, #tpu.memory_space<vmem>> -> memref<128xi32, #tpu.memory_space<vmem>>
        %dma_wait3A_455 = arith.constant 0 : i32
        %dma_wait3A_456 = arith.constant 0 : i32
        %dma_wait3A_457 = tpu.memref_slice %arg3[%dma_wait3A_455, %dma_wait3A_456] : memref<102400x16xf32, #tpu.memory_space<hbm>> -> memref<102400x16xf32, #tpu.memory_space<hbm>>
        tpu.wait_indirect_dma semaphore(%arg11 : memref<!tpu.dma_semaphore, #tpu.memory_space<semaphore_mem>>) src(%dma_wait3A_457 : memref<102400x16xf32, #tpu.memory_space<hbm>>) dst(%dma_wait3A_447 : memref<128x16xf32, #tpu.memory_space<vmem>>)
        %dma_wait3A_458 = arith.constant 0 : i32
        %dma_wait3A_459 = arith.constant 3 : i32
        %dma_wait3A_460 = arith.constant 0 : i32
        %dma_wait3A_461 = arith.constant 0 : i32
        %dma_wait3A_462 = arith.constant 0 : i32
        %dma_wait3A_463 = tpu.memref_slice %arg10[%dma_wait3A_460, %dma_wait3A_461, %dma_wait3A_462] : memref<2x512x16xf32, #tpu.memory_space<vmem>> -> memref<1x512x16xf32, #tpu.memory_space<vmem>>
        %dma_wait3A_464 = tpu.memref_squeeze %dma_wait3A_463 : memref<1x512x16xf32, #tpu.memory_space<vmem>> -> memref<512x16xf32, #tpu.memory_space<vmem>>
        %dma_wait3A_465 = arith.constant 384 : i32
        %dma_wait3A_466 = arith.constant 0 : i32
        %dma_wait3A_467 = tpu.memref_slice %dma_wait3A_464[%dma_wait3A_465, %dma_wait3A_466] : memref<512x16xf32, #tpu.memory_space<vmem>> -> memref<128x16xf32, #tpu.memory_space<vmem>>
        %dma_wait3A_468 = arith.constant 0 : i32
        %dma_wait3A_469 = arith.constant 0 : i32
        %dma_wait3A_470 = tpu.memref_slice %arg8[%dma_wait3A_458, %dma_wait3A_468, %dma_wait3A_469] : memref<2x4x128xi32, #tpu.memory_space<vmem>> -> memref<1x4x128xi32, #tpu.memory_space<vmem>>
        %dma_wait3A_471 = tpu.memref_squeeze %dma_wait3A_470 : memref<1x4x128xi32, #tpu.memory_space<vmem>> -> memref<4x128xi32, #tpu.memory_space<vmem>>
        %dma_wait3A_472 = arith.constant 0 : i32
        %dma_wait3A_473 = tpu.memref_slice %dma_wait3A_471[%dma_wait3A_459, %dma_wait3A_472] : memref<4x128xi32, #tpu.memory_space<vmem>> -> memref<1x128xi32, #tpu.memory_space<vmem>>
        %dma_wait3A_474 = tpu.memref_squeeze %dma_wait3A_473 : memref<1x128xi32, #tpu.memory_space<vmem>> -> memref<128xi32, #tpu.memory_space<vmem>>
        %dma_wait3A_475 = arith.constant 0 : i32
        %dma_wait3A_476 = arith.constant 0 : i32
        %dma_wait3A_477 = tpu.memref_slice %arg3[%dma_wait3A_475, %dma_wait3A_476] : memref<102400x16xf32, #tpu.memory_space<hbm>> -> memref<102400x16xf32, #tpu.memory_space<hbm>>
        tpu.wait_indirect_dma semaphore(%arg11 : memref<!tpu.dma_semaphore, #tpu.memory_space<semaphore_mem>>) src(%dma_wait3A_477 : memref<102400x16xf32, #tpu.memory_space<hbm>>) dst(%dma_wait3A_467 : memref<128x16xf32, #tpu.memory_space<vmem>>)
      } else {
      }
      %eq3A_47 = arith.constant 0 : i32
      %eq3A_48 = arith.cmpi eq, %arg0, %eq3A_47 : i32
      %convert_element_type3A_49 = arith.extui %eq3A_48 : i1 to i32
      %cond3A_50 = arith.constant 0 : i32
      %cond3A_51 = arith.cmpi ne, %convert_element_type3A_49, %cond3A_50 : i32
      scf.if %cond3A_51 {
        %dma_start3A_398 = arith.constant 1 : i32
        %dma_start3A_399 = arith.constant 0 : i32
        %dma_start3A_400 = arith.constant 1 : i32
        %dma_start3A_401 = arith.constant 0 : i32
        %dma_start3A_402 = arith.constant 0 : i32
        %dma_start3A_403 = tpu.memref_slice %arg10[%dma_start3A_400, %dma_start3A_401, %dma_start3A_402] : memref<2x512x16xf32, #tpu.memory_space<vmem>> -> memref<1x512x16xf32, #tpu.memory_space<vmem>>
        %dma_start3A_404 = tpu.memref_squeeze %dma_start3A_403 : memref<1x512x16xf32, #tpu.memory_space<vmem>> -> memref<512x16xf32, #tpu.memory_space<vmem>>
        %dma_start3A_405 = arith.constant 0 : i32
        %dma_start3A_406 = arith.constant 0 : i32
        %dma_start3A_407 = tpu.memref_slice %dma_start3A_404[%dma_start3A_405, %dma_start3A_406] : memref<512x16xf32, #tpu.memory_space<vmem>> -> memref<128x16xf32, #tpu.memory_space<vmem>>
        %dma_start3A_408 = arith.constant 0 : i32
        %dma_start3A_409 = arith.constant 0 : i32
        %dma_start3A_410 = tpu.memref_slice %arg8[%dma_start3A_398, %dma_start3A_408, %dma_start3A_409] : memref<2x4x128xi32, #tpu.memory_space<vmem>> -> memref<1x4x128xi32, #tpu.memory_space<vmem>>
        %dma_start3A_411 = tpu.memref_squeeze %dma_start3A_410 : memref<1x4x128xi32, #tpu.memory_space<vmem>> -> memref<4x128xi32, #tpu.memory_space<vmem>>
        %dma_start3A_412 = arith.constant 0 : i32
        %dma_start3A_413 = tpu.memref_slice %dma_start3A_411[%dma_start3A_399, %dma_start3A_412] : memref<4x128xi32, #tpu.memory_space<vmem>> -> memref<1x128xi32, #tpu.memory_space<vmem>>
        %dma_start3A_414 = tpu.memref_squeeze %dma_start3A_413 : memref<1x128xi32, #tpu.memory_space<vmem>> -> memref<128xi32, #tpu.memory_space<vmem>>
        %dma_start3A_415 = arith.constant 0 : i32
        %dma_start3A_416 = arith.constant 0 : i32
        %dma_start3A_417 = tpu.memref_slice %arg2[%dma_start3A_415, %dma_start3A_416] : memref<102400x16xf32, #tpu.memory_space<hbm>> -> memref<102400x16xf32, #tpu.memory_space<hbm>>
        tpu.enqueue_indirect_dma source(%dma_start3A_417 : memref<102400x16xf32, #tpu.memory_space<hbm>>) target(%dma_start3A_407 : memref<128x16xf32, #tpu.memory_space<vmem>>) offsets(%dma_start3A_414 : memref<128xi32, #tpu.memory_space<vmem>>) semaphore(%arg11 : memref<!tpu.dma_semaphore, #tpu.memory_space<semaphore_mem>>)
        %dma_start3A_418 = arith.constant 1 : i32
        %dma_start3A_419 = arith.constant 1 : i32
        %dma_start3A_420 = arith.constant 1 : i32
        %dma_start3A_421 = arith.constant 0 : i32
        %dma_start3A_422 = arith.constant 0 : i32
        %dma_start3A_423 = tpu.memref_slice %arg10[%dma_start3A_420, %dma_start3A_421, %dma_start3A_422] : memref<2x512x16xf32, #tpu.memory_space<vmem>> -> memref<1x512x16xf32, #tpu.memory_space<vmem>>
        %dma_start3A_424 = tpu.memref_squeeze %dma_start3A_423 : memref<1x512x16xf32, #tpu.memory_space<vmem>> -> memref<512x16xf32, #tpu.memory_space<vmem>>
        %dma_start3A_425 = arith.constant 128 : i32
        %dma_start3A_426 = arith.constant 0 : i32
        %dma_start3A_427 = tpu.memref_slice %dma_start3A_424[%dma_start3A_425, %dma_start3A_426] : memref<512x16xf32, #tpu.memory_space<vmem>> -> memref<128x16xf32, #tpu.memory_space<vmem>>
        %dma_start3A_428 = arith.constant 0 : i32
        %dma_start3A_429 = arith.constant 0 : i32
        %dma_start3A_430 = tpu.memref_slice %arg8[%dma_start3A_418, %dma_start3A_428, %dma_start3A_429] : memref<2x4x128xi32, #tpu.memory_space<vmem>> -> memref<1x4x128xi32, #tpu.memory_space<vmem>>
        %dma_start3A_431 = tpu.memref_squeeze %dma_start3A_430 : memref<1x4x128xi32, #tpu.memory_space<vmem>> -> memref<4x128xi32, #tpu.memory_space<vmem>>
        %dma_start3A_432 = arith.constant 0 : i32
        %dma_start3A_433 = tpu.memref_slice %dma_start3A_431[%dma_start3A_419, %dma_start3A_432] : memref<4x128xi32, #tpu.memory_space<vmem>> -> memref<1x128xi32, #tpu.memory_space<vmem>>
        %dma_start3A_434 = tpu.memref_squeeze %dma_start3A_433 : memref<1x128xi32, #tpu.memory_space<vmem>> -> memref<128xi32, #tpu.memory_space<vmem>>
        %dma_start3A_435 = arith.constant 0 : i32
        %dma_start3A_436 = arith.constant 0 : i32
        %dma_start3A_437 = tpu.memref_slice %arg2[%dma_start3A_435, %dma_start3A_436] : memref<102400x16xf32, #tpu.memory_space<hbm>> -> memref<102400x16xf32, #tpu.memory_space<hbm>>
        tpu.enqueue_indirect_dma source(%dma_start3A_437 : memref<102400x16xf32, #tpu.memory_space<hbm>>) target(%dma_start3A_427 : memref<128x16xf32, #tpu.memory_space<vmem>>) offsets(%dma_start3A_434 : memref<128xi32, #tpu.memory_space<vmem>>) semaphore(%arg11 : memref<!tpu.dma_semaphore, #tpu.memory_space<semaphore_mem>>)
        %dma_start3A_438 = arith.constant 1 : i32
        %dma_start3A_439 = arith.constant 2 : i32
        %dma_start3A_440 = arith.constant 1 : i32
        %dma_start3A_441 = arith.constant 0 : i32
        %dma_start3A_442 = arith.constant 0 : i32
        %dma_start3A_443 = tpu.memref_slice %arg10[%dma_start3A_440, %dma_start3A_441, %dma_start3A_442] : memref<2x512x16xf32, #tpu.memory_space<vmem>> -> memref<1x512x16xf32, #tpu.memory_space<vmem>>
        %dma_start3A_444 = tpu.memref_squeeze %dma_start3A_443 : memref<1x512x16xf32, #tpu.memory_space<vmem>> -> memref<512x16xf32, #tpu.memory_space<vmem>>
        %dma_start3A_445 = arith.constant 256 : i32
        %dma_start3A_446 = arith.constant 0 : i32
        %dma_start3A_447 = tpu.memref_slice %dma_start3A_444[%dma_start3A_445, %dma_start3A_446] : memref<512x16xf32, #tpu.memory_space<vmem>> -> memref<128x16xf32, #tpu.memory_space<vmem>>
        %dma_start3A_448 = arith.constant 0 : i32
        %dma_start3A_449 = arith.constant 0 : i32
        %dma_start3A_450 = tpu.memref_slice %arg8[%dma_start3A_438, %dma_start3A_448, %dma_start3A_449] : memref<2x4x128xi32, #tpu.memory_space<vmem>> -> memref<1x4x128xi32, #tpu.memory_space<vmem>>
        %dma_start3A_451 = tpu.memref_squeeze %dma_start3A_450 : memref<1x4x128xi32, #tpu.memory_space<vmem>> -> memref<4x128xi32, #tpu.memory_space<vmem>>
        %dma_start3A_452 = arith.constant 0 : i32
        %dma_start3A_453 = tpu.memref_slice %dma_start3A_451[%dma_start3A_439, %dma_start3A_452] : memref<4x128xi32, #tpu.memory_space<vmem>> -> memref<1x128xi32, #tpu.memory_space<vmem>>
        %dma_start3A_454 = tpu.memref_squeeze %dma_start3A_453 : memref<1x128xi32, #tpu.memory_space<vmem>> -> memref<128xi32, #tpu.memory_space<vmem>>
        %dma_start3A_455 = arith.constant 0 : i32
        %dma_start3A_456 = arith.constant 0 : i32
        %dma_start3A_457 = tpu.memref_slice %arg2[%dma_start3A_455, %dma_start3A_456] : memref<102400x16xf32, #tpu.memory_space<hbm>> -> memref<102400x16xf32, #tpu.memory_space<hbm>>
        tpu.enqueue_indirect_dma source(%dma_start3A_457 : memref<102400x16xf32, #tpu.memory_space<hbm>>) target(%dma_start3A_447 : memref<128x16xf32, #tpu.memory_space<vmem>>) offsets(%dma_start3A_454 : memref<128xi32, #tpu.memory_space<vmem>>) semaphore(%arg11 : memref<!tpu.dma_semaphore, #tpu.memory_space<semaphore_mem>>)
        %dma_start3A_458 = arith.constant 1 : i32
        %dma_start3A_459 = arith.constant 3 : i32
        %dma_start3A_460 = arith.constant 1 : i32
        %dma_start3A_461 = arith.constant 0 : i32
        %dma_start3A_462 = arith.constant 0 : i32
        %dma_start3A_463 = tpu.memref_slice %arg10[%dma_start3A_460, %dma_start3A_461, %dma_start3A_462] : memref<2x512x16xf32, #tpu.memory_space<vmem>> -> memref<1x512x16xf32, #tpu.memory_space<vmem>>
        %dma_start3A_464 = tpu.memref_squeeze %dma_start3A_463 : memref<1x512x16xf32, #tpu.memory_space<vmem>> -> memref<512x16xf32, #tpu.memory_space<vmem>>
        %dma_start3A_465 = arith.constant 384 : i32
        %dma_start3A_466 = arith.constant 0 : i32
        %dma_start3A_467 = tpu.memref_slice %dma_start3A_464[%dma_start3A_465, %dma_start3A_466] : memref<512x16xf32, #tpu.memory_space<vmem>> -> memref<128x16xf32, #tpu.memory_space<vmem>>
        %dma_start3A_468 = arith.constant 0 : i32
        %dma_start3A_469 = arith.constant 0 : i32
        %dma_start3A_470 = tpu.memref_slice %arg8[%dma_start3A_458, %dma_start3A_468, %dma_start3A_469] : memref<2x4x128xi32, #tpu.memory_space<vmem>> -> memref<1x4x128xi32, #tpu.memory_space<vmem>>
        %dma_start3A_471 = tpu.memref_squeeze %dma_start3A_470 : memref<1x4x128xi32, #tpu.memory_space<vmem>> -> memref<4x128xi32, #tpu.memory_space<vmem>>
        %dma_start3A_472 = arith.constant 0 : i32
        %dma_start3A_473 = tpu.memref_slice %dma_start3A_471[%dma_start3A_459, %dma_start3A_472] : memref<4x128xi32, #tpu.memory_space<vmem>> -> memref<1x128xi32, #tpu.memory_space<vmem>>
        %dma_start3A_474 = tpu.memref_squeeze %dma_start3A_473 : memref<1x128xi32, #tpu.memory_space<vmem>> -> memref<128xi32, #tpu.memory_space<vmem>>
        %dma_start3A_475 = arith.constant 0 : i32
        %dma_start3A_476 = arith.constant 0 : i32
        %dma_start3A_477 = tpu.memref_slice %arg2[%dma_start3A_475, %dma_start3A_476] : memref<102400x16xf32, #tpu.memory_space<hbm>> -> memref<102400x16xf32, #tpu.memory_space<hbm>>
        tpu.enqueue_indirect_dma source(%dma_start3A_477 : memref<102400x16xf32, #tpu.memory_space<hbm>>) target(%dma_start3A_467 : memref<128x16xf32, #tpu.memory_space<vmem>>) offsets(%dma_start3A_474 : memref<128xi32, #tpu.memory_space<vmem>>) semaphore(%arg11 : memref<!tpu.dma_semaphore, #tpu.memory_space<semaphore_mem>>)
      } else {
      }
      %eq3A_52 = arith.constant 1 : i32
      %eq3A_53 = arith.cmpi eq, %arg0, %eq3A_52 : i32
      %convert_element_type3A_54 = arith.extui %eq3A_53 : i1 to i32
      %cond3A_55 = arith.constant 0 : i32
      %cond3A_56 = arith.cmpi ne, %convert_element_type3A_54, %cond3A_55 : i32
      scf.if %cond3A_56 {
        %dma_start3A_398 = arith.constant 1 : i32
        %dma_start3A_399 = arith.constant 0 : i32
        %dma_start3A_400 = arith.constant 1 : i32
        %dma_start3A_401 = arith.constant 0 : i32
        %dma_start3A_402 = arith.constant 0 : i32
        %dma_start3A_403 = tpu.memref_slice %arg10[%dma_start3A_400, %dma_start3A_401, %dma_start3A_402] : memref<2x512x16xf32, #tpu.memory_space<vmem>> -> memref<1x512x16xf32, #tpu.memory_space<vmem>>
        %dma_start3A_404 = tpu.memref_squeeze %dma_start3A_403 : memref<1x512x16xf32, #tpu.memory_space<vmem>> -> memref<512x16xf32, #tpu.memory_space<vmem>>
        %dma_start3A_405 = arith.constant 0 : i32
        %dma_start3A_406 = arith.constant 0 : i32
        %dma_start3A_407 = tpu.memref_slice %dma_start3A_404[%dma_start3A_405, %dma_start3A_406] : memref<512x16xf32, #tpu.memory_space<vmem>> -> memref<128x16xf32, #tpu.memory_space<vmem>>
        %dma_start3A_408 = arith.constant 0 : i32
        %dma_start3A_409 = arith.constant 0 : i32
        %dma_start3A_410 = tpu.memref_slice %arg8[%dma_start3A_398, %dma_start3A_408, %dma_start3A_409] : memref<2x4x128xi32, #tpu.memory_space<vmem>> -> memref<1x4x128xi32, #tpu.memory_space<vmem>>
        %dma_start3A_411 = tpu.memref_squeeze %dma_start3A_410 : memref<1x4x128xi32, #tpu.memory_space<vmem>> -> memref<4x128xi32, #tpu.memory_space<vmem>>
        %dma_start3A_412 = arith.constant 0 : i32
        %dma_start3A_413 = tpu.memref_slice %dma_start3A_411[%dma_start3A_399, %dma_start3A_412] : memref<4x128xi32, #tpu.memory_space<vmem>> -> memref<1x128xi32, #tpu.memory_space<vmem>>
        %dma_start3A_414 = tpu.memref_squeeze %dma_start3A_413 : memref<1x128xi32, #tpu.memory_space<vmem>> -> memref<128xi32, #tpu.memory_space<vmem>>
        %dma_start3A_415 = arith.constant 0 : i32
        %dma_start3A_416 = arith.constant 0 : i32
        %dma_start3A_417 = tpu.memref_slice %arg3[%dma_start3A_415, %dma_start3A_416] : memref<102400x16xf32, #tpu.memory_space<hbm>> -> memref<102400x16xf32, #tpu.memory_space<hbm>>
        tpu.enqueue_indirect_dma source(%dma_start3A_417 : memref<102400x16xf32, #tpu.memory_space<hbm>>) target(%dma_start3A_407 : memref<128x16xf32, #tpu.memory_space<vmem>>) offsets(%dma_start3A_414 : memref<128xi32, #tpu.memory_space<vmem>>) semaphore(%arg11 : memref<!tpu.dma_semaphore, #tpu.memory_space<semaphore_mem>>)
        %dma_start3A_418 = arith.constant 1 : i32
        %dma_start3A_419 = arith.constant 1 : i32
        %dma_start3A_420 = arith.constant 1 : i32
        %dma_start3A_421 = arith.constant 0 : i32
        %dma_start3A_422 = arith.constant 0 : i32
        %dma_start3A_423 = tpu.memref_slice %arg10[%dma_start3A_420, %dma_start3A_421, %dma_start3A_422] : memref<2x512x16xf32, #tpu.memory_space<vmem>> -> memref<1x512x16xf32, #tpu.memory_space<vmem>>
        %dma_start3A_424 = tpu.memref_squeeze %dma_start3A_423 : memref<1x512x16xf32, #tpu.memory_space<vmem>> -> memref<512x16xf32, #tpu.memory_space<vmem>>
        %dma_start3A_425 = arith.constant 128 : i32
        %dma_start3A_426 = arith.constant 0 : i32
        %dma_start3A_427 = tpu.memref_slice %dma_start3A_424[%dma_start3A_425, %dma_start3A_426] : memref<512x16xf32, #tpu.memory_space<vmem>> -> memref<128x16xf32, #tpu.memory_space<vmem>>
        %dma_start3A_428 = arith.constant 0 : i32
        %dma_start3A_429 = arith.constant 0 : i32
        %dma_start3A_430 = tpu.memref_slice %arg8[%dma_start3A_418, %dma_start3A_428, %dma_start3A_429] : memref<2x4x128xi32, #tpu.memory_space<vmem>> -> memref<1x4x128xi32, #tpu.memory_space<vmem>>
        %dma_start3A_431 = tpu.memref_squeeze %dma_start3A_430 : memref<1x4x128xi32, #tpu.memory_space<vmem>> -> memref<4x128xi32, #tpu.memory_space<vmem>>
        %dma_start3A_432 = arith.constant 0 : i32
        %dma_start3A_433 = tpu.memref_slice %dma_start3A_431[%dma_start3A_419, %dma_start3A_432] : memref<4x128xi32, #tpu.memory_space<vmem>> -> memref<1x128xi32, #tpu.memory_space<vmem>>
        %dma_start3A_434 = tpu.memref_squeeze %dma_start3A_433 : memref<1x128xi32, #tpu.memory_space<vmem>> -> memref<128xi32, #tpu.memory_space<vmem>>
        %dma_start3A_435 = arith.constant 0 : i32
        %dma_start3A_436 = arith.constant 0 : i32
        %dma_start3A_437 = tpu.memref_slice %arg3[%dma_start3A_435, %dma_start3A_436] : memref<102400x16xf32, #tpu.memory_space<hbm>> -> memref<102400x16xf32, #tpu.memory_space<hbm>>
        tpu.enqueue_indirect_dma source(%dma_start3A_437 : memref<102400x16xf32, #tpu.memory_space<hbm>>) target(%dma_start3A_427 : memref<128x16xf32, #tpu.memory_space<vmem>>) offsets(%dma_start3A_434 : memref<128xi32, #tpu.memory_space<vmem>>) semaphore(%arg11 : memref<!tpu.dma_semaphore, #tpu.memory_space<semaphore_mem>>)
        %dma_start3A_438 = arith.constant 1 : i32
        %dma_start3A_439 = arith.constant 2 : i32
        %dma_start3A_440 = arith.constant 1 : i32
        %dma_start3A_441 = arith.constant 0 : i32
        %dma_start3A_442 = arith.constant 0 : i32
        %dma_start3A_443 = tpu.memref_slice %arg10[%dma_start3A_440, %dma_start3A_441, %dma_start3A_442] : memref<2x512x16xf32, #tpu.memory_space<vmem>> -> memref<1x512x16xf32, #tpu.memory_space<vmem>>
        %dma_start3A_444 = tpu.memref_squeeze %dma_start3A_443 : memref<1x512x16xf32, #tpu.memory_space<vmem>> -> memref<512x16xf32, #tpu.memory_space<vmem>>
        %dma_start3A_445 = arith.constant 256 : i32
        %dma_start3A_446 = arith.constant 0 : i32
        %dma_start3A_447 = tpu.memref_slice %dma_start3A_444[%dma_start3A_445, %dma_start3A_446] : memref<512x16xf32, #tpu.memory_space<vmem>> -> memref<128x16xf32, #tpu.memory_space<vmem>>
        %dma_start3A_448 = arith.constant 0 : i32
        %dma_start3A_449 = arith.constant 0 : i32
        %dma_start3A_450 = tpu.memref_slice %arg8[%dma_start3A_438, %dma_start3A_448, %dma_start3A_449] : memref<2x4x128xi32, #tpu.memory_space<vmem>> -> memref<1x4x128xi32, #tpu.memory_space<vmem>>
        %dma_start3A_451 = tpu.memref_squeeze %dma_start3A_450 : memref<1x4x128xi32, #tpu.memory_space<vmem>> -> memref<4x128xi32, #tpu.memory_space<vmem>>
        %dma_start3A_452 = arith.constant 0 : i32
        %dma_start3A_453 = tpu.memref_slice %dma_start3A_451[%dma_start3A_439, %dma_start3A_452] : memref<4x128xi32, #tpu.memory_space<vmem>> -> memref<1x128xi32, #tpu.memory_space<vmem>>
        %dma_start3A_454 = tpu.memref_squeeze %dma_start3A_453 : memref<1x128xi32, #tpu.memory_space<vmem>> -> memref<128xi32, #tpu.memory_space<vmem>>
        %dma_start3A_455 = arith.constant 0 : i32
        %dma_start3A_456 = arith.constant 0 : i32
        %dma_start3A_457 = tpu.memref_slice %arg3[%dma_start3A_455, %dma_start3A_456] : memref<102400x16xf32, #tpu.memory_space<hbm>> -> memref<102400x16xf32, #tpu.memory_space<hbm>>
        tpu.enqueue_indirect_dma source(%dma_start3A_457 : memref<102400x16xf32, #tpu.memory_space<hbm>>) target(%dma_start3A_447 : memref<128x16xf32, #tpu.memory_space<vmem>>) offsets(%dma_start3A_454 : memref<128xi32, #tpu.memory_space<vmem>>) semaphore(%arg11 : memref<!tpu.dma_semaphore, #tpu.memory_space<semaphore_mem>>)
        %dma_start3A_458 = arith.constant 1 : i32
        %dma_start3A_459 = arith.constant 3 : i32
        %dma_start3A_460 = arith.constant 1 : i32
        %dma_start3A_461 = arith.constant 0 : i32
        %dma_start3A_462 = arith.constant 0 : i32
        %dma_start3A_463 = tpu.memref_slice %arg10[%dma_start3A_460, %dma_start3A_461, %dma_start3A_462] : memref<2x512x16xf32, #tpu.memory_space<vmem>> -> memref<1x512x16xf32, #tpu.memory_space<vmem>>
        %dma_start3A_464 = tpu.memref_squeeze %dma_start3A_463 : memref<1x512x16xf32, #tpu.memory_space<vmem>> -> memref<512x16xf32, #tpu.memory_space<vmem>>
        %dma_start3A_465 = arith.constant 384 : i32
        %dma_start3A_466 = arith.constant 0 : i32
        %dma_start3A_467 = tpu.memref_slice %dma_start3A_464[%dma_start3A_465, %dma_start3A_466] : memref<512x16xf32, #tpu.memory_space<vmem>> -> memref<128x16xf32, #tpu.memory_space<vmem>>
        %dma_start3A_468 = arith.constant 0 : i32
        %dma_start3A_469 = arith.constant 0 : i32
        %dma_start3A_470 = tpu.memref_slice %arg8[%dma_start3A_458, %dma_start3A_468, %dma_start3A_469] : memref<2x4x128xi32, #tpu.memory_space<vmem>> -> memref<1x4x128xi32, #tpu.memory_space<vmem>>
        %dma_start3A_471 = tpu.memref_squeeze %dma_start3A_470 : memref<1x4x128xi32, #tpu.memory_space<vmem>> -> memref<4x128xi32, #tpu.memory_space<vmem>>
        %dma_start3A_472 = arith.constant 0 : i32
        %dma_start3A_473 = tpu.memref_slice %dma_start3A_471[%dma_start3A_459, %dma_start3A_472] : memref<4x128xi32, #tpu.memory_space<vmem>> -> memref<1x128xi32, #tpu.memory_space<vmem>>
        %dma_start3A_474 = tpu.memref_squeeze %dma_start3A_473 : memref<1x128xi32, #tpu.memory_space<vmem>> -> memref<128xi32, #tpu.memory_space<vmem>>
        %dma_start3A_475 = arith.constant 0 : i32
        %dma_start3A_476 = arith.constant 0 : i32
        %dma_start3A_477 = tpu.memref_slice %arg3[%dma_start3A_475, %dma_start3A_476] : memref<102400x16xf32, #tpu.memory_space<hbm>> -> memref<102400x16xf32, #tpu.memory_space<hbm>>
        tpu.enqueue_indirect_dma source(%dma_start3A_477 : memref<102400x16xf32, #tpu.memory_space<hbm>>) target(%dma_start3A_467 : memref<128x16xf32, #tpu.memory_space<vmem>>) offsets(%dma_start3A_474 : memref<128xi32, #tpu.memory_space<vmem>>) semaphore(%arg11 : memref<!tpu.dma_semaphore, #tpu.memory_space<semaphore_mem>>)
      } else {
      }
      %dma_start3A = arith.constant 0 : i32
      %dma_start3A_57 = arith.constant 0 : i32
      %dma_start3A_58 = arith.constant 0 : i32
      %dma_start3A_59 = arith.constant 0 : i32
      %dma_start3A_60 = arith.constant 0 : i32
      %dma_start3A_61 = tpu.memref_slice %arg10[%dma_start3A, %dma_start3A_59, %dma_start3A_60] : memref<2x512x16xf32, #tpu.memory_space<vmem>> -> memref<1x512x16xf32, #tpu.memory_space<vmem>>
      %dma_start3A_62 = tpu.memref_squeeze %dma_start3A_61 : memref<1x512x16xf32, #tpu.memory_space<vmem>> -> memref<512x16xf32, #tpu.memory_space<vmem>>
      %dma_start3A_63 = arith.constant 0 : i32
      %dma_start3A_64 = arith.constant 0 : i32
      %dma_start3A_65 = tpu.memref_slice %dma_start3A_62[%dma_start3A_63, %dma_start3A_64] : memref<512x16xf32, #tpu.memory_space<vmem>> -> memref<128x16xf32, #tpu.memory_space<vmem>>
      %dma_start3A_66 = arith.constant 0 : i32
      %dma_start3A_67 = arith.constant 0 : i32
      %dma_start3A_68 = tpu.memref_slice %arg9[%dma_start3A_57, %dma_start3A_66, %dma_start3A_67] : memref<2x4x128xi32, #tpu.memory_space<vmem>> -> memref<1x4x128xi32, #tpu.memory_space<vmem>>
      %dma_start3A_69 = tpu.memref_squeeze %dma_start3A_68 : memref<1x4x128xi32, #tpu.memory_space<vmem>> -> memref<4x128xi32, #tpu.memory_space<vmem>>
      %dma_start3A_70 = arith.constant 0 : i32
      %dma_start3A_71 = tpu.memref_slice %dma_start3A_69[%dma_start3A_58, %dma_start3A_70] : memref<4x128xi32, #tpu.memory_space<vmem>> -> memref<1x128xi32, #tpu.memory_space<vmem>>
      %dma_start3A_72 = tpu.memref_squeeze %dma_start3A_71 : memref<1x128xi32, #tpu.memory_space<vmem>> -> memref<128xi32, #tpu.memory_space<vmem>>
      %dma_start3A_73 = arith.constant 0 : i32
      %dma_start3A_74 = arith.constant 0 : i32
      %dma_start3A_75 = tpu.memref_slice %arg13[%dma_start3A_73, %dma_start3A_74] : memref<104448x16xf32, #tpu.memory_space<vmem_shared>> -> memref<104448x16xf32, #tpu.memory_space<vmem_shared>>
      tpu.enqueue_indirect_dma source(%dma_start3A_65 : memref<128x16xf32, #tpu.memory_space<vmem>>) target(%dma_start3A_75 : memref<104448x16xf32, #tpu.memory_space<vmem_shared>>) offsets(%dma_start3A_72 : memref<128xi32, #tpu.memory_space<vmem>>) semaphore(%arg12 : memref<!tpu.dma_semaphore, #tpu.memory_space<semaphore_mem>>) {add = true}
      %dma_start3A_76 = arith.constant 0 : i32
      %dma_start3A_77 = arith.constant 0 : i32
      %dma_start3A_78 = arith.constant 1 : i32
      %dma_start3A_79 = arith.constant 0 : i32
      %dma_start3A_80 = arith.constant 0 : i32
      %dma_start3A_81 = tpu.memref_slice %arg10[%dma_start3A_76, %dma_start3A_79, %dma_start3A_80] : memref<2x512x16xf32, #tpu.memory_space<vmem>> -> memref<1x512x16xf32, #tpu.memory_space<vmem>>
      %dma_start3A_82 = tpu.memref_squeeze %dma_start3A_81 : memref<1x512x16xf32, #tpu.memory_space<vmem>> -> memref<512x16xf32, #tpu.memory_space<vmem>>
      %dma_start3A_83 = arith.constant 128 : i32
      %dma_start3A_84 = arith.constant 0 : i32
      %dma_start3A_85 = tpu.memref_slice %dma_start3A_82[%dma_start3A_83, %dma_start3A_84] : memref<512x16xf32, #tpu.memory_space<vmem>> -> memref<128x16xf32, #tpu.memory_space<vmem>>
      %dma_start3A_86 = arith.constant 0 : i32
      %dma_start3A_87 = arith.constant 0 : i32
      %dma_start3A_88 = tpu.memref_slice %arg9[%dma_start3A_77, %dma_start3A_86, %dma_start3A_87] : memref<2x4x128xi32, #tpu.memory_space<vmem>> -> memref<1x4x128xi32, #tpu.memory_space<vmem>>
      %dma_start3A_89 = tpu.memref_squeeze %dma_start3A_88 : memref<1x4x128xi32, #tpu.memory_space<vmem>> -> memref<4x128xi32, #tpu.memory_space<vmem>>
      %dma_start3A_90 = arith.constant 0 : i32
      %dma_start3A_91 = tpu.memref_slice %dma_start3A_89[%dma_start3A_78, %dma_start3A_90] : memref<4x128xi32, #tpu.memory_space<vmem>> -> memref<1x128xi32, #tpu.memory_space<vmem>>
      %dma_start3A_92 = tpu.memref_squeeze %dma_start3A_91 : memref<1x128xi32, #tpu.memory_space<vmem>> -> memref<128xi32, #tpu.memory_space<vmem>>
      %dma_start3A_93 = arith.constant 0 : i32
      %dma_start3A_94 = arith.constant 0 : i32
      %dma_start3A_95 = tpu.memref_slice %arg13[%dma_start3A_93, %dma_start3A_94] : memref<104448x16xf32, #tpu.memory_space<vmem_shared>> -> memref<104448x16xf32, #tpu.memory_space<vmem_shared>>
      tpu.enqueue_indirect_dma source(%dma_start3A_85 : memref<128x16xf32, #tpu.memory_space<vmem>>) target(%dma_start3A_95 : memref<104448x16xf32, #tpu.memory_space<vmem_shared>>) offsets(%dma_start3A_92 : memref<128xi32, #tpu.memory_space<vmem>>) semaphore(%arg12 : memref<!tpu.dma_semaphore, #tpu.memory_space<semaphore_mem>>) {add = true}
      %dma_start3A_96 = arith.constant 0 : i32
      %dma_start3A_97 = arith.constant 0 : i32
      %dma_start3A_98 = arith.constant 2 : i32
      %dma_start3A_99 = arith.constant 0 : i32
      %dma_start3A_100 = arith.constant 0 : i32
      %dma_start3A_101 = tpu.memref_slice %arg10[%dma_start3A_96, %dma_start3A_99, %dma_start3A_100] : memref<2x512x16xf32, #tpu.memory_space<vmem>> -> memref<1x512x16xf32, #tpu.memory_space<vmem>>
      %dma_start3A_102 = tpu.memref_squeeze %dma_start3A_101 : memref<1x512x16xf32, #tpu.memory_space<vmem>> -> memref<512x16xf32, #tpu.memory_space<vmem>>
      %dma_start3A_103 = arith.constant 256 : i32
      %dma_start3A_104 = arith.constant 0 : i32
      %dma_start3A_105 = tpu.memref_slice %dma_start3A_102[%dma_start3A_103, %dma_start3A_104] : memref<512x16xf32, #tpu.memory_space<vmem>> -> memref<128x16xf32, #tpu.memory_space<vmem>>
      %dma_start3A_106 = arith.constant 0 : i32
      %dma_start3A_107 = arith.constant 0 : i32
      %dma_start3A_108 = tpu.memref_slice %arg9[%dma_start3A_97, %dma_start3A_106, %dma_start3A_107] : memref<2x4x128xi32, #tpu.memory_space<vmem>> -> memref<1x4x128xi32, #tpu.memory_space<vmem>>
      %dma_start3A_109 = tpu.memref_squeeze %dma_start3A_108 : memref<1x4x128xi32, #tpu.memory_space<vmem>> -> memref<4x128xi32, #tpu.memory_space<vmem>>
      %dma_start3A_110 = arith.constant 0 : i32
      %dma_start3A_111 = tpu.memref_slice %dma_start3A_109[%dma_start3A_98, %dma_start3A_110] : memref<4x128xi32, #tpu.memory_space<vmem>> -> memref<1x128xi32, #tpu.memory_space<vmem>>
      %dma_start3A_112 = tpu.memref_squeeze %dma_start3A_111 : memref<1x128xi32, #tpu.memory_space<vmem>> -> memref<128xi32, #tpu.memory_space<vmem>>
      %dma_start3A_113 = arith.constant 0 : i32
      %dma_start3A_114 = arith.constant 0 : i32
      %dma_start3A_115 = tpu.memref_slice %arg13[%dma_start3A_113, %dma_start3A_114] : memref<104448x16xf32, #tpu.memory_space<vmem_shared>> -> memref<104448x16xf32, #tpu.memory_space<vmem_shared>>
      tpu.enqueue_indirect_dma source(%dma_start3A_105 : memref<128x16xf32, #tpu.memory_space<vmem>>) target(%dma_start3A_115 : memref<104448x16xf32, #tpu.memory_space<vmem_shared>>) offsets(%dma_start3A_112 : memref<128xi32, #tpu.memory_space<vmem>>) semaphore(%arg12 : memref<!tpu.dma_semaphore, #tpu.memory_space<semaphore_mem>>) {add = true}
      %dma_start3A_116 = arith.constant 0 : i32
      %dma_start3A_117 = arith.constant 0 : i32
      %dma_start3A_118 = arith.constant 3 : i32
      %dma_start3A_119 = arith.constant 0 : i32
      %dma_start3A_120 = arith.constant 0 : i32
      %dma_start3A_121 = tpu.memref_slice %arg10[%dma_start3A_116, %dma_start3A_119, %dma_start3A_120] : memref<2x512x16xf32, #tpu.memory_space<vmem>> -> memref<1x512x16xf32, #tpu.memory_space<vmem>>
      %dma_start3A_122 = tpu.memref_squeeze %dma_start3A_121 : memref<1x512x16xf32, #tpu.memory_space<vmem>> -> memref<512x16xf32, #tpu.memory_space<vmem>>
      %dma_start3A_123 = arith.constant 384 : i32
      %dma_start3A_124 = arith.constant 0 : i32
      %dma_start3A_125 = tpu.memref_slice %dma_start3A_122[%dma_start3A_123, %dma_start3A_124] : memref<512x16xf32, #tpu.memory_space<vmem>> -> memref<128x16xf32, #tpu.memory_space<vmem>>
      %dma_start3A_126 = arith.constant 0 : i32
      %dma_start3A_127 = arith.constant 0 : i32
      %dma_start3A_128 = tpu.memref_slice %arg9[%dma_start3A_117, %dma_start3A_126, %dma_start3A_127] : memref<2x4x128xi32, #tpu.memory_space<vmem>> -> memref<1x4x128xi32, #tpu.memory_space<vmem>>
      %dma_start3A_129 = tpu.memref_squeeze %dma_start3A_128 : memref<1x4x128xi32, #tpu.memory_space<vmem>> -> memref<4x128xi32, #tpu.memory_space<vmem>>
      %dma_start3A_130 = arith.constant 0 : i32
      %dma_start3A_131 = tpu.memref_slice %dma_start3A_129[%dma_start3A_118, %dma_start3A_130] : memref<4x128xi32, #tpu.memory_space<vmem>> -> memref<1x128xi32, #tpu.memory_space<vmem>>
      %dma_start3A_132 = tpu.memref_squeeze %dma_start3A_131 : memref<1x128xi32, #tpu.memory_space<vmem>> -> memref<128xi32, #tpu.memory_space<vmem>>
      %dma_start3A_133 = arith.constant 0 : i32
      %dma_start3A_134 = arith.constant 0 : i32
      %dma_start3A_135 = tpu.memref_slice %arg13[%dma_start3A_133, %dma_start3A_134] : memref<104448x16xf32, #tpu.memory_space<vmem_shared>> -> memref<104448x16xf32, #tpu.memory_space<vmem_shared>>
      tpu.enqueue_indirect_dma source(%dma_start3A_125 : memref<128x16xf32, #tpu.memory_space<vmem>>) target(%dma_start3A_135 : memref<104448x16xf32, #tpu.memory_space<vmem_shared>>) offsets(%dma_start3A_132 : memref<128xi32, #tpu.memory_space<vmem>>) semaphore(%arg12 : memref<!tpu.dma_semaphore, #tpu.memory_space<semaphore_mem>>) {add = true}
      %dma_wait3A = arith.constant 0 : i32
      %dma_wait3A_136 = arith.constant 0 : i32
      %dma_wait3A_137 = arith.constant 0 : i32
      %dma_wait3A_138 = arith.constant 0 : i32
      %dma_wait3A_139 = arith.constant 0 : i32
      %dma_wait3A_140 = tpu.memref_slice %arg10[%dma_wait3A, %dma_wait3A_138, %dma_wait3A_139] : memref<2x512x16xf32, #tpu.memory_space<vmem>> -> memref<1x512x16xf32, #tpu.memory_space<vmem>>
      %dma_wait3A_141 = tpu.memref_squeeze %dma_wait3A_140 : memref<1x512x16xf32, #tpu.memory_space<vmem>> -> memref<512x16xf32, #tpu.memory_space<vmem>>
      %dma_wait3A_142 = arith.constant 0 : i32
      %dma_wait3A_143 = arith.constant 0 : i32
      %dma_wait3A_144 = tpu.memref_slice %dma_wait3A_141[%dma_wait3A_142, %dma_wait3A_143] : memref<512x16xf32, #tpu.memory_space<vmem>> -> memref<128x16xf32, #tpu.memory_space<vmem>>
      %dma_wait3A_145 = arith.constant 0 : i32
      %dma_wait3A_146 = arith.constant 0 : i32
      %dma_wait3A_147 = tpu.memref_slice %arg9[%dma_wait3A_136, %dma_wait3A_145, %dma_wait3A_146] : memref<2x4x128xi32, #tpu.memory_space<vmem>> -> memref<1x4x128xi32, #tpu.memory_space<vmem>>
      %dma_wait3A_148 = tpu.memref_squeeze %dma_wait3A_147 : memref<1x4x128xi32, #tpu.memory_space<vmem>> -> memref<4x128xi32, #tpu.memory_space<vmem>>
      %dma_wait3A_149 = arith.constant 0 : i32
      %dma_wait3A_150 = tpu.memref_slice %dma_wait3A_148[%dma_wait3A_137, %dma_wait3A_149] : memref<4x128xi32, #tpu.memory_space<vmem>> -> memref<1x128xi32, #tpu.memory_space<vmem>>
      %dma_wait3A_151 = tpu.memref_squeeze %dma_wait3A_150 : memref<1x128xi32, #tpu.memory_space<vmem>> -> memref<128xi32, #tpu.memory_space<vmem>>
      %dma_wait3A_152 = arith.constant 0 : i32
      %dma_wait3A_153 = arith.constant 0 : i32
      %dma_wait3A_154 = tpu.memref_slice %arg13[%dma_wait3A_152, %dma_wait3A_153] : memref<104448x16xf32, #tpu.memory_space<vmem_shared>> -> memref<104448x16xf32, #tpu.memory_space<vmem_shared>>
      tpu.wait_indirect_dma semaphore(%arg12 : memref<!tpu.dma_semaphore, #tpu.memory_space<semaphore_mem>>) src(%dma_wait3A_144 : memref<128x16xf32, #tpu.memory_space<vmem>>) dst(%dma_wait3A_154 : memref<104448x16xf32, #tpu.memory_space<vmem_shared>>)
      %dma_wait3A_155 = arith.constant 0 : i32
      %dma_wait3A_156 = arith.constant 0 : i32
      %dma_wait3A_157 = arith.constant 1 : i32
      %dma_wait3A_158 = arith.constant 0 : i32
      %dma_wait3A_159 = arith.constant 0 : i32
      %dma_wait3A_160 = tpu.memref_slice %arg10[%dma_wait3A_155, %dma_wait3A_158, %dma_wait3A_159] : memref<2x512x16xf32, #tpu.memory_space<vmem>> -> memref<1x512x16xf32, #tpu.memory_space<vmem>>
      %dma_wait3A_161 = tpu.memref_squeeze %dma_wait3A_160 : memref<1x512x16xf32, #tpu.memory_space<vmem>> -> memref<512x16xf32, #tpu.memory_space<vmem>>
      %dma_wait3A_162 = arith.constant 128 : i32
      %dma_wait3A_163 = arith.constant 0 : i32
      %dma_wait3A_164 = tpu.memref_slice %dma_wait3A_161[%dma_wait3A_162, %dma_wait3A_163] : memref<512x16xf32, #tpu.memory_space<vmem>> -> memref<128x16xf32, #tpu.memory_space<vmem>>
      %dma_wait3A_165 = arith.constant 0 : i32
      %dma_wait3A_166 = arith.constant 0 : i32
      %dma_wait3A_167 = tpu.memref_slice %arg9[%dma_wait3A_156, %dma_wait3A_165, %dma_wait3A_166] : memref<2x4x128xi32, #tpu.memory_space<vmem>> -> memref<1x4x128xi32, #tpu.memory_space<vmem>>
      %dma_wait3A_168 = tpu.memref_squeeze %dma_wait3A_167 : memref<1x4x128xi32, #tpu.memory_space<vmem>> -> memref<4x128xi32, #tpu.memory_space<vmem>>
      %dma_wait3A_169 = arith.constant 0 : i32
      %dma_wait3A_170 = tpu.memref_slice %dma_wait3A_168[%dma_wait3A_157, %dma_wait3A_169] : memref<4x128xi32, #tpu.memory_space<vmem>> -> memref<1x128xi32, #tpu.memory_space<vmem>>
      %dma_wait3A_171 = tpu.memref_squeeze %dma_wait3A_170 : memref<1x128xi32, #tpu.memory_space<vmem>> -> memref<128xi32, #tpu.memory_space<vmem>>
      %dma_wait3A_172 = arith.constant 0 : i32
      %dma_wait3A_173 = arith.constant 0 : i32
      %dma_wait3A_174 = tpu.memref_slice %arg13[%dma_wait3A_172, %dma_wait3A_173] : memref<104448x16xf32, #tpu.memory_space<vmem_shared>> -> memref<104448x16xf32, #tpu.memory_space<vmem_shared>>
      tpu.wait_indirect_dma semaphore(%arg12 : memref<!tpu.dma_semaphore, #tpu.memory_space<semaphore_mem>>) src(%dma_wait3A_164 : memref<128x16xf32, #tpu.memory_space<vmem>>) dst(%dma_wait3A_174 : memref<104448x16xf32, #tpu.memory_space<vmem_shared>>)
      %dma_wait3A_175 = arith.constant 0 : i32
      %dma_wait3A_176 = arith.constant 0 : i32
      %dma_wait3A_177 = arith.constant 2 : i32
      %dma_wait3A_178 = arith.constant 0 : i32
      %dma_wait3A_179 = arith.constant 0 : i32
      %dma_wait3A_180 = tpu.memref_slice %arg10[%dma_wait3A_175, %dma_wait3A_178, %dma_wait3A_179] : memref<2x512x16xf32, #tpu.memory_space<vmem>> -> memref<1x512x16xf32, #tpu.memory_space<vmem>>
      %dma_wait3A_181 = tpu.memref_squeeze %dma_wait3A_180 : memref<1x512x16xf32, #tpu.memory_space<vmem>> -> memref<512x16xf32, #tpu.memory_space<vmem>>
      %dma_wait3A_182 = arith.constant 256 : i32
      %dma_wait3A_183 = arith.constant 0 : i32
      %dma_wait3A_184 = tpu.memref_slice %dma_wait3A_181[%dma_wait3A_182, %dma_wait3A_183] : memref<512x16xf32, #tpu.memory_space<vmem>> -> memref<128x16xf32, #tpu.memory_space<vmem>>
      %dma_wait3A_185 = arith.constant 0 : i32
      %dma_wait3A_186 = arith.constant 0 : i32
      %dma_wait3A_187 = tpu.memref_slice %arg9[%dma_wait3A_176, %dma_wait3A_185, %dma_wait3A_186] : memref<2x4x128xi32, #tpu.memory_space<vmem>> -> memref<1x4x128xi32, #tpu.memory_space<vmem>>
      %dma_wait3A_188 = tpu.memref_squeeze %dma_wait3A_187 : memref<1x4x128xi32, #tpu.memory_space<vmem>> -> memref<4x128xi32, #tpu.memory_space<vmem>>
      %dma_wait3A_189 = arith.constant 0 : i32
      %dma_wait3A_190 = tpu.memref_slice %dma_wait3A_188[%dma_wait3A_177, %dma_wait3A_189] : memref<4x128xi32, #tpu.memory_space<vmem>> -> memref<1x128xi32, #tpu.memory_space<vmem>>
      %dma_wait3A_191 = tpu.memref_squeeze %dma_wait3A_190 : memref<1x128xi32, #tpu.memory_space<vmem>> -> memref<128xi32, #tpu.memory_space<vmem>>
      %dma_wait3A_192 = arith.constant 0 : i32
      %dma_wait3A_193 = arith.constant 0 : i32
      %dma_wait3A_194 = tpu.memref_slice %arg13[%dma_wait3A_192, %dma_wait3A_193] : memref<104448x16xf32, #tpu.memory_space<vmem_shared>> -> memref<104448x16xf32, #tpu.memory_space<vmem_shared>>
      tpu.wait_indirect_dma semaphore(%arg12 : memref<!tpu.dma_semaphore, #tpu.memory_space<semaphore_mem>>) src(%dma_wait3A_184 : memref<128x16xf32, #tpu.memory_space<vmem>>) dst(%dma_wait3A_194 : memref<104448x16xf32, #tpu.memory_space<vmem_shared>>)
      %dma_wait3A_195 = arith.constant 0 : i32
      %dma_wait3A_196 = arith.constant 0 : i32
      %dma_wait3A_197 = arith.constant 3 : i32
      %dma_wait3A_198 = arith.constant 0 : i32
      %dma_wait3A_199 = arith.constant 0 : i32
      %dma_wait3A_200 = tpu.memref_slice %arg10[%dma_wait3A_195, %dma_wait3A_198, %dma_wait3A_199] : memref<2x512x16xf32, #tpu.memory_space<vmem>> -> memref<1x512x16xf32, #tpu.memory_space<vmem>>
      %dma_wait3A_201 = tpu.memref_squeeze %dma_wait3A_200 : memref<1x512x16xf32, #tpu.memory_space<vmem>> -> memref<512x16xf32, #tpu.memory_space<vmem>>
      %dma_wait3A_202 = arith.constant 384 : i32
      %dma_wait3A_203 = arith.constant 0 : i32
      %dma_wait3A_204 = tpu.memref_slice %dma_wait3A_201[%dma_wait3A_202, %dma_wait3A_203] : memref<512x16xf32, #tpu.memory_space<vmem>> -> memref<128x16xf32, #tpu.memory_space<vmem>>
      %dma_wait3A_205 = arith.constant 0 : i32
      %dma_wait3A_206 = arith.constant 0 : i32
      %dma_wait3A_207 = tpu.memref_slice %arg9[%dma_wait3A_196, %dma_wait3A_205, %dma_wait3A_206] : memref<2x4x128xi32, #tpu.memory_space<vmem>> -> memref<1x4x128xi32, #tpu.memory_space<vmem>>
      %dma_wait3A_208 = tpu.memref_squeeze %dma_wait3A_207 : memref<1x4x128xi32, #tpu.memory_space<vmem>> -> memref<4x128xi32, #tpu.memory_space<vmem>>
      %dma_wait3A_209 = arith.constant 0 : i32
      %dma_wait3A_210 = tpu.memref_slice %dma_wait3A_208[%dma_wait3A_197, %dma_wait3A_209] : memref<4x128xi32, #tpu.memory_space<vmem>> -> memref<1x128xi32, #tpu.memory_space<vmem>>
      %dma_wait3A_211 = tpu.memref_squeeze %dma_wait3A_210 : memref<1x128xi32, #tpu.memory_space<vmem>> -> memref<128xi32, #tpu.memory_space<vmem>>
      %dma_wait3A_212 = arith.constant 0 : i32
      %dma_wait3A_213 = arith.constant 0 : i32
      %dma_wait3A_214 = tpu.memref_slice %arg13[%dma_wait3A_212, %dma_wait3A_213] : memref<104448x16xf32, #tpu.memory_space<vmem_shared>> -> memref<104448x16xf32, #tpu.memory_space<vmem_shared>>
      tpu.wait_indirect_dma semaphore(%arg12 : memref<!tpu.dma_semaphore, #tpu.memory_space<semaphore_mem>>) src(%dma_wait3A_204 : memref<128x16xf32, #tpu.memory_space<vmem>>) dst(%dma_wait3A_214 : memref<104448x16xf32, #tpu.memory_space<vmem_shared>>)
      %add3A_215 = arith.constant 1 : i32
      %add3A_216 = arith.addi %scan3A_27, %add3A_215 : i32
      %lt3A = arith.constant 98 : i32
      %lt3A_217 = arith.cmpi slt, %add3A_216, %lt3A : i32
      %convert_element_type3A_218 = arith.extui %lt3A_217 : i1 to i32
      %cond3A_219 = arith.constant 0 : i32
      %cond3A_220 = arith.cmpi ne, %convert_element_type3A_218, %cond3A_219 : i32
      scf.if %cond3A_220 {
        %add3A_398 = arith.constant 2 : i32
        %add3A_399 = arith.addi %mul3A_29, %add3A_398 : i32
        %add3A_400 = arith.addi %mul3A_2, %add3A_399 : i32
        %mul3A_401 = arith.constant 4 : i32
        %mul3A_402 = arith.muli %add3A_400, %mul3A_401 : i32
        %run_scoped3A_403 = arith.constant 0 : i32
        "tpu.region"() ({
          %run_scoped3A_405 = tpu.sem_alloc : memref<!tpu.dma_semaphore, #tpu.memory_space<semaphore_mem>>
          %dma_start3A_406 = arith.constant 0 : i32
          %dma_start3A_407 = arith.constant 0 : i32
          %dma_start3A_408 = tpu.memref_slice %arg8[%run_scoped3A_403, %dma_start3A_406, %dma_start3A_407] : memref<2x4x128xi32, #tpu.memory_space<vmem>> -> memref<1x4x128xi32, #tpu.memory_space<vmem>>
          %dma_start3A_409 = tpu.memref_squeeze %dma_start3A_408 : memref<1x4x128xi32, #tpu.memory_space<vmem>> -> memref<4x128xi32, #tpu.memory_space<vmem>>
          %dma_start3A_410 = arith.constant 0 : i32
          %dma_start3A_411 = tpu.memref_slice %arg4[%mul3A_402, %dma_start3A_410] : memref<12544x128xi32, #tpu.memory_space<hbm>> -> memref<4x128xi32, #tpu.memory_space<hbm>>
          %dma_start3A_412 = arith.constant 0 : i32
          %dma_start3A_413 = arith.constant 0 : i32
          %dma_start3A_414 = tpu.memref_slice %arg8[%run_scoped3A_403, %dma_start3A_412, %dma_start3A_413] : memref<2x4x128xi32, #tpu.memory_space<vmem>> -> memref<1x4x128xi32, #tpu.memory_space<vmem>>
          %dma_start3A_415 = tpu.memref_squeeze %dma_start3A_414 : memref<1x4x128xi32, #tpu.memory_space<vmem>> -> memref<4x128xi32, #tpu.memory_space<vmem>>
          %dma_start3A_416 = arith.constant 0 : i32
          %dma_start3A_417 = tpu.memref_slice %arg4[%mul3A_402, %dma_start3A_416] : memref<12544x128xi32, #tpu.memory_space<hbm>> -> memref<4x128xi32, #tpu.memory_space<hbm>>
          tpu.enqueue_dma source(%dma_start3A_417 : memref<4x128xi32, #tpu.memory_space<hbm>>) target(%dma_start3A_415 : memref<4x128xi32, #tpu.memory_space<vmem>>) target_semaphore(%run_scoped3A_405 : memref<!tpu.dma_semaphore, #tpu.memory_space<semaphore_mem>>)
          %dma_wait3A_418 = arith.constant 0 : i32
          %dma_wait3A_419 = arith.constant 0 : i32
          %dma_wait3A_420 = tpu.memref_slice %arg8[%run_scoped3A_403, %dma_wait3A_418, %dma_wait3A_419] : memref<2x4x128xi32, #tpu.memory_space<vmem>> -> memref<1x4x128xi32, #tpu.memory_space<vmem>>
          %dma_wait3A_421 = tpu.memref_squeeze %dma_wait3A_420 : memref<1x4x128xi32, #tpu.memory_space<vmem>> -> memref<4x128xi32, #tpu.memory_space<vmem>>
          %dma_wait3A_422 = arith.constant 0 : i32
          %dma_wait3A_423 = tpu.memref_slice %arg4[%mul3A_402, %dma_wait3A_422] : memref<12544x128xi32, #tpu.memory_space<hbm>> -> memref<4x128xi32, #tpu.memory_space<hbm>>
          %dma_wait3A_424 = arith.constant 0 : i32
          %dma_wait3A_425 = arith.constant 0 : i32
          %dma_wait3A_426 = tpu.memref_slice %arg8[%run_scoped3A_403, %dma_wait3A_424, %dma_wait3A_425] : memref<2x4x128xi32, #tpu.memory_space<vmem>> -> memref<1x4x128xi32, #tpu.memory_space<vmem>>
          %dma_wait3A_427 = tpu.memref_squeeze %dma_wait3A_426 : memref<1x4x128xi32, #tpu.memory_space<vmem>> -> memref<4x128xi32, #tpu.memory_space<vmem>>
          %dma_wait3A_428 = arith.constant 0 : i32
          %dma_wait3A_429 = tpu.memref_slice %arg4[%mul3A_402, %dma_wait3A_428] : memref<12544x128xi32, #tpu.memory_space<hbm>> -> memref<4x128xi32, #tpu.memory_space<hbm>>
          tpu.wait_dma2 semaphore(%run_scoped3A_405 : memref<!tpu.dma_semaphore, #tpu.memory_space<semaphore_mem>>) src(%dma_wait3A_429 : memref<4x128xi32, #tpu.memory_space<hbm>>) dst(%dma_wait3A_427 : memref<4x128xi32, #tpu.memory_space<vmem>>)
          tpu.yield
        }) : () -> ()
        %run_scoped3A_404 = arith.constant 0 : i32
        "tpu.region"() ({
          %run_scoped3A_405 = tpu.sem_alloc : memref<!tpu.dma_semaphore, #tpu.memory_space<semaphore_mem>>
          %dma_start3A_406 = arith.constant 0 : i32
          %dma_start3A_407 = arith.constant 0 : i32
          %dma_start3A_408 = tpu.memref_slice %arg9[%run_scoped3A_404, %dma_start3A_406, %dma_start3A_407] : memref<2x4x128xi32, #tpu.memory_space<vmem>> -> memref<1x4x128xi32, #tpu.memory_space<vmem>>
          %dma_start3A_409 = tpu.memref_squeeze %dma_start3A_408 : memref<1x4x128xi32, #tpu.memory_space<vmem>> -> memref<4x128xi32, #tpu.memory_space<vmem>>
          %dma_start3A_410 = arith.constant 0 : i32
          %dma_start3A_411 = tpu.memref_slice %arg5[%mul3A_402, %dma_start3A_410] : memref<12544x128xi32, #tpu.memory_space<hbm>> -> memref<4x128xi32, #tpu.memory_space<hbm>>
          %dma_start3A_412 = arith.constant 0 : i32
          %dma_start3A_413 = arith.constant 0 : i32
          %dma_start3A_414 = tpu.memref_slice %arg9[%run_scoped3A_404, %dma_start3A_412, %dma_start3A_413] : memref<2x4x128xi32, #tpu.memory_space<vmem>> -> memref<1x4x128xi32, #tpu.memory_space<vmem>>
          %dma_start3A_415 = tpu.memref_squeeze %dma_start3A_414 : memref<1x4x128xi32, #tpu.memory_space<vmem>> -> memref<4x128xi32, #tpu.memory_space<vmem>>
          %dma_start3A_416 = arith.constant 0 : i32
          %dma_start3A_417 = tpu.memref_slice %arg5[%mul3A_402, %dma_start3A_416] : memref<12544x128xi32, #tpu.memory_space<hbm>> -> memref<4x128xi32, #tpu.memory_space<hbm>>
          tpu.enqueue_dma source(%dma_start3A_417 : memref<4x128xi32, #tpu.memory_space<hbm>>) target(%dma_start3A_415 : memref<4x128xi32, #tpu.memory_space<vmem>>) target_semaphore(%run_scoped3A_405 : memref<!tpu.dma_semaphore, #tpu.memory_space<semaphore_mem>>)
          %dma_wait3A_418 = arith.constant 0 : i32
          %dma_wait3A_419 = arith.constant 0 : i32
          %dma_wait3A_420 = tpu.memref_slice %arg9[%run_scoped3A_404, %dma_wait3A_418, %dma_wait3A_419] : memref<2x4x128xi32, #tpu.memory_space<vmem>> -> memref<1x4x128xi32, #tpu.memory_space<vmem>>
          %dma_wait3A_421 = tpu.memref_squeeze %dma_wait3A_420 : memref<1x4x128xi32, #tpu.memory_space<vmem>> -> memref<4x128xi32, #tpu.memory_space<vmem>>
          %dma_wait3A_422 = arith.constant 0 : i32
          %dma_wait3A_423 = tpu.memref_slice %arg5[%mul3A_402, %dma_wait3A_422] : memref<12544x128xi32, #tpu.memory_space<hbm>> -> memref<4x128xi32, #tpu.memory_space<hbm>>
          %dma_wait3A_424 = arith.constant 0 : i32
          %dma_wait3A_425 = arith.constant 0 : i32
          %dma_wait3A_426 = tpu.memref_slice %arg9[%run_scoped3A_404, %dma_wait3A_424, %dma_wait3A_425] : memref<2x4x128xi32, #tpu.memory_space<vmem>> -> memref<1x4x128xi32, #tpu.memory_space<vmem>>
          %dma_wait3A_427 = tpu.memref_squeeze %dma_wait3A_426 : memref<1x4x128xi32, #tpu.memory_space<vmem>> -> memref<4x128xi32, #tpu.memory_space<vmem>>
          %dma_wait3A_428 = arith.constant 0 : i32
          %dma_wait3A_429 = tpu.memref_slice %arg5[%mul3A_402, %dma_wait3A_428] : memref<12544x128xi32, #tpu.memory_space<hbm>> -> memref<4x128xi32, #tpu.memory_space<hbm>>
          tpu.wait_dma2 semaphore(%run_scoped3A_405 : memref<!tpu.dma_semaphore, #tpu.memory_space<semaphore_mem>>) src(%dma_wait3A_429 : memref<4x128xi32, #tpu.memory_space<hbm>>) dst(%dma_wait3A_427 : memref<4x128xi32, #tpu.memory_space<vmem>>)
          tpu.yield
        }) : () -> ()
      } else {
      }
      %eq3A_221 = arith.constant 0 : i32
      %eq3A_222 = arith.cmpi eq, %arg0, %eq3A_221 : i32
      %convert_element_type3A_223 = arith.extui %eq3A_222 : i1 to i32
      %cond3A_224 = arith.constant 0 : i32
      %cond3A_225 = arith.cmpi ne, %convert_element_type3A_223, %cond3A_224 : i32
      scf.if %cond3A_225 {
        %dma_wait3A_398 = arith.constant 1 : i32
        %dma_wait3A_399 = arith.constant 0 : i32
        %dma_wait3A_400 = arith.constant 1 : i32
        %dma_wait3A_401 = arith.constant 0 : i32
        %dma_wait3A_402 = arith.constant 0 : i32
        %dma_wait3A_403 = tpu.memref_slice %arg10[%dma_wait3A_400, %dma_wait3A_401, %dma_wait3A_402] : memref<2x512x16xf32, #tpu.memory_space<vmem>> -> memref<1x512x16xf32, #tpu.memory_space<vmem>>
        %dma_wait3A_404 = tpu.memref_squeeze %dma_wait3A_403 : memref<1x512x16xf32, #tpu.memory_space<vmem>> -> memref<512x16xf32, #tpu.memory_space<vmem>>
        %dma_wait3A_405 = arith.constant 0 : i32
        %dma_wait3A_406 = arith.constant 0 : i32
        %dma_wait3A_407 = tpu.memref_slice %dma_wait3A_404[%dma_wait3A_405, %dma_wait3A_406] : memref<512x16xf32, #tpu.memory_space<vmem>> -> memref<128x16xf32, #tpu.memory_space<vmem>>
        %dma_wait3A_408 = arith.constant 0 : i32
        %dma_wait3A_409 = arith.constant 0 : i32
        %dma_wait3A_410 = tpu.memref_slice %arg8[%dma_wait3A_398, %dma_wait3A_408, %dma_wait3A_409] : memref<2x4x128xi32, #tpu.memory_space<vmem>> -> memref<1x4x128xi32, #tpu.memory_space<vmem>>
        %dma_wait3A_411 = tpu.memref_squeeze %dma_wait3A_410 : memref<1x4x128xi32, #tpu.memory_space<vmem>> -> memref<4x128xi32, #tpu.memory_space<vmem>>
        %dma_wait3A_412 = arith.constant 0 : i32
        %dma_wait3A_413 = tpu.memref_slice %dma_wait3A_411[%dma_wait3A_399, %dma_wait3A_412] : memref<4x128xi32, #tpu.memory_space<vmem>> -> memref<1x128xi32, #tpu.memory_space<vmem>>
        %dma_wait3A_414 = tpu.memref_squeeze %dma_wait3A_413 : memref<1x128xi32, #tpu.memory_space<vmem>> -> memref<128xi32, #tpu.memory_space<vmem>>
        %dma_wait3A_415 = arith.constant 0 : i32
        %dma_wait3A_416 = arith.constant 0 : i32
        %dma_wait3A_417 = tpu.memref_slice %arg2[%dma_wait3A_415, %dma_wait3A_416] : memref<102400x16xf32, #tpu.memory_space<hbm>> -> memref<102400x16xf32, #tpu.memory_space<hbm>>
        tpu.wait_indirect_dma semaphore(%arg11 : memref<!tpu.dma_semaphore, #tpu.memory_space<semaphore_mem>>) src(%dma_wait3A_417 : memref<102400x16xf32, #tpu.memory_space<hbm>>) dst(%dma_wait3A_407 : memref<128x16xf32, #tpu.memory_space<vmem>>)
        %dma_wait3A_418 = arith.constant 1 : i32
        %dma_wait3A_419 = arith.constant 1 : i32
        %dma_wait3A_420 = arith.constant 1 : i32
        %dma_wait3A_421 = arith.constant 0 : i32
        %dma_wait3A_422 = arith.constant 0 : i32
        %dma_wait3A_423 = tpu.memref_slice %arg10[%dma_wait3A_420, %dma_wait3A_421, %dma_wait3A_422] : memref<2x512x16xf32, #tpu.memory_space<vmem>> -> memref<1x512x16xf32, #tpu.memory_space<vmem>>
        %dma_wait3A_424 = tpu.memref_squeeze %dma_wait3A_423 : memref<1x512x16xf32, #tpu.memory_space<vmem>> -> memref<512x16xf32, #tpu.memory_space<vmem>>
        %dma_wait3A_425 = arith.constant 128 : i32
        %dma_wait3A_426 = arith.constant 0 : i32
        %dma_wait3A_427 = tpu.memref_slice %dma_wait3A_424[%dma_wait3A_425, %dma_wait3A_426] : memref<512x16xf32, #tpu.memory_space<vmem>> -> memref<128x16xf32, #tpu.memory_space<vmem>>
        %dma_wait3A_428 = arith.constant 0 : i32
        %dma_wait3A_429 = arith.constant 0 : i32
        %dma_wait3A_430 = tpu.memref_slice %arg8[%dma_wait3A_418, %dma_wait3A_428, %dma_wait3A_429] : memref<2x4x128xi32, #tpu.memory_space<vmem>> -> memref<1x4x128xi32, #tpu.memory_space<vmem>>
        %dma_wait3A_431 = tpu.memref_squeeze %dma_wait3A_430 : memref<1x4x128xi32, #tpu.memory_space<vmem>> -> memref<4x128xi32, #tpu.memory_space<vmem>>
        %dma_wait3A_432 = arith.constant 0 : i32
        %dma_wait3A_433 = tpu.memref_slice %dma_wait3A_431[%dma_wait3A_419, %dma_wait3A_432] : memref<4x128xi32, #tpu.memory_space<vmem>> -> memref<1x128xi32, #tpu.memory_space<vmem>>
        %dma_wait3A_434 = tpu.memref_squeeze %dma_wait3A_433 : memref<1x128xi32, #tpu.memory_space<vmem>> -> memref<128xi32, #tpu.memory_space<vmem>>
        %dma_wait3A_435 = arith.constant 0 : i32
        %dma_wait3A_436 = arith.constant 0 : i32
        %dma_wait3A_437 = tpu.memref_slice %arg2[%dma_wait3A_435, %dma_wait3A_436] : memref<102400x16xf32, #tpu.memory_space<hbm>> -> memref<102400x16xf32, #tpu.memory_space<hbm>>
        tpu.wait_indirect_dma semaphore(%arg11 : memref<!tpu.dma_semaphore, #tpu.memory_space<semaphore_mem>>) src(%dma_wait3A_437 : memref<102400x16xf32, #tpu.memory_space<hbm>>) dst(%dma_wait3A_427 : memref<128x16xf32, #tpu.memory_space<vmem>>)
        %dma_wait3A_438 = arith.constant 1 : i32
        %dma_wait3A_439 = arith.constant 2 : i32
        %dma_wait3A_440 = arith.constant 1 : i32
        %dma_wait3A_441 = arith.constant 0 : i32
        %dma_wait3A_442 = arith.constant 0 : i32
        %dma_wait3A_443 = tpu.memref_slice %arg10[%dma_wait3A_440, %dma_wait3A_441, %dma_wait3A_442] : memref<2x512x16xf32, #tpu.memory_space<vmem>> -> memref<1x512x16xf32, #tpu.memory_space<vmem>>
        %dma_wait3A_444 = tpu.memref_squeeze %dma_wait3A_443 : memref<1x512x16xf32, #tpu.memory_space<vmem>> -> memref<512x16xf32, #tpu.memory_space<vmem>>
        %dma_wait3A_445 = arith.constant 256 : i32
        %dma_wait3A_446 = arith.constant 0 : i32
        %dma_wait3A_447 = tpu.memref_slice %dma_wait3A_444[%dma_wait3A_445, %dma_wait3A_446] : memref<512x16xf32, #tpu.memory_space<vmem>> -> memref<128x16xf32, #tpu.memory_space<vmem>>
        %dma_wait3A_448 = arith.constant 0 : i32
        %dma_wait3A_449 = arith.constant 0 : i32
        %dma_wait3A_450 = tpu.memref_slice %arg8[%dma_wait3A_438, %dma_wait3A_448, %dma_wait3A_449] : memref<2x4x128xi32, #tpu.memory_space<vmem>> -> memref<1x4x128xi32, #tpu.memory_space<vmem>>
        %dma_wait3A_451 = tpu.memref_squeeze %dma_wait3A_450 : memref<1x4x128xi32, #tpu.memory_space<vmem>> -> memref<4x128xi32, #tpu.memory_space<vmem>>
        %dma_wait3A_452 = arith.constant 0 : i32
        %dma_wait3A_453 = tpu.memref_slice %dma_wait3A_451[%dma_wait3A_439, %dma_wait3A_452] : memref<4x128xi32, #tpu.memory_space<vmem>> -> memref<1x128xi32, #tpu.memory_space<vmem>>
        %dma_wait3A_454 = tpu.memref_squeeze %dma_wait3A_453 : memref<1x128xi32, #tpu.memory_space<vmem>> -> memref<128xi32, #tpu.memory_space<vmem>>
        %dma_wait3A_455 = arith.constant 0 : i32
        %dma_wait3A_456 = arith.constant 0 : i32
        %dma_wait3A_457 = tpu.memref_slice %arg2[%dma_wait3A_455, %dma_wait3A_456] : memref<102400x16xf32, #tpu.memory_space<hbm>> -> memref<102400x16xf32, #tpu.memory_space<hbm>>
        tpu.wait_indirect_dma semaphore(%arg11 : memref<!tpu.dma_semaphore, #tpu.memory_space<semaphore_mem>>) src(%dma_wait3A_457 : memref<102400x16xf32, #tpu.memory_space<hbm>>) dst(%dma_wait3A_447 : memref<128x16xf32, #tpu.memory_space<vmem>>)
        %dma_wait3A_458 = arith.constant 1 : i32
        %dma_wait3A_459 = arith.constant 3 : i32
        %dma_wait3A_460 = arith.constant 1 : i32
        %dma_wait3A_461 = arith.constant 0 : i32
        %dma_wait3A_462 = arith.constant 0 : i32
        %dma_wait3A_463 = tpu.memref_slice %arg10[%dma_wait3A_460, %dma_wait3A_461, %dma_wait3A_462] : memref<2x512x16xf32, #tpu.memory_space<vmem>> -> memref<1x512x16xf32, #tpu.memory_space<vmem>>
        %dma_wait3A_464 = tpu.memref_squeeze %dma_wait3A_463 : memref<1x512x16xf32, #tpu.memory_space<vmem>> -> memref<512x16xf32, #tpu.memory_space<vmem>>
        %dma_wait3A_465 = arith.constant 384 : i32
        %dma_wait3A_466 = arith.constant 0 : i32
        %dma_wait3A_467 = tpu.memref_slice %dma_wait3A_464[%dma_wait3A_465, %dma_wait3A_466] : memref<512x16xf32, #tpu.memory_space<vmem>> -> memref<128x16xf32, #tpu.memory_space<vmem>>
        %dma_wait3A_468 = arith.constant 0 : i32
        %dma_wait3A_469 = arith.constant 0 : i32
        %dma_wait3A_470 = tpu.memref_slice %arg8[%dma_wait3A_458, %dma_wait3A_468, %dma_wait3A_469] : memref<2x4x128xi32, #tpu.memory_space<vmem>> -> memref<1x4x128xi32, #tpu.memory_space<vmem>>
        %dma_wait3A_471 = tpu.memref_squeeze %dma_wait3A_470 : memref<1x4x128xi32, #tpu.memory_space<vmem>> -> memref<4x128xi32, #tpu.memory_space<vmem>>
        %dma_wait3A_472 = arith.constant 0 : i32
        %dma_wait3A_473 = tpu.memref_slice %dma_wait3A_471[%dma_wait3A_459, %dma_wait3A_472] : memref<4x128xi32, #tpu.memory_space<vmem>> -> memref<1x128xi32, #tpu.memory_space<vmem>>
        %dma_wait3A_474 = tpu.memref_squeeze %dma_wait3A_473 : memref<1x128xi32, #tpu.memory_space<vmem>> -> memref<128xi32, #tpu.memory_space<vmem>>
        %dma_wait3A_475 = arith.constant 0 : i32
        %dma_wait3A_476 = arith.constant 0 : i32
        %dma_wait3A_477 = tpu.memref_slice %arg2[%dma_wait3A_475, %dma_wait3A_476] : memref<102400x16xf32, #tpu.memory_space<hbm>> -> memref<102400x16xf32, #tpu.memory_space<hbm>>
        tpu.wait_indirect_dma semaphore(%arg11 : memref<!tpu.dma_semaphore, #tpu.memory_space<semaphore_mem>>) src(%dma_wait3A_477 : memref<102400x16xf32, #tpu.memory_space<hbm>>) dst(%dma_wait3A_467 : memref<128x16xf32, #tpu.memory_space<vmem>>)
      } else {
      }
      %eq3A_226 = arith.constant 1 : i32
      %eq3A_227 = arith.cmpi eq, %arg0, %eq3A_226 : i32
      %convert_element_type3A_228 = arith.extui %eq3A_227 : i1 to i32
      %cond3A_229 = arith.constant 0 : i32
      %cond3A_230 = arith.cmpi ne, %convert_element_type3A_228, %cond3A_229 : i32
      scf.if %cond3A_230 {
        %dma_wait3A_398 = arith.constant 1 : i32
        %dma_wait3A_399 = arith.constant 0 : i32
        %dma_wait3A_400 = arith.constant 1 : i32
        %dma_wait3A_401 = arith.constant 0 : i32
        %dma_wait3A_402 = arith.constant 0 : i32
        %dma_wait3A_403 = tpu.memref_slice %arg10[%dma_wait3A_400, %dma_wait3A_401, %dma_wait3A_402] : memref<2x512x16xf32, #tpu.memory_space<vmem>> -> memref<1x512x16xf32, #tpu.memory_space<vmem>>
        %dma_wait3A_404 = tpu.memref_squeeze %dma_wait3A_403 : memref<1x512x16xf32, #tpu.memory_space<vmem>> -> memref<512x16xf32, #tpu.memory_space<vmem>>
        %dma_wait3A_405 = arith.constant 0 : i32
        %dma_wait3A_406 = arith.constant 0 : i32
        %dma_wait3A_407 = tpu.memref_slice %dma_wait3A_404[%dma_wait3A_405, %dma_wait3A_406] : memref<512x16xf32, #tpu.memory_space<vmem>> -> memref<128x16xf32, #tpu.memory_space<vmem>>
        %dma_wait3A_408 = arith.constant 0 : i32
        %dma_wait3A_409 = arith.constant 0 : i32
        %dma_wait3A_410 = tpu.memref_slice %arg8[%dma_wait3A_398, %dma_wait3A_408, %dma_wait3A_409] : memref<2x4x128xi32, #tpu.memory_space<vmem>> -> memref<1x4x128xi32, #tpu.memory_space<vmem>>
        %dma_wait3A_411 = tpu.memref_squeeze %dma_wait3A_410 : memref<1x4x128xi32, #tpu.memory_space<vmem>> -> memref<4x128xi32, #tpu.memory_space<vmem>>
        %dma_wait3A_412 = arith.constant 0 : i32
        %dma_wait3A_413 = tpu.memref_slice %dma_wait3A_411[%dma_wait3A_399, %dma_wait3A_412] : memref<4x128xi32, #tpu.memory_space<vmem>> -> memref<1x128xi32, #tpu.memory_space<vmem>>
        %dma_wait3A_414 = tpu.memref_squeeze %dma_wait3A_413 : memref<1x128xi32, #tpu.memory_space<vmem>> -> memref<128xi32, #tpu.memory_space<vmem>>
        %dma_wait3A_415 = arith.constant 0 : i32
        %dma_wait3A_416 = arith.constant 0 : i32
        %dma_wait3A_417 = tpu.memref_slice %arg3[%dma_wait3A_415, %dma_wait3A_416] : memref<102400x16xf32, #tpu.memory_space<hbm>> -> memref<102400x16xf32, #tpu.memory_space<hbm>>
        tpu.wait_indirect_dma semaphore(%arg11 : memref<!tpu.dma_semaphore, #tpu.memory_space<semaphore_mem>>) src(%dma_wait3A_417 : memref<102400x16xf32, #tpu.memory_space<hbm>>) dst(%dma_wait3A_407 : memref<128x16xf32, #tpu.memory_space<vmem>>)
        %dma_wait3A_418 = arith.constant 1 : i32
        %dma_wait3A_419 = arith.constant 1 : i32
        %dma_wait3A_420 = arith.constant 1 : i32
        %dma_wait3A_421 = arith.constant 0 : i32
        %dma_wait3A_422 = arith.constant 0 : i32
        %dma_wait3A_423 = tpu.memref_slice %arg10[%dma_wait3A_420, %dma_wait3A_421, %dma_wait3A_422] : memref<2x512x16xf32, #tpu.memory_space<vmem>> -> memref<1x512x16xf32, #tpu.memory_space<vmem>>
        %dma_wait3A_424 = tpu.memref_squeeze %dma_wait3A_423 : memref<1x512x16xf32, #tpu.memory_space<vmem>> -> memref<512x16xf32, #tpu.memory_space<vmem>>
        %dma_wait3A_425 = arith.constant 128 : i32
        %dma_wait3A_426 = arith.constant 0 : i32
        %dma_wait3A_427 = tpu.memref_slice %dma_wait3A_424[%dma_wait3A_425, %dma_wait3A_426] : memref<512x16xf32, #tpu.memory_space<vmem>> -> memref<128x16xf32, #tpu.memory_space<vmem>>
        %dma_wait3A_428 = arith.constant 0 : i32
        %dma_wait3A_429 = arith.constant 0 : i32
        %dma_wait3A_430 = tpu.memref_slice %arg8[%dma_wait3A_418, %dma_wait3A_428, %dma_wait3A_429] : memref<2x4x128xi32, #tpu.memory_space<vmem>> -> memref<1x4x128xi32, #tpu.memory_space<vmem>>
        %dma_wait3A_431 = tpu.memref_squeeze %dma_wait3A_430 : memref<1x4x128xi32, #tpu.memory_space<vmem>> -> memref<4x128xi32, #tpu.memory_space<vmem>>
        %dma_wait3A_432 = arith.constant 0 : i32
        %dma_wait3A_433 = tpu.memref_slice %dma_wait3A_431[%dma_wait3A_419, %dma_wait3A_432] : memref<4x128xi32, #tpu.memory_space<vmem>> -> memref<1x128xi32, #tpu.memory_space<vmem>>
        %dma_wait3A_434 = tpu.memref_squeeze %dma_wait3A_433 : memref<1x128xi32, #tpu.memory_space<vmem>> -> memref<128xi32, #tpu.memory_space<vmem>>
        %dma_wait3A_435 = arith.constant 0 : i32
        %dma_wait3A_436 = arith.constant 0 : i32
        %dma_wait3A_437 = tpu.memref_slice %arg3[%dma_wait3A_435, %dma_wait3A_436] : memref<102400x16xf32, #tpu.memory_space<hbm>> -> memref<102400x16xf32, #tpu.memory_space<hbm>>
        tpu.wait_indirect_dma semaphore(%arg11 : memref<!tpu.dma_semaphore, #tpu.memory_space<semaphore_mem>>) src(%dma_wait3A_437 : memref<102400x16xf32, #tpu.memory_space<hbm>>) dst(%dma_wait3A_427 : memref<128x16xf32, #tpu.memory_space<vmem>>)
        %dma_wait3A_438 = arith.constant 1 : i32
        %dma_wait3A_439 = arith.constant 2 : i32
        %dma_wait3A_440 = arith.constant 1 : i32
        %dma_wait3A_441 = arith.constant 0 : i32
        %dma_wait3A_442 = arith.constant 0 : i32
        %dma_wait3A_443 = tpu.memref_slice %arg10[%dma_wait3A_440, %dma_wait3A_441, %dma_wait3A_442] : memref<2x512x16xf32, #tpu.memory_space<vmem>> -> memref<1x512x16xf32, #tpu.memory_space<vmem>>
        %dma_wait3A_444 = tpu.memref_squeeze %dma_wait3A_443 : memref<1x512x16xf32, #tpu.memory_space<vmem>> -> memref<512x16xf32, #tpu.memory_space<vmem>>
        %dma_wait3A_445 = arith.constant 256 : i32
        %dma_wait3A_446 = arith.constant 0 : i32
        %dma_wait3A_447 = tpu.memref_slice %dma_wait3A_444[%dma_wait3A_445, %dma_wait3A_446] : memref<512x16xf32, #tpu.memory_space<vmem>> -> memref<128x16xf32, #tpu.memory_space<vmem>>
        %dma_wait3A_448 = arith.constant 0 : i32
        %dma_wait3A_449 = arith.constant 0 : i32
        %dma_wait3A_450 = tpu.memref_slice %arg8[%dma_wait3A_438, %dma_wait3A_448, %dma_wait3A_449] : memref<2x4x128xi32, #tpu.memory_space<vmem>> -> memref<1x4x128xi32, #tpu.memory_space<vmem>>
        %dma_wait3A_451 = tpu.memref_squeeze %dma_wait3A_450 : memref<1x4x128xi32, #tpu.memory_space<vmem>> -> memref<4x128xi32, #tpu.memory_space<vmem>>
        %dma_wait3A_452 = arith.constant 0 : i32
        %dma_wait3A_453 = tpu.memref_slice %dma_wait3A_451[%dma_wait3A_439, %dma_wait3A_452] : memref<4x128xi32, #tpu.memory_space<vmem>> -> memref<1x128xi32, #tpu.memory_space<vmem>>
        %dma_wait3A_454 = tpu.memref_squeeze %dma_wait3A_453 : memref<1x128xi32, #tpu.memory_space<vmem>> -> memref<128xi32, #tpu.memory_space<vmem>>
        %dma_wait3A_455 = arith.constant 0 : i32
        %dma_wait3A_456 = arith.constant 0 : i32
        %dma_wait3A_457 = tpu.memref_slice %arg3[%dma_wait3A_455, %dma_wait3A_456] : memref<102400x16xf32, #tpu.memory_space<hbm>> -> memref<102400x16xf32, #tpu.memory_space<hbm>>
        tpu.wait_indirect_dma semaphore(%arg11 : memref<!tpu.dma_semaphore, #tpu.memory_space<semaphore_mem>>) src(%dma_wait3A_457 : memref<102400x16xf32, #tpu.memory_space<hbm>>) dst(%dma_wait3A_447 : memref<128x16xf32, #tpu.memory_space<vmem>>)
        %dma_wait3A_458 = arith.constant 1 : i32
        %dma_wait3A_459 = arith.constant 3 : i32
        %dma_wait3A_460 = arith.constant 1 : i32
        %dma_wait3A_461 = arith.constant 0 : i32
        %dma_wait3A_462 = arith.constant 0 : i32
        %dma_wait3A_463 = tpu.memref_slice %arg10[%dma_wait3A_460, %dma_wait3A_461, %dma_wait3A_462] : memref<2x512x16xf32, #tpu.memory_space<vmem>> -> memref<1x512x16xf32, #tpu.memory_space<vmem>>
        %dma_wait3A_464 = tpu.memref_squeeze %dma_wait3A_463 : memref<1x512x16xf32, #tpu.memory_space<vmem>> -> memref<512x16xf32, #tpu.memory_space<vmem>>
        %dma_wait3A_465 = arith.constant 384 : i32
        %dma_wait3A_466 = arith.constant 0 : i32
        %dma_wait3A_467 = tpu.memref_slice %dma_wait3A_464[%dma_wait3A_465, %dma_wait3A_466] : memref<512x16xf32, #tpu.memory_space<vmem>> -> memref<128x16xf32, #tpu.memory_space<vmem>>
        %dma_wait3A_468 = arith.constant 0 : i32
        %dma_wait3A_469 = arith.constant 0 : i32
        %dma_wait3A_470 = tpu.memref_slice %arg8[%dma_wait3A_458, %dma_wait3A_468, %dma_wait3A_469] : memref<2x4x128xi32, #tpu.memory_space<vmem>> -> memref<1x4x128xi32, #tpu.memory_space<vmem>>
        %dma_wait3A_471 = tpu.memref_squeeze %dma_wait3A_470 : memref<1x4x128xi32, #tpu.memory_space<vmem>> -> memref<4x128xi32, #tpu.memory_space<vmem>>
        %dma_wait3A_472 = arith.constant 0 : i32
        %dma_wait3A_473 = tpu.memref_slice %dma_wait3A_471[%dma_wait3A_459, %dma_wait3A_472] : memref<4x128xi32, #tpu.memory_space<vmem>> -> memref<1x128xi32, #tpu.memory_space<vmem>>
        %dma_wait3A_474 = tpu.memref_squeeze %dma_wait3A_473 : memref<1x128xi32, #tpu.memory_space<vmem>> -> memref<128xi32, #tpu.memory_space<vmem>>
        %dma_wait3A_475 = arith.constant 0 : i32
        %dma_wait3A_476 = arith.constant 0 : i32
        %dma_wait3A_477 = tpu.memref_slice %arg3[%dma_wait3A_475, %dma_wait3A_476] : memref<102400x16xf32, #tpu.memory_space<hbm>> -> memref<102400x16xf32, #tpu.memory_space<hbm>>
        tpu.wait_indirect_dma semaphore(%arg11 : memref<!tpu.dma_semaphore, #tpu.memory_space<semaphore_mem>>) src(%dma_wait3A_477 : memref<102400x16xf32, #tpu.memory_space<hbm>>) dst(%dma_wait3A_467 : memref<128x16xf32, #tpu.memory_space<vmem>>)
      } else {
      }
      %add3A_231 = arith.constant 1 : i32
      %add3A_232 = arith.addi %scan3A_27, %add3A_231 : i32
      %lt3A_233 = arith.constant 98 : i32
      %lt3A_234 = arith.cmpi slt, %add3A_232, %lt3A_233 : i32
      %convert_element_type3A_235 = arith.extui %lt3A_234 : i1 to i32
      %cond3A_236 = arith.constant 0 : i32
      %cond3A_237 = arith.cmpi ne, %convert_element_type3A_235, %cond3A_236 : i32
      scf.if %cond3A_237 {
        %eq3A_398 = arith.constant 0 : i32
        %eq3A_399 = arith.cmpi eq, %arg0, %eq3A_398 : i32
        %convert_element_type3A_400 = arith.extui %eq3A_399 : i1 to i32
        %cond3A_401 = arith.constant 0 : i32
        %cond3A_402 = arith.cmpi ne, %convert_element_type3A_400, %cond3A_401 : i32
        scf.if %cond3A_402 {
          %dma_start3A_408 = arith.constant 0 : i32
          %dma_start3A_409 = arith.constant 0 : i32
          %dma_start3A_410 = arith.constant 0 : i32
          %dma_start3A_411 = arith.constant 0 : i32
          %dma_start3A_412 = arith.constant 0 : i32
          %dma_start3A_413 = tpu.memref_slice %arg10[%dma_start3A_410, %dma_start3A_411, %dma_start3A_412] : memref<2x512x16xf32, #tpu.memory_space<vmem>> -> memref<1x512x16xf32, #tpu.memory_space<vmem>>
          %dma_start3A_414 = tpu.memref_squeeze %dma_start3A_413 : memref<1x512x16xf32, #tpu.memory_space<vmem>> -> memref<512x16xf32, #tpu.memory_space<vmem>>
          %dma_start3A_415 = arith.constant 0 : i32
          %dma_start3A_416 = arith.constant 0 : i32
          %dma_start3A_417 = tpu.memref_slice %dma_start3A_414[%dma_start3A_415, %dma_start3A_416] : memref<512x16xf32, #tpu.memory_space<vmem>> -> memref<128x16xf32, #tpu.memory_space<vmem>>
          %dma_start3A_418 = arith.constant 0 : i32
          %dma_start3A_419 = arith.constant 0 : i32
          %dma_start3A_420 = tpu.memref_slice %arg8[%dma_start3A_408, %dma_start3A_418, %dma_start3A_419] : memref<2x4x128xi32, #tpu.memory_space<vmem>> -> memref<1x4x128xi32, #tpu.memory_space<vmem>>
          %dma_start3A_421 = tpu.memref_squeeze %dma_start3A_420 : memref<1x4x128xi32, #tpu.memory_space<vmem>> -> memref<4x128xi32, #tpu.memory_space<vmem>>
          %dma_start3A_422 = arith.constant 0 : i32
          %dma_start3A_423 = tpu.memref_slice %dma_start3A_421[%dma_start3A_409, %dma_start3A_422] : memref<4x128xi32, #tpu.memory_space<vmem>> -> memref<1x128xi32, #tpu.memory_space<vmem>>
          %dma_start3A_424 = tpu.memref_squeeze %dma_start3A_423 : memref<1x128xi32, #tpu.memory_space<vmem>> -> memref<128xi32, #tpu.memory_space<vmem>>
          %dma_start3A_425 = arith.constant 0 : i32
          %dma_start3A_426 = arith.constant 0 : i32
          %dma_start3A_427 = tpu.memref_slice %arg2[%dma_start3A_425, %dma_start3A_426] : memref<102400x16xf32, #tpu.memory_space<hbm>> -> memref<102400x16xf32, #tpu.memory_space<hbm>>
          tpu.enqueue_indirect_dma source(%dma_start3A_427 : memref<102400x16xf32, #tpu.memory_space<hbm>>) target(%dma_start3A_417 : memref<128x16xf32, #tpu.memory_space<vmem>>) offsets(%dma_start3A_424 : memref<128xi32, #tpu.memory_space<vmem>>) semaphore(%arg11 : memref<!tpu.dma_semaphore, #tpu.memory_space<semaphore_mem>>)
          %dma_start3A_428 = arith.constant 0 : i32
          %dma_start3A_429 = arith.constant 1 : i32
          %dma_start3A_430 = arith.constant 0 : i32
          %dma_start3A_431 = arith.constant 0 : i32
          %dma_start3A_432 = arith.constant 0 : i32
          %dma_start3A_433 = tpu.memref_slice %arg10[%dma_start3A_430, %dma_start3A_431, %dma_start3A_432] : memref<2x512x16xf32, #tpu.memory_space<vmem>> -> memref<1x512x16xf32, #tpu.memory_space<vmem>>
          %dma_start3A_434 = tpu.memref_squeeze %dma_start3A_433 : memref<1x512x16xf32, #tpu.memory_space<vmem>> -> memref<512x16xf32, #tpu.memory_space<vmem>>
          %dma_start3A_435 = arith.constant 128 : i32
          %dma_start3A_436 = arith.constant 0 : i32
          %dma_start3A_437 = tpu.memref_slice %dma_start3A_434[%dma_start3A_435, %dma_start3A_436] : memref<512x16xf32, #tpu.memory_space<vmem>> -> memref<128x16xf32, #tpu.memory_space<vmem>>
          %dma_start3A_438 = arith.constant 0 : i32
          %dma_start3A_439 = arith.constant 0 : i32
          %dma_start3A_440 = tpu.memref_slice %arg8[%dma_start3A_428, %dma_start3A_438, %dma_start3A_439] : memref<2x4x128xi32, #tpu.memory_space<vmem>> -> memref<1x4x128xi32, #tpu.memory_space<vmem>>
          %dma_start3A_441 = tpu.memref_squeeze %dma_start3A_440 : memref<1x4x128xi32, #tpu.memory_space<vmem>> -> memref<4x128xi32, #tpu.memory_space<vmem>>
          %dma_start3A_442 = arith.constant 0 : i32
          %dma_start3A_443 = tpu.memref_slice %dma_start3A_441[%dma_start3A_429, %dma_start3A_442] : memref<4x128xi32, #tpu.memory_space<vmem>> -> memref<1x128xi32, #tpu.memory_space<vmem>>
          %dma_start3A_444 = tpu.memref_squeeze %dma_start3A_443 : memref<1x128xi32, #tpu.memory_space<vmem>> -> memref<128xi32, #tpu.memory_space<vmem>>
          %dma_start3A_445 = arith.constant 0 : i32
          %dma_start3A_446 = arith.constant 0 : i32
          %dma_start3A_447 = tpu.memref_slice %arg2[%dma_start3A_445, %dma_start3A_446] : memref<102400x16xf32, #tpu.memory_space<hbm>> -> memref<102400x16xf32, #tpu.memory_space<hbm>>
          tpu.enqueue_indirect_dma source(%dma_start3A_447 : memref<102400x16xf32, #tpu.memory_space<hbm>>) target(%dma_start3A_437 : memref<128x16xf32, #tpu.memory_space<vmem>>) offsets(%dma_start3A_444 : memref<128xi32, #tpu.memory_space<vmem>>) semaphore(%arg11 : memref<!tpu.dma_semaphore, #tpu.memory_space<semaphore_mem>>)
          %dma_start3A_448 = arith.constant 0 : i32
          %dma_start3A_449 = arith.constant 2 : i32
          %dma_start3A_450 = arith.constant 0 : i32
          %dma_start3A_451 = arith.constant 0 : i32
          %dma_start3A_452 = arith.constant 0 : i32
          %dma_start3A_453 = tpu.memref_slice %arg10[%dma_start3A_450, %dma_start3A_451, %dma_start3A_452] : memref<2x512x16xf32, #tpu.memory_space<vmem>> -> memref<1x512x16xf32, #tpu.memory_space<vmem>>
          %dma_start3A_454 = tpu.memref_squeeze %dma_start3A_453 : memref<1x512x16xf32, #tpu.memory_space<vmem>> -> memref<512x16xf32, #tpu.memory_space<vmem>>
          %dma_start3A_455 = arith.constant 256 : i32
          %dma_start3A_456 = arith.constant 0 : i32
          %dma_start3A_457 = tpu.memref_slice %dma_start3A_454[%dma_start3A_455, %dma_start3A_456] : memref<512x16xf32, #tpu.memory_space<vmem>> -> memref<128x16xf32, #tpu.memory_space<vmem>>
          %dma_start3A_458 = arith.constant 0 : i32
          %dma_start3A_459 = arith.constant 0 : i32
          %dma_start3A_460 = tpu.memref_slice %arg8[%dma_start3A_448, %dma_start3A_458, %dma_start3A_459] : memref<2x4x128xi32, #tpu.memory_space<vmem>> -> memref<1x4x128xi32, #tpu.memory_space<vmem>>
          %dma_start3A_461 = tpu.memref_squeeze %dma_start3A_460 : memref<1x4x128xi32, #tpu.memory_space<vmem>> -> memref<4x128xi32, #tpu.memory_space<vmem>>
          %dma_start3A_462 = arith.constant 0 : i32
          %dma_start3A_463 = tpu.memref_slice %dma_start3A_461[%dma_start3A_449, %dma_start3A_462] : memref<4x128xi32, #tpu.memory_space<vmem>> -> memref<1x128xi32, #tpu.memory_space<vmem>>
          %dma_start3A_464 = tpu.memref_squeeze %dma_start3A_463 : memref<1x128xi32, #tpu.memory_space<vmem>> -> memref<128xi32, #tpu.memory_space<vmem>>
          %dma_start3A_465 = arith.constant 0 : i32
          %dma_start3A_466 = arith.constant 0 : i32
          %dma_start3A_467 = tpu.memref_slice %arg2[%dma_start3A_465, %dma_start3A_466] : memref<102400x16xf32, #tpu.memory_space<hbm>> -> memref<102400x16xf32, #tpu.memory_space<hbm>>
          tpu.enqueue_indirect_dma source(%dma_start3A_467 : memref<102400x16xf32, #tpu.memory_space<hbm>>) target(%dma_start3A_457 : memref<128x16xf32, #tpu.memory_space<vmem>>) offsets(%dma_start3A_464 : memref<128xi32, #tpu.memory_space<vmem>>) semaphore(%arg11 : memref<!tpu.dma_semaphore, #tpu.memory_space<semaphore_mem>>)
          %dma_start3A_468 = arith.constant 0 : i32
          %dma_start3A_469 = arith.constant 3 : i32
          %dma_start3A_470 = arith.constant 0 : i32
          %dma_start3A_471 = arith.constant 0 : i32
          %dma_start3A_472 = arith.constant 0 : i32
          %dma_start3A_473 = tpu.memref_slice %arg10[%dma_start3A_470, %dma_start3A_471, %dma_start3A_472] : memref<2x512x16xf32, #tpu.memory_space<vmem>> -> memref<1x512x16xf32, #tpu.memory_space<vmem>>
          %dma_start3A_474 = tpu.memref_squeeze %dma_start3A_473 : memref<1x512x16xf32, #tpu.memory_space<vmem>> -> memref<512x16xf32, #tpu.memory_space<vmem>>
          %dma_start3A_475 = arith.constant 384 : i32
          %dma_start3A_476 = arith.constant 0 : i32
          %dma_start3A_477 = tpu.memref_slice %dma_start3A_474[%dma_start3A_475, %dma_start3A_476] : memref<512x16xf32, #tpu.memory_space<vmem>> -> memref<128x16xf32, #tpu.memory_space<vmem>>
          %dma_start3A_478 = arith.constant 0 : i32
          %dma_start3A_479 = arith.constant 0 : i32
          %dma_start3A_480 = tpu.memref_slice %arg8[%dma_start3A_468, %dma_start3A_478, %dma_start3A_479] : memref<2x4x128xi32, #tpu.memory_space<vmem>> -> memref<1x4x128xi32, #tpu.memory_space<vmem>>
          %dma_start3A_481 = tpu.memref_squeeze %dma_start3A_480 : memref<1x4x128xi32, #tpu.memory_space<vmem>> -> memref<4x128xi32, #tpu.memory_space<vmem>>
          %dma_start3A_482 = arith.constant 0 : i32
          %dma_start3A_483 = tpu.memref_slice %dma_start3A_481[%dma_start3A_469, %dma_start3A_482] : memref<4x128xi32, #tpu.memory_space<vmem>> -> memref<1x128xi32, #tpu.memory_space<vmem>>
          %dma_start3A_484 = tpu.memref_squeeze %dma_start3A_483 : memref<1x128xi32, #tpu.memory_space<vmem>> -> memref<128xi32, #tpu.memory_space<vmem>>
          %dma_start3A_485 = arith.constant 0 : i32
          %dma_start3A_486 = arith.constant 0 : i32
          %dma_start3A_487 = tpu.memref_slice %arg2[%dma_start3A_485, %dma_start3A_486] : memref<102400x16xf32, #tpu.memory_space<hbm>> -> memref<102400x16xf32, #tpu.memory_space<hbm>>
          tpu.enqueue_indirect_dma source(%dma_start3A_487 : memref<102400x16xf32, #tpu.memory_space<hbm>>) target(%dma_start3A_477 : memref<128x16xf32, #tpu.memory_space<vmem>>) offsets(%dma_start3A_484 : memref<128xi32, #tpu.memory_space<vmem>>) semaphore(%arg11 : memref<!tpu.dma_semaphore, #tpu.memory_space<semaphore_mem>>)
        } else {
        }
        %eq3A_403 = arith.constant 1 : i32
        %eq3A_404 = arith.cmpi eq, %arg0, %eq3A_403 : i32
        %convert_element_type3A_405 = arith.extui %eq3A_404 : i1 to i32
        %cond3A_406 = arith.constant 0 : i32
        %cond3A_407 = arith.cmpi ne, %convert_element_type3A_405, %cond3A_406 : i32
        scf.if %cond3A_407 {
          %dma_start3A_408 = arith.constant 0 : i32
          %dma_start3A_409 = arith.constant 0 : i32
          %dma_start3A_410 = arith.constant 0 : i32
          %dma_start3A_411 = arith.constant 0 : i32
          %dma_start3A_412 = arith.constant 0 : i32
          %dma_start3A_413 = tpu.memref_slice %arg10[%dma_start3A_410, %dma_start3A_411, %dma_start3A_412] : memref<2x512x16xf32, #tpu.memory_space<vmem>> -> memref<1x512x16xf32, #tpu.memory_space<vmem>>
          %dma_start3A_414 = tpu.memref_squeeze %dma_start3A_413 : memref<1x512x16xf32, #tpu.memory_space<vmem>> -> memref<512x16xf32, #tpu.memory_space<vmem>>
          %dma_start3A_415 = arith.constant 0 : i32
          %dma_start3A_416 = arith.constant 0 : i32
          %dma_start3A_417 = tpu.memref_slice %dma_start3A_414[%dma_start3A_415, %dma_start3A_416] : memref<512x16xf32, #tpu.memory_space<vmem>> -> memref<128x16xf32, #tpu.memory_space<vmem>>
          %dma_start3A_418 = arith.constant 0 : i32
          %dma_start3A_419 = arith.constant 0 : i32
          %dma_start3A_420 = tpu.memref_slice %arg8[%dma_start3A_408, %dma_start3A_418, %dma_start3A_419] : memref<2x4x128xi32, #tpu.memory_space<vmem>> -> memref<1x4x128xi32, #tpu.memory_space<vmem>>
          %dma_start3A_421 = tpu.memref_squeeze %dma_start3A_420 : memref<1x4x128xi32, #tpu.memory_space<vmem>> -> memref<4x128xi32, #tpu.memory_space<vmem>>
          %dma_start3A_422 = arith.constant 0 : i32
          %dma_start3A_423 = tpu.memref_slice %dma_start3A_421[%dma_start3A_409, %dma_start3A_422] : memref<4x128xi32, #tpu.memory_space<vmem>> -> memref<1x128xi32, #tpu.memory_space<vmem>>
          %dma_start3A_424 = tpu.memref_squeeze %dma_start3A_423 : memref<1x128xi32, #tpu.memory_space<vmem>> -> memref<128xi32, #tpu.memory_space<vmem>>
          %dma_start3A_425 = arith.constant 0 : i32
          %dma_start3A_426 = arith.constant 0 : i32
          %dma_start3A_427 = tpu.memref_slice %arg3[%dma_start3A_425, %dma_start3A_426] : memref<102400x16xf32, #tpu.memory_space<hbm>> -> memref<102400x16xf32, #tpu.memory_space<hbm>>
          tpu.enqueue_indirect_dma source(%dma_start3A_427 : memref<102400x16xf32, #tpu.memory_space<hbm>>) target(%dma_start3A_417 : memref<128x16xf32, #tpu.memory_space<vmem>>) offsets(%dma_start3A_424 : memref<128xi32, #tpu.memory_space<vmem>>) semaphore(%arg11 : memref<!tpu.dma_semaphore, #tpu.memory_space<semaphore_mem>>)
          %dma_start3A_428 = arith.constant 0 : i32
          %dma_start3A_429 = arith.constant 1 : i32
          %dma_start3A_430 = arith.constant 0 : i32
          %dma_start3A_431 = arith.constant 0 : i32
          %dma_start3A_432 = arith.constant 0 : i32
          %dma_start3A_433 = tpu.memref_slice %arg10[%dma_start3A_430, %dma_start3A_431, %dma_start3A_432] : memref<2x512x16xf32, #tpu.memory_space<vmem>> -> memref<1x512x16xf32, #tpu.memory_space<vmem>>
          %dma_start3A_434 = tpu.memref_squeeze %dma_start3A_433 : memref<1x512x16xf32, #tpu.memory_space<vmem>> -> memref<512x16xf32, #tpu.memory_space<vmem>>
          %dma_start3A_435 = arith.constant 128 : i32
          %dma_start3A_436 = arith.constant 0 : i32
          %dma_start3A_437 = tpu.memref_slice %dma_start3A_434[%dma_start3A_435, %dma_start3A_436] : memref<512x16xf32, #tpu.memory_space<vmem>> -> memref<128x16xf32, #tpu.memory_space<vmem>>
          %dma_start3A_438 = arith.constant 0 : i32
          %dma_start3A_439 = arith.constant 0 : i32
          %dma_start3A_440 = tpu.memref_slice %arg8[%dma_start3A_428, %dma_start3A_438, %dma_start3A_439] : memref<2x4x128xi32, #tpu.memory_space<vmem>> -> memref<1x4x128xi32, #tpu.memory_space<vmem>>
          %dma_start3A_441 = tpu.memref_squeeze %dma_start3A_440 : memref<1x4x128xi32, #tpu.memory_space<vmem>> -> memref<4x128xi32, #tpu.memory_space<vmem>>
          %dma_start3A_442 = arith.constant 0 : i32
          %dma_start3A_443 = tpu.memref_slice %dma_start3A_441[%dma_start3A_429, %dma_start3A_442] : memref<4x128xi32, #tpu.memory_space<vmem>> -> memref<1x128xi32, #tpu.memory_space<vmem>>
          %dma_start3A_444 = tpu.memref_squeeze %dma_start3A_443 : memref<1x128xi32, #tpu.memory_space<vmem>> -> memref<128xi32, #tpu.memory_space<vmem>>
          %dma_start3A_445 = arith.constant 0 : i32
          %dma_start3A_446 = arith.constant 0 : i32
          %dma_start3A_447 = tpu.memref_slice %arg3[%dma_start3A_445, %dma_start3A_446] : memref<102400x16xf32, #tpu.memory_space<hbm>> -> memref<102400x16xf32, #tpu.memory_space<hbm>>
          tpu.enqueue_indirect_dma source(%dma_start3A_447 : memref<102400x16xf32, #tpu.memory_space<hbm>>) target(%dma_start3A_437 : memref<128x16xf32, #tpu.memory_space<vmem>>) offsets(%dma_start3A_444 : memref<128xi32, #tpu.memory_space<vmem>>) semaphore(%arg11 : memref<!tpu.dma_semaphore, #tpu.memory_space<semaphore_mem>>)
          %dma_start3A_448 = arith.constant 0 : i32
          %dma_start3A_449 = arith.constant 2 : i32
          %dma_start3A_450 = arith.constant 0 : i32
          %dma_start3A_451 = arith.constant 0 : i32
          %dma_start3A_452 = arith.constant 0 : i32
          %dma_start3A_453 = tpu.memref_slice %arg10[%dma_start3A_450, %dma_start3A_451, %dma_start3A_452] : memref<2x512x16xf32, #tpu.memory_space<vmem>> -> memref<1x512x16xf32, #tpu.memory_space<vmem>>
          %dma_start3A_454 = tpu.memref_squeeze %dma_start3A_453 : memref<1x512x16xf32, #tpu.memory_space<vmem>> -> memref<512x16xf32, #tpu.memory_space<vmem>>
          %dma_start3A_455 = arith.constant 256 : i32
          %dma_start3A_456 = arith.constant 0 : i32
          %dma_start3A_457 = tpu.memref_slice %dma_start3A_454[%dma_start3A_455, %dma_start3A_456] : memref<512x16xf32, #tpu.memory_space<vmem>> -> memref<128x16xf32, #tpu.memory_space<vmem>>
          %dma_start3A_458 = arith.constant 0 : i32
          %dma_start3A_459 = arith.constant 0 : i32
          %dma_start3A_460 = tpu.memref_slice %arg8[%dma_start3A_448, %dma_start3A_458, %dma_start3A_459] : memref<2x4x128xi32, #tpu.memory_space<vmem>> -> memref<1x4x128xi32, #tpu.memory_space<vmem>>
          %dma_start3A_461 = tpu.memref_squeeze %dma_start3A_460 : memref<1x4x128xi32, #tpu.memory_space<vmem>> -> memref<4x128xi32, #tpu.memory_space<vmem>>
          %dma_start3A_462 = arith.constant 0 : i32
          %dma_start3A_463 = tpu.memref_slice %dma_start3A_461[%dma_start3A_449, %dma_start3A_462] : memref<4x128xi32, #tpu.memory_space<vmem>> -> memref<1x128xi32, #tpu.memory_space<vmem>>
          %dma_start3A_464 = tpu.memref_squeeze %dma_start3A_463 : memref<1x128xi32, #tpu.memory_space<vmem>> -> memref<128xi32, #tpu.memory_space<vmem>>
          %dma_start3A_465 = arith.constant 0 : i32
          %dma_start3A_466 = arith.constant 0 : i32
          %dma_start3A_467 = tpu.memref_slice %arg3[%dma_start3A_465, %dma_start3A_466] : memref<102400x16xf32, #tpu.memory_space<hbm>> -> memref<102400x16xf32, #tpu.memory_space<hbm>>
          tpu.enqueue_indirect_dma source(%dma_start3A_467 : memref<102400x16xf32, #tpu.memory_space<hbm>>) target(%dma_start3A_457 : memref<128x16xf32, #tpu.memory_space<vmem>>) offsets(%dma_start3A_464 : memref<128xi32, #tpu.memory_space<vmem>>) semaphore(%arg11 : memref<!tpu.dma_semaphore, #tpu.memory_space<semaphore_mem>>)
          %dma_start3A_468 = arith.constant 0 : i32
          %dma_start3A_469 = arith.constant 3 : i32
          %dma_start3A_470 = arith.constant 0 : i32
          %dma_start3A_471 = arith.constant 0 : i32
          %dma_start3A_472 = arith.constant 0 : i32
          %dma_start3A_473 = tpu.memref_slice %arg10[%dma_start3A_470, %dma_start3A_471, %dma_start3A_472] : memref<2x512x16xf32, #tpu.memory_space<vmem>> -> memref<1x512x16xf32, #tpu.memory_space<vmem>>
          %dma_start3A_474 = tpu.memref_squeeze %dma_start3A_473 : memref<1x512x16xf32, #tpu.memory_space<vmem>> -> memref<512x16xf32, #tpu.memory_space<vmem>>
          %dma_start3A_475 = arith.constant 384 : i32
          %dma_start3A_476 = arith.constant 0 : i32
          %dma_start3A_477 = tpu.memref_slice %dma_start3A_474[%dma_start3A_475, %dma_start3A_476] : memref<512x16xf32, #tpu.memory_space<vmem>> -> memref<128x16xf32, #tpu.memory_space<vmem>>
          %dma_start3A_478 = arith.constant 0 : i32
          %dma_start3A_479 = arith.constant 0 : i32
          %dma_start3A_480 = tpu.memref_slice %arg8[%dma_start3A_468, %dma_start3A_478, %dma_start3A_479] : memref<2x4x128xi32, #tpu.memory_space<vmem>> -> memref<1x4x128xi32, #tpu.memory_space<vmem>>
          %dma_start3A_481 = tpu.memref_squeeze %dma_start3A_480 : memref<1x4x128xi32, #tpu.memory_space<vmem>> -> memref<4x128xi32, #tpu.memory_space<vmem>>
          %dma_start3A_482 = arith.constant 0 : i32
          %dma_start3A_483 = tpu.memref_slice %dma_start3A_481[%dma_start3A_469, %dma_start3A_482] : memref<4x128xi32, #tpu.memory_space<vmem>> -> memref<1x128xi32, #tpu.memory_space<vmem>>
          %dma_start3A_484 = tpu.memref_squeeze %dma_start3A_483 : memref<1x128xi32, #tpu.memory_space<vmem>> -> memref<128xi32, #tpu.memory_space<vmem>>
          %dma_start3A_485 = arith.constant 0 : i32
          %dma_start3A_486 = arith.constant 0 : i32
          %dma_start3A_487 = tpu.memref_slice %arg3[%dma_start3A_485, %dma_start3A_486] : memref<102400x16xf32, #tpu.memory_space<hbm>> -> memref<102400x16xf32, #tpu.memory_space<hbm>>
          tpu.enqueue_indirect_dma source(%dma_start3A_487 : memref<102400x16xf32, #tpu.memory_space<hbm>>) target(%dma_start3A_477 : memref<128x16xf32, #tpu.memory_space<vmem>>) offsets(%dma_start3A_484 : memref<128xi32, #tpu.memory_space<vmem>>) semaphore(%arg11 : memref<!tpu.dma_semaphore, #tpu.memory_space<semaphore_mem>>)
        } else {
        }
      } else {
      }
      %dma_start3A_238 = arith.constant 1 : i32
      %dma_start3A_239 = arith.constant 1 : i32
      %dma_start3A_240 = arith.constant 0 : i32
      %dma_start3A_241 = arith.constant 0 : i32
      %dma_start3A_242 = arith.constant 0 : i32
      %dma_start3A_243 = tpu.memref_slice %arg10[%dma_start3A_238, %dma_start3A_241, %dma_start3A_242] : memref<2x512x16xf32, #tpu.memory_space<vmem>> -> memref<1x512x16xf32, #tpu.memory_space<vmem>>
      %dma_start3A_244 = tpu.memref_squeeze %dma_start3A_243 : memref<1x512x16xf32, #tpu.memory_space<vmem>> -> memref<512x16xf32, #tpu.memory_space<vmem>>
      %dma_start3A_245 = arith.constant 0 : i32
      %dma_start3A_246 = arith.constant 0 : i32
      %dma_start3A_247 = tpu.memref_slice %dma_start3A_244[%dma_start3A_245, %dma_start3A_246] : memref<512x16xf32, #tpu.memory_space<vmem>> -> memref<128x16xf32, #tpu.memory_space<vmem>>
      %dma_start3A_248 = arith.constant 0 : i32
      %dma_start3A_249 = arith.constant 0 : i32
      %dma_start3A_250 = tpu.memref_slice %arg9[%dma_start3A_239, %dma_start3A_248, %dma_start3A_249] : memref<2x4x128xi32, #tpu.memory_space<vmem>> -> memref<1x4x128xi32, #tpu.memory_space<vmem>>
      %dma_start3A_251 = tpu.memref_squeeze %dma_start3A_250 : memref<1x4x128xi32, #tpu.memory_space<vmem>> -> memref<4x128xi32, #tpu.memory_space<vmem>>
      %dma_start3A_252 = arith.constant 0 : i32
      %dma_start3A_253 = tpu.memref_slice %dma_start3A_251[%dma_start3A_240, %dma_start3A_252] : memref<4x128xi32, #tpu.memory_space<vmem>> -> memref<1x128xi32, #tpu.memory_space<vmem>>
      %dma_start3A_254 = tpu.memref_squeeze %dma_start3A_253 : memref<1x128xi32, #tpu.memory_space<vmem>> -> memref<128xi32, #tpu.memory_space<vmem>>
      %dma_start3A_255 = arith.constant 0 : i32
      %dma_start3A_256 = arith.constant 0 : i32
      %dma_start3A_257 = tpu.memref_slice %arg13[%dma_start3A_255, %dma_start3A_256] : memref<104448x16xf32, #tpu.memory_space<vmem_shared>> -> memref<104448x16xf32, #tpu.memory_space<vmem_shared>>
      tpu.enqueue_indirect_dma source(%dma_start3A_247 : memref<128x16xf32, #tpu.memory_space<vmem>>) target(%dma_start3A_257 : memref<104448x16xf32, #tpu.memory_space<vmem_shared>>) offsets(%dma_start3A_254 : memref<128xi32, #tpu.memory_space<vmem>>) semaphore(%arg12 : memref<!tpu.dma_semaphore, #tpu.memory_space<semaphore_mem>>) {add = true}
      %dma_start3A_258 = arith.constant 1 : i32
      %dma_start3A_259 = arith.constant 1 : i32
      %dma_start3A_260 = arith.constant 1 : i32
      %dma_start3A_261 = arith.constant 0 : i32
      %dma_start3A_262 = arith.constant 0 : i32
      %dma_start3A_263 = tpu.memref_slice %arg10[%dma_start3A_258, %dma_start3A_261, %dma_start3A_262] : memref<2x512x16xf32, #tpu.memory_space<vmem>> -> memref<1x512x16xf32, #tpu.memory_space<vmem>>
      %dma_start3A_264 = tpu.memref_squeeze %dma_start3A_263 : memref<1x512x16xf32, #tpu.memory_space<vmem>> -> memref<512x16xf32, #tpu.memory_space<vmem>>
      %dma_start3A_265 = arith.constant 128 : i32
      %dma_start3A_266 = arith.constant 0 : i32
      %dma_start3A_267 = tpu.memref_slice %dma_start3A_264[%dma_start3A_265, %dma_start3A_266] : memref<512x16xf32, #tpu.memory_space<vmem>> -> memref<128x16xf32, #tpu.memory_space<vmem>>
      %dma_start3A_268 = arith.constant 0 : i32
      %dma_start3A_269 = arith.constant 0 : i32
      %dma_start3A_270 = tpu.memref_slice %arg9[%dma_start3A_259, %dma_start3A_268, %dma_start3A_269] : memref<2x4x128xi32, #tpu.memory_space<vmem>> -> memref<1x4x128xi32, #tpu.memory_space<vmem>>
      %dma_start3A_271 = tpu.memref_squeeze %dma_start3A_270 : memref<1x4x128xi32, #tpu.memory_space<vmem>> -> memref<4x128xi32, #tpu.memory_space<vmem>>
      %dma_start3A_272 = arith.constant 0 : i32
      %dma_start3A_273 = tpu.memref_slice %dma_start3A_271[%dma_start3A_260, %dma_start3A_272] : memref<4x128xi32, #tpu.memory_space<vmem>> -> memref<1x128xi32, #tpu.memory_space<vmem>>
      %dma_start3A_274 = tpu.memref_squeeze %dma_start3A_273 : memref<1x128xi32, #tpu.memory_space<vmem>> -> memref<128xi32, #tpu.memory_space<vmem>>
      %dma_start3A_275 = arith.constant 0 : i32
      %dma_start3A_276 = arith.constant 0 : i32
      %dma_start3A_277 = tpu.memref_slice %arg13[%dma_start3A_275, %dma_start3A_276] : memref<104448x16xf32, #tpu.memory_space<vmem_shared>> -> memref<104448x16xf32, #tpu.memory_space<vmem_shared>>
      tpu.enqueue_indirect_dma source(%dma_start3A_267 : memref<128x16xf32, #tpu.memory_space<vmem>>) target(%dma_start3A_277 : memref<104448x16xf32, #tpu.memory_space<vmem_shared>>) offsets(%dma_start3A_274 : memref<128xi32, #tpu.memory_space<vmem>>) semaphore(%arg12 : memref<!tpu.dma_semaphore, #tpu.memory_space<semaphore_mem>>) {add = true}
      %dma_start3A_278 = arith.constant 1 : i32
      %dma_start3A_279 = arith.constant 1 : i32
      %dma_start3A_280 = arith.constant 2 : i32
      %dma_start3A_281 = arith.constant 0 : i32
      %dma_start3A_282 = arith.constant 0 : i32
      %dma_start3A_283 = tpu.memref_slice %arg10[%dma_start3A_278, %dma_start3A_281, %dma_start3A_282] : memref<2x512x16xf32, #tpu.memory_space<vmem>> -> memref<1x512x16xf32, #tpu.memory_space<vmem>>
      %dma_start3A_284 = tpu.memref_squeeze %dma_start3A_283 : memref<1x512x16xf32, #tpu.memory_space<vmem>> -> memref<512x16xf32, #tpu.memory_space<vmem>>
      %dma_start3A_285 = arith.constant 256 : i32
      %dma_start3A_286 = arith.constant 0 : i32
      %dma_start3A_287 = tpu.memref_slice %dma_start3A_284[%dma_start3A_285, %dma_start3A_286] : memref<512x16xf32, #tpu.memory_space<vmem>> -> memref<128x16xf32, #tpu.memory_space<vmem>>
      %dma_start3A_288 = arith.constant 0 : i32
      %dma_start3A_289 = arith.constant 0 : i32
      %dma_start3A_290 = tpu.memref_slice %arg9[%dma_start3A_279, %dma_start3A_288, %dma_start3A_289] : memref<2x4x128xi32, #tpu.memory_space<vmem>> -> memref<1x4x128xi32, #tpu.memory_space<vmem>>
      %dma_start3A_291 = tpu.memref_squeeze %dma_start3A_290 : memref<1x4x128xi32, #tpu.memory_space<vmem>> -> memref<4x128xi32, #tpu.memory_space<vmem>>
      %dma_start3A_292 = arith.constant 0 : i32
      %dma_start3A_293 = tpu.memref_slice %dma_start3A_291[%dma_start3A_280, %dma_start3A_292] : memref<4x128xi32, #tpu.memory_space<vmem>> -> memref<1x128xi32, #tpu.memory_space<vmem>>
      %dma_start3A_294 = tpu.memref_squeeze %dma_start3A_293 : memref<1x128xi32, #tpu.memory_space<vmem>> -> memref<128xi32, #tpu.memory_space<vmem>>
      %dma_start3A_295 = arith.constant 0 : i32
      %dma_start3A_296 = arith.constant 0 : i32
      %dma_start3A_297 = tpu.memref_slice %arg13[%dma_start3A_295, %dma_start3A_296] : memref<104448x16xf32, #tpu.memory_space<vmem_shared>> -> memref<104448x16xf32, #tpu.memory_space<vmem_shared>>
      tpu.enqueue_indirect_dma source(%dma_start3A_287 : memref<128x16xf32, #tpu.memory_space<vmem>>) target(%dma_start3A_297 : memref<104448x16xf32, #tpu.memory_space<vmem_shared>>) offsets(%dma_start3A_294 : memref<128xi32, #tpu.memory_space<vmem>>) semaphore(%arg12 : memref<!tpu.dma_semaphore, #tpu.memory_space<semaphore_mem>>) {add = true}
      %dma_start3A_298 = arith.constant 1 : i32
      %dma_start3A_299 = arith.constant 1 : i32
      %dma_start3A_300 = arith.constant 3 : i32
      %dma_start3A_301 = arith.constant 0 : i32
      %dma_start3A_302 = arith.constant 0 : i32
      %dma_start3A_303 = tpu.memref_slice %arg10[%dma_start3A_298, %dma_start3A_301, %dma_start3A_302] : memref<2x512x16xf32, #tpu.memory_space<vmem>> -> memref<1x512x16xf32, #tpu.memory_space<vmem>>
      %dma_start3A_304 = tpu.memref_squeeze %dma_start3A_303 : memref<1x512x16xf32, #tpu.memory_space<vmem>> -> memref<512x16xf32, #tpu.memory_space<vmem>>
      %dma_start3A_305 = arith.constant 384 : i32
      %dma_start3A_306 = arith.constant 0 : i32
      %dma_start3A_307 = tpu.memref_slice %dma_start3A_304[%dma_start3A_305, %dma_start3A_306] : memref<512x16xf32, #tpu.memory_space<vmem>> -> memref<128x16xf32, #tpu.memory_space<vmem>>
      %dma_start3A_308 = arith.constant 0 : i32
      %dma_start3A_309 = arith.constant 0 : i32
      %dma_start3A_310 = tpu.memref_slice %arg9[%dma_start3A_299, %dma_start3A_308, %dma_start3A_309] : memref<2x4x128xi32, #tpu.memory_space<vmem>> -> memref<1x4x128xi32, #tpu.memory_space<vmem>>
      %dma_start3A_311 = tpu.memref_squeeze %dma_start3A_310 : memref<1x4x128xi32, #tpu.memory_space<vmem>> -> memref<4x128xi32, #tpu.memory_space<vmem>>
      %dma_start3A_312 = arith.constant 0 : i32
      %dma_start3A_313 = tpu.memref_slice %dma_start3A_311[%dma_start3A_300, %dma_start3A_312] : memref<4x128xi32, #tpu.memory_space<vmem>> -> memref<1x128xi32, #tpu.memory_space<vmem>>
      %dma_start3A_314 = tpu.memref_squeeze %dma_start3A_313 : memref<1x128xi32, #tpu.memory_space<vmem>> -> memref<128xi32, #tpu.memory_space<vmem>>
      %dma_start3A_315 = arith.constant 0 : i32
      %dma_start3A_316 = arith.constant 0 : i32
      %dma_start3A_317 = tpu.memref_slice %arg13[%dma_start3A_315, %dma_start3A_316] : memref<104448x16xf32, #tpu.memory_space<vmem_shared>> -> memref<104448x16xf32, #tpu.memory_space<vmem_shared>>
      tpu.enqueue_indirect_dma source(%dma_start3A_307 : memref<128x16xf32, #tpu.memory_space<vmem>>) target(%dma_start3A_317 : memref<104448x16xf32, #tpu.memory_space<vmem_shared>>) offsets(%dma_start3A_314 : memref<128xi32, #tpu.memory_space<vmem>>) semaphore(%arg12 : memref<!tpu.dma_semaphore, #tpu.memory_space<semaphore_mem>>) {add = true}
      %dma_wait3A_318 = arith.constant 1 : i32
      %dma_wait3A_319 = arith.constant 1 : i32
      %dma_wait3A_320 = arith.constant 0 : i32
      %dma_wait3A_321 = arith.constant 0 : i32
      %dma_wait3A_322 = arith.constant 0 : i32
      %dma_wait3A_323 = tpu.memref_slice %arg10[%dma_wait3A_318, %dma_wait3A_321, %dma_wait3A_322] : memref<2x512x16xf32, #tpu.memory_space<vmem>> -> memref<1x512x16xf32, #tpu.memory_space<vmem>>
      %dma_wait3A_324 = tpu.memref_squeeze %dma_wait3A_323 : memref<1x512x16xf32, #tpu.memory_space<vmem>> -> memref<512x16xf32, #tpu.memory_space<vmem>>
      %dma_wait3A_325 = arith.constant 0 : i32
      %dma_wait3A_326 = arith.constant 0 : i32
      %dma_wait3A_327 = tpu.memref_slice %dma_wait3A_324[%dma_wait3A_325, %dma_wait3A_326] : memref<512x16xf32, #tpu.memory_space<vmem>> -> memref<128x16xf32, #tpu.memory_space<vmem>>
      %dma_wait3A_328 = arith.constant 0 : i32
      %dma_wait3A_329 = arith.constant 0 : i32
      %dma_wait3A_330 = tpu.memref_slice %arg9[%dma_wait3A_319, %dma_wait3A_328, %dma_wait3A_329] : memref<2x4x128xi32, #tpu.memory_space<vmem>> -> memref<1x4x128xi32, #tpu.memory_space<vmem>>
      %dma_wait3A_331 = tpu.memref_squeeze %dma_wait3A_330 : memref<1x4x128xi32, #tpu.memory_space<vmem>> -> memref<4x128xi32, #tpu.memory_space<vmem>>
      %dma_wait3A_332 = arith.constant 0 : i32
      %dma_wait3A_333 = tpu.memref_slice %dma_wait3A_331[%dma_wait3A_320, %dma_wait3A_332] : memref<4x128xi32, #tpu.memory_space<vmem>> -> memref<1x128xi32, #tpu.memory_space<vmem>>
      %dma_wait3A_334 = tpu.memref_squeeze %dma_wait3A_333 : memref<1x128xi32, #tpu.memory_space<vmem>> -> memref<128xi32, #tpu.memory_space<vmem>>
      %dma_wait3A_335 = arith.constant 0 : i32
      %dma_wait3A_336 = arith.constant 0 : i32
      %dma_wait3A_337 = tpu.memref_slice %arg13[%dma_wait3A_335, %dma_wait3A_336] : memref<104448x16xf32, #tpu.memory_space<vmem_shared>> -> memref<104448x16xf32, #tpu.memory_space<vmem_shared>>
      tpu.wait_indirect_dma semaphore(%arg12 : memref<!tpu.dma_semaphore, #tpu.memory_space<semaphore_mem>>) src(%dma_wait3A_327 : memref<128x16xf32, #tpu.memory_space<vmem>>) dst(%dma_wait3A_337 : memref<104448x16xf32, #tpu.memory_space<vmem_shared>>)
      %dma_wait3A_338 = arith.constant 1 : i32
      %dma_wait3A_339 = arith.constant 1 : i32
      %dma_wait3A_340 = arith.constant 1 : i32
      %dma_wait3A_341 = arith.constant 0 : i32
      %dma_wait3A_342 = arith.constant 0 : i32
      %dma_wait3A_343 = tpu.memref_slice %arg10[%dma_wait3A_338, %dma_wait3A_341, %dma_wait3A_342] : memref<2x512x16xf32, #tpu.memory_space<vmem>> -> memref<1x512x16xf32, #tpu.memory_space<vmem>>
      %dma_wait3A_344 = tpu.memref_squeeze %dma_wait3A_343 : memref<1x512x16xf32, #tpu.memory_space<vmem>> -> memref<512x16xf32, #tpu.memory_space<vmem>>
      %dma_wait3A_345 = arith.constant 128 : i32
      %dma_wait3A_346 = arith.constant 0 : i32
      %dma_wait3A_347 = tpu.memref_slice %dma_wait3A_344[%dma_wait3A_345, %dma_wait3A_346] : memref<512x16xf32, #tpu.memory_space<vmem>> -> memref<128x16xf32, #tpu.memory_space<vmem>>
      %dma_wait3A_348 = arith.constant 0 : i32
      %dma_wait3A_349 = arith.constant 0 : i32
      %dma_wait3A_350 = tpu.memref_slice %arg9[%dma_wait3A_339, %dma_wait3A_348, %dma_wait3A_349] : memref<2x4x128xi32, #tpu.memory_space<vmem>> -> memref<1x4x128xi32, #tpu.memory_space<vmem>>
      %dma_wait3A_351 = tpu.memref_squeeze %dma_wait3A_350 : memref<1x4x128xi32, #tpu.memory_space<vmem>> -> memref<4x128xi32, #tpu.memory_space<vmem>>
      %dma_wait3A_352 = arith.constant 0 : i32
      %dma_wait3A_353 = tpu.memref_slice %dma_wait3A_351[%dma_wait3A_340, %dma_wait3A_352] : memref<4x128xi32, #tpu.memory_space<vmem>> -> memref<1x128xi32, #tpu.memory_space<vmem>>
      %dma_wait3A_354 = tpu.memref_squeeze %dma_wait3A_353 : memref<1x128xi32, #tpu.memory_space<vmem>> -> memref<128xi32, #tpu.memory_space<vmem>>
      %dma_wait3A_355 = arith.constant 0 : i32
      %dma_wait3A_356 = arith.constant 0 : i32
      %dma_wait3A_357 = tpu.memref_slice %arg13[%dma_wait3A_355, %dma_wait3A_356] : memref<104448x16xf32, #tpu.memory_space<vmem_shared>> -> memref<104448x16xf32, #tpu.memory_space<vmem_shared>>
      tpu.wait_indirect_dma semaphore(%arg12 : memref<!tpu.dma_semaphore, #tpu.memory_space<semaphore_mem>>) src(%dma_wait3A_347 : memref<128x16xf32, #tpu.memory_space<vmem>>) dst(%dma_wait3A_357 : memref<104448x16xf32, #tpu.memory_space<vmem_shared>>)
      %dma_wait3A_358 = arith.constant 1 : i32
      %dma_wait3A_359 = arith.constant 1 : i32
      %dma_wait3A_360 = arith.constant 2 : i32
      %dma_wait3A_361 = arith.constant 0 : i32
      %dma_wait3A_362 = arith.constant 0 : i32
      %dma_wait3A_363 = tpu.memref_slice %arg10[%dma_wait3A_358, %dma_wait3A_361, %dma_wait3A_362] : memref<2x512x16xf32, #tpu.memory_space<vmem>> -> memref<1x512x16xf32, #tpu.memory_space<vmem>>
      %dma_wait3A_364 = tpu.memref_squeeze %dma_wait3A_363 : memref<1x512x16xf32, #tpu.memory_space<vmem>> -> memref<512x16xf32, #tpu.memory_space<vmem>>
      %dma_wait3A_365 = arith.constant 256 : i32
      %dma_wait3A_366 = arith.constant 0 : i32
      %dma_wait3A_367 = tpu.memref_slice %dma_wait3A_364[%dma_wait3A_365, %dma_wait3A_366] : memref<512x16xf32, #tpu.memory_space<vmem>> -> memref<128x16xf32, #tpu.memory_space<vmem>>
      %dma_wait3A_368 = arith.constant 0 : i32
      %dma_wait3A_369 = arith.constant 0 : i32
      %dma_wait3A_370 = tpu.memref_slice %arg9[%dma_wait3A_359, %dma_wait3A_368, %dma_wait3A_369] : memref<2x4x128xi32, #tpu.memory_space<vmem>> -> memref<1x4x128xi32, #tpu.memory_space<vmem>>
      %dma_wait3A_371 = tpu.memref_squeeze %dma_wait3A_370 : memref<1x4x128xi32, #tpu.memory_space<vmem>> -> memref<4x128xi32, #tpu.memory_space<vmem>>
      %dma_wait3A_372 = arith.constant 0 : i32
      %dma_wait3A_373 = tpu.memref_slice %dma_wait3A_371[%dma_wait3A_360, %dma_wait3A_372] : memref<4x128xi32, #tpu.memory_space<vmem>> -> memref<1x128xi32, #tpu.memory_space<vmem>>
      %dma_wait3A_374 = tpu.memref_squeeze %dma_wait3A_373 : memref<1x128xi32, #tpu.memory_space<vmem>> -> memref<128xi32, #tpu.memory_space<vmem>>
      %dma_wait3A_375 = arith.constant 0 : i32
      %dma_wait3A_376 = arith.constant 0 : i32
      %dma_wait3A_377 = tpu.memref_slice %arg13[%dma_wait3A_375, %dma_wait3A_376] : memref<104448x16xf32, #tpu.memory_space<vmem_shared>> -> memref<104448x16xf32, #tpu.memory_space<vmem_shared>>
      tpu.wait_indirect_dma semaphore(%arg12 : memref<!tpu.dma_semaphore, #tpu.memory_space<semaphore_mem>>) src(%dma_wait3A_367 : memref<128x16xf32, #tpu.memory_space<vmem>>) dst(%dma_wait3A_377 : memref<104448x16xf32, #tpu.memory_space<vmem_shared>>)
      %dma_wait3A_378 = arith.constant 1 : i32
      %dma_wait3A_379 = arith.constant 1 : i32
      %dma_wait3A_380 = arith.constant 3 : i32
      %dma_wait3A_381 = arith.constant 0 : i32
      %dma_wait3A_382 = arith.constant 0 : i32
      %dma_wait3A_383 = tpu.memref_slice %arg10[%dma_wait3A_378, %dma_wait3A_381, %dma_wait3A_382] : memref<2x512x16xf32, #tpu.memory_space<vmem>> -> memref<1x512x16xf32, #tpu.memory_space<vmem>>
      %dma_wait3A_384 = tpu.memref_squeeze %dma_wait3A_383 : memref<1x512x16xf32, #tpu.memory_space<vmem>> -> memref<512x16xf32, #tpu.memory_space<vmem>>
      %dma_wait3A_385 = arith.constant 384 : i32
      %dma_wait3A_386 = arith.constant 0 : i32
      %dma_wait3A_387 = tpu.memref_slice %dma_wait3A_384[%dma_wait3A_385, %dma_wait3A_386] : memref<512x16xf32, #tpu.memory_space<vmem>> -> memref<128x16xf32, #tpu.memory_space<vmem>>
      %dma_wait3A_388 = arith.constant 0 : i32
      %dma_wait3A_389 = arith.constant 0 : i32
      %dma_wait3A_390 = tpu.memref_slice %arg9[%dma_wait3A_379, %dma_wait3A_388, %dma_wait3A_389] : memref<2x4x128xi32, #tpu.memory_space<vmem>> -> memref<1x4x128xi32, #tpu.memory_space<vmem>>
      %dma_wait3A_391 = tpu.memref_squeeze %dma_wait3A_390 : memref<1x4x128xi32, #tpu.memory_space<vmem>> -> memref<4x128xi32, #tpu.memory_space<vmem>>
      %dma_wait3A_392 = arith.constant 0 : i32
      %dma_wait3A_393 = tpu.memref_slice %dma_wait3A_391[%dma_wait3A_380, %dma_wait3A_392] : memref<4x128xi32, #tpu.memory_space<vmem>> -> memref<1x128xi32, #tpu.memory_space<vmem>>
      %dma_wait3A_394 = tpu.memref_squeeze %dma_wait3A_393 : memref<1x128xi32, #tpu.memory_space<vmem>> -> memref<128xi32, #tpu.memory_space<vmem>>
      %dma_wait3A_395 = arith.constant 0 : i32
      %dma_wait3A_396 = arith.constant 0 : i32
      %dma_wait3A_397 = tpu.memref_slice %arg13[%dma_wait3A_395, %dma_wait3A_396] : memref<104448x16xf32, #tpu.memory_space<vmem_shared>> -> memref<104448x16xf32, #tpu.memory_space<vmem_shared>>
      tpu.wait_indirect_dma semaphore(%arg12 : memref<!tpu.dma_semaphore, #tpu.memory_space<semaphore_mem>>) src(%dma_wait3A_387 : memref<128x16xf32, #tpu.memory_space<vmem>>) dst(%dma_wait3A_397 : memref<104448x16xf32, #tpu.memory_space<vmem_shared>>)
    }
    %scan3A_18 = arith.constant 98 : i32
    %barrier3A_19 = arith.constant 0 : index
    tpu.barrier barrier_id(%barrier3A_19)
    %mul3A_20 = arith.constant 6528 : i32
    %mul3A_21 = arith.muli %arg1, %mul3A_20 : i32
    %mul3A_22 = arith.constant 104448 : i32
    %mul3A_23 = arith.muli %arg0, %mul3A_22 : i32
    %mul3A_24 = arith.constant 6528 : i32
    %mul3A_25 = arith.muli %arg1, %mul3A_24 : i32
    %add3A_26 = arith.addi %mul3A_23, %mul3A_25 : i32
    "tpu.region"() ({
      %run_scoped3A_27 = tpu.sem_alloc : memref<!tpu.dma_semaphore, #tpu.memory_space<semaphore_mem>>
      %dma_start3A = arith.constant 0 : i32
      %dma_start3A_28 = tpu.memref_slice %arg7[%add3A_26, %dma_start3A] : memref<208896x16xf32, #tpu.memory_space<hbm>> -> memref<6528x16xf32, #tpu.memory_space<hbm>>
      %dma_start3A_29 = arith.constant 0 : i32
      %dma_start3A_30 = tpu.memref_slice %arg13[%mul3A_21, %dma_start3A_29] : memref<104448x16xf32, #tpu.memory_space<vmem_shared>> -> memref<6528x16xf32, #tpu.memory_space<vmem_shared>>
      tpu.enqueue_dma source(%dma_start3A_30 : memref<6528x16xf32, #tpu.memory_space<vmem_shared>>) target(%dma_start3A_28 : memref<6528x16xf32, #tpu.memory_space<hbm>>) target_semaphore(%run_scoped3A_27 : memref<!tpu.dma_semaphore, #tpu.memory_space<semaphore_mem>>)
      %dma_wait3A = arith.constant 0 : i32
      %dma_wait3A_31 = tpu.memref_slice %arg7[%add3A_26, %dma_wait3A] : memref<208896x16xf32, #tpu.memory_space<hbm>> -> memref<6528x16xf32, #tpu.memory_space<hbm>>
      %dma_wait3A_32 = arith.constant 0 : i32
      %dma_wait3A_33 = tpu.memref_slice %arg13[%mul3A_21, %dma_wait3A_32] : memref<104448x16xf32, #tpu.memory_space<vmem_shared>> -> memref<6528x16xf32, #tpu.memory_space<vmem_shared>>
      tpu.wait_dma2 semaphore(%run_scoped3A_27 : memref<!tpu.dma_semaphore, #tpu.memory_space<semaphore_mem>>) src(%dma_wait3A_33 : memref<6528x16xf32, #tpu.memory_space<vmem_shared>>) dst(%dma_wait3A_31 : memref<6528x16xf32, #tpu.memory_space<hbm>>)
      tpu.yield
    }) : () -> ()
    return
  }
}

#map = affine_map<(d0, d1) -> (0, 0)>
module attributes {stable_mosaic.version = 14 : i64} {
  func.func @_deg_body(%arg0: i32, %arg1: i32, %arg2: memref<12544x128xi32, #tpu.memory_space<hbm>>, %arg3: memref<128x16xf32, #tpu.memory_space<hbm>>, %arg4: memref<6528x16xf32, #tpu.memory_space<hbm>>, %arg5: memref<208896x16xf32, #tpu.memory_space<hbm>>, %arg6: memref<8x128xi32, #tpu.memory_space<vmem>>, %arg7: memref<128x16xf32, #tpu.memory_space<vmem>>, %arg8: memref<!tpu.dma_semaphore, #tpu.memory_space<semaphore_mem>>, %arg9: memref<104448x16xf32, #tpu.memory_space<vmem_shared>>) attributes {dimension_semantics = [#tpu.dimension_semantics<core_parallel>, #tpu.dimension_semantics<subcore_parallel>], iteration_bounds = array<i64: 2, 16>, scalar_prefetch = 0 : i64, scratch_operands = 4 : i64, tpu.core_type = #tpu.core_type<sc_vector_subcore>, window_params = [{transform_indices = #map}, {transform_indices = #map}, {transform_indices = #map}, {transform_indices = #map}]} {
    %mul3A = arith.constant 2 : i32
    %mul3A_0 = arith.muli %arg1, %mul3A : i32
    %add3A = arith.addi %mul3A_0, %arg0 : i32
    %mul3A_1 = arith.constant 6528 : i32
    %mul3A_2 = arith.muli %arg1, %mul3A_1 : i32
    "tpu.region"() ({
      %run_scoped3A = tpu.sem_alloc : memref<!tpu.dma_semaphore, #tpu.memory_space<semaphore_mem>>
      %dma_start3A = arith.constant 0 : i32
      %dma_start3A_16 = tpu.memref_slice %arg9[%mul3A_2, %dma_start3A] : memref<104448x16xf32, #tpu.memory_space<vmem_shared>> -> memref<6528x16xf32, #tpu.memory_space<vmem_shared>>
      tpu.enqueue_dma source(%arg4 : memref<6528x16xf32, #tpu.memory_space<hbm>>) target(%dma_start3A_16 : memref<6528x16xf32, #tpu.memory_space<vmem_shared>>) target_semaphore(%run_scoped3A : memref<!tpu.dma_semaphore, #tpu.memory_space<semaphore_mem>>)
      %dma_wait3A = arith.constant 0 : i32
      %dma_wait3A_17 = tpu.memref_slice %arg9[%mul3A_2, %dma_wait3A] : memref<104448x16xf32, #tpu.memory_space<vmem_shared>> -> memref<6528x16xf32, #tpu.memory_space<vmem_shared>>
      tpu.wait_dma2 semaphore(%run_scoped3A : memref<!tpu.dma_semaphore, #tpu.memory_space<semaphore_mem>>) src(%arg4 : memref<6528x16xf32, #tpu.memory_space<hbm>>) dst(%dma_wait3A_17 : memref<6528x16xf32, #tpu.memory_space<vmem_shared>>)
      tpu.yield
    }) : () -> ()
    "tpu.region"() ({
      %run_scoped3A = tpu.sem_alloc : memref<!tpu.dma_semaphore, #tpu.memory_space<semaphore_mem>>
      tpu.enqueue_dma source(%arg3 : memref<128x16xf32, #tpu.memory_space<hbm>>) target(%arg7 : memref<128x16xf32, #tpu.memory_space<vmem>>) target_semaphore(%run_scoped3A : memref<!tpu.dma_semaphore, #tpu.memory_space<semaphore_mem>>)
      tpu.wait_dma2 semaphore(%run_scoped3A : memref<!tpu.dma_semaphore, #tpu.memory_space<semaphore_mem>>) src(%arg3 : memref<128x16xf32, #tpu.memory_space<hbm>>) dst(%arg7 : memref<128x16xf32, #tpu.memory_space<vmem>>)
      tpu.yield
    }) : () -> ()
    %barrier3A = arith.constant 0 : index
    tpu.barrier barrier_id(%barrier3A)
    %scan3A = arith.constant 0 : i32
    %scan3A_3 = arith.constant 0 : i32
    %scan3A_4 = arith.constant 49 : i32
    %scan3A_5 = arith.addi %scan3A_3, %scan3A_4 : i32
    %scan3A_6 = arith.constant 1 : i32
    scf.for %scan3A_16 = %scan3A_3 to %scan3A_5 step %scan3A_6  : i32 {
      %mul3A_17 = arith.constant 49 : i32
      %mul3A_18 = arith.muli %add3A, %mul3A_17 : i32
      %add3A_19 = arith.addi %mul3A_18, %scan3A_16 : i32
      %mul3A_20 = arith.constant 8 : i32
      %mul3A_21 = arith.muli %add3A_19, %mul3A_20 : i32
      "tpu.region"() ({
        %run_scoped3A = tpu.sem_alloc : memref<!tpu.dma_semaphore, #tpu.memory_space<semaphore_mem>>
        %dma_start3A_132 = arith.constant 0 : i32
        %dma_start3A_133 = tpu.memref_slice %arg2[%mul3A_21, %dma_start3A_132] : memref<12544x128xi32, #tpu.memory_space<hbm>> -> memref<8x128xi32, #tpu.memory_space<hbm>>
        %dma_start3A_134 = arith.constant 0 : i32
        %dma_start3A_135 = tpu.memref_slice %arg2[%mul3A_21, %dma_start3A_134] : memref<12544x128xi32, #tpu.memory_space<hbm>> -> memref<8x128xi32, #tpu.memory_space<hbm>>
        tpu.enqueue_dma source(%dma_start3A_135 : memref<8x128xi32, #tpu.memory_space<hbm>>) target(%arg6 : memref<8x128xi32, #tpu.memory_space<vmem>>) target_semaphore(%run_scoped3A : memref<!tpu.dma_semaphore, #tpu.memory_space<semaphore_mem>>)
        %dma_wait3A_136 = arith.constant 0 : i32
        %dma_wait3A_137 = tpu.memref_slice %arg2[%mul3A_21, %dma_wait3A_136] : memref<12544x128xi32, #tpu.memory_space<hbm>> -> memref<8x128xi32, #tpu.memory_space<hbm>>
        %dma_wait3A_138 = arith.constant 0 : i32
        %dma_wait3A_139 = tpu.memref_slice %arg2[%mul3A_21, %dma_wait3A_138] : memref<12544x128xi32, #tpu.memory_space<hbm>> -> memref<8x128xi32, #tpu.memory_space<hbm>>
        tpu.wait_dma2 semaphore(%run_scoped3A : memref<!tpu.dma_semaphore, #tpu.memory_space<semaphore_mem>>) src(%dma_wait3A_139 : memref<8x128xi32, #tpu.memory_space<hbm>>) dst(%arg6 : memref<8x128xi32, #tpu.memory_space<vmem>>)
        tpu.yield
      }) : () -> ()
      %dma_start3A = arith.constant 0 : i32
      %dma_start3A_22 = arith.constant 0 : i32
      %dma_start3A_23 = tpu.memref_slice %arg6[%dma_start3A, %dma_start3A_22] : memref<8x128xi32, #tpu.memory_space<vmem>> -> memref<1x128xi32, #tpu.memory_space<vmem>>
      %dma_start3A_24 = tpu.memref_squeeze %dma_start3A_23 : memref<1x128xi32, #tpu.memory_space<vmem>> -> memref<128xi32, #tpu.memory_space<vmem>>
      %dma_start3A_25 = arith.constant 0 : i32
      %dma_start3A_26 = arith.constant 0 : i32
      %dma_start3A_27 = tpu.memref_slice %arg9[%dma_start3A_25, %dma_start3A_26] : memref<104448x16xf32, #tpu.memory_space<vmem_shared>> -> memref<104448x16xf32, #tpu.memory_space<vmem_shared>>
      tpu.enqueue_indirect_dma source(%arg7 : memref<128x16xf32, #tpu.memory_space<vmem>>) target(%dma_start3A_27 : memref<104448x16xf32, #tpu.memory_space<vmem_shared>>) offsets(%dma_start3A_24 : memref<128xi32, #tpu.memory_space<vmem>>) semaphore(%arg8 : memref<!tpu.dma_semaphore, #tpu.memory_space<semaphore_mem>>) {add = true}
      %dma_start3A_28 = arith.constant 1 : i32
      %dma_start3A_29 = arith.constant 0 : i32
      %dma_start3A_30 = tpu.memref_slice %arg6[%dma_start3A_28, %dma_start3A_29] : memref<8x128xi32, #tpu.memory_space<vmem>> -> memref<1x128xi32, #tpu.memory_space<vmem>>
      %dma_start3A_31 = tpu.memref_squeeze %dma_start3A_30 : memref<1x128xi32, #tpu.memory_space<vmem>> -> memref<128xi32, #tpu.memory_space<vmem>>
      %dma_start3A_32 = arith.constant 0 : i32
      %dma_start3A_33 = arith.constant 0 : i32
      %dma_start3A_34 = tpu.memref_slice %arg9[%dma_start3A_32, %dma_start3A_33] : memref<104448x16xf32, #tpu.memory_space<vmem_shared>> -> memref<104448x16xf32, #tpu.memory_space<vmem_shared>>
      tpu.enqueue_indirect_dma source(%arg7 : memref<128x16xf32, #tpu.memory_space<vmem>>) target(%dma_start3A_34 : memref<104448x16xf32, #tpu.memory_space<vmem_shared>>) offsets(%dma_start3A_31 : memref<128xi32, #tpu.memory_space<vmem>>) semaphore(%arg8 : memref<!tpu.dma_semaphore, #tpu.memory_space<semaphore_mem>>) {add = true}
      %dma_start3A_35 = arith.constant 2 : i32
      %dma_start3A_36 = arith.constant 0 : i32
      %dma_start3A_37 = tpu.memref_slice %arg6[%dma_start3A_35, %dma_start3A_36] : memref<8x128xi32, #tpu.memory_space<vmem>> -> memref<1x128xi32, #tpu.memory_space<vmem>>
      %dma_start3A_38 = tpu.memref_squeeze %dma_start3A_37 : memref<1x128xi32, #tpu.memory_space<vmem>> -> memref<128xi32, #tpu.memory_space<vmem>>
      %dma_start3A_39 = arith.constant 0 : i32
      %dma_start3A_40 = arith.constant 0 : i32
      %dma_start3A_41 = tpu.memref_slice %arg9[%dma_start3A_39, %dma_start3A_40] : memref<104448x16xf32, #tpu.memory_space<vmem_shared>> -> memref<104448x16xf32, #tpu.memory_space<vmem_shared>>
      tpu.enqueue_indirect_dma source(%arg7 : memref<128x16xf32, #tpu.memory_space<vmem>>) target(%dma_start3A_41 : memref<104448x16xf32, #tpu.memory_space<vmem_shared>>) offsets(%dma_start3A_38 : memref<128xi32, #tpu.memory_space<vmem>>) semaphore(%arg8 : memref<!tpu.dma_semaphore, #tpu.memory_space<semaphore_mem>>) {add = true}
      %dma_start3A_42 = arith.constant 3 : i32
      %dma_start3A_43 = arith.constant 0 : i32
      %dma_start3A_44 = tpu.memref_slice %arg6[%dma_start3A_42, %dma_start3A_43] : memref<8x128xi32, #tpu.memory_space<vmem>> -> memref<1x128xi32, #tpu.memory_space<vmem>>
      %dma_start3A_45 = tpu.memref_squeeze %dma_start3A_44 : memref<1x128xi32, #tpu.memory_space<vmem>> -> memref<128xi32, #tpu.memory_space<vmem>>
      %dma_start3A_46 = arith.constant 0 : i32
      %dma_start3A_47 = arith.constant 0 : i32
      %dma_start3A_48 = tpu.memref_slice %arg9[%dma_start3A_46, %dma_start3A_47] : memref<104448x16xf32, #tpu.memory_space<vmem_shared>> -> memref<104448x16xf32, #tpu.memory_space<vmem_shared>>
      tpu.enqueue_indirect_dma source(%arg7 : memref<128x16xf32, #tpu.memory_space<vmem>>) target(%dma_start3A_48 : memref<104448x16xf32, #tpu.memory_space<vmem_shared>>) offsets(%dma_start3A_45 : memref<128xi32, #tpu.memory_space<vmem>>) semaphore(%arg8 : memref<!tpu.dma_semaphore, #tpu.memory_space<semaphore_mem>>) {add = true}
      %dma_start3A_49 = arith.constant 4 : i32
      %dma_start3A_50 = arith.constant 0 : i32
      %dma_start3A_51 = tpu.memref_slice %arg6[%dma_start3A_49, %dma_start3A_50] : memref<8x128xi32, #tpu.memory_space<vmem>> -> memref<1x128xi32, #tpu.memory_space<vmem>>
      %dma_start3A_52 = tpu.memref_squeeze %dma_start3A_51 : memref<1x128xi32, #tpu.memory_space<vmem>> -> memref<128xi32, #tpu.memory_space<vmem>>
      %dma_start3A_53 = arith.constant 0 : i32
      %dma_start3A_54 = arith.constant 0 : i32
      %dma_start3A_55 = tpu.memref_slice %arg9[%dma_start3A_53, %dma_start3A_54] : memref<104448x16xf32, #tpu.memory_space<vmem_shared>> -> memref<104448x16xf32, #tpu.memory_space<vmem_shared>>
      tpu.enqueue_indirect_dma source(%arg7 : memref<128x16xf32, #tpu.memory_space<vmem>>) target(%dma_start3A_55 : memref<104448x16xf32, #tpu.memory_space<vmem_shared>>) offsets(%dma_start3A_52 : memref<128xi32, #tpu.memory_space<vmem>>) semaphore(%arg8 : memref<!tpu.dma_semaphore, #tpu.memory_space<semaphore_mem>>) {add = true}
      %dma_start3A_56 = arith.constant 5 : i32
      %dma_start3A_57 = arith.constant 0 : i32
      %dma_start3A_58 = tpu.memref_slice %arg6[%dma_start3A_56, %dma_start3A_57] : memref<8x128xi32, #tpu.memory_space<vmem>> -> memref<1x128xi32, #tpu.memory_space<vmem>>
      %dma_start3A_59 = tpu.memref_squeeze %dma_start3A_58 : memref<1x128xi32, #tpu.memory_space<vmem>> -> memref<128xi32, #tpu.memory_space<vmem>>
      %dma_start3A_60 = arith.constant 0 : i32
      %dma_start3A_61 = arith.constant 0 : i32
      %dma_start3A_62 = tpu.memref_slice %arg9[%dma_start3A_60, %dma_start3A_61] : memref<104448x16xf32, #tpu.memory_space<vmem_shared>> -> memref<104448x16xf32, #tpu.memory_space<vmem_shared>>
      tpu.enqueue_indirect_dma source(%arg7 : memref<128x16xf32, #tpu.memory_space<vmem>>) target(%dma_start3A_62 : memref<104448x16xf32, #tpu.memory_space<vmem_shared>>) offsets(%dma_start3A_59 : memref<128xi32, #tpu.memory_space<vmem>>) semaphore(%arg8 : memref<!tpu.dma_semaphore, #tpu.memory_space<semaphore_mem>>) {add = true}
      %dma_start3A_63 = arith.constant 6 : i32
      %dma_start3A_64 = arith.constant 0 : i32
      %dma_start3A_65 = tpu.memref_slice %arg6[%dma_start3A_63, %dma_start3A_64] : memref<8x128xi32, #tpu.memory_space<vmem>> -> memref<1x128xi32, #tpu.memory_space<vmem>>
      %dma_start3A_66 = tpu.memref_squeeze %dma_start3A_65 : memref<1x128xi32, #tpu.memory_space<vmem>> -> memref<128xi32, #tpu.memory_space<vmem>>
      %dma_start3A_67 = arith.constant 0 : i32
      %dma_start3A_68 = arith.constant 0 : i32
      %dma_start3A_69 = tpu.memref_slice %arg9[%dma_start3A_67, %dma_start3A_68] : memref<104448x16xf32, #tpu.memory_space<vmem_shared>> -> memref<104448x16xf32, #tpu.memory_space<vmem_shared>>
      tpu.enqueue_indirect_dma source(%arg7 : memref<128x16xf32, #tpu.memory_space<vmem>>) target(%dma_start3A_69 : memref<104448x16xf32, #tpu.memory_space<vmem_shared>>) offsets(%dma_start3A_66 : memref<128xi32, #tpu.memory_space<vmem>>) semaphore(%arg8 : memref<!tpu.dma_semaphore, #tpu.memory_space<semaphore_mem>>) {add = true}
      %dma_start3A_70 = arith.constant 7 : i32
      %dma_start3A_71 = arith.constant 0 : i32
      %dma_start3A_72 = tpu.memref_slice %arg6[%dma_start3A_70, %dma_start3A_71] : memref<8x128xi32, #tpu.memory_space<vmem>> -> memref<1x128xi32, #tpu.memory_space<vmem>>
      %dma_start3A_73 = tpu.memref_squeeze %dma_start3A_72 : memref<1x128xi32, #tpu.memory_space<vmem>> -> memref<128xi32, #tpu.memory_space<vmem>>
      %dma_start3A_74 = arith.constant 0 : i32
      %dma_start3A_75 = arith.constant 0 : i32
      %dma_start3A_76 = tpu.memref_slice %arg9[%dma_start3A_74, %dma_start3A_75] : memref<104448x16xf32, #tpu.memory_space<vmem_shared>> -> memref<104448x16xf32, #tpu.memory_space<vmem_shared>>
      tpu.enqueue_indirect_dma source(%arg7 : memref<128x16xf32, #tpu.memory_space<vmem>>) target(%dma_start3A_76 : memref<104448x16xf32, #tpu.memory_space<vmem_shared>>) offsets(%dma_start3A_73 : memref<128xi32, #tpu.memory_space<vmem>>) semaphore(%arg8 : memref<!tpu.dma_semaphore, #tpu.memory_space<semaphore_mem>>) {add = true}
      %dma_wait3A = arith.constant 0 : i32
      %dma_wait3A_77 = arith.constant 0 : i32
      %dma_wait3A_78 = tpu.memref_slice %arg6[%dma_wait3A, %dma_wait3A_77] : memref<8x128xi32, #tpu.memory_space<vmem>> -> memref<1x128xi32, #tpu.memory_space<vmem>>
      %dma_wait3A_79 = tpu.memref_squeeze %dma_wait3A_78 : memref<1x128xi32, #tpu.memory_space<vmem>> -> memref<128xi32, #tpu.memory_space<vmem>>
      %dma_wait3A_80 = arith.constant 0 : i32
      %dma_wait3A_81 = arith.constant 0 : i32
      %dma_wait3A_82 = tpu.memref_slice %arg9[%dma_wait3A_80, %dma_wait3A_81] : memref<104448x16xf32, #tpu.memory_space<vmem_shared>> -> memref<104448x16xf32, #tpu.memory_space<vmem_shared>>
      tpu.wait_indirect_dma semaphore(%arg8 : memref<!tpu.dma_semaphore, #tpu.memory_space<semaphore_mem>>) src(%arg7 : memref<128x16xf32, #tpu.memory_space<vmem>>) dst(%dma_wait3A_82 : memref<104448x16xf32, #tpu.memory_space<vmem_shared>>)
      %dma_wait3A_83 = arith.constant 1 : i32
      %dma_wait3A_84 = arith.constant 0 : i32
      %dma_wait3A_85 = tpu.memref_slice %arg6[%dma_wait3A_83, %dma_wait3A_84] : memref<8x128xi32, #tpu.memory_space<vmem>> -> memref<1x128xi32, #tpu.memory_space<vmem>>
      %dma_wait3A_86 = tpu.memref_squeeze %dma_wait3A_85 : memref<1x128xi32, #tpu.memory_space<vmem>> -> memref<128xi32, #tpu.memory_space<vmem>>
      %dma_wait3A_87 = arith.constant 0 : i32
      %dma_wait3A_88 = arith.constant 0 : i32
      %dma_wait3A_89 = tpu.memref_slice %arg9[%dma_wait3A_87, %dma_wait3A_88] : memref<104448x16xf32, #tpu.memory_space<vmem_shared>> -> memref<104448x16xf32, #tpu.memory_space<vmem_shared>>
      tpu.wait_indirect_dma semaphore(%arg8 : memref<!tpu.dma_semaphore, #tpu.memory_space<semaphore_mem>>) src(%arg7 : memref<128x16xf32, #tpu.memory_space<vmem>>) dst(%dma_wait3A_89 : memref<104448x16xf32, #tpu.memory_space<vmem_shared>>)
      %dma_wait3A_90 = arith.constant 2 : i32
      %dma_wait3A_91 = arith.constant 0 : i32
      %dma_wait3A_92 = tpu.memref_slice %arg6[%dma_wait3A_90, %dma_wait3A_91] : memref<8x128xi32, #tpu.memory_space<vmem>> -> memref<1x128xi32, #tpu.memory_space<vmem>>
      %dma_wait3A_93 = tpu.memref_squeeze %dma_wait3A_92 : memref<1x128xi32, #tpu.memory_space<vmem>> -> memref<128xi32, #tpu.memory_space<vmem>>
      %dma_wait3A_94 = arith.constant 0 : i32
      %dma_wait3A_95 = arith.constant 0 : i32
      %dma_wait3A_96 = tpu.memref_slice %arg9[%dma_wait3A_94, %dma_wait3A_95] : memref<104448x16xf32, #tpu.memory_space<vmem_shared>> -> memref<104448x16xf32, #tpu.memory_space<vmem_shared>>
      tpu.wait_indirect_dma semaphore(%arg8 : memref<!tpu.dma_semaphore, #tpu.memory_space<semaphore_mem>>) src(%arg7 : memref<128x16xf32, #tpu.memory_space<vmem>>) dst(%dma_wait3A_96 : memref<104448x16xf32, #tpu.memory_space<vmem_shared>>)
      %dma_wait3A_97 = arith.constant 3 : i32
      %dma_wait3A_98 = arith.constant 0 : i32
      %dma_wait3A_99 = tpu.memref_slice %arg6[%dma_wait3A_97, %dma_wait3A_98] : memref<8x128xi32, #tpu.memory_space<vmem>> -> memref<1x128xi32, #tpu.memory_space<vmem>>
      %dma_wait3A_100 = tpu.memref_squeeze %dma_wait3A_99 : memref<1x128xi32, #tpu.memory_space<vmem>> -> memref<128xi32, #tpu.memory_space<vmem>>
      %dma_wait3A_101 = arith.constant 0 : i32
      %dma_wait3A_102 = arith.constant 0 : i32
      %dma_wait3A_103 = tpu.memref_slice %arg9[%dma_wait3A_101, %dma_wait3A_102] : memref<104448x16xf32, #tpu.memory_space<vmem_shared>> -> memref<104448x16xf32, #tpu.memory_space<vmem_shared>>
      tpu.wait_indirect_dma semaphore(%arg8 : memref<!tpu.dma_semaphore, #tpu.memory_space<semaphore_mem>>) src(%arg7 : memref<128x16xf32, #tpu.memory_space<vmem>>) dst(%dma_wait3A_103 : memref<104448x16xf32, #tpu.memory_space<vmem_shared>>)
      %dma_wait3A_104 = arith.constant 4 : i32
      %dma_wait3A_105 = arith.constant 0 : i32
      %dma_wait3A_106 = tpu.memref_slice %arg6[%dma_wait3A_104, %dma_wait3A_105] : memref<8x128xi32, #tpu.memory_space<vmem>> -> memref<1x128xi32, #tpu.memory_space<vmem>>
      %dma_wait3A_107 = tpu.memref_squeeze %dma_wait3A_106 : memref<1x128xi32, #tpu.memory_space<vmem>> -> memref<128xi32, #tpu.memory_space<vmem>>
      %dma_wait3A_108 = arith.constant 0 : i32
      %dma_wait3A_109 = arith.constant 0 : i32
      %dma_wait3A_110 = tpu.memref_slice %arg9[%dma_wait3A_108, %dma_wait3A_109] : memref<104448x16xf32, #tpu.memory_space<vmem_shared>> -> memref<104448x16xf32, #tpu.memory_space<vmem_shared>>
      tpu.wait_indirect_dma semaphore(%arg8 : memref<!tpu.dma_semaphore, #tpu.memory_space<semaphore_mem>>) src(%arg7 : memref<128x16xf32, #tpu.memory_space<vmem>>) dst(%dma_wait3A_110 : memref<104448x16xf32, #tpu.memory_space<vmem_shared>>)
      %dma_wait3A_111 = arith.constant 5 : i32
      %dma_wait3A_112 = arith.constant 0 : i32
      %dma_wait3A_113 = tpu.memref_slice %arg6[%dma_wait3A_111, %dma_wait3A_112] : memref<8x128xi32, #tpu.memory_space<vmem>> -> memref<1x128xi32, #tpu.memory_space<vmem>>
      %dma_wait3A_114 = tpu.memref_squeeze %dma_wait3A_113 : memref<1x128xi32, #tpu.memory_space<vmem>> -> memref<128xi32, #tpu.memory_space<vmem>>
      %dma_wait3A_115 = arith.constant 0 : i32
      %dma_wait3A_116 = arith.constant 0 : i32
      %dma_wait3A_117 = tpu.memref_slice %arg9[%dma_wait3A_115, %dma_wait3A_116] : memref<104448x16xf32, #tpu.memory_space<vmem_shared>> -> memref<104448x16xf32, #tpu.memory_space<vmem_shared>>
      tpu.wait_indirect_dma semaphore(%arg8 : memref<!tpu.dma_semaphore, #tpu.memory_space<semaphore_mem>>) src(%arg7 : memref<128x16xf32, #tpu.memory_space<vmem>>) dst(%dma_wait3A_117 : memref<104448x16xf32, #tpu.memory_space<vmem_shared>>)
      %dma_wait3A_118 = arith.constant 6 : i32
      %dma_wait3A_119 = arith.constant 0 : i32
      %dma_wait3A_120 = tpu.memref_slice %arg6[%dma_wait3A_118, %dma_wait3A_119] : memref<8x128xi32, #tpu.memory_space<vmem>> -> memref<1x128xi32, #tpu.memory_space<vmem>>
      %dma_wait3A_121 = tpu.memref_squeeze %dma_wait3A_120 : memref<1x128xi32, #tpu.memory_space<vmem>> -> memref<128xi32, #tpu.memory_space<vmem>>
      %dma_wait3A_122 = arith.constant 0 : i32
      %dma_wait3A_123 = arith.constant 0 : i32
      %dma_wait3A_124 = tpu.memref_slice %arg9[%dma_wait3A_122, %dma_wait3A_123] : memref<104448x16xf32, #tpu.memory_space<vmem_shared>> -> memref<104448x16xf32, #tpu.memory_space<vmem_shared>>
      tpu.wait_indirect_dma semaphore(%arg8 : memref<!tpu.dma_semaphore, #tpu.memory_space<semaphore_mem>>) src(%arg7 : memref<128x16xf32, #tpu.memory_space<vmem>>) dst(%dma_wait3A_124 : memref<104448x16xf32, #tpu.memory_space<vmem_shared>>)
      %dma_wait3A_125 = arith.constant 7 : i32
      %dma_wait3A_126 = arith.constant 0 : i32
      %dma_wait3A_127 = tpu.memref_slice %arg6[%dma_wait3A_125, %dma_wait3A_126] : memref<8x128xi32, #tpu.memory_space<vmem>> -> memref<1x128xi32, #tpu.memory_space<vmem>>
      %dma_wait3A_128 = tpu.memref_squeeze %dma_wait3A_127 : memref<1x128xi32, #tpu.memory_space<vmem>> -> memref<128xi32, #tpu.memory_space<vmem>>
      %dma_wait3A_129 = arith.constant 0 : i32
      %dma_wait3A_130 = arith.constant 0 : i32
      %dma_wait3A_131 = tpu.memref_slice %arg9[%dma_wait3A_129, %dma_wait3A_130] : memref<104448x16xf32, #tpu.memory_space<vmem_shared>> -> memref<104448x16xf32, #tpu.memory_space<vmem_shared>>
      tpu.wait_indirect_dma semaphore(%arg8 : memref<!tpu.dma_semaphore, #tpu.memory_space<semaphore_mem>>) src(%arg7 : memref<128x16xf32, #tpu.memory_space<vmem>>) dst(%dma_wait3A_131 : memref<104448x16xf32, #tpu.memory_space<vmem_shared>>)
    }
    %scan3A_7 = arith.constant 49 : i32
    %barrier3A_8 = arith.constant 0 : index
    tpu.barrier barrier_id(%barrier3A_8)
    %mul3A_9 = arith.constant 6528 : i32
    %mul3A_10 = arith.muli %arg1, %mul3A_9 : i32
    %mul3A_11 = arith.constant 104448 : i32
    %mul3A_12 = arith.muli %arg0, %mul3A_11 : i32
    %mul3A_13 = arith.constant 6528 : i32
    %mul3A_14 = arith.muli %arg1, %mul3A_13 : i32
    %add3A_15 = arith.addi %mul3A_12, %mul3A_14 : i32
    "tpu.region"() ({
      %run_scoped3A = tpu.sem_alloc : memref<!tpu.dma_semaphore, #tpu.memory_space<semaphore_mem>>
      %dma_start3A = arith.constant 0 : i32
      %dma_start3A_16 = tpu.memref_slice %arg5[%add3A_15, %dma_start3A] : memref<208896x16xf32, #tpu.memory_space<hbm>> -> memref<6528x16xf32, #tpu.memory_space<hbm>>
      %dma_start3A_17 = arith.constant 0 : i32
      %dma_start3A_18 = tpu.memref_slice %arg9[%mul3A_10, %dma_start3A_17] : memref<104448x16xf32, #tpu.memory_space<vmem_shared>> -> memref<6528x16xf32, #tpu.memory_space<vmem_shared>>
      tpu.enqueue_dma source(%dma_start3A_18 : memref<6528x16xf32, #tpu.memory_space<vmem_shared>>) target(%dma_start3A_16 : memref<6528x16xf32, #tpu.memory_space<hbm>>) target_semaphore(%run_scoped3A : memref<!tpu.dma_semaphore, #tpu.memory_space<semaphore_mem>>)
      %dma_wait3A = arith.constant 0 : i32
      %dma_wait3A_19 = tpu.memref_slice %arg5[%add3A_15, %dma_wait3A] : memref<208896x16xf32, #tpu.memory_space<hbm>> -> memref<6528x16xf32, #tpu.memory_space<hbm>>
      %dma_wait3A_20 = arith.constant 0 : i32
      %dma_wait3A_21 = tpu.memref_slice %arg9[%mul3A_10, %dma_wait3A_20] : memref<104448x16xf32, #tpu.memory_space<vmem_shared>> -> memref<6528x16xf32, #tpu.memory_space<vmem_shared>>
      tpu.wait_dma2 semaphore(%run_scoped3A : memref<!tpu.dma_semaphore, #tpu.memory_space<semaphore_mem>>) src(%dma_wait3A_21 : memref<6528x16xf32, #tpu.memory_space<vmem_shared>>) dst(%dma_wait3A_19 : memref<6528x16xf32, #tpu.memory_space<hbm>>)
      tpu.yield
    }) : () -> ()
    return
  }
}

module attributes {stable_mosaic.version = 14 : i64} {
  func.func @_m1_body(%arg0: i32, %arg1: memref<2048x128xf32, #tpu.memory_space<vmem>>, %arg2: memref<2048x16xf32, #tpu.memory_space<vmem>>, %arg3: memref<2048x16xf32, #tpu.memory_space<vmem>>, %arg4: memref<128x32xf32, #tpu.memory_space<vmem>>, %arg5: memref<2048x16xf32, #tpu.memory_space<vmem>>, %arg6: memref<2048x16xf32, #tpu.memory_space<vmem>>, %arg7: memref<2048xf32, #tpu.memory_space<vmem>>) attributes {dimension_semantics = [#tpu.dimension_semantics<arbitrary>], iteration_bounds = array<i64: 50>, scalar_prefetch = 0 : i64, scratch_operands = 0 : i64, tpu.core_type = #tpu.core_type<tc>, window_params = [{transform_indices = @transform_0, window_bounds = array<i64: 2048, 128>}, {transform_indices = @transform_1, window_bounds = array<i64: 2048, 16>}, {transform_indices = @transform_2, window_bounds = array<i64: 2048, 16>}, {pipeline_mode = #tpu.pipeline_mode<synchronous>, transform_indices = @transform_3, window_bounds = array<i64: 128, 32>}, {transform_indices = @transform_4, window_bounds = array<i64: 2048, 16>}, {transform_indices = @transform_5, window_bounds = array<i64: 2048, 16>}, {transform_indices = @transform_6, window_bounds = array<i64: 2048>}]} {
    %get3A = arith.constant 0 : index
    %get3A_0 = arith.constant 0 : index
    %get3A_1 = vector.load %arg2[%get3A, %get3A_0] : memref<2048x16xf32, #tpu.memory_space<vmem>>, vector<2048x1xf32>
    %add3A = arith.constant 1.000000e+00 : f32
    %add3A_2 = vector.broadcast %add3A : f32 to vector<2048x1xf32>
    %add3A_3 = arith.addf %add3A_2, %get3A_1 : vector<2048x1xf32>
    %get3A_4 = arith.constant 0 : index
    %get3A_5 = arith.constant 0 : index
    %get3A_6 = vector.load %arg3[%get3A_4, %get3A_5] : memref<2048x16xf32, #tpu.memory_space<vmem>>, vector<2048x1xf32>
    %add3A_7 = arith.addf %add3A_3, %get3A_6 : vector<2048x1xf32>
    %rsqrt3A = math.rsqrt %add3A_7 : vector<2048x1xf32>
    %get3A_8 = arith.constant 0 : index
    %get3A_9 = arith.constant 0 : index
    %get3A_10 = vector.load %arg1[%get3A_8, %get3A_9] : memref<2048x128xf32, #tpu.memory_space<vmem>>, vector<2048x128xf32>
    %get3A_11 = arith.constant 0 : index
    %get3A_12 = arith.constant 0 : index
    %get3A_13 = vector.load %arg4[%get3A_11, %get3A_12] : memref<128x32xf32, #tpu.memory_space<vmem>>, vector<128x32xf32>
    %dot_general3A = arith.constant dense<0.000000e+00> : vector<2048x32xf32>
    %dot_general3A_14 = tpu.matmul %get3A_10, %get3A_13, %dot_general3A {dimension_numbers = #tpu.dot_dimension_numbers<[1], [0], [0], [1], [0, 0, 1, 1], [], []>, transpose_lhs_hint = false} : vector<2048x128xf32>, vector<128x32xf32>, vector<2048x32xf32> -> vector<2048x32xf32>
    %mul3A = vector.broadcast %rsqrt3A : vector<2048x1xf32> to vector<2048x32xf32>
    %mul3A_15 = arith.mulf %dot_general3A_14, %mul3A : vector<2048x32xf32>
    %slice3A = vector.extract_strided_slice %mul3A_15 {offsets = [0, 0], sizes = [2048, 16], strides = [1, 1]} : vector<2048x32xf32> to vector<2048x16xf32>
    %swap3A = arith.constant 0 : index
    %swap3A_16 = arith.constant 0 : index
    %swap3A_17 = vector.load %arg5[%swap3A, %swap3A_16] : memref<2048x16xf32, #tpu.memory_space<vmem>>, vector<2048x16xf32>
    tpu.vector_store %arg5[%swap3A, %swap3A_16], %slice3A {strides = array<i32>} : memref<2048x16xf32, #tpu.memory_space<vmem>>, vector<2048x16xf32>,
    %slice3A_18 = vector.extract_strided_slice %mul3A_15 {offsets = [0, 16], sizes = [2048, 16], strides = [1, 1]} : vector<2048x32xf32> to vector<2048x16xf32>
    %swap3A_19 = arith.constant 0 : index
    %swap3A_20 = arith.constant 0 : index
    %swap3A_21 = vector.load %arg6[%swap3A_19, %swap3A_20] : memref<2048x16xf32, #tpu.memory_space<vmem>>, vector<2048x16xf32>
    tpu.vector_store %arg6[%swap3A_19, %swap3A_20], %slice3A_18 {strides = array<i32>} : memref<2048x16xf32, #tpu.memory_space<vmem>>, vector<2048x16xf32>,
    %squeeze3A = vector.shape_cast %rsqrt3A : vector<2048x1xf32> to vector<2048xf32>
    %swap3A_22 = arith.constant 0 : index
    %swap3A_23 = vector.load %arg7[%swap3A_22] : memref<2048xf32, #tpu.memory_space<vmem>>, vector<2048xf32>
    tpu.vector_store %arg7[%swap3A_22], %squeeze3A {strides = array<i32>} : memref<2048xf32, #tpu.memory_space<vmem>>, vector<2048xf32>,
    return
  }
  func.func @transform_0(%arg0: i32) -> (i32, i32) {
    %c0_i32 = arith.constant 0 : i32
    %c0_i32_0 = arith.constant 0 : i32
    return %arg0, %c0_i32 : i32, i32
  }
  func.func @transform_1(%arg0: i32) -> (i32, i32) {
    %c0_i32 = arith.constant 0 : i32
    %c0_i32_0 = arith.constant 0 : i32
    return %arg0, %c0_i32 : i32, i32
  }
  func.func @transform_2(%arg0: i32) -> (i32, i32) {
    %add3A = arith.constant 51 : i32
    %add3A_0 = arith.addi %arg0, %add3A : i32
    %c0_i32 = arith.constant 0 : i32
    %c0_i32_1 = arith.constant 0 : i32
    return %add3A_0, %c0_i32 : i32, i32
  }
  func.func @transform_3(%arg0: i32) -> (i32, i32) {
    %c0_i32 = arith.constant 0 : i32
    %c0_i32_0 = arith.constant 0 : i32
    %c0_i32_1 = arith.constant 0 : i32
    return %c0_i32, %c0_i32_0 : i32, i32
  }
  func.func @transform_4(%arg0: i32) -> (i32, i32) {
    %c0_i32 = arith.constant 0 : i32
    %c0_i32_0 = arith.constant 0 : i32
    return %arg0, %c0_i32 : i32, i32
  }
  func.func @transform_5(%arg0: i32) -> (i32, i32) {
    %c0_i32 = arith.constant 0 : i32
    %c0_i32_0 = arith.constant 0 : i32
    return %arg0, %c0_i32 : i32, i32
  }
  func.func @transform_6(%arg0: i32) -> i32 {
    %c0_i32 = arith.constant 0 : i32
    return %arg0 : i32
  }
}

module attributes {stable_mosaic.version = 14 : i64} {
  func.func @_k2_body(%arg0: i32, %arg1: memref<2048x16xf32, #tpu.memory_space<vmem>>, %arg2: memref<2048x16xf32, #tpu.memory_space<vmem>>, %arg3: memref<2048x16xf32, #tpu.memory_space<vmem>>, %arg4: memref<2048x16xf32, #tpu.memory_space<vmem>>, %arg5: memref<2048xf32, #tpu.memory_space<vmem>>, %arg6: memref<32x32xf32, #tpu.memory_space<vmem>>, %arg7: memref<1x32xf32, #tpu.memory_space<vmem>>, %arg8: memref<2048x16xf32, #tpu.memory_space<vmem>>, %arg9: memref<2048x16xf32, #tpu.memory_space<vmem>>) attributes {dimension_semantics = [#tpu.dimension_semantics<arbitrary>], iteration_bounds = array<i64: 50>, scalar_prefetch = 0 : i64, scratch_operands = 0 : i64, tpu.core_type = #tpu.core_type<tc>, window_params = [{transform_indices = @transform_0, window_bounds = array<i64: 2048, 16>}, {transform_indices = @transform_1, window_bounds = array<i64: 2048, 16>}, {transform_indices = @transform_2, window_bounds = array<i64: 2048, 16>}, {transform_indices = @transform_3, window_bounds = array<i64: 2048, 16>}, {transform_indices = @transform_4, window_bounds = array<i64: 2048>}, {pipeline_mode = #tpu.pipeline_mode<synchronous>, transform_indices = @transform_5, window_bounds = array<i64: 32, 32>}, {pipeline_mode = #tpu.pipeline_mode<synchronous>, transform_indices = @transform_6, window_bounds = array<i64: 1, 32>}, {transform_indices = @transform_7, window_bounds = array<i64: 2048, 16>}, {transform_indices = @transform_8, window_bounds = array<i64: 2048, 16>}]} {
    %get3A = arith.constant 0 : index
    %get3A_0 = vector.load %arg5[%get3A] : memref<2048xf32, #tpu.memory_space<vmem>>, vector<2048xf32>
    %broadcast_in_dim3A = vector.shape_cast %get3A_0 : vector<2048xf32> to vector<2048x1xf32>
    %get3A_1 = arith.constant 0 : index
    %get3A_2 = arith.constant 0 : index
    %get3A_3 = vector.load %arg1[%get3A_1, %get3A_2] : memref<2048x16xf32, #tpu.memory_space<vmem>>, vector<2048x16xf32>
    %get3A_4 = arith.constant 0 : index
    %get3A_5 = arith.constant 0 : index
    %get3A_6 = vector.load %arg3[%get3A_4, %get3A_5] : memref<2048x16xf32, #tpu.memory_space<vmem>>, vector<2048x16xf32>
    %add3A = arith.addf %get3A_3, %get3A_6 : vector<2048x16xf32>
    %get3A_7 = arith.constant 0 : index
    %get3A_8 = arith.constant 0 : index
    %get3A_9 = vector.load %arg2[%get3A_7, %get3A_8] : memref<2048x16xf32, #tpu.memory_space<vmem>>, vector<2048x16xf32>
    %get3A_10 = arith.constant 0 : index
    %get3A_11 = arith.constant 0 : index
    %get3A_12 = vector.load %arg4[%get3A_10, %get3A_11] : memref<2048x16xf32, #tpu.memory_space<vmem>>, vector<2048x16xf32>
    %add3A_13 = arith.addf %get3A_9, %get3A_12 : vector<2048x16xf32>
    %concatenate3A = tpu.concatenate %add3A, %add3A_13 in 1 : vector<2048x16xf32>, vector<2048x16xf32> -> vector<2048x32xf32>
    %mul3A = vector.broadcast %broadcast_in_dim3A : vector<2048x1xf32> to vector<2048x32xf32>
    %mul3A_14 = arith.mulf %mul3A, %concatenate3A : vector<2048x32xf32>
    %get3A_15 = arith.constant 0 : index
    %get3A_16 = arith.constant 0 : index
    %get3A_17 = vector.load %arg7[%get3A_15, %get3A_16] : memref<1x32xf32, #tpu.memory_space<vmem>>, vector<1x32xf32>
    %add3A_18 = vector.broadcast %get3A_17 : vector<1x32xf32> to vector<2048x32xf32>
    %add3A_19 = arith.addf %mul3A_14, %add3A_18 : vector<2048x32xf32>
    %max3A = arith.constant 0.000000e+00 : f32
    %max3A_20 = vector.broadcast %max3A : f32 to vector<2048x32xf32>
    %max3A_21 = arith.maximumf %add3A_19, %max3A_20 : vector<2048x32xf32>
    %get3A_22 = arith.constant 0 : index
    %get3A_23 = arith.constant 0 : index
    %get3A_24 = vector.load %arg6[%get3A_22, %get3A_23] : memref<32x32xf32, #tpu.memory_space<vmem>>, vector<32x32xf32>
    %dot_general3A = arith.constant dense<0.000000e+00> : vector<2048x32xf32>
    %dot_general3A_25 = tpu.matmul %max3A_21, %get3A_24, %dot_general3A {dimension_numbers = #tpu.dot_dimension_numbers<[1], [0], [0], [1], [0, 0, 1, 1], [], []>, transpose_lhs_hint = false} : vector<2048x32xf32>, vector<32x32xf32>, vector<2048x32xf32> -> vector<2048x32xf32>
    %mul3A_26 = vector.broadcast %broadcast_in_dim3A : vector<2048x1xf32> to vector<2048x32xf32>
    %mul3A_27 = arith.mulf %dot_general3A_25, %mul3A_26 : vector<2048x32xf32>
    %slice3A = vector.extract_strided_slice %mul3A_27 {offsets = [0, 0], sizes = [2048, 16], strides = [1, 1]} : vector<2048x32xf32> to vector<2048x16xf32>
    %swap3A = arith.constant 0 : index
    %swap3A_28 = arith.constant 0 : index
    %swap3A_29 = vector.load %arg8[%swap3A, %swap3A_28] : memref<2048x16xf32, #tpu.memory_space<vmem>>, vector<2048x16xf32>
    tpu.vector_store %arg8[%swap3A, %swap3A_28], %slice3A {strides = array<i32>} : memref<2048x16xf32, #tpu.memory_space<vmem>>, vector<2048x16xf32>,
    %slice3A_30 = vector.extract_strided_slice %mul3A_27 {offsets = [0, 16], sizes = [2048, 16], strides = [1, 1]} : vector<2048x32xf32> to vector<2048x16xf32>
    %swap3A_31 = arith.constant 0 : index
    %swap3A_32 = arith.constant 0 : index
    %swap3A_33 = vector.load %arg9[%swap3A_31, %swap3A_32] : memref<2048x16xf32, #tpu.memory_space<vmem>>, vector<2048x16xf32>
    tpu.vector_store %arg9[%swap3A_31, %swap3A_32], %slice3A_30 {strides = array<i32>} : memref<2048x16xf32, #tpu.memory_space<vmem>>, vector<2048x16xf32>,
    return
  }
  func.func @transform_0(%arg0: i32) -> (i32, i32) {
    %c0_i32 = arith.constant 0 : i32
    %c0_i32_0 = arith.constant 0 : i32
    return %arg0, %c0_i32 : i32, i32
  }
  func.func @transform_1(%arg0: i32) -> (i32, i32) {
    %add3A = arith.constant 51 : i32
    %add3A_0 = arith.addi %arg0, %add3A : i32
    %c0_i32 = arith.constant 0 : i32
    %c0_i32_1 = arith.constant 0 : i32
    return %add3A_0, %c0_i32 : i32, i32
  }
  func.func @transform_2(%arg0: i32) -> (i32, i32) {
    %c0_i32 = arith.constant 0 : i32
    %c0_i32_0 = arith.constant 0 : i32
    return %arg0, %c0_i32 : i32, i32
  }
  func.func @transform_3(%arg0: i32) -> (i32, i32) {
    %c0_i32 = arith.constant 0 : i32
    %c0_i32_0 = arith.constant 0 : i32
    return %arg0, %c0_i32 : i32, i32
  }
  func.func @transform_4(%arg0: i32) -> i32 {
    %c0_i32 = arith.constant 0 : i32
    return %arg0 : i32
  }
  func.func @transform_5(%arg0: i32) -> (i32, i32) {
    %c0_i32 = arith.constant 0 : i32
    %c0_i32_0 = arith.constant 0 : i32
    %c0_i32_1 = arith.constant 0 : i32
    return %c0_i32, %c0_i32_0 : i32, i32
  }
  func.func @transform_6(%arg0: i32) -> (i32, i32) {
    %c0_i32 = arith.constant 0 : i32
    %c0_i32_0 = arith.constant 0 : i32
    %c0_i32_1 = arith.constant 0 : i32
    return %c0_i32, %c0_i32_0 : i32, i32
  }
  func.func @transform_7(%arg0: i32) -> (i32, i32) {
    %c0_i32 = arith.constant 0 : i32
    %c0_i32_0 = arith.constant 0 : i32
    return %arg0, %c0_i32 : i32, i32
  }
  func.func @transform_8(%arg0: i32) -> (i32, i32) {
    %c0_i32 = arith.constant 0 : i32
    %c0_i32_0 = arith.constant 0 : i32
    return %arg0, %c0_i32 : i32, i32
  }
}

module attributes {stable_mosaic.version = 14 : i64} {
  func.func @_k3_body(%arg0: i32, %arg1: memref<2048x16xf32, #tpu.memory_space<vmem>>, %arg2: memref<2048x16xf32, #tpu.memory_space<vmem>>, %arg3: memref<2048x16xf32, #tpu.memory_space<vmem>>, %arg4: memref<2048x16xf32, #tpu.memory_space<vmem>>, %arg5: memref<2048xf32, #tpu.memory_space<vmem>>, %arg6: memref<1x32xf32, #tpu.memory_space<vmem>>, %arg7: memref<32x16xf32, #tpu.memory_space<vmem>>, %arg8: memref<1x16xf32, #tpu.memory_space<vmem>>, %arg9: memref<1x16xf32, #tpu.memory_space<vmem>>, %arg10: memref<1x8xf32, #tpu.memory_space<vmem>>, %arg11: memref<2048xi32, #tpu.memory_space<vmem>>, %arg12: memref<2048x32xf32, #tpu.memory_space<vmem>>, %arg13: memref<2048xf32, #tpu.memory_space<vmem>>, %arg14: memref<256x32xf32, #tpu.memory_space<vmem>>, %arg15: memref<256x8xf32, #tpu.memory_space<vmem>>, %arg16: memref<256x8xf32, #tpu.memory_space<vmem>>) attributes {dimension_semantics = [#tpu.dimension_semantics<arbitrary>], iteration_bounds = array<i64: 50>, scalar_prefetch = 0 : i64, scratch_operands = 0 : i64, tpu.core_type = #tpu.core_type<tc>, window_params = [{transform_indices = @transform_0, window_bounds = array<i64: 2048, 16>}, {transform_indices = @transform_1, window_bounds = array<i64: 2048, 16>}, {transform_indices = @transform_2, window_bounds = array<i64: 2048, 16>}, {transform_indices = @transform_3, window_bounds = array<i64: 2048, 16>}, {transform_indices = @transform_4, window_bounds = array<i64: 2048>}, {pipeline_mode = #tpu.pipeline_mode<synchronous>, transform_indices = @transform_5, window_bounds = array<i64: 1, 32>}, {pipeline_mode = #tpu.pipeline_mode<synchronous>, transform_indices = @transform_6, window_bounds = array<i64: 32, 16>}, {pipeline_mode = #tpu.pipeline_mode<synchronous>, transform_indices = @transform_7, window_bounds = array<i64: 1, 16>}, {pipeline_mode = #tpu.pipeline_mode<synchronous>, transform_indices = @transform_8, window_bounds = array<i64: 1, 16>}, {pipeline_mode = #tpu.pipeline_mode<synchronous>, transform_indices = @transform_9, window_bounds = array<i64: 1, 8>}, {transform_indices = @transform_10, window_bounds = array<i64: 2048>}, {transform_indices = @transform_11, window_bounds = array<i64: 2048, 32>}, {transform_indices = @transform_12, window_bounds = array<i64: 2048>}, {pipeline_mode = #tpu.pipeline_mode<synchronous>, transform_indices = @transform_13, window_bounds = array<i64: 256, 32>}, {pipeline_mode = #tpu.pipeline_mode<synchronous>, transform_indices = @transform_14, window_bounds = array<i64: 256, 8>}, {pipeline_mode = #tpu.pipeline_mode<synchronous>, transform_indices = @transform_15, window_bounds = array<i64: 256, 8>}]} {
    %get3A = arith.constant 0 : index
    %get3A_0 = vector.load %arg5[%get3A] : memref<2048xf32, #tpu.memory_space<vmem>>, vector<2048xf32>
    %broadcast_in_dim3A = vector.shape_cast %get3A_0 : vector<2048xf32> to vector<2048x1xf32>
    %get3A_1 = arith.constant 0 : index
    %get3A_2 = arith.constant 0 : index
    %get3A_3 = vector.load %arg1[%get3A_1, %get3A_2] : memref<2048x16xf32, #tpu.memory_space<vmem>>, vector<2048x16xf32>
    %get3A_4 = arith.constant 0 : index
    %get3A_5 = arith.constant 0 : index
    %get3A_6 = vector.load %arg3[%get3A_4, %get3A_5] : memref<2048x16xf32, #tpu.memory_space<vmem>>, vector<2048x16xf32>
    %add3A = arith.addf %get3A_3, %get3A_6 : vector<2048x16xf32>
    %get3A_7 = arith.constant 0 : index
    %get3A_8 = arith.constant 0 : index
    %get3A_9 = vector.load %arg2[%get3A_7, %get3A_8] : memref<2048x16xf32, #tpu.memory_space<vmem>>, vector<2048x16xf32>
    %get3A_10 = arith.constant 0 : index
    %get3A_11 = arith.constant 0 : index
    %get3A_12 = vector.load %arg4[%get3A_10, %get3A_11] : memref<2048x16xf32, #tpu.memory_space<vmem>>, vector<2048x16xf32>
    %add3A_13 = arith.addf %get3A_9, %get3A_12 : vector<2048x16xf32>
    %concatenate3A = tpu.concatenate %add3A, %add3A_13 in 1 : vector<2048x16xf32>, vector<2048x16xf32> -> vector<2048x32xf32>
    %mul3A = vector.broadcast %broadcast_in_dim3A : vector<2048x1xf32> to vector<2048x32xf32>
    %mul3A_14 = arith.mulf %mul3A, %concatenate3A : vector<2048x32xf32>
    %get3A_15 = arith.constant 0 : index
    %get3A_16 = arith.constant 0 : index
    %get3A_17 = vector.load %arg6[%get3A_15, %get3A_16] : memref<1x32xf32, #tpu.memory_space<vmem>>, vector<1x32xf32>
    %add3A_18 = vector.broadcast %get3A_17 : vector<1x32xf32> to vector<2048x32xf32>
    %add3A_19 = arith.addf %mul3A_14, %add3A_18 : vector<2048x32xf32>
    %max3A = arith.constant 0.000000e+00 : f32
    %max3A_20 = vector.broadcast %max3A : f32 to vector<2048x32xf32>
    %max3A_21 = arith.maximumf %add3A_19, %max3A_20 : vector<2048x32xf32>
    %swap3A = arith.constant 0 : index
    %swap3A_22 = arith.constant 0 : index
    %swap3A_23 = vector.load %arg12[%swap3A, %swap3A_22] : memref<2048x32xf32, #tpu.memory_space<vmem>>, vector<2048x32xf32>
    tpu.vector_store %arg12[%swap3A, %swap3A_22], %max3A_21 {strides = array<i32>} : memref<2048x32xf32, #tpu.memory_space<vmem>>, vector<2048x32xf32>,
    %get3A_24 = arith.constant 0 : index
    %get3A_25 = arith.constant 0 : index
    %get3A_26 = vector.load %arg7[%get3A_24, %get3A_25] : memref<32x16xf32, #tpu.memory_space<vmem>>, vector<32x16xf32>
    %dot_general3A = arith.constant dense<0.000000e+00> : vector<2048x16xf32>
    %dot_general3A_27 = tpu.matmul %max3A_21, %get3A_26, %dot_general3A {dimension_numbers = #tpu.dot_dimension_numbers<[1], [0], [0], [1], [0, 0, 1, 1], [], []>, transpose_lhs_hint = false} : vector<2048x32xf32>, vector<32x16xf32>, vector<2048x16xf32> -> vector<2048x16xf32>
    %get3A_28 = arith.constant 0 : index
    %get3A_29 = arith.constant 0 : index
    %get3A_30 = vector.load %arg8[%get3A_28, %get3A_29] : memref<1x16xf32, #tpu.memory_space<vmem>>, vector<1x16xf32>
    %add3A_31 = vector.broadcast %get3A_30 : vector<1x16xf32> to vector<2048x16xf32>
    %add3A_32 = arith.addf %dot_general3A_27, %add3A_31 : vector<2048x16xf32>
    %max3A_33 = arith.constant 0.000000e+00 : f32
    %max3A_34 = vector.broadcast %max3A_33 : f32 to vector<2048x16xf32>
    %max3A_35 = arith.maximumf %add3A_32, %max3A_34 : vector<2048x16xf32>
    %get3A_36 = arith.constant 0 : index
    %get3A_37 = arith.constant 0 : index
    %get3A_38 = vector.load %arg9[%get3A_36, %get3A_37] : memref<1x16xf32, #tpu.memory_space<vmem>>, vector<1x16xf32>
    %mul3A_39 = vector.broadcast %get3A_38 : vector<1x16xf32> to vector<2048x16xf32>
    %mul3A_40 = arith.mulf %max3A_35, %mul3A_39 : vector<2048x16xf32>
    %reduce_sum3A = arith.constant dense<0.000000e+00> : vector<2048xf32>
    %reduce_sum3A_41 = vector.multi_reduction <add>, %mul3A_40, %reduce_sum3A [1] : vector<2048x16xf32> to vector<2048xf32>
    %broadcast_in_dim3A_42 = vector.shape_cast %reduce_sum3A_41 : vector<2048xf32> to vector<2048x1xf32>
    %get3A_43 = arith.constant 0 : index
    %get3A_44 = arith.constant 0 : index
    %get3A_45 = vector.load %arg10[%get3A_43, %get3A_44] : memref<1x8xf32, #tpu.memory_space<vmem>>, vector<1x1xf32>
    %get3A_46 = vector.shape_cast %get3A_45 : vector<1x1xf32> to vector<1xf32>
    %broadcast_in_dim3A_47 = vector.shape_cast %get3A_46 : vector<1xf32> to vector<1x1xf32>
    %add3A_48 = vector.broadcast %broadcast_in_dim3A_47 : vector<1x1xf32> to vector<2048x1xf32>
    %add3A_49 = arith.addf %broadcast_in_dim3A_42, %add3A_48 : vector<2048x1xf32>
    %squeeze3A = vector.shape_cast %add3A_49 : vector<2048x1xf32> to vector<2048xf32>
    %swap3A_50 = arith.constant 0 : index
    %swap3A_51 = vector.load %arg13[%swap3A_50] : memref<2048xf32, #tpu.memory_space<vmem>>, vector<2048xf32>
    tpu.vector_store %arg13[%swap3A_50], %squeeze3A {strides = array<i32>} : memref<2048xf32, #tpu.memory_space<vmem>>, vector<2048xf32>,
    %get3A_52 = arith.constant 0 : index
    %get3A_53 = vector.load %arg11[%get3A_52] : memref<2048xi32, #tpu.memory_space<vmem>>, vector<2048xi32>
    %broadcast_in_dim3A_54 = vector.shape_cast %get3A_53 : vector<2048xi32> to vector<2048x1xi32>
    %iota3A = tpu.iota {dimensions = array<i32: 1>} : vector<2048x256xi32>
    %eq3A = vector.broadcast %broadcast_in_dim3A_54 : vector<2048x1xi32> to vector<2048x256xi32>
    %eq3A_55 = arith.cmpi eq, %eq3A, %iota3A : vector<2048x256xi32>
    %convert_element_type3A = arith.extui %eq3A_55 : vector<2048x256xi1> to vector<2048x256xi32>
    %convert_element_type3A_56 = arith.sitofp %convert_element_type3A : vector<2048x256xi32> to vector<2048x256xf32>
    %convert_element_type3A_57 = arith.truncf %convert_element_type3A_56 : vector<2048x256xf32> to vector<2048x256xbf16>
    %convert_element_type3A_58 = arith.truncf %max3A_21 : vector<2048x32xf32> to vector<2048x32xbf16>
    %dot_general3A_59 = arith.constant dense<0.000000e+00> : vector<256x32xf32>
    %dot_general3A_60 = tpu.matmul %convert_element_type3A_57, %convert_element_type3A_58, %dot_general3A_59 {dimension_numbers = #tpu.dot_dimension_numbers<[0], [0], [1], [1], [0, 1, 1, 1], [], []>, transpose_lhs_hint = false} : vector<2048x256xbf16>, vector<2048x32xbf16>, vector<256x32xf32> -> vector<256x32xf32>
    %reduce_sum3A_61 = arith.constant dense<0.000000e+00> : vector<256xf32>
    %reduce_sum3A_62 = vector.multi_reduction <add>, %convert_element_type3A_56, %reduce_sum3A_61 [0] : vector<2048x256xf32> to vector<256xf32>
    %broadcast_in_dim3A_63 = vector.shape_cast %reduce_sum3A_62 : vector<256xf32> to vector<256x1xf32>
    %gt3A = arith.constant 0.000000e+00 : f32
    %gt3A_64 = vector.broadcast %gt3A : f32 to vector<2048x256xf32>
    %gt3A_65 = arith.cmpf ogt, %convert_element_type3A_56, %gt3A_64 : vector<2048x256xf32>
    %jit3A = arith.constant -1.000000e+30 : f32
    %broadcast_in_dim3A_66 = vector.shape_cast %add3A_49 : vector<2048x1xf32> to vector<2048x1xf32>
    %broadcast_in_dim3A_67 = vector.broadcast %broadcast_in_dim3A_66 : vector<2048x1xf32> to vector<2048x256xf32>
    %broadcast_in_dim3A_68 = vector.broadcast %jit3A : f32 to vector<2048x256xf32>
    %select_n3A = arith.select %gt3A_65, %broadcast_in_dim3A_67, %broadcast_in_dim3A_68 : vector<2048x256xi1>, vector<2048x256xf32>
    %reduce_max3A = arith.constant dense<0xFF800000> : vector<256xf32>
    %reduce_max3A_69 = vector.multi_reduction <maximumf>, %select_n3A, %reduce_max3A [0] : vector<2048x256xf32> to vector<256xf32>
    %broadcast_in_dim3A_70 = vector.shape_cast %reduce_max3A_69 : vector<256xf32> to vector<256x1xf32>
    %eq3A_71 = arith.constant 0 : i32
    %eq3A_72 = arith.cmpi eq, %arg0, %eq3A_71 : i32
    %convert_element_type3A_73 = arith.extui %eq3A_72 : i1 to i32
    %cond3A = arith.constant 0 : i32
    %cond3A_74 = arith.cmpi ne, %convert_element_type3A_73, %cond3A : i32
    scf.if %cond3A_74 {
      %broadcast_in_dim3A_100 = arith.constant 0.000000e+00 : f32
      %broadcast_in_dim3A_101 = vector.broadcast %broadcast_in_dim3A_100 : f32 to vector<256x32xf32>
      %swap3A_102 = arith.constant 0 : index
      %swap3A_103 = arith.constant 0 : index
      %swap3A_104 = vector.load %arg14[%swap3A_102, %swap3A_103] : memref<256x32xf32, #tpu.memory_space<vmem>>, vector<256x32xf32>
      tpu.vector_store %arg14[%swap3A_102, %swap3A_103], %broadcast_in_dim3A_101 {strides = array<i32>} : memref<256x32xf32, #tpu.memory_space<vmem>>, vector<256x32xf32>,
      %broadcast_in_dim3A_105 = arith.constant 0.000000e+00 : f32
      %broadcast_in_dim3A_106 = vector.broadcast %broadcast_in_dim3A_105 : f32 to vector<256x8xf32>
      %swap3A_107 = arith.constant 0 : index
      %swap3A_108 = arith.constant 0 : index
      %swap3A_109 = vector.load %arg15[%swap3A_107, %swap3A_108] : memref<256x8xf32, #tpu.memory_space<vmem>>, vector<256x8xf32>
      tpu.vector_store %arg15[%swap3A_107, %swap3A_108], %broadcast_in_dim3A_106 {strides = array<i32>} : memref<256x8xf32, #tpu.memory_space<vmem>>, vector<256x8xf32>,
      %broadcast_in_dim3A_110 = arith.constant -1.000000e+30 : f32
      %broadcast_in_dim3A_111 = vector.broadcast %broadcast_in_dim3A_110 : f32 to vector<256x8xf32>
      %swap3A_112 = arith.constant 0 : index
      %swap3A_113 = arith.constant 0 : index
      %swap3A_114 = vector.load %arg16[%swap3A_112, %swap3A_113] : memref<256x8xf32, #tpu.memory_space<vmem>>, vector<256x8xf32>
      tpu.vector_store %arg16[%swap3A_112, %swap3A_113], %broadcast_in_dim3A_111 {strides = array<i32>} : memref<256x8xf32, #tpu.memory_space<vmem>>, vector<256x8xf32>,
    } else {
    }
    %get3A_75 = arith.constant 0 : index
    %get3A_76 = arith.constant 0 : index
    %get3A_77 = vector.load %arg14[%get3A_75, %get3A_76] : memref<256x32xf32, #tpu.memory_space<vmem>>, vector<256x32xf32>
    %add3A_78 = arith.addf %get3A_77, %dot_general3A_60 : vector<256x32xf32>
    %swap3A_79 = arith.constant 0 : index
    %swap3A_80 = arith.constant 0 : index
    %swap3A_81 = vector.load %arg14[%swap3A_79, %swap3A_80] : memref<256x32xf32, #tpu.memory_space<vmem>>, vector<256x32xf32>
    tpu.vector_store %arg14[%swap3A_79, %swap3A_80], %add3A_78 {strides = array<i32>} : memref<256x32xf32, #tpu.memory_space<vmem>>, vector<256x32xf32>,
    %get3A_82 = arith.constant 0 : index
    %get3A_83 = arith.constant 0 : index
    %get3A_84 = vector.load %arg15[%get3A_82, %get3A_83] : memref<256x8xf32, #tpu.memory_space<vmem>>, vector<256x8xf32>
    %broadcast_in_dim3A_85 = vector.shape_cast %broadcast_in_dim3A_63 : vector<256x1xf32> to vector<256x1xf32>
    %broadcast_in_dim3A_86 = vector.broadcast %broadcast_in_dim3A_85 : vector<256x1xf32> to vector<256x8xf32>
    %add3A_87 = arith.addf %get3A_84, %broadcast_in_dim3A_86 : vector<256x8xf32>
    %swap3A_88 = arith.constant 0 : index
    %swap3A_89 = arith.constant 0 : index
    %swap3A_90 = vector.load %arg15[%swap3A_88, %swap3A_89] : memref<256x8xf32, #tpu.memory_space<vmem>>, vector<256x8xf32>
    tpu.vector_store %arg15[%swap3A_88, %swap3A_89], %add3A_87 {strides = array<i32>} : memref<256x8xf32, #tpu.memory_space<vmem>>, vector<256x8xf32>,
    %get3A_91 = arith.constant 0 : index
    %get3A_92 = arith.constant 0 : index
    %get3A_93 = vector.load %arg16[%get3A_91, %get3A_92] : memref<256x8xf32, #tpu.memory_space<vmem>>, vector<256x8xf32>
    %broadcast_in_dim3A_94 = vector.shape_cast %broadcast_in_dim3A_70 : vector<256x1xf32> to vector<256x1xf32>
    %broadcast_in_dim3A_95 = vector.broadcast %broadcast_in_dim3A_94 : vector<256x1xf32> to vector<256x8xf32>
    %max3A_96 = arith.maximumf %get3A_93, %broadcast_in_dim3A_95 : vector<256x8xf32>
    %swap3A_97 = arith.constant 0 : index
    %swap3A_98 = arith.constant 0 : index
    %swap3A_99 = vector.load %arg16[%swap3A_97, %swap3A_98] : memref<256x8xf32, #tpu.memory_space<vmem>>, vector<256x8xf32>
    tpu.vector_store %arg16[%swap3A_97, %swap3A_98], %max3A_96 {strides = array<i32>} : memref<256x8xf32, #tpu.memory_space<vmem>>, vector<256x8xf32>,
    return
  }
  func.func @transform_0(%arg0: i32) -> (i32, i32) {
    %c0_i32 = arith.constant 0 : i32
    %c0_i32_0 = arith.constant 0 : i32
    return %arg0, %c0_i32 : i32, i32
  }
  func.func @transform_1(%arg0: i32) -> (i32, i32) {
    %add3A = arith.constant 51 : i32
    %add3A_0 = arith.addi %arg0, %add3A : i32
    %c0_i32 = arith.constant 0 : i32
    %c0_i32_1 = arith.constant 0 : i32
    return %add3A_0, %c0_i32 : i32, i32
  }
  func.func @transform_2(%arg0: i32) -> (i32, i32) {
    %c0_i32 = arith.constant 0 : i32
    %c0_i32_0 = arith.constant 0 : i32
    return %arg0, %c0_i32 : i32, i32
  }
  func.func @transform_3(%arg0: i32) -> (i32, i32) {
    %c0_i32 = arith.constant 0 : i32
    %c0_i32_0 = arith.constant 0 : i32
    return %arg0, %c0_i32 : i32, i32
  }
  func.func @transform_4(%arg0: i32) -> i32 {
    %c0_i32 = arith.constant 0 : i32
    return %arg0 : i32
  }
  func.func @transform_5(%arg0: i32) -> (i32, i32) {
    %c0_i32 = arith.constant 0 : i32
    %c0_i32_0 = arith.constant 0 : i32
    %c0_i32_1 = arith.constant 0 : i32
    return %c0_i32, %c0_i32_0 : i32, i32
  }
  func.func @transform_6(%arg0: i32) -> (i32, i32) {
    %c0_i32 = arith.constant 0 : i32
    %c0_i32_0 = arith.constant 0 : i32
    %c0_i32_1 = arith.constant 0 : i32
    return %c0_i32, %c0_i32_0 : i32, i32
  }
  func.func @transform_7(%arg0: i32) -> (i32, i32) {
    %c0_i32 = arith.constant 0 : i32
    %c0_i32_0 = arith.constant 0 : i32
    %c0_i32_1 = arith.constant 0 : i32
    return %c0_i32, %c0_i32_0 : i32, i32
  }
  func.func @transform_8(%arg0: i32) -> (i32, i32) {
    %c0_i32 = arith.constant 0 : i32
    %c0_i32_0 = arith.constant 0 : i32
    %c0_i32_1 = arith.constant 0 : i32
    return %c0_i32, %c0_i32_0 : i32, i32
  }
  func.func @transform_9(%arg0: i32) -> (i32, i32) {
    %c0_i32 = arith.constant 0 : i32
    %c0_i32_0 = arith.constant 0 : i32
    %c0_i32_1 = arith.constant 0 : i32
    return %c0_i32, %c0_i32_0 : i32, i32
  }
  func.func @transform_10(%arg0: i32) -> i32 {
    %c0_i32 = arith.constant 0 : i32
    return %arg0 : i32
  }
  func.func @transform_11(%arg0: i32) -> (i32, i32) {
    %c0_i32 = arith.constant 0 : i32
    %c0_i32_0 = arith.constant 0 : i32
    return %arg0, %c0_i32 : i32, i32
  }
  func.func @transform_12(%arg0: i32) -> i32 {
    %c0_i32 = arith.constant 0 : i32
    return %arg0 : i32
  }
  func.func @transform_13(%arg0: i32) -> (i32, i32) {
    %c0_i32 = arith.constant 0 : i32
    %c0_i32_0 = arith.constant 0 : i32
    %c0_i32_1 = arith.constant 0 : i32
    return %c0_i32, %c0_i32_0 : i32, i32
  }
  func.func @transform_14(%arg0: i32) -> (i32, i32) {
    %c0_i32 = arith.constant 0 : i32
    %c0_i32_0 = arith.constant 0 : i32
    %c0_i32_1 = arith.constant 0 : i32
    return %c0_i32, %c0_i32_0 : i32, i32
  }
  func.func @transform_15(%arg0: i32) -> (i32, i32) {
    %c0_i32 = arith.constant 0 : i32
    %c0_i32_0 = arith.constant 0 : i32
    %c0_i32_1 = arith.constant 0 : i32
    return %c0_i32, %c0_i32_0 : i32, i32
  }
}

module attributes {stable_mosaic.version = 14 : i64} {
  func.func @_k5_body(%arg0: i32, %arg1: memref<2048xf32, #tpu.memory_space<vmem>>, %arg2: memref<2048x32xf32, #tpu.memory_space<vmem>>, %arg3: memref<2048xi32, #tpu.memory_space<vmem>>, %arg4: memref<256x8xf32, #tpu.memory_space<vmem>>, %arg5: memref<2048xf32, #tpu.memory_space<vmem>>, %arg6: memref<256x8xf32, #tpu.memory_space<vmem>>, %arg7: memref<256x32xf32, #tpu.memory_space<vmem>>) attributes {dimension_semantics = [#tpu.dimension_semantics<arbitrary>], iteration_bounds = array<i64: 50>, scalar_prefetch = 0 : i64, scratch_operands = 0 : i64, tpu.core_type = #tpu.core_type<tc>, window_params = [{transform_indices = @transform_0, window_bounds = array<i64: 2048>}, {transform_indices = @transform_1, window_bounds = array<i64: 2048, 32>}, {transform_indices = @transform_2, window_bounds = array<i64: 2048>}, {pipeline_mode = #tpu.pipeline_mode<synchronous>, transform_indices = @transform_3, window_bounds = array<i64: 256, 8>}, {transform_indices = @transform_4, window_bounds = array<i64: 2048>}, {pipeline_mode = #tpu.pipeline_mode<synchronous>, transform_indices = @transform_5, window_bounds = array<i64: 256, 8>}, {pipeline_mode = #tpu.pipeline_mode<synchronous>, transform_indices = @transform_6, window_bounds = array<i64: 256, 32>}]} {
    %get3A = arith.constant 0 : index
    %get3A_0 = vector.load %arg3[%get3A] : memref<2048xi32, #tpu.memory_space<vmem>>, vector<2048xi32>
    %broadcast_in_dim3A = vector.shape_cast %get3A_0 : vector<2048xi32> to vector<2048x1xi32>
    %iota3A = tpu.iota {dimensions = array<i32: 1>} : vector<2048x256xi32>
    %eq3A = vector.broadcast %broadcast_in_dim3A : vector<2048x1xi32> to vector<2048x256xi32>
    %eq3A_1 = arith.cmpi eq, %eq3A, %iota3A : vector<2048x256xi32>
    %convert_element_type3A = arith.extui %eq3A_1 : vector<2048x256xi1> to vector<2048x256xi32>
    %convert_element_type3A_2 = arith.sitofp %convert_element_type3A : vector<2048x256xi32> to vector<2048x256xf32>
    %get3A_3 = arith.constant 0 : index
    %get3A_4 = arith.constant 0 : index
    %get3A_5 = vector.load %arg4[%get3A_3, %get3A_4] : memref<256x8xf32, #tpu.memory_space<vmem>>, vector<256x1xf32>
    %dot_general3A = arith.constant dense<0.000000e+00> : vector<2048x1xf32>
    %dot_general3A_6 = tpu.matmul %convert_element_type3A_2, %get3A_5, %dot_general3A {dimension_numbers = #tpu.dot_dimension_numbers<[1], [0], [0], [1], [0, 0, 1, 1], [], []>, transpose_lhs_hint = false} : vector<2048x256xf32>, vector<256x1xf32>, vector<2048x1xf32> -> vector<2048x1xf32>
    %get3A_7 = arith.constant 0 : index
    %get3A_8 = vector.load %arg1[%get3A_7] : memref<2048xf32, #tpu.memory_space<vmem>>, vector<2048xf32>
    %broadcast_in_dim3A_9 = vector.shape_cast %get3A_8 : vector<2048xf32> to vector<2048x1xf32>
    %sub3A = arith.subf %broadcast_in_dim3A_9, %dot_general3A_6 : vector<2048x1xf32>
    %exp3A = math.exp %sub3A : vector<2048x1xf32>
    %squeeze3A = vector.shape_cast %exp3A : vector<2048x1xf32> to vector<2048xf32>
    %swap3A = arith.constant 0 : index
    %swap3A_10 = vector.load %arg5[%swap3A] : memref<2048xf32, #tpu.memory_space<vmem>>, vector<2048xf32>
    tpu.vector_store %arg5[%swap3A], %squeeze3A {strides = array<i32>} : memref<2048xf32, #tpu.memory_space<vmem>>, vector<2048xf32>,
    %convert_element_type3A_11 = arith.truncf %convert_element_type3A_2 : vector<2048x256xf32> to vector<2048x256xbf16>
    %convert_element_type3A_12 = arith.truncf %exp3A : vector<2048x1xf32> to vector<2048x1xbf16>
    %dot_general3A_13 = arith.constant dense<0.000000e+00> : vector<256x1xf32>
    %dot_general3A_14 = tpu.matmul %convert_element_type3A_11, %convert_element_type3A_12, %dot_general3A_13 {dimension_numbers = #tpu.dot_dimension_numbers<[0], [0], [1], [1], [0, 1, 1, 1], [], []>, transpose_lhs_hint = false} : vector<2048x256xbf16>, vector<2048x1xbf16>, vector<256x1xf32> -> vector<256x1xf32>
    %get3A_15 = arith.constant 0 : index
    %get3A_16 = arith.constant 0 : index
    %get3A_17 = vector.load %arg2[%get3A_15, %get3A_16] : memref<2048x32xf32, #tpu.memory_space<vmem>>, vector<2048x32xf32>
    %mul3A = vector.broadcast %exp3A : vector<2048x1xf32> to vector<2048x32xf32>
    %mul3A_18 = arith.mulf %mul3A, %get3A_17 : vector<2048x32xf32>
    %convert_element_type3A_19 = arith.truncf %mul3A_18 : vector<2048x32xf32> to vector<2048x32xbf16>
    %dot_general3A_20 = arith.constant dense<0.000000e+00> : vector<256x32xf32>
    %dot_general3A_21 = tpu.matmul %convert_element_type3A_11, %convert_element_type3A_19, %dot_general3A_20 {dimension_numbers = #tpu.dot_dimension_numbers<[0], [0], [1], [1], [0, 1, 1, 1], [], []>, transpose_lhs_hint = false} : vector<2048x256xbf16>, vector<2048x32xbf16>, vector<256x32xf32> -> vector<256x32xf32>
    %eq3A_22 = arith.constant 0 : i32
    %eq3A_23 = arith.cmpi eq, %arg0, %eq3A_22 : i32
    %convert_element_type3A_24 = arith.extui %eq3A_23 : i1 to i32
    %cond3A = arith.constant 0 : i32
    %cond3A_25 = arith.cmpi ne, %convert_element_type3A_24, %cond3A : i32
    scf.if %cond3A_25 {
      %broadcast_in_dim3A_41 = arith.constant 0.000000e+00 : f32
      %broadcast_in_dim3A_42 = vector.broadcast %broadcast_in_dim3A_41 : f32 to vector<256x8xf32>
      %swap3A_43 = arith.constant 0 : index
      %swap3A_44 = arith.constant 0 : index
      %swap3A_45 = vector.load %arg6[%swap3A_43, %swap3A_44] : memref<256x8xf32, #tpu.memory_space<vmem>>, vector<256x8xf32>
      tpu.vector_store %arg6[%swap3A_43, %swap3A_44], %broadcast_in_dim3A_42 {strides = array<i32>} : memref<256x8xf32, #tpu.memory_space<vmem>>, vector<256x8xf32>,
      %broadcast_in_dim3A_46 = arith.constant 0.000000e+00 : f32
      %broadcast_in_dim3A_47 = vector.broadcast %broadcast_in_dim3A_46 : f32 to vector<256x32xf32>
      %swap3A_48 = arith.constant 0 : index
      %swap3A_49 = arith.constant 0 : index
      %swap3A_50 = vector.load %arg7[%swap3A_48, %swap3A_49] : memref<256x32xf32, #tpu.memory_space<vmem>>, vector<256x32xf32>
      tpu.vector_store %arg7[%swap3A_48, %swap3A_49], %broadcast_in_dim3A_47 {strides = array<i32>} : memref<256x32xf32, #tpu.memory_space<vmem>>, vector<256x32xf32>,
    } else {
    }
    %get3A_26 = arith.constant 0 : index
    %get3A_27 = arith.constant 0 : index
    %get3A_28 = vector.load %arg6[%get3A_26, %get3A_27] : memref<256x8xf32, #tpu.memory_space<vmem>>, vector<256x8xf32>
    %broadcast_in_dim3A_29 = vector.shape_cast %dot_general3A_14 : vector<256x1xf32> to vector<256x1xf32>
    %broadcast_in_dim3A_30 = vector.broadcast %broadcast_in_dim3A_29 : vector<256x1xf32> to vector<256x8xf32>
    %add3A = arith.addf %get3A_28, %broadcast_in_dim3A_30 : vector<256x8xf32>
    %swap3A_31 = arith.constant 0 : index
    %swap3A_32 = arith.constant 0 : index
    %swap3A_33 = vector.load %arg6[%swap3A_31, %swap3A_32] : memref<256x8xf32, #tpu.memory_space<vmem>>, vector<256x8xf32>
    tpu.vector_store %arg6[%swap3A_31, %swap3A_32], %add3A {strides = array<i32>} : memref<256x8xf32, #tpu.memory_space<vmem>>, vector<256x8xf32>,
    %get3A_34 = arith.constant 0 : index
    %get3A_35 = arith.constant 0 : index
    %get3A_36 = vector.load %arg7[%get3A_34, %get3A_35] : memref<256x32xf32, #tpu.memory_space<vmem>>, vector<256x32xf32>
    %add3A_37 = arith.addf %get3A_36, %dot_general3A_21 : vector<256x32xf32>
    %swap3A_38 = arith.constant 0 : index
    %swap3A_39 = arith.constant 0 : index
    %swap3A_40 = vector.load %arg7[%swap3A_38, %swap3A_39] : memref<256x32xf32, #tpu.memory_space<vmem>>, vector<256x32xf32>
    tpu.vector_store %arg7[%swap3A_38, %swap3A_39], %add3A_37 {strides = array<i32>} : memref<256x32xf32, #tpu.memory_space<vmem>>, vector<256x32xf32>,
    return
  }
  func.func @transform_0(%arg0: i32) -> i32 {
    %c0_i32 = arith.constant 0 : i32
    return %arg0 : i32
  }
  func.func @transform_1(%arg0: i32) -> (i32, i32) {
    %c0_i32 = arith.constant 0 : i32
    %c0_i32_0 = arith.constant 0 : i32
    return %arg0, %c0_i32 : i32, i32
  }
  func.func @transform_2(%arg0: i32) -> i32 {
    %c0_i32 = arith.constant 0 : i32
    return %arg0 : i32
  }
  func.func @transform_3(%arg0: i32) -> (i32, i32) {
    %c0_i32 = arith.constant 0 : i32
    %c0_i32_0 = arith.constant 0 : i32
    %c0_i32_1 = arith.constant 0 : i32
    return %c0_i32, %c0_i32_0 : i32, i32
  }
  func.func @transform_4(%arg0: i32) -> i32 {
    %c0_i32 = arith.constant 0 : i32
    return %arg0 : i32
  }
  func.func @transform_5(%arg0: i32) -> (i32, i32) {
    %c0_i32 = arith.constant 0 : i32
    %c0_i32_0 = arith.constant 0 : i32
    %c0_i32_1 = arith.constant 0 : i32
    return %c0_i32, %c0_i32_0 : i32, i32
  }
  func.func @transform_6(%arg0: i32) -> (i32, i32) {
    %c0_i32 = arith.constant 0 : i32
    %c0_i32_0 = arith.constant 0 : i32
    %c0_i32_1 = arith.constant 0 : i32
    return %c0_i32, %c0_i32_0 : i32, i32
  }
}

module attributes {stable_mosaic.version = 14 : i64} {
  func.func @_k6_body(%arg0: i32, %arg1: memref<2048xf32, #tpu.memory_space<vmem>>, %arg2: memref<2048xi32, #tpu.memory_space<vmem>>, %arg3: memref<256x8xf32, #tpu.memory_space<vmem>>, %arg4: memref<2048xf32, #tpu.memory_space<vmem>>) attributes {dimension_semantics = [#tpu.dimension_semantics<arbitrary>], iteration_bounds = array<i64: 50>, scalar_prefetch = 0 : i64, scratch_operands = 0 : i64, tpu.core_type = #tpu.core_type<tc>, window_params = [{transform_indices = @transform_0, window_bounds = array<i64: 2048>}, {transform_indices = @transform_1, window_bounds = array<i64: 2048>}, {pipeline_mode = #tpu.pipeline_mode<synchronous>, transform_indices = @transform_2, window_bounds = array<i64: 256, 8>}, {transform_indices = @transform_3, window_bounds = array<i64: 2048>}]} {
    %get3A = arith.constant 0 : index
    %get3A_0 = vector.load %arg2[%get3A] : memref<2048xi32, #tpu.memory_space<vmem>>, vector<2048xi32>
    %broadcast_in_dim3A = vector.shape_cast %get3A_0 : vector<2048xi32> to vector<2048x1xi32>
    %iota3A = tpu.iota {dimensions = array<i32: 1>} : vector<2048x256xi32>
    %eq3A = vector.broadcast %broadcast_in_dim3A : vector<2048x1xi32> to vector<2048x256xi32>
    %eq3A_1 = arith.cmpi eq, %eq3A, %iota3A : vector<2048x256xi32>
    %convert_element_type3A = arith.extui %eq3A_1 : vector<2048x256xi1> to vector<2048x256xi32>
    %convert_element_type3A_2 = arith.sitofp %convert_element_type3A : vector<2048x256xi32> to vector<2048x256xf32>
    %get3A_3 = arith.constant 0 : index
    %get3A_4 = arith.constant 0 : index
    %get3A_5 = vector.load %arg3[%get3A_3, %get3A_4] : memref<256x8xf32, #tpu.memory_space<vmem>>, vector<256x1xf32>
    %max3A = arith.constant 1.000000e-30 : f32
    %max3A_6 = vector.broadcast %max3A : f32 to vector<256x1xf32>
    %max3A_7 = arith.maximumf %get3A_5, %max3A_6 : vector<256x1xf32>
    %div3A = arith.constant 1.000000e+00 : f32
    %div3A_8 = vector.broadcast %div3A : f32 to vector<256x1xf32>
    %div3A_9 = arith.divf %div3A_8, %max3A_7 : vector<256x1xf32>
    %dot_general3A = arith.constant dense<0.000000e+00> : vector<2048x1xf32>
    %dot_general3A_10 = tpu.matmul %convert_element_type3A_2, %div3A_9, %dot_general3A {dimension_numbers = #tpu.dot_dimension_numbers<[1], [0], [0], [1], [0, 0, 1, 1], [], []>, transpose_lhs_hint = false} : vector<2048x256xf32>, vector<256x1xf32>, vector<2048x1xf32> -> vector<2048x1xf32>
    %get3A_11 = arith.constant 0 : index
    %get3A_12 = vector.load %arg1[%get3A_11] : memref<2048xf32, #tpu.memory_space<vmem>>, vector<2048xf32>
    %squeeze3A = vector.shape_cast %dot_general3A_10 : vector<2048x1xf32> to vector<2048xf32>
    %mul3A = arith.mulf %get3A_12, %squeeze3A : vector<2048xf32>
    %swap3A = arith.constant 0 : index
    %swap3A_13 = vector.load %arg4[%swap3A] : memref<2048xf32, #tpu.memory_space<vmem>>, vector<2048xf32>
    tpu.vector_store %arg4[%swap3A], %mul3A {strides = array<i32>} : memref<2048xf32, #tpu.memory_space<vmem>>, vector<2048xf32>,
    return
  }
  func.func @transform_0(%arg0: i32) -> i32 {
    %c0_i32 = arith.constant 0 : i32
    return %arg0 : i32
  }
  func.func @transform_1(%arg0: i32) -> i32 {
    %c0_i32 = arith.constant 0 : i32
    return %arg0 : i32
  }
  func.func @transform_2(%arg0: i32) -> (i32, i32) {
    %c0_i32 = arith.constant 0 : i32
    %c0_i32_0 = arith.constant 0 : i32
    %c0_i32_1 = arith.constant 0 : i32
    return %c0_i32, %c0_i32_0 : i32, i32
  }
  func.func @transform_3(%arg0: i32) -> i32 {
    %c0_i32 = arith.constant 0 : i32
    return %arg0 : i32
  }
}

module attributes {stable_mosaic.version = 14 : i64} {
  func.func @_k7_body(%arg0: memref<256x32xf32, #tpu.memory_space<vmem>>, %arg1: memref<256x8xf32, #tpu.memory_space<vmem>>, %arg2: memref<256x32xf32, #tpu.memory_space<vmem>>, %arg3: memref<256x8xf32, #tpu.memory_space<vmem>>, %arg4: memref<32x32xf32, #tpu.memory_space<vmem>>, %arg5: memref<1x32xf32, #tpu.memory_space<vmem>>, %arg6: memref<32x8xf32, #tpu.memory_space<vmem>>, %arg7: memref<1x8xf32, #tpu.memory_space<vmem>>, %arg8: memref<32x16xf32, #tpu.memory_space<vmem>>, %arg9: memref<1x16xf32, #tpu.memory_space<vmem>>, %arg10: memref<16x8xf32, #tpu.memory_space<vmem>>, %arg11: memref<1x8xf32, #tpu.memory_space<vmem>>, %arg12: memref<256x2xf32, #tpu.memory_space<vmem>>, %arg13: memref<256x3xf32, #tpu.memory_space<vmem>>) attributes {dimension_semantics = [], scalar_prefetch = 0 : i64, scratch_operands = 0 : i64, tpu.core_type = #tpu.core_type<tc>} {
    %get3A = arith.constant 0 : index
    %get3A_0 = arith.constant 0 : index
    %get3A_1 = vector.load %arg0[%get3A, %get3A_0] : memref<256x32xf32, #tpu.memory_space<vmem>>, vector<256x32xf32>
    %get3A_2 = arith.constant 0 : index
    %get3A_3 = arith.constant 0 : index
    %get3A_4 = vector.load %arg1[%get3A_2, %get3A_3] : memref<256x8xf32, #tpu.memory_space<vmem>>, vector<256x1xf32>
    %max3A = arith.constant 1.000000e+00 : f32
    %max3A_5 = vector.broadcast %max3A : f32 to vector<256x1xf32>
    %max3A_6 = arith.maximumf %get3A_4, %max3A_5 : vector<256x1xf32>
    %div3A = vector.broadcast %max3A_6 : vector<256x1xf32> to vector<256x32xf32>
    %div3A_7 = arith.divf %get3A_1, %div3A : vector<256x32xf32>
    %get3A_8 = arith.constant 0 : index
    %get3A_9 = arith.constant 0 : index
    %get3A_10 = vector.load %arg4[%get3A_8, %get3A_9] : memref<32x32xf32, #tpu.memory_space<vmem>>, vector<32x32xf32>
    %dot_general3A = arith.constant dense<0.000000e+00> : vector<256x32xf32>
    %dot_general3A_11 = tpu.matmul %div3A_7, %get3A_10, %dot_general3A {dimension_numbers = #tpu.dot_dimension_numbers<[1], [0], [0], [1], [0, 0, 1, 1], [], []>, transpose_lhs_hint = false} : vector<256x32xf32>, vector<32x32xf32>, vector<256x32xf32> -> vector<256x32xf32>
    %get3A_12 = arith.constant 0 : index
    %get3A_13 = arith.constant 0 : index
    %get3A_14 = vector.load %arg5[%get3A_12, %get3A_13] : memref<1x32xf32, #tpu.memory_space<vmem>>, vector<1x32xf32>
    %add3A = vector.broadcast %get3A_14 : vector<1x32xf32> to vector<256x32xf32>
    %add3A_15 = arith.addf %dot_general3A_11, %add3A : vector<256x32xf32>
    %get3A_16 = arith.constant 0 : index
    %get3A_17 = arith.constant 0 : index
    %get3A_18 = vector.load %arg6[%get3A_16, %get3A_17] : memref<32x8xf32, #tpu.memory_space<vmem>>, vector<32x8xf32>
    %dot_general3A_19 = arith.constant dense<0.000000e+00> : vector<256x8xf32>
    %dot_general3A_20 = tpu.matmul %add3A_15, %get3A_18, %dot_general3A_19 {dimension_numbers = #tpu.dot_dimension_numbers<[1], [0], [0], [1], [0, 0, 1, 1], [], []>, transpose_lhs_hint = false} : vector<256x32xf32>, vector<32x8xf32>, vector<256x8xf32> -> vector<256x8xf32>
    %get3A_21 = arith.constant 0 : index
    %get3A_22 = arith.constant 0 : index
    %get3A_23 = vector.load %arg7[%get3A_21, %get3A_22] : memref<1x8xf32, #tpu.memory_space<vmem>>, vector<1x8xf32>
    %add3A_24 = vector.broadcast %get3A_23 : vector<1x8xf32> to vector<256x8xf32>
    %add3A_25 = arith.addf %dot_general3A_20, %add3A_24 : vector<256x8xf32>
    %reduce_max3A = arith.constant dense<0xFF800000> : vector<256xf32>
    %reduce_max3A_26 = vector.multi_reduction <maximumf>, %add3A_25, %reduce_max3A [1] : vector<256x8xf32> to vector<256xf32>
    %broadcast_in_dim3A = vector.shape_cast %reduce_max3A_26 : vector<256xf32> to vector<256x1xf32>
    %sub3A = vector.broadcast %broadcast_in_dim3A : vector<256x1xf32> to vector<256x8xf32>
    %sub3A_27 = arith.subf %add3A_25, %sub3A : vector<256x8xf32>
    %exp3A = math.exp %sub3A_27 : vector<256x8xf32>
    %reduce_sum3A = arith.constant dense<0.000000e+00> : vector<256xf32>
    %reduce_sum3A_28 = vector.multi_reduction <add>, %exp3A, %reduce_sum3A [1] : vector<256x8xf32> to vector<256xf32>
    %broadcast_in_dim3A_29 = vector.shape_cast %reduce_sum3A_28 : vector<256xf32> to vector<256x1xf32>
    %div3A_30 = vector.broadcast %broadcast_in_dim3A_29 : vector<256x1xf32> to vector<256x8xf32>
    %div3A_31 = arith.divf %exp3A, %div3A_30 : vector<256x8xf32>
    %slice3A = vector.extract_strided_slice %div3A_31 {offsets = [0, 0], sizes = [256, 2], strides = [1, 1]} : vector<256x8xf32> to vector<256x2xf32>
    %swap3A = arith.constant 0 : index
    %swap3A_32 = arith.constant 0 : index
    %swap3A_33 = vector.load %arg12[%swap3A, %swap3A_32] : memref<256x2xf32, #tpu.memory_space<vmem>>, vector<256x2xf32>
    tpu.vector_store %arg12[%swap3A, %swap3A_32], %slice3A {strides = array<i32>} : memref<256x2xf32, #tpu.memory_space<vmem>>, vector<256x2xf32>,
    %get3A_34 = arith.constant 0 : index
    %get3A_35 = arith.constant 0 : index
    %get3A_36 = vector.load %arg3[%get3A_34, %get3A_35] : memref<256x8xf32, #tpu.memory_space<vmem>>, vector<256x1xf32>
    %max3A_37 = arith.constant 1.000000e-30 : f32
    %max3A_38 = vector.broadcast %max3A_37 : f32 to vector<256x1xf32>
    %max3A_39 = arith.maximumf %get3A_36, %max3A_38 : vector<256x1xf32>
    %div3A_40 = arith.constant 1.000000e+00 : f32
    %div3A_41 = vector.broadcast %div3A_40 : f32 to vector<256x1xf32>
    %div3A_42 = arith.divf %div3A_41, %max3A_39 : vector<256x1xf32>
    %get3A_43 = arith.constant 0 : index
    %get3A_44 = arith.constant 0 : index
    %get3A_45 = vector.load %arg2[%get3A_43, %get3A_44] : memref<256x32xf32, #tpu.memory_space<vmem>>, vector<256x32xf32>
    %mul3A = vector.broadcast %div3A_42 : vector<256x1xf32> to vector<256x32xf32>
    %mul3A_46 = arith.mulf %get3A_45, %mul3A : vector<256x32xf32>
    %get3A_47 = arith.constant 0 : index
    %get3A_48 = arith.constant 0 : index
    %get3A_49 = vector.load %arg8[%get3A_47, %get3A_48] : memref<32x16xf32, #tpu.memory_space<vmem>>, vector<32x16xf32>
    %dot_general3A_50 = arith.constant dense<0.000000e+00> : vector<256x16xf32>
    %dot_general3A_51 = tpu.matmul %mul3A_46, %get3A_49, %dot_general3A_50 {dimension_numbers = #tpu.dot_dimension_numbers<[1], [0], [0], [1], [0, 0, 1, 1], [], []>, transpose_lhs_hint = false} : vector<256x32xf32>, vector<32x16xf32>, vector<256x16xf32> -> vector<256x16xf32>
    %get3A_52 = arith.constant 0 : index
    %get3A_53 = arith.constant 0 : index
    %get3A_54 = vector.load %arg9[%get3A_52, %get3A_53] : memref<1x16xf32, #tpu.memory_space<vmem>>, vector<1x16xf32>
    %add3A_55 = vector.broadcast %get3A_54 : vector<1x16xf32> to vector<256x16xf32>
    %add3A_56 = arith.addf %dot_general3A_51, %add3A_55 : vector<256x16xf32>
    %max3A_57 = arith.constant 0.000000e+00 : f32
    %max3A_58 = vector.broadcast %max3A_57 : f32 to vector<256x16xf32>
    %max3A_59 = arith.maximumf %add3A_56, %max3A_58 : vector<256x16xf32>
    %get3A_60 = arith.constant 0 : index
    %get3A_61 = arith.constant 0 : index
    %get3A_62 = vector.load %arg10[%get3A_60, %get3A_61] : memref<16x8xf32, #tpu.memory_space<vmem>>, vector<16x8xf32>
    %dot_general3A_63 = arith.constant dense<0.000000e+00> : vector<256x8xf32>
    %dot_general3A_64 = tpu.matmul %max3A_59, %get3A_62, %dot_general3A_63 {dimension_numbers = #tpu.dot_dimension_numbers<[1], [0], [0], [1], [0, 0, 1, 1], [], []>, transpose_lhs_hint = false} : vector<256x16xf32>, vector<16x8xf32>, vector<256x8xf32> -> vector<256x8xf32>
    %get3A_65 = arith.constant 0 : index
    %get3A_66 = arith.constant 0 : index
    %get3A_67 = vector.load %arg11[%get3A_65, %get3A_66] : memref<1x8xf32, #tpu.memory_space<vmem>>, vector<1x8xf32>
    %add3A_68 = vector.broadcast %get3A_67 : vector<1x8xf32> to vector<256x8xf32>
    %add3A_69 = arith.addf %dot_general3A_64, %add3A_68 : vector<256x8xf32>
    %reduce_max3A_70 = arith.constant dense<0xFF800000> : vector<8xf32>
    %reduce_max3A_71 = vector.multi_reduction <maximumf>, %add3A_69, %reduce_max3A_70 [0] : vector<256x8xf32> to vector<8xf32>
    %broadcast_in_dim3A_72 = vector.shape_cast %reduce_max3A_71 : vector<8xf32> to vector<1x8xf32>
    %sub3A_73 = vector.broadcast %broadcast_in_dim3A_72 : vector<1x8xf32> to vector<256x8xf32>
    %sub3A_74 = arith.subf %add3A_69, %sub3A_73 : vector<256x8xf32>
    %exp3A_75 = math.exp %sub3A_74 : vector<256x8xf32>
    %reduce_sum3A_76 = arith.constant dense<0.000000e+00> : vector<8xf32>
    %reduce_sum3A_77 = vector.multi_reduction <add>, %exp3A_75, %reduce_sum3A_76 [0] : vector<256x8xf32> to vector<8xf32>
    %broadcast_in_dim3A_78 = vector.shape_cast %reduce_sum3A_77 : vector<8xf32> to vector<1x8xf32>
    %div3A_79 = vector.broadcast %broadcast_in_dim3A_78 : vector<1x8xf32> to vector<256x8xf32>
    %div3A_80 = arith.divf %exp3A_75, %div3A_79 : vector<256x8xf32>
    %slice3A_81 = vector.extract_strided_slice %div3A_80 {offsets = [0, 0], sizes = [256, 3], strides = [1, 1]} : vector<256x8xf32> to vector<256x3xf32>
    %swap3A_82 = arith.constant 0 : index
    %swap3A_83 = arith.constant 0 : index
    %swap3A_84 = vector.load %arg13[%swap3A_82, %swap3A_83] : memref<256x3xf32, #tpu.memory_space<vmem>>, vector<256x3xf32>
    tpu.vector_store %arg13[%swap3A_82, %swap3A_83], %slice3A_81 {strides = array<i32>} : memref<256x3xf32, #tpu.memory_space<vmem>>, vector<256x3xf32>,
    return
  }
}

</mosaic_0001>

<sc_bundles>
// kernel: kernel.11.cloned.1.call-start
scs
__scs_entry_jumppad:
0x0: {  	(pc) =	sbr.rel $0x88, $3  }
0x1: {  	(tag) =	ssettag $0x0;
	lr =	simm.s32 $0x1  }
0x2: {  	[smem:$0x3F8E] =	sst lr;
	_ =	strace $0xD0000000  }
0x3: {  	_ = 	snop  }
0x4: {  	_ = 	snop  }
0x5: {  	_ = 	snop  }
0x6: {  	_ = 	snop  }
0x7: {  	_ = 	snop  }
__scs_overlays_trampoline_lowered:
0x8: {  	[smem:$0x3F9D] =	sst s0  }
0x9: {  	[smem:$0x3F9E] =	sst s1  }
0xa: {  	[smem:$0x3F9F] =	sst s2  }
0xb: {  	[smem:$0x3FA0] =	sst s3  }
0xc: {  	[smem:$0x3FA1] =	sst s4  }
0xd: {  	[smem:$0x3FA2] =	sst s5  }
0xe: {  	[smem:$0x3FA3] =	sst s6  }
0xf: {  	[smem:$0x3FA4] =	sst s7  }
0x10: {  	[smem:$0x3FA5] =	sst s8  }
0x11: {  	[smem:$0x3FA6] =	sst s9;
	s0 =	simm.s32 @!p0 $0x0  }
0x12: {  	s1 =	sld [smem:$0x3F8C];
	s0 =	simm.s32 @p0 $0x1  }
0x13: {  	[smem:$0x3FA7] =	sst s0;
	s0 =	simm.s32 @!p1 $0x0  }
0x14: {  	s2 =	sld [smem:$0x3F8B];
	s0 =	simm.s32 @p1 $0x1  }
0x15: {  	[smem:$0x3FA8] =	sst s0;
	s0 =	simm.s32 @!p2 $0x0  }
0x16: {  	s3 =	sld [smem:$0x3FDB];
	s0 =	simm.s32 @p2 $0x1  }
0x17: {  	s4 =	simm.s32 $0x1BF5;
	[smem:$0x3FAA] =	sst s0  }
0x18: {  	s0 =	sld [smem:$0x3F8D];
	_ =	swait.ge [sflag:s4], $0x0  }
0x19: {  	s7 =	sld [smem:$0x3F8E]  }
0x1a: {  	s8 =	sadd.s32 $0xFFFFE003, lr  }
0x1b: {  	s9 =	sadd.s32 $0xFFFFFEF7, lr;
	s5 =	simm.s32 $0xFFFFFFFF;
	p2 =	slt.u32 s8, $0xFFFFF086  }
0x1c: {  	p1 =	slt.u32 s9, $0xF7A;
	s5 =	simm.s32 @!p2 $0x0  }
0x1d: {  	s5 =	simm.s32 @p1 $0x1;
	p0 =	seq.s32 s7, s2  }
0x1e: {  	s7 =	smul.u32 @!p0 $0xF7A, s2;
	p2 =	seq.s32 @!p0 s5, $0x0  }
0x1f: {  	s9 =	smul.u32 $0xF7A, s1;
	s8 =	simm.s32 @!p0 $0x1BF5;
	p2 =	por !p2, p0  }
0x20: {  	[sflag:s8] =	ssyncset.s32 @!p0 $0xFFFFF086;
	s6 =	sadd.s32 @!p0 s3, s7;
	s7 =	simm.s32 @!p0 $0x108  }
0x21: {  	s3 =	sadd.s32 s3, s9;
	s6 =	sadd.s32 @!p0 $0x88, s6;
	s7 =	simm.s32 @p2 $0x1082  }
0x22: {  	[simem:s7], [sflag:s8] =	dma.local @!p0 [hbm:s6], $0xF7A  }
0x23: {  	s9 =	sor.u32 $0xD0000000, s2;
	s6 =	simm.s32 $0x108;
	_ =	swait.ge @!p0 [sflag:s8], $0x0  }
0x24: {  	s3 =	sadd.s32 $0x88, s3;
	s6 =	simm.s32 @!p1 $0x1082;
	[sflag:s4] =	ssyncset.s32 $0xFFFFF086  }
0x25: {  	[simem:s6], [sflag:s4] =	dma.local [hbm:s3], $0xF7A  }
0x26: {  	[smem:$0x3F8E] =	sst s1;
	(tag) =	ssettag s2;
	_ =	strace s9  }
0x27: {  	s1 =	sld [smem:$0x3F9E]  }
0x28: {  	s2 =	sld [smem:$0x3F9F]  }
0x29: {  	s4 =	sld [smem:$0x3FA1]  }
0x2a: {  	p0 =	seq.s32 s5, $0x0;
	s5 =	sld [smem:$0x3FA2]  }
0x2b: {  	s6 =	sld [smem:$0x3FA3]  }
0x2c: {  	s7 =	sld [smem:$0x3FA4]  }
0x2d: {  	s3 =	simm.s32 $0x108;
	s8 =	sld [smem:$0x3FA5]  }
0x2e: {  	s3 =	simm.s32 @!p0 $0x1082;
	s9 =	sld [smem:$0x3FA6]  }
0x2f: {  	lr =	sadd.s32 s0, s3;
	s0 =	sld [smem:$0x3F9D]  }
0x30: {  	s3 =	sld [smem:$0x3FA0]  }
0x31: {  	[smem:$0x3FA9] =	sst s10  }
0x32: {  	s10 =	sld [smem:$0x3FA7];
	_ =	sdelay $0x3  }
0x33: {  	p0 =	seq.s32 s10, $0x1;
	s10 =	sld [smem:$0x3FA9];
	_ =	sdelay $0x3  }
0x34: {  	[smem:$0x3FA9] =	sst s10  }
0x35: {  	s10 =	sld [smem:$0x3FA8];
	_ =	sdelay $0x3  }
0x36: {  	p1 =	seq.s32 s10, $0x1;
	s10 =	sld [smem:$0x3FA9];
	_ =	sdelay $0x3  }
0x37: {  	[smem:$0x3FA9] =	sst s10  }
0x38: {  	s10 =	sld [smem:$0x3FAA]  }
0x39: {  	_ = 	snop;
	(pc) =	sbr.ind lr, $3  }
0x3a: {  	_ = 	snop  }
0x3b: {  	_ = 	snop  }
0x3c: {  	p2 =	seq.s32 s10, $0x1;
	s10 =	sld [smem:$0x3FA9]  }
0x3d: {  	_ =	shalt  }
0x3e: {  	_ =	shalt  }
0x3f: {  	_ =	shalt  }
0x40: {  	_ =	shalt  }
0x41: {  	_ =	shalt  }
0x42: {  	_ =	shalt  }
0x43: {  	_ =	shalt  }
0x44: {  	_ =	shalt  }
0x45: {  	_ =	shalt  }
0x46: {  	_ =	shalt  }
0x47: {  	_ =	shalt  }
0x48: {  	_ =	shalt  }
0x49: {  	_ =	shalt  }
0x4a: {  	_ =	shalt  }
0x4b: {  	_ =	shalt  }
0x4c: {  	_ =	shalt  }
0x4d: {  	_ =	shalt  }
0x4e: {  	_ =	shalt  }
0x4f: {  	_ =	shalt  }
0x50: {  	_ =	shalt  }
0x51: {  	_ =	shalt  }
0x52: {  	_ =	shalt  }
0x53: {  	_ =	shalt  }
0x54: {  	_ =	shalt  }
0x55: {  	_ =	shalt  }
0x56: {  	_ =	shalt  }
0x57: {  	_ =	shalt  }
0x58: {  	_ =	shalt  }
0x59: {  	_ =	shalt  }
0x5a: {  	_ =	shalt  }
0x5b: {  	_ =	shalt  }
0x5c: {  	_ =	shalt  }
0x5d: {  	_ =	shalt  }
0x5e: {  	_ =	shalt  }
0x5f: {  	_ =	shalt  }
0x60: {  	_ =	shalt  }
0x61: {  	_ =	shalt  }
0x62: {  	_ =	shalt  }
0x63: {  	_ =	shalt  }
0x64: {  	_ =	shalt  }
0x65: {  	_ =	shalt  }
0x66: {  	_ =	shalt  }
0x67: {  	_ =	shalt  }
0x68: {  	_ =	shalt  }
0x69: {  	_ =	shalt  }
0x6a: {  	_ =	shalt  }
0x6b: {  	_ =	shalt  }
0x6c: {  	_ =	shalt  }
0x6d: {  	_ =	shalt  }
0x6e: {  	_ =	shalt  }
0x6f: {  	_ =	shalt  }
0x70: {  	_ =	shalt  }
0x71: {  	_ =	shalt  }
0x72: {  	_ =	shalt  }
0x73: {  	_ =	shalt  }
0x74: {  	_ =	shalt  }
0x75: {  	_ =	shalt  }
0x76: {  	_ =	shalt  }
0x77: {  	_ =	shalt  }
0x78: {  	_ =	shalt  }
0x79: {  	_ =	shalt  }
0x7a: {  	_ =	shalt  }
0x7b: {  	_ =	shalt  }
0x7c: {  	_ =	shalt  }
0x7d: {  	_ =	shalt  }
0x7e: {  	_ =	shalt  }
0x7f: {  	_ =	shalt  }
0x80: {  	_ =	shalt  }
0x81: {  	_ =	shalt  }
0x82: {  	_ =	shalt  }
0x83: {  	_ =	shalt  }
0x84: {  	_ =	shalt  }
0x85: {  	_ =	shalt  }
0x86: {  	_ =	shalt  }
0x87: {  	_ =	shalt  }
.Lfunc_end0:
.L_simem_size_0:
called_computation_lowered:
.L_overlay_start_0:
0x88: {  	s2 =	sld [smem:$0x3FD9]  }
0x89: {  	s3 =	sld [smem:$0x3FFE];
	_ =	sdelay $0x1  }
0x8a: {  	s1 =	srdreg.scid  }
0x8b: {  	s0 =	sand.u32 $0x1, s1  }
0x8c: {  	s14 =	sshll.u32 s0, $0xA;
	s2 =	sadd.s32 s3, s2  }
0x8d: {  	s2 =	sadd.s32 s2, s14  }
0x8e: {  	[smem:$0x3FB5] =	sst s2  }
0x8f: {  	_ = 	snop  }
0x90: {  	s2 =	sld [smem:$0x3FD0];
	_ =	sdelay $0x2  }
0x91: {  	s15 =	simm.s32 $0xA;
	s4 =	simm.s32 $0x10  }
0x92: {  	[smem:s4], [sflag:s15] =	dma.local [hbm:s2], $0x1  }
0x93: {  	_ =	swait.eq [sflag:s15], $0x1  }
0x94: {  	[sflag:s15] =	ssyncset.done $0x0  }
0x95: {  	[sflag:s15] =	ssyncadd.s32 $0xFFFFFFFF  }
0x96: {  	s16 =	sld [smem:$0x11];
	(tm) =	ssettm $0x1  }
0x97: {  	s17 =	sld [smem:$0x3FFB];
	_ =	sdelay $0x3  }
0x98: {  	_ =	strace s17  }
0x99: {  	s3 =	sld [smem:$0x3FFC];
	_ =	sdelay $0x3  }
0x9a: {  	_ =	strace s3  }
0x9b: {  	s3 =	sld [smem:$0x3FFD];
	_ =	sdelay $0x3  }
0x9c: {  	_ =	strace s3  }
0x9d: {  	_ =	strace $0x8FFFFFFF  }
0x9e: {  	s18 =	sld [smem:$0x3FDB];
	_ =	sdelay $0x1  }
0x9f: {  	s19 =	simm.s32 $_scs_section_size  }
0xa0: {  	s5 =	simm.s32 $_size__tile_overlayer_lowered;
	s6 =	simm.s32 $_tile_overlayer_lowered  }
0xa1: {  	s22 =	simm.s32 $0x1BFF;
	s21 =	sshll.u32 s6, $0x1;
	s3 =	sadd.s32 s19, s18  }
0xa2: {  	s7 =	simm.s32 $0x0;
	s20 =	sshll.u32 s5, $0x1;
	s5 =	sadd.s32 s21, s3  }
0xa3: {  	[timem:s7], [sflag:s22] =	dma.local [hbm:s5], s20  }
0xa4: {  	_ =	swait.ge [sflag:s22], s20  }
0xa5: {  	s4 =	ssub.s32 $0x0, s20;
	[sflag:s22] =	ssyncset.done $0x0  }
0xa6: {  	[sflag:s22] =	ssyncadd.s32 s4;
	_ =	sdelay $0x1  }
0xa7: {  	s23 =	simm.s32 $0x1B8B  }
0xa8: {  	_ =	swait.ge [sflag:s23], $0x1  }
0xa9: {  	[sflag:s23] =	ssyncset.done $0x0  }
0xaa: {  	s25 =	simm.s32 $0x1B8E;
	s24 =	sld [smem:$0x3FFE];
	[sflag:s23] =	ssyncadd.s32 $0xFFFFFFFF  }
0xab: {  	s26 =	simm.s32 $execute0_lowered;
	[smem:$0x3FD2] =	sst s25  }
0xac: {  	s5 =	sshll.u32 s26, $0x1;
	_ =	strace $0x80000046;
	[dreg:$0x1] =	wrdreg $0xFFFFFFFF  }
0xad: {  	s28 =	simm.s32 $_size_execute0_lowered;
	s3 =	sadd.s32 s3, s5;
	[dreg:$0x0] =	wrdreg $0x0  }
0xae: {  	s5 =	sshll.u32 s28, $0x1;
	[dreg:$0x2] =	wrdreg s3  }
0xaf: {  	[dreg:$0x3] =	wrdreg s5  }
0xb0: {  	[dreg:$0x4] =	wrdreg $0xC0  }
0xb1: {  	_ =	task [dreg:s7], $0x5FFFF  }
0xb2: {  	[dreg:$0x1] =	wrdreg $0xFFFFFFFF  }
0xb3: {  	[dreg:$0x0] =	wrdreg $0x60  }
0xb4: {  	[dreg:$0x2] =	wrdreg s24  }
0xb5: {  	[dreg:$0x3] =	wrdreg s16  }
0xb6: {  	[dreg:$0x4] =	wrdreg $0xC000  }
0xb7: {  	[dreg:$0x5] =	wrdreg $0x9  }
0xb8: {  	_ =	task.clear_ibuf [dreg:s7], $0x6FFFF;
	_ =	strace $0x90000046  }
0xb9: {  	s29 =	simm.s32 $0x9;
	_ =	strace $0x80000048  }
0xba: {  	_ =	swait.ge [sflag:s29], $0x1  }
0xbb: {  	[sflag:s29] =	ssyncadd.s32 $0xFFFFFFFF  }
0xbc: {  	_ =	strace $0x90000048  }
0xbd: {  	_ =	sfence  }
0xbe: {  	s30 =	sld [smem:$0x0];
	_ =	sdelay $0x2  }
0xbf: {  	s31 =	sshll.u32 s1, $0xD;
	s1 =	sshrl.u32 s1, $0x2  }
0xc0: {  	s3 =	sand.u32 $0x4000, s31;
	s1 =	sadd.s32 s1, s30  }
0xc1: {  	s0 =	sor.u32 s3, s0;
	s1 =	sshll.u32 s1, $0x11  }
0xc2: {  	s0 =	sor.u32 s1, s0  }
0xc3: {  	s0 =	sadd.s32 $0x8F2B, s0  }
0xc4: {  	[sflag:s0] =	ssyncadd.remote.s32 $0x1  }
0xc5: {  	_ =	sfence.sel $0xFFFF  }
0xc6: {  	[dreg:$0x0] =	wrdreg $0xFFFFFFFF;
	(pc) =	sbr.abs _section_cstart, $3  }
0xc7: {  	[dreg:$0x1] =	wrdreg $0xFFFFFFFF  }
0xc8: {  	_ =	task.clear_ibuf [dreg:s7], $0x2FFFF;
	_ =	strace $0x9FFFFFFF  }
0xc9: {  	(tm) =	ssettm $0x7FFFFFFF  }
tec
execute0_lowered:
.L_overlay_start_1:
0x0: {  	(tag) =	ssettag $0x1  }
0x1: {  	s6 =	rddreg [dreg:$0x0]  }
0x2: {  	s2 =	rddreg [dreg:$0x1]  }
0x3: {  	s3 =	rddreg [dreg:$0x2]  }
0x4: {  	s0 =	rddreg [dreg:$0x3]  }
0x5: {  	s1 =	stileid.u32;
	s7 =	srdreg.scid  }
0x6: {  	s4 =	simm.s32 $0x0;
	s13 =	simm.s32 $0x80;
	s14 =	simm.s32 $0x100  }
0x7: {  	s15 =	simm.s32 $0x180;
	s16 =	simm.s32 $0x200;
	s17 =	simm.s32 $0x280  }
0x8: {  	s18 =	simm.s32 $0x300;
	s19 =	simm.s32 $0x380;
	s5 =	smul.u32 $0x3100, s1  }
0x9: {  	s20 =	simm.s32 $0x1;
	s21 =	simm.s32 $0x0;
	s8 =	smul.u32 $0x3300, s1  }
0xa: {  	s7 =	sand.u32 $0x1, s7;
	[smem:$0x7FF] =	sst s4;
	s11 =	smul.u32 $0x66000, s1  }
0xb: {  	s31 =	sshll.u32 s1, $0x6;
	s9 =	smul.u32 $0x33000, s7;
	_ =	strace $0x80000047  }
0xc: {  	s28 =	ssub.s32 $0x2, s7;
	s7 =	smul.u32 $0x1880, s7;
	s10 =	sadd.s32 s5, s6  }
0xd: {  	s5 =	sadd.s32 $0x34000, s6;
	s29 =	sshrl.u32 s28, $0x1;
	s30 =	sshrl.u32 s11, $0x2  }
0xe: {  	s11 =	simm.s32 $0x2;
	s8 =	sadd.s32 s8, s9;
	s9 =	ssub.s32 s28, s29  }
0xf: {  	s12 =	sadd.s32 s30, s3;
	s10 =	sadd.s32 s7, s10;
	s8 =	sadd.s32 s8, s6  }
0x10: {  	s6 =	sor.u32 $0x1C02, s31;
	s7 =	sadd.s32 $0x37400, s8;
	s8 =	smax.u32 s9, $0x1  }
0x11: {  	s9 =	sadd.s32 $0x3000, s10;
	s10 =	sshrl.u32 s12, $0x3;
	s12 =	simm.s32 $0x400  }
.LBB2_1:
0x12: {  	[spmem:s10], [sflag:s6] =	dma.local [hbm:s5], $0x3300  }
0x13: {  	_ =	swait.ge [sflag:s11], $0x3300  }
0x14: {  	[sflag:s11] =	ssyncset.done $0x0  }
0x15: {  	[sflag:s11] =	ssyncadd.s32 $0xFFFFCD00  }
0x16: {  	[tilespmem:s12], [sflag:$0x2] =	stream.linear.gather [hbm4b:s2+s4], $0x800, $0x38;
	[tilespmem:$0x1A400] =	vst v63  }
0x17: {  	_ =	swait.ge [sflag:s11], $0x800  }
0x18: {  	[sflag:s11] =	ssyncset.done $0x0  }
0x19: {  	[sflag:s11] =	ssyncadd.s32 $0xFFFFF800  }
0x1a: {  	s22 =	sadd.s32 $0x0, s9;
	[bflag:$0x0] =	sbarrier.arrive $0xFFFF  }
0x1b: {  	[tilespmem:s4], [sflag:$0x2] =	stream.linear.gather [hbm4b:s22+s4], $0x400, $0x38;
	[tilespmem:$0x1A400] =	vst v63  }
0x1c: {  	_ =	swait.ge [sflag:s11], $0x400  }
0x1d: {  	[sflag:s11] =	ssyncset.done $0x0  }
0x1e: {  	[sflag:s11] =	ssyncadd.s32 $0xFFFFFC00  }
0x1f: {  	[spmem:s3] =	stream.indirect.scatter.add.f32 [tilespmem:s12], [sflag:$0x1], $0x10, s4, s13, $0xb8;
	[tilespmem:$0x1A400] =	vst v63  }
0x20: {  	_ = 	snop  }
0x21: {  	[spmem:s3] =	stream.indirect.scatter.add.f32 [tilespmem:s12], [sflag:$0x1], $0x10, s13, s13, $0xb8;
	[tilespmem:$0x1A400] =	vst v63  }
0x22: {  	_ = 	snop  }
0x23: {  	[spmem:s3] =	stream.indirect.scatter.add.f32 [tilespmem:s12], [sflag:$0x1], $0x10, s14, s13, $0xb8;
	[tilespmem:$0x1A400] =	vst v63  }
0x24: {  	_ = 	snop  }
0x25: {  	[spmem:s3] =	stream.indirect.scatter.add.f32 [tilespmem:s12], [sflag:$0x1], $0x10, s15, s13, $0xb8;
	[tilespmem:$0x1A400] =	vst v63  }
0x26: {  	_ = 	snop  }
0x27: {  	[spmem:s3] =	stream.indirect.scatter.add.f32 [tilespmem:s12], [sflag:$0x1], $0x10, s16, s13, $0xb8;
	[tilespmem:$0x1A400] =	vst v63  }
0x28: {  	_ = 	snop  }
0x29: {  	[spmem:s3] =	stream.indirect.scatter.add.f32 [tilespmem:s12], [sflag:$0x1], $0x10, s17, s13, $0xb8;
	[tilespmem:$0x1A400] =	vst v63  }
0x2a: {  	_ = 	snop  }
0x2b: {  	[spmem:s3] =	stream.indirect.scatter.add.f32 [tilespmem:s12], [sflag:$0x1], $0x10, s18, s13, $0xb8;
	[tilespmem:$0x1A400] =	vst v63  }
0x2c: {  	_ = 	snop  }
0x2d: {  	[spmem:s3] =	stream.indirect.scatter.add.f32 [tilespmem:s12], [sflag:$0x1], $0x10, s19, s13, $0xb8;
	[tilespmem:$0x1A400] =	vst v63  }
0x2e: {  	_ =	swait.ge [sflag:s20], $0x800  }
0x2f: {  	[sflag:s20] =	ssyncset.done $0x0  }
0x30: {  	[sflag:s20] =	ssyncadd.s32 $0xFFFFF800  }
0x31: {  	_ =	swait.ge [sflag:s20], $0x800  }
0x32: {  	[sflag:s20] =	ssyncset.done $0x0  }
0x33: {  	[sflag:s20] =	ssyncadd.s32 $0xFFFFF800  }
0x34: {  	_ =	swait.ge [sflag:s20], $0x800  }
0x35: {  	[sflag:s20] =	ssyncset.done $0x0  }
0x36: {  	[sflag:s20] =	ssyncadd.s32 $0xFFFFF800  }
0x37: {  	_ =	swait.ge [sflag:s20], $0x800  }
0x38: {  	[sflag:s20] =	ssyncset.done $0x0  }
0x39: {  	[sflag:s20] =	ssyncadd.s32 $0xFFFFF800  }
0x3a: {  	_ =	swait.ge [sflag:s20], $0x800  }
0x3b: {  	[sflag:s20] =	ssyncset.done $0x0  }
0x3c: {  	[sflag:s20] =	ssyncadd.s32 $0xFFFFF800  }
0x3d: {  	_ =	swait.ge [sflag:s20], $0x800  }
0x3e: {  	[sflag:s20] =	ssyncset.done $0x0  }
0x3f: {  	[sflag:s20] =	ssyncadd.s32 $0xFFFFF800  }
0x40: {  	_ =	swait.ge [sflag:s20], $0x800  }
0x41: {  	[sflag:s20] =	ssyncset.done $0x0  }
0x42: {  	[sflag:s20] =	ssyncadd.s32 $0xFFFFF800  }
0x43: {  	_ =	swait.ge [sflag:s20], $0x800  }
0x44: {  	s24 =	simm.s32 $0x100;
	s22 =	simm.s32 $0x80;
	[sflag:s20] =	ssyncset.done $0x0  }
.LBB2_2:
0x45: {  	s25 =	sadd.s32 s22, s9  }
0x46: {  	[sflag:s20] =	ssyncadd.s32 $0xFFFFF800;
	s22 =	smov.u32 s24;
	s23 =	sadd.s32 $0x80, s24  }
0x47: {  	[tilespmem:s4], [sflag:$0x2] =	stream.linear.gather [hbm4b:s25+s4], $0x400, $0x38;
	[tilespmem:$0x1A400] =	vst v63  }
0x48: {  	p0 =	sne.s32 s24, $0x1800;
	_ =	swait.ge [sflag:s11], $0x400  }
0x49: {  	[sflag:s11] =	ssyncset.done $0x0  }
0x4a: {  	[sflag:s11] =	ssyncadd.s32 $0xFFFFFC00  }
0x4b: {  	[spmem:s3] =	stream.indirect.scatter.add.f32 [tilespmem:s12], [sflag:$0x1], $0x10, s4, s13, $0xb8;
	[tilespmem:$0x1A400] =	vst v63  }
0x4c: {  	_ = 	snop  }
0x4d: {  	[spmem:s3] =	stream.indirect.scatter.add.f32 [tilespmem:s12], [sflag:$0x1], $0x10, s13, s13, $0xb8;
	[tilespmem:$0x1A400] =	vst v63  }
0x4e: {  	_ = 	snop  }
0x4f: {  	[spmem:s3] =	stream.indirect.scatter.add.f32 [tilespmem:s12], [sflag:$0x1], $0x10, s14, s13, $0xb8;
	[tilespmem:$0x1A400] =	vst v63  }
0x50: {  	_ = 	snop  }
0x51: {  	[spmem:s3] =	stream.indirect.scatter.add.f32 [tilespmem:s12], [sflag:$0x1], $0x10, s15, s13, $0xb8;
	[tilespmem:$0x1A400] =	vst v63  }
0x52: {  	_ = 	snop  }
0x53: {  	[spmem:s3] =	stream.indirect.scatter.add.f32 [tilespmem:s12], [sflag:$0x1], $0x10, s16, s13, $0xb8;
	[tilespmem:$0x1A400] =	vst v63  }
0x54: {  	_ = 	snop  }
0x55: {  	[spmem:s3] =	stream.indirect.scatter.add.f32 [tilespmem:s12], [sflag:$0x1], $0x10, s17, s13, $0xb8;
	[tilespmem:$0x1A400] =	vst v63  }
0x56: {  	_ = 	snop  }
0x57: {  	[spmem:s3] =	stream.indirect.scatter.add.f32 [tilespmem:s12], [sflag:$0x1], $0x10, s18, s13, $0xb8;
	[tilespmem:$0x1A400] =	vst v63  }
0x58: {  	_ = 	snop  }
0x59: {  	[spmem:s3] =	stream.indirect.scatter.add.f32 [tilespmem:s12], [sflag:$0x1], $0x10, s19, s13, $0xb8;
	[tilespmem:$0x1A400] =	vst v63  }
0x5a: {  	_ =	swait.ge [sflag:s20], $0x800  }
0x5b: {  	[sflag:s20] =	ssyncset.done $0x0  }
0x5c: {  	[sflag:s20] =	ssyncadd.s32 $0xFFFFF800  }
0x5d: {  	_ =	swait.ge [sflag:s20], $0x800  }
0x5e: {  	[sflag:s20] =	ssyncset.done $0x0  }
0x5f: {  	[sflag:s20] =	ssyncadd.s32 $0xFFFFF800  }
0x60: {  	_ =	swait.ge [sflag:s20], $0x800  }
0x61: {  	[sflag:s20] =	ssyncset.done $0x0  }
0x62: {  	[sflag:s20] =	ssyncadd.s32 $0xFFFFF800  }
0x63: {  	_ =	swait.ge [sflag:s20], $0x800  }
0x64: {  	[sflag:s20] =	ssyncset.done $0x0  }
0x65: {  	[sflag:s20] =	ssyncadd.s32 $0xFFFFF800  }
0x66: {  	_ =	swait.ge [sflag:s20], $0x800  }
0x67: {  	[sflag:s20] =	ssyncset.done $0x0  }
0x68: {  	[sflag:s20] =	ssyncadd.s32 $0xFFFFF800  }
0x69: {  	_ =	swait.ge [sflag:s20], $0x800  }
0x6a: {  	[sflag:s20] =	ssyncset.done $0x0  }
0x6b: {  	[sflag:s20] =	ssyncadd.s32 $0xFFFFF800  }
.Ltmp0:
0x6c: {  	_ =	swait.ge [sflag:s20], $0x800;
	(pc) =	sbr.rel @p0 .LBB2_2-.Ltmp0, $4  }
0x6d: {  	[sflag:s20] =	ssyncset.done $0x0  }
0x6e: {  	[sflag:s20] =	ssyncadd.s32 $0xFFFFF800  }
0x6f: {  	_ =	swait.ge [sflag:s20], $0x800  }
0x70: {  	s24 =	smov.u32 s23;
	[sflag:s20] =	ssyncset.done $0x0  }
0x71: {  	s22 =	sadd.s32 s22, s9;
	[sflag:s20] =	ssyncadd.s32 $0xFFFFF800  }
0x72: {  	[tilespmem:s4], [sflag:$0x2] =	stream.linear.gather [hbm4b:s22+s4], $0x400, $0x38;
	[tilespmem:$0x1A400] =	vst v63  }
0x73: {  	_ =	swait.ge [sflag:s11], $0x400  }
0x74: {  	[sflag:s11] =	ssyncset.done $0x0  }
0x75: {  	[sflag:s11] =	ssyncadd.s32 $0xFFFFFC00  }
0x76: {  	[spmem:s3] =	stream.indirect.scatter.add.f32 [tilespmem:s12], [sflag:$0x1], $0x10, s4, s13, $0xb8;
	[tilespmem:$0x1A400] =	vst v63  }
0x77: {  	_ = 	snop  }
0x78: {  	[spmem:s3] =	stream.indirect.scatter.add.f32 [tilespmem:s12], [sflag:$0x1], $0x10, s13, s13, $0xb8;
	[tilespmem:$0x1A400] =	vst v63  }
0x79: {  	_ = 	snop  }
0x7a: {  	[spmem:s3] =	stream.indirect.scatter.add.f32 [tilespmem:s12], [sflag:$0x1], $0x10, s14, s13, $0xb8;
	[tilespmem:$0x1A400] =	vst v63  }
0x7b: {  	_ = 	snop  }
0x7c: {  	[spmem:s3] =	stream.indirect.scatter.add.f32 [tilespmem:s12], [sflag:$0x1], $0x10, s15, s13, $0xb8;
	[tilespmem:$0x1A400] =	vst v63  }
0x7d: {  	_ = 	snop  }
0x7e: {  	[spmem:s3] =	stream.indirect.scatter.add.f32 [tilespmem:s12], [sflag:$0x1], $0x10, s16, s13, $0xb8;
	[tilespmem:$0x1A400] =	vst v63  }
0x7f: {  	_ = 	snop  }
0x80: {  	[spmem:s3] =	stream.indirect.scatter.add.f32 [tilespmem:s12], [sflag:$0x1], $0x10, s17, s13, $0xb8;
	[tilespmem:$0x1A400] =	vst v63  }
0x81: {  	_ = 	snop  }
0x82: {  	[spmem:s3] =	stream.indirect.scatter.add.f32 [tilespmem:s12], [sflag:$0x1], $0x10, s18, s13, $0xb8;
	[tilespmem:$0x1A400] =	vst v63  }
0x83: {  	_ = 	snop  }
0x84: {  	[spmem:s3] =	stream.indirect.scatter.add.f32 [tilespmem:s12], [sflag:$0x1], $0x10, s19, s13, $0xb8;
	[tilespmem:$0x1A400] =	vst v63  }
0x85: {  	_ =	swait.ge [sflag:s20], $0x800  }
0x86: {  	[sflag:s20] =	ssyncset.done $0x0  }
0x87: {  	[sflag:s20] =	ssyncadd.s32 $0xFFFFF800  }
0x88: {  	_ =	swait.ge [sflag:s20], $0x800  }
0x89: {  	[sflag:s20] =	ssyncset.done $0x0  }
0x8a: {  	[sflag:s20] =	ssyncadd.s32 $0xFFFFF800  }
0x8b: {  	_ =	swait.ge [sflag:s20], $0x800  }
0x8c: {  	[sflag:s20] =	ssyncset.done $0x0  }
0x8d: {  	[sflag:s20] =	ssyncadd.s32 $0xFFFFF800  }
0x8e: {  	_ =	swait.ge [sflag:s20], $0x800  }
0x8f: {  	[sflag:s20] =	ssyncset.done $0x0  }
0x90: {  	[sflag:s20] =	ssyncadd.s32 $0xFFFFF800  }
0x91: {  	_ =	swait.ge [sflag:s20], $0x800  }
0x92: {  	[sflag:s20] =	ssyncset.done $0x0  }
0x93: {  	[sflag:s20] =	ssyncadd.s32 $0xFFFFF800  }
0x94: {  	_ =	swait.ge [sflag:s20], $0x800  }
0x95: {  	[sflag:s20] =	ssyncset.done $0x0  }
0x96: {  	[sflag:s20] =	ssyncadd.s32 $0xFFFFF800  }
0x97: {  	_ =	swait.ge [sflag:s20], $0x800  }
0x98: {  	[sflag:s20] =	ssyncset.done $0x0  }
0x99: {  	[sflag:s20] =	ssyncadd.s32 $0xFFFFF800  }
0x9a: {  	_ =	swait.ge [sflag:s20], $0x800  }
0x9b: {  	s21 =	sadd.s32 $0x1, s21;
	[sflag:s20] =	ssyncset.done $0x0  }
0x9c: {  	p0 =	sne.s32 s21, s8;
	[sflag:s20] =	ssyncadd.s32 $0xFFFFF800  }
.Ltmp1:
0x9d: {  	[bflag:$0x0] =	sbarrier.arrive $0xFFFF;
	(pc) =	sbr.rel @p0 .LBB2_1-.Ltmp1, $4  }
0x9e: {  	[hbm:s7], [sflag:s6] =	dma.local [spmem:s10], $0x3300  }
0x9f: {  	_ =	swait.ge [sflag:s11], $0x3300  }
0xa0: {  	[sflag:s11] =	ssyncset.done $0x0  }
0xa1: {  	[sflag:s11] =	ssyncadd.s32 $0xFFFFCD00  }
0xa2: {  	_ =	sfence.sel $0x180000  }
0xa3: {  	[bflag:$0x0] =	sbarrier.arrive $0xFFFF  }
0xa4: {  	p0 =	sne.s32 s1, $0x0;
	_ =	strace $0x90000047  }
0xa5: {  	s0 =	sadd.s32 @!p0 $0x100000, s0;
	[bflag:$0x2] =	sbarrier.arrive $0xFFFF  }
0xa6: {  	[sflag:s0] =	ssyncadd.tile.s32 @!p0 $0x1;
	_ =	shalt  }
.Lfunc_end2:
_tile_overlayer_lowered:
.L_overlay_start_2:
0xa7: {  	(tag) =	ssettag $0x2  }
0xa8: {  	s0 =	rddreg [dreg:$0x0];
	s2 =	stileid.u32  }
0xa9: {  	s1 =	rddreg [dreg:$0x1];
	p0 =	sne.s32 s2, $0x0  }
0xaa: {  	s3 =	rddreg [dreg:$0x2];
	[bflag:$0x3] =	sbarrier.arrive $0xFFFF;
	s2 =	simm.s32 @!p0 $0x1C02  }
0xab: {  	[timem:s3], [sflag:s2] =	dma.local @!p0 [hbm:s0], s1  }
0xac: {  	s0 =	simm.s32 @!p0 $0x2  }
0xad: {  	_ =	swait.ge @!p0 [sflag:s0], s1  }
0xae: {  	s1 =	ssub.s32 @!p0 $0x0, s1;
	[sflag:s0] =	ssyncset.done @!p0 $0x0  }
0xaf: {  	[sflag:s0] =	ssyncadd.s32 @!p0 s1  }
0xb0: {  	[bflag:$0x3] =	sbarrier.arrive $0xFFFF  }
0xb1: {  	_ =	shalt  }

// kernel: kernel.14.cloned.1.call-start
scs
__scs_entry_jumppad:
0x0: {  	(pc) =	sbr.rel $0x88, $3  }
0x1: {  	(tag) =	ssettag $0x0;
	lr =	simm.s32 $0x1  }
0x2: {  	[smem:$0x3F8E] =	sst lr;
	_ =	strace $0xD0000000  }
0x3: {  	_ = 	snop  }
0x4: {  	_ = 	snop  }
0x5: {  	_ = 	snop  }
0x6: {  	_ = 	snop  }
0x7: {  	_ = 	snop  }
__scs_overlays_trampoline_lowered:
0x8: {  	[smem:$0x3F9D] =	sst s0  }
0x9: {  	[smem:$0x3F9E] =	sst s1  }
0xa: {  	[smem:$0x3F9F] =	sst s2  }
0xb: {  	[smem:$0x3FA0] =	sst s3  }
0xc: {  	[smem:$0x3FA1] =	sst s4  }
0xd: {  	[smem:$0x3FA2] =	sst s5  }
0xe: {  	[smem:$0x3FA3] =	sst s6  }
0xf: {  	[smem:$0x3FA4] =	sst s7  }
0x10: {  	[smem:$0x3FA5] =	sst s8  }
0x11: {  	[smem:$0x3FA6] =	sst s9;
	s0 =	simm.s32 @!p0 $0x0  }
0x12: {  	s1 =	sld [smem:$0x3F8C];
	s0 =	simm.s32 @p0 $0x1  }
0x13: {  	[smem:$0x3FA7] =	sst s0;
	s0 =	simm.s32 @!p1 $0x0  }
0x14: {  	s2 =	sld [smem:$0x3F8B];
	s0 =	simm.s32 @p1 $0x1  }
0x15: {  	[smem:$0x3FA8] =	sst s0;
	s0 =	simm.s32 @!p2 $0x0  }
0x16: {  	s3 =	sld [smem:$0x3FDB];
	s0 =	simm.s32 @p2 $0x1  }
0x17: {  	s4 =	simm.s32 $0x1BF5;
	[smem:$0x3FAA] =	sst s0  }
0x18: {  	s0 =	sld [smem:$0x3F8D];
	_ =	swait.ge [sflag:s4], $0x0  }
0x19: {  	s7 =	sld [smem:$0x3F8E]  }
0x1a: {  	s8 =	sadd.s32 $0xFFFFE003, lr  }
0x1b: {  	s9 =	sadd.s32 $0xFFFFFEF7, lr;
	s5 =	simm.s32 $0xFFFFFFFF;
	p2 =	slt.u32 s8, $0xFFFFF086  }
0x1c: {  	p1 =	slt.u32 s9, $0xF7A;
	s5 =	simm.s32 @!p2 $0x0  }
0x1d: {  	s5 =	simm.s32 @p1 $0x1;
	p0 =	seq.s32 s7, s2  }
0x1e: {  	s7 =	smul.u32 @!p0 $0xF7A, s2;
	p2 =	seq.s32 @!p0 s5, $0x0  }
0x1f: {  	s9 =	smul.u32 $0xF7A, s1;
	s8 =	simm.s32 @!p0 $0x1BF5;
	p2 =	por !p2, p0  }
0x20: {  	[sflag:s8] =	ssyncset.s32 @!p0 $0xFFFFF086;
	s6 =	sadd.s32 @!p0 s3, s7;
	s7 =	simm.s32 @!p0 $0x108  }
0x21: {  	s3 =	sadd.s32 s3, s9;
	s6 =	sadd.s32 @!p0 $0x88, s6;
	s7 =	simm.s32 @p2 $0x1082  }
0x22: {  	[simem:s7], [sflag:s8] =	dma.local @!p0 [hbm:s6], $0xF7A  }
0x23: {  	s9 =	sor.u32 $0xD0000000, s2;
	s6 =	simm.s32 $0x108;
	_ =	swait.ge @!p0 [sflag:s8], $0x0  }
0x24: {  	s3 =	sadd.s32 $0x88, s3;
	s6 =	simm.s32 @!p1 $0x1082;
	[sflag:s4] =	ssyncset.s32 $0xFFFFF086  }
0x25: {  	[simem:s6], [sflag:s4] =	dma.local [hbm:s3], $0xF7A  }
0x26: {  	[smem:$0x3F8E] =	sst s1;
	(tag) =	ssettag s2;
	_ =	strace s9  }
0x27: {  	s1 =	sld [smem:$0x3F9E]  }
0x28: {  	s2 =	sld [smem:$0x3F9F]  }
0x29: {  	s4 =	sld [smem:$0x3FA1]  }
0x2a: {  	p0 =	seq.s32 s5, $0x0;
	s5 =	sld [smem:$0x3FA2]  }
0x2b: {  	s6 =	sld [smem:$0x3FA3]  }
0x2c: {  	s7 =	sld [smem:$0x3FA4]  }
0x2d: {  	s3 =	simm.s32 $0x108;
	s8 =	sld [smem:$0x3FA5]  }
0x2e: {  	s3 =	simm.s32 @!p0 $0x1082;
	s9 =	sld [smem:$0x3FA6]  }
0x2f: {  	lr =	sadd.s32 s0, s3;
	s0 =	sld [smem:$0x3F9D]  }
0x30: {  	s3 =	sld [smem:$0x3FA0]  }
0x31: {  	[smem:$0x3FA9] =	sst s10  }
0x32: {  	s10 =	sld [smem:$0x3FA7];
	_ =	sdelay $0x3  }
0x33: {  	p0 =	seq.s32 s10, $0x1;
	s10 =	sld [smem:$0x3FA9];
	_ =	sdelay $0x3  }
0x34: {  	[smem:$0x3FA9] =	sst s10  }
0x35: {  	s10 =	sld [smem:$0x3FA8];
	_ =	sdelay $0x3  }
0x36: {  	p1 =	seq.s32 s10, $0x1;
	s10 =	sld [smem:$0x3FA9];
	_ =	sdelay $0x3  }
0x37: {  	[smem:$0x3FA9] =	sst s10  }
0x38: {  	s10 =	sld [smem:$0x3FAA]  }
0x39: {  	_ = 	snop;
	(pc) =	sbr.ind lr, $3  }
0x3a: {  	_ = 	snop  }
0x3b: {  	_ = 	snop  }
0x3c: {  	p2 =	seq.s32 s10, $0x1;
	s10 =	sld [smem:$0x3FA9]  }
0x3d: {  	_ =	shalt  }
0x3e: {  	_ =	shalt  }
0x3f: {  	_ =	shalt  }
0x40: {  	_ =	shalt  }
0x41: {  	_ =	shalt  }
0x42: {  	_ =	shalt  }
0x43: {  	_ =	shalt  }
0x44: {  	_ =	shalt  }
0x45: {  	_ =	shalt  }
0x46: {  	_ =	shalt  }
0x47: {  	_ =	shalt  }
0x48: {  	_ =	shalt  }
0x49: {  	_ =	shalt  }
0x4a: {  	_ =	shalt  }
0x4b: {  	_ =	shalt  }
0x4c: {  	_ =	shalt  }
0x4d: {  	_ =	shalt  }
0x4e: {  	_ =	shalt  }
0x4f: {  	_ =	shalt  }
0x50: {  	_ =	shalt  }
0x51: {  	_ =	shalt  }
0x52: {  	_ =	shalt  }
0x53: {  	_ =	shalt  }
0x54: {  	_ =	shalt  }
0x55: {  	_ =	shalt  }
0x56: {  	_ =	shalt  }
0x57: {  	_ =	shalt  }
0x58: {  	_ =	shalt  }
0x59: {  	_ =	shalt  }
0x5a: {  	_ =	shalt  }
0x5b: {  	_ =	shalt  }
0x5c: {  	_ =	shalt  }
0x5d: {  	_ =	shalt  }
0x5e: {  	_ =	shalt  }
0x5f: {  	_ =	shalt  }
0x60: {  	_ =	shalt  }
0x61: {  	_ =	shalt  }
0x62: {  	_ =	shalt  }
0x63: {  	_ =	shalt  }
0x64: {  	_ =	shalt  }
0x65: {  	_ =	shalt  }
0x66: {  	_ =	shalt  }
0x67: {  	_ =	shalt  }
0x68: {  	_ =	shalt  }
0x69: {  	_ =	shalt  }
0x6a: {  	_ =	shalt  }
0x6b: {  	_ =	shalt  }
0x6c: {  	_ =	shalt  }
0x6d: {  	_ =	shalt  }
0x6e: {  	_ =	shalt  }
0x6f: {  	_ =	shalt  }
0x70: {  	_ =	shalt  }
0x71: {  	_ =	shalt  }
0x72: {  	_ =	shalt  }
0x73: {  	_ =	shalt  }
0x74: {  	_ =	shalt  }
0x75: {  	_ =	shalt  }
0x76: {  	_ =	shalt  }
0x77: {  	_ =	shalt  }
0x78: {  	_ =	shalt  }
0x79: {  	_ =	shalt  }
0x7a: {  	_ =	shalt  }
0x7b: {  	_ =	shalt  }
0x7c: {  	_ =	shalt  }
0x7d: {  	_ =	shalt  }
0x7e: {  	_ =	shalt  }
0x7f: {  	_ =	shalt  }
0x80: {  	_ =	shalt  }
0x81: {  	_ =	shalt  }
0x82: {  	_ =	shalt  }
0x83: {  	_ =	shalt  }
0x84: {  	_ =	shalt  }
0x85: {  	_ =	shalt  }
0x86: {  	_ =	shalt  }
0x87: {  	_ =	shalt  }
.Lfunc_end0:
.L_simem_size_0:
called_computation.1_lowered:
.L_overlay_start_0:
0x88: {  	s2 =	sld [smem:$0x3FD9]  }
0x89: {  	s3 =	sld [smem:$0x3FFE];
	_ =	sdelay $0x1  }
0x8a: {  	s1 =	srdreg.scid  }
0x8b: {  	s0 =	sand.u32 $0x1, s1  }
0x8c: {  	s16 =	sshll.u32 s0, $0xA;
	s2 =	sadd.s32 s3, s2  }
0x8d: {  	s2 =	sadd.s32 s2, s16  }
0x8e: {  	[smem:$0x3FB5] =	sst s2  }
0x8f: {  	_ = 	snop  }
0x90: {  	(tm) =	ssettm $0x1  }
0x91: {  	s17 =	sld [smem:$0x3FFB];
	_ =	sdelay $0x3  }
0x92: {  	_ =	strace s17  }
0x93: {  	s2 =	sld [smem:$0x3FFC];
	_ =	sdelay $0x3  }
0x94: {  	_ =	strace s2  }
0x95: {  	s2 =	sld [smem:$0x3FFD];
	_ =	sdelay $0x3  }
0x96: {  	_ =	strace s2  }
0x97: {  	_ =	strace $0x8FFFFFFF  }
0x98: {  	s18 =	sld [smem:$0x3FDB];
	_ =	sdelay $0x1  }
0x99: {  	s19 =	simm.s32 $_scs_section_size  }
0x9a: {  	s4 =	simm.s32 $_size__tile_overlayer_lowered;
	s5 =	simm.s32 $_tile_overlayer_lowered  }
0x9b: {  	s22 =	simm.s32 $0x1BFF;
	s21 =	sshll.u32 s5, $0x1;
	s2 =	sadd.s32 s19, s18  }
0x9c: {  	s6 =	simm.s32 $0x0;
	s20 =	sshll.u32 s4, $0x1;
	s4 =	sadd.s32 s21, s2  }
0x9d: {  	[timem:s6], [sflag:s22] =	dma.local [hbm:s4], s20  }
0x9e: {  	_ =	swait.ge [sflag:s22], s20  }
0x9f: {  	s3 =	ssub.s32 $0x0, s20;
	[sflag:s22] =	ssyncset.done $0x0  }
0xa0: {  	[sflag:s22] =	ssyncadd.s32 s3;
	_ =	sdelay $0x1  }
0xa1: {  	s23 =	simm.s32 $0x1B8B  }
0xa2: {  	_ =	swait.ge [sflag:s23], $0x1  }
0xa3: {  	[sflag:s23] =	ssyncset.done $0x0  }
0xa4: {  	s25 =	simm.s32 $0x1B8E;
	s24 =	sld [smem:$0x3FFE];
	[sflag:s23] =	ssyncadd.s32 $0xFFFFFFFF  }
0xa5: {  	s26 =	simm.s32 $execute0_lowered;
	[smem:$0x3FD2] =	sst s25  }
0xa6: {  	s4 =	sshll.u32 s26, $0x1;
	_ =	strace $0x80000049;
	[dreg:$0x1] =	wrdreg $0xFFFFFFFF  }
0xa7: {  	s28 =	simm.s32 $_size_execute0_lowered;
	s2 =	sadd.s32 s2, s4;
	[dreg:$0x0] =	wrdreg $0x0  }
0xa8: {  	s4 =	sshll.u32 s28, $0x1;
	[dreg:$0x2] =	wrdreg s2  }
0xa9: {  	[dreg:$0x3] =	wrdreg s4  }
0xaa: {  	[dreg:$0x4] =	wrdreg $0xC0  }
0xab: {  	_ =	task [dreg:s6], $0x5FFFF  }
0xac: {  	[dreg:$0x1] =	wrdreg $0xFFFFFFFF  }
0xad: {  	[dreg:$0x0] =	wrdreg $0x60  }
0xae: {  	[dreg:$0x2] =	wrdreg s24  }
0xaf: {  	[dreg:$0x3] =	wrdreg $0x48000  }
0xb0: {  	[dreg:$0x4] =	wrdreg $0x9  }
0xb1: {  	_ =	task.clear_ibuf [dreg:s6], $0x5FFFF;
	_ =	strace $0x90000049  }
0xb2: {  	s29 =	simm.s32 $0x9;
	_ =	strace $0x8000004B  }
0xb3: {  	_ =	swait.ge [sflag:s29], $0x1  }
0xb4: {  	[sflag:s29] =	ssyncadd.s32 $0xFFFFFFFF  }
0xb5: {  	_ =	strace $0x9000004B  }
0xb6: {  	_ =	sfence  }
0xb7: {  	s30 =	sld [smem:$0x0];
	_ =	sdelay $0x2  }
0xb8: {  	s31 =	sshll.u32 s1, $0xD;
	s1 =	sshrl.u32 s1, $0x2  }
0xb9: {  	s3 =	sand.u32 $0x4000, s31;
	s1 =	sadd.s32 s1, s30  }
0xba: {  	s0 =	sor.u32 s3, s0;
	s1 =	sshll.u32 s1, $0x11  }
0xbb: {  	s0 =	sor.u32 s1, s0  }
0xbc: {  	s0 =	sadd.s32 $0x8F2B, s0  }
0xbd: {  	[sflag:s0] =	ssyncadd.remote.s32 $0x1  }
0xbe: {  	_ =	sfence.sel $0xFFFF  }
0xbf: {  	[dreg:$0x0] =	wrdreg $0xFFFFFFFF;
	(pc) =	sbr.abs _section_cstart, $3  }
0xc0: {  	[dreg:$0x1] =	wrdreg $0xFFFFFFFF  }
0xc1: {  	_ =	task.clear_ibuf [dreg:s6], $0x2FFFF;
	_ =	strace $0x9FFFFFFF  }
0xc2: {  	(tm) =	ssettm $0x7FFFFFFF  }
0xc3: {  	_ =	shalt  }
tec
execute0_lowered:
.L_overlay_start_1:
0x0: {  	(tag) =	ssettag $0x1  }
0x1: {  	s0 =	rddreg [dreg:$0x0]  }
0x2: {  	s2 =	rddreg [dreg:$0x1]  }
0x3: {  	s10 =	stileid.u32;
	s4 =	srdreg.scid  }
0x4: {  	s3 =	simm.s32 $0x0;
	s12 =	simm.s32 $0x3;
	s13 =	simm.s32 $0x400  }
0x5: {  	s14 =	simm.s32 $0x80;
	s15 =	simm.s32 $0x800;
	s19 =	simm.s32 $0x280  }
0x6: {  	s20 =	simm.s32 $0x300;
	s21 =	simm.s32 $0x380;
	s22 =	simm.s32 $0x480  }
0x7: {  	s23 =	simm.s32 $0x500;
	s24 =	simm.s32 $0x580;
	s25 =	simm.s32 $0x680  }
0x8: {  	s26 =	simm.s32 $0x700;
	[smem:$0x7FF] =	sst s3;
	s17 =	sadd.s32 $0x34000, s0  }
0x9: {  	s31 =	simm.s32 $0x780;
	_ =	strace $0x8000004A;
	[dreg:$0xc] =	wrdreg s17  }
0xa: {  	s28 =	simm.s32 $0x4000;
	s29 =	simm.s32 $0x2;
	[dreg:$0x3] =	wrdreg s19  }
0xb: {  	s30 =	simm.s32 $0x0;
	s1 =	smul.u32 $0x3100, s10;
	[dreg:$0x4] =	wrdreg s20  }
0xc: {  	s7 =	sand.u32 $0x1, s4;
	s16 =	smul.u32 $0x3300, s10;
	[dreg:$0x5] =	wrdreg s21  }
0xd: {  	s6 =	smul.u32 $0x66000, s10;
	s10 =	sshll.u32 s10, $0x6;
	[dreg:$0x6] =	wrdreg s22  }
0xe: {  	s5 =	smul.u32 $0x33000, s7;
	s18 =	ssub.s32 $0x2, s7;
	[dreg:$0x7] =	wrdreg s23  }
0xf: {  	p0 =	seq.s32 s7, $0x0;
	s20 =	simm.s32 $0x2000;
	[dreg:$0x8] =	wrdreg s24  }
0x10: {  	s21 =	simm.s32 $0x200;
	s22 =	simm.s32 $0x600;
	[dreg:$0x9] =	wrdreg s25  }
0x11: {  	s23 =	simm.s32 $0x1;
	s24 =	simm.s32 $0x2800;
	[dreg:$0xa] =	wrdreg s26  }
0x12: {  	[dreg:$0xb] =	wrdreg s31;
	s25 =	simm.s32 $0x3000;
	s26 =	simm.s32 $0x3800  }
0x13: {  	s1 =	sadd.s32 s1, s0;
	s9 =	sshrl.u32 s18, $0x1;
	s6 =	sshrl.u32 s6, $0x2  }
0x14: {  	s5 =	sadd.s32 s16, s5;
	s9 =	ssub.s32 s18, s9;
	s11 =	sadd.s32 s6, s2  }
0x15: {  	s6 =	sadd.s32 $0x22D400, s1;
	s7 =	sadd.s32 $0x3000, s1;
	s16 =	simm.s32 $0x1000  }
0x16: {  	s8 =	sadd.s32 s5, s0;
	s5 =	sor.u32 $0x1C03, s10;
	s10 =	simm.s32 $0x69400  }
0x17: {  	s18 =	simm.s32 $0x1800;
	s9 =	smax.u32 s9, $0x1;
	s10 =	simm.s32 @!p0 $0x37400  }
0x18: {  	s11 =	sshrl.u32 s11, $0x3;
	s8 =	sadd.s32 $0x9B400, s8;
	s10 =	sadd.s32 s10, s0  }
.LBB2_1:
0x19: {  	s0 =	rddreg [dreg:$0xc]  }
0x1a: {  	[spmem:s11], [sflag:s5] =	dma.local [hbm:s0], $0x3300  }
0x1b: {  	_ =	swait.ge [sflag:s12], $0x3300  }
0x1c: {  	[sflag:s12] =	ssyncset.done $0x0  }
0x1d: {  	[sflag:s12] =	ssyncadd.s32 $0xFFFFCD00  }
0x1e: {  	[bflag:$0x0] =	sbarrier.arrive $0xFFFF  }
0x1f: {  	[tilespmem:s3], [sflag:$0x3] =	stream.linear.gather [hbm4b:s6+s3], $0x200, $0x38;
	[tilespmem:$0x1E000] =	vst v63  }
0x20: {  	_ =	swait.ge [sflag:s12], $0x200  }
0x21: {  	[sflag:s12] =	ssyncset.done $0x0  }
0x22: {  	[sflag:s12] =	ssyncadd.s32 $0xFFFFFE00  }
0x23: {  	[tilespmem:s13], [sflag:$0x3] =	stream.linear.gather [hbm4b:s7+s3], $0x200, $0x38;
	[tilespmem:$0x1E000] =	vst v63  }
0x24: {  	_ =	swait.ge [sflag:s12], $0x200  }
0x25: {  	[sflag:s12] =	ssyncset.done $0x0  }
0x26: {  	[sflag:s12] =	ssyncadd.s32 $0xFFFFFE00  }
0x27: {  	[tilespmem:s15], [sflag:$0x1] =	stream.indirect.gather [hbm4b:s10+s14], $0x10, s3, s14, $0xb8;
	[tilespmem:$0x1E000] =	vst v63  }
0x28: {  	_ = 	snop  }
0x29: {  	[tilespmem:s16], [sflag:$0x1] =	stream.indirect.gather [hbm4b:s10+s14], $0x10, s14, s14, $0xb8;
	[tilespmem:$0x1E000] =	vst v63  }
0x2a: {  	s17 =	simm.s32 $0x100  }
0x2b: {  	[tilespmem:s18], [sflag:$0x1] =	stream.indirect.gather [hbm4b:s10+s14], $0x10, s17, s14, $0xb8;
	[tilespmem:$0x1E000] =	vst v63  }
0x2c: {  	s19 =	simm.s32 $0x180;
	s1 =	sadd.s32 $0x0, s6  }
0x2d: {  	[tilespmem:s20], [sflag:$0x1] =	stream.indirect.gather [hbm4b:s10+s14], $0x10, s19, s14, $0xb8;
	[tilespmem:$0x1E000] =	vst v63  }
0x2e: {  	s0 =	sadd.s32 $0x40, s1  }
0x2f: {  	[tilespmem:s21], [sflag:$0x3] =	stream.linear.gather [hbm4b:s0+s3], $0x200, $0x38;
	[tilespmem:$0x1E000] =	vst v63  }
0x30: {  	_ =	swait.ge [sflag:s12], $0x200  }
0x31: {  	s4 =	sadd.s32 $0x0, s7;
	[sflag:s12] =	ssyncset.done $0x0  }
0x32: {  	s0 =	sadd.s32 $0x40, s4;
	[sflag:s12] =	ssyncadd.s32 $0xFFFFFE00  }
0x33: {  	[tilespmem:s22], [sflag:$0x3] =	stream.linear.gather [hbm4b:s0+s3], $0x200, $0x38;
	[tilespmem:$0x1E000] =	vst v63  }
0x34: {  	_ =	swait.ge [sflag:s12], $0x200  }
0x35: {  	[sflag:s12] =	ssyncset.done $0x0  }
0x36: {  	[sflag:s12] =	ssyncadd.s32 $0xFFFFFE00  }
0x37: {  	_ =	swait.ge [sflag:s23], $0x800  }
0x38: {  	[sflag:s23] =	ssyncset.done $0x0  }
0x39: {  	[sflag:s23] =	ssyncadd.s32 $0xFFFFF800  }
0x3a: {  	_ =	swait.ge [sflag:s23], $0x800  }
0x3b: {  	[sflag:s23] =	ssyncset.done $0x0  }
0x3c: {  	[sflag:s23] =	ssyncadd.s32 $0xFFFFF800  }
0x3d: {  	_ =	swait.ge [sflag:s23], $0x800  }
0x3e: {  	[sflag:s23] =	ssyncset.done $0x0  }
0x3f: {  	[sflag:s23] =	ssyncadd.s32 $0xFFFFF800  }
0x40: {  	_ =	swait.ge [sflag:s23], $0x800  }
0x41: {  	[sflag:s23] =	ssyncset.done $0x0  }
0x42: {  	[sflag:s23] =	ssyncadd.s32 $0xFFFFF800  }
0x43: {  	[tilespmem:s24], [sflag:$0x1] =	stream.indirect.gather [hbm4b:s10+s14], $0x10, s21, s14, $0xb8;
	[tilespmem:$0x1E000] =	vst v63  }
0x44: {  	s17 =	rddreg [dreg:$0x3]  }
0x45: {  	[tilespmem:s25], [sflag:$0x1] =	stream.indirect.gather [hbm4b:s10+s14], $0x10, s17, s14, $0xb8;
	[tilespmem:$0x1E000] =	vst v63  }
0x46: {  	s1 =	rddreg [dreg:$0x4]  }
0x47: {  	[tilespmem:s26], [sflag:$0x1] =	stream.indirect.gather [hbm4b:s10+s14], $0x10, s1, s14, $0xb8;
	[tilespmem:$0x1E000] =	vst v63  }
0x48: {  	s19 =	rddreg [dreg:$0x5]  }
0x49: {  	[tilespmem:s28], [sflag:$0x1] =	stream.indirect.gather [hbm4b:s10+s14], $0x10, s19, s14, $0xb8;
	[tilespmem:$0x1E000] =	vst v63  }
0x4a: {  	_ = 	snop  }
0x4b: {  	[spmem:s2] =	stream.indirect.scatter.add.f32 [tilespmem:s15], [sflag:$0x2], $0x10, s13, s14, $0xb8;
	[tilespmem:$0x1E000] =	vst v63  }
0x4c: {  	s4 =	rddreg [dreg:$0x6]  }
0x4d: {  	[spmem:s2] =	stream.indirect.scatter.add.f32 [tilespmem:s16], [sflag:$0x2], $0x10, s4, s14, $0xb8;
	[tilespmem:$0x1E000] =	vst v63  }
0x4e: {  	s17 =	rddreg [dreg:$0x7]  }
0x4f: {  	[spmem:s2] =	stream.indirect.scatter.add.f32 [tilespmem:s18], [sflag:$0x2], $0x10, s17, s14, $0xb8;
	[tilespmem:$0x1E000] =	vst v63  }
0x50: {  	s19 =	rddreg [dreg:$0x8]  }
0x51: {  	[spmem:s2] =	stream.indirect.scatter.add.f32 [tilespmem:s20], [sflag:$0x2], $0x10, s19, s14, $0xb8;
	[tilespmem:$0x1E000] =	vst v63  }
0x52: {  	_ =	swait.ge [sflag:s29], $0x800  }
0x53: {  	[sflag:s29] =	ssyncset.done $0x0  }
0x54: {  	[sflag:s29] =	ssyncadd.s32 $0xFFFFF800  }
0x55: {  	_ =	swait.ge [sflag:s29], $0x800  }
0x56: {  	[sflag:s29] =	ssyncset.done $0x0  }
0x57: {  	[sflag:s29] =	ssyncadd.s32 $0xFFFFF800  }
0x58: {  	_ =	swait.ge [sflag:s29], $0x800  }
0x59: {  	[sflag:s29] =	ssyncset.done $0x0  }
0x5a: {  	[sflag:s29] =	ssyncadd.s32 $0xFFFFF800  }
0x5b: {  	p0 =	por $0x0, $0x0;
	_ =	swait.ge [sflag:s29], $0x800  }
0x5c: {  	s31 =	simm.s32 @!p0 $0x0;
	s0 =	sadd.s32 @!p0 $0x0, s6;
	[sflag:s29] =	ssyncset.done $0x0  }
0x5d: {  	s0 =	sadd.s32 @!p0 $0x80, s0;
	s1 =	simm.s32 @!p0 $0x3;
	[sflag:s29] =	ssyncadd.s32 $0xFFFFF800  }
0x5e: {  	[tilespmem:s31], [sflag:$0x3] =	stream.linear.gather @!p0 [hbm4b:s0+s31], $0x200, $0x38;
	[tilespmem:$0x1E000] =	vst v63  }
0x5f: {  	_ =	swait.ge @!p0 [sflag:s1], $0x200  }
0x60: {  	s0 =	sadd.s32 @!p0 $0x0, s7;
	[sflag:s1] =	ssyncset.done @!p0 $0x0  }
0x61: {  	s17 =	simm.s32 @!p0 $0x400;
	s0 =	sadd.s32 @!p0 $0x80, s0;
	[sflag:s1] =	ssyncadd.s32 @!p0 $0xFFFFFE00  }
0x62: {  	[tilespmem:s17], [sflag:$0x3] =	stream.linear.gather @!p0 [hbm4b:s0+s31], $0x200, $0x38;
	[tilespmem:$0x1E000] =	vst v63  }
0x63: {  	_ =	swait.ge @!p0 [sflag:s1], $0x200  }
0x64: {  	[sflag:s1] =	ssyncset.done @!p0 $0x0  }
0x65: {  	[sflag:s1] =	ssyncadd.s32 @!p0 $0xFFFFFE00  }
0x66: {  	_ =	swait.ge [sflag:s23], $0x800  }
0x67: {  	[sflag:s23] =	ssyncset.done $0x0  }
0x68: {  	[sflag:s23] =	ssyncadd.s32 $0xFFFFF800  }
0x69: {  	_ =	swait.ge [sflag:s23], $0x800  }
0x6a: {  	[sflag:s23] =	ssyncset.done $0x0  }
0x6b: {  	[sflag:s23] =	ssyncadd.s32 $0xFFFFF800  }
0x6c: {  	_ =	swait.ge [sflag:s23], $0x800  }
0x6d: {  	[sflag:s23] =	ssyncset.done $0x0  }
0x6e: {  	[sflag:s23] =	ssyncadd.s32 $0xFFFFF800  }
0x6f: {  	_ =	swait.ge [sflag:s23], $0x800  }
0x70: {  	[sflag:s23] =	ssyncset.done $0x0  }
0x71: {  	s0 =	simm.s32 @!p0 $0x80;
	s1 =	simm.s32 @!p0 $0x800;
	[sflag:s23] =	ssyncadd.s32 $0xFFFFF800  }
0x72: {  	[tilespmem:s1], [sflag:$0x1] =	stream.indirect.gather @!p0 [hbm4b:s10+s0], $0x10, s31, s0, $0xb8;
	[tilespmem:$0x1E000] =	vst v63  }
0x73: {  	s1 =	simm.s32 @!p0 $0x1000  }
0x74: {  	[tilespmem:s1], [sflag:$0x1] =	stream.indirect.gather @!p0 [hbm4b:s10+s0], $0x10, s0, s0, $0xb8;
	[tilespmem:$0x1E000] =	vst v63  }
0x75: {  	s17 =	simm.s32 @!p0 $0x1800;
	s1 =	simm.s32 @!p0 $0x100  }
0x76: {  	[tilespmem:s17], [sflag:$0x1] =	stream.indirect.gather @!p0 [hbm4b:s10+s0], $0x10, s1, s0, $0xb8;
	[tilespmem:$0x1E000] =	vst v63  }
0x77: {  	s1 =	simm.s32 @!p0 $0x180;
	s17 =	simm.s32 @!p0 $0x2000  }
0x78: {  	[tilespmem:s17], [sflag:$0x1] =	stream.indirect.gather @!p0 [hbm4b:s10+s0], $0x10, s1, s0, $0xb8;
	[tilespmem:$0x1E000] =	vst v63  }
0x79: {  	_ = 	snop  }
0x7a: {  	[spmem:s2] =	stream.indirect.scatter.add.f32 [tilespmem:s24], [sflag:$0x2], $0x10, s22, s14, $0xb8;
	[tilespmem:$0x1E000] =	vst v63  }
0x7b: {  	s4 =	rddreg [dreg:$0x9]  }
0x7c: {  	[spmem:s2] =	stream.indirect.scatter.add.f32 [tilespmem:s25], [sflag:$0x2], $0x10, s4, s14, $0xb8;
	[tilespmem:$0x1E000] =	vst v63  }
0x7d: {  	s17 =	rddreg [dreg:$0xa]  }
0x7e: {  	[spmem:s2] =	stream.indirect.scatter.add.f32 [tilespmem:s26], [sflag:$0x2], $0x10, s17, s14, $0xb8;
	[tilespmem:$0x1E000] =	vst v63  }
0x7f: {  	s19 =	rddreg [dreg:$0xb]  }
0x80: {  	[spmem:s2] =	stream.indirect.scatter.add.f32 [tilespmem:s28], [sflag:$0x2], $0x10, s19, s14, $0xb8;
	[tilespmem:$0x1E000] =	vst v63  }
0x81: {  	_ =	swait.ge [sflag:s29], $0x800  }
0x82: {  	[sflag:s29] =	ssyncset.done $0x0  }
0x83: {  	[sflag:s29] =	ssyncadd.s32 $0xFFFFF800  }
0x84: {  	_ =	swait.ge [sflag:s29], $0x800  }
0x85: {  	[sflag:s29] =	ssyncset.done $0x0  }
0x86: {  	[sflag:s29] =	ssyncadd.s32 $0xFFFFF800  }
0x87: {  	_ =	swait.ge [sflag:s29], $0x800  }
0x88: {  	[sflag:s29] =	ssyncset.done $0x0  }
0x89: {  	[sflag:s29] =	ssyncadd.s32 $0xFFFFF800  }
0x8a: {  	s31 =	simm.s32 $0x80;
	_ =	swait.ge [sflag:s29], $0x800  }
0x8b: {  	s0 =	simm.s32 $0x100;
	s1 =	sadd.s32 $0x80, s6;
	[sflag:s29] =	ssyncset.done $0x0  }
.LBB2_2:
0x8c: {  	s17 =	sadd.s32 $0x40, s1;
	[sflag:s29] =	ssyncadd.s32 $0xFFFFF800  }
0x8d: {  	[tilespmem:s21], [sflag:$0x3] =	stream.linear.gather [hbm4b:s17+s3], $0x200, $0x38;
	[tilespmem:$0x1E000] =	vst v63  }
0x8e: {  	_ =	swait.ge [sflag:s12], $0x200  }
0x8f: {  	s19 =	sadd.s32 s31, s7;
	[sflag:s12] =	ssyncset.done $0x0  }
0x90: {  	s17 =	sadd.s32 $0x40, s19;
	[sflag:s12] =	ssyncadd.s32 $0xFFFFFE00  }
0x91: {  	[tilespmem:s22], [sflag:$0x3] =	stream.linear.gather [hbm4b:s17+s3], $0x200, $0x38;
	[tilespmem:$0x1E000] =	vst v63  }
0x92: {  	_ =	swait.ge [sflag:s12], $0x200  }
0x93: {  	[sflag:s12] =	ssyncset.done $0x0  }
0x94: {  	[sflag:s12] =	ssyncadd.s32 $0xFFFFFE00  }
0x95: {  	_ =	swait.ge [sflag:s23], $0x800  }
0x96: {  	[sflag:s23] =	ssyncset.done $0x0  }
0x97: {  	[sflag:s23] =	ssyncadd.s32 $0xFFFFF800  }
0x98: {  	_ =	swait.ge [sflag:s23], $0x800  }
0x99: {  	[sflag:s23] =	ssyncset.done $0x0  }
0x9a: {  	[sflag:s23] =	ssyncadd.s32 $0xFFFFF800  }
0x9b: {  	_ =	swait.ge [sflag:s23], $0x800  }
0x9c: {  	[sflag:s23] =	ssyncset.done $0x0  }
0x9d: {  	[sflag:s23] =	ssyncadd.s32 $0xFFFFF800  }
0x9e: {  	_ =	swait.ge [sflag:s23], $0x800  }
0x9f: {  	[sflag:s23] =	ssyncset.done $0x0  }
0xa0: {  	[sflag:s23] =	ssyncadd.s32 $0xFFFFF800  }
0xa1: {  	[tilespmem:s24], [sflag:$0x1] =	stream.indirect.gather [hbm4b:s10+s14], $0x10, s21, s14, $0xb8;
	[tilespmem:$0x1E000] =	vst v63  }
0xa2: {  	s4 =	rddreg [dreg:$0x3]  }
0xa3: {  	[tilespmem:s25], [sflag:$0x1] =	stream.indirect.gather [hbm4b:s10+s14], $0x10, s4, s14, $0xb8;
	[tilespmem:$0x1E000] =	vst v63  }
0xa4: {  	s19 =	rddreg [dreg:$0x4]  }
0xa5: {  	[tilespmem:s26], [sflag:$0x1] =	stream.indirect.gather [hbm4b:s10+s14], $0x10, s19, s14, $0xb8;
	[tilespmem:$0x1E000] =	vst v63  }
0xa6: {  	s4 =	rddreg [dreg:$0x5]  }
0xa7: {  	[tilespmem:s28], [sflag:$0x1] =	stream.indirect.gather [hbm4b:s10+s14], $0x10, s4, s14, $0xb8;
	[tilespmem:$0x1E000] =	vst v63  }
0xa8: {  	_ = 	snop  }
0xa9: {  	[spmem:s2] =	stream.indirect.scatter.add.f32 [tilespmem:s15], [sflag:$0x2], $0x10, s13, s14, $0xb8;
	[tilespmem:$0x1E000] =	vst v63  }
0xaa: {  	s4 =	rddreg [dreg:$0x6]  }
0xab: {  	[spmem:s2] =	stream.indirect.scatter.add.f32 [tilespmem:s16], [sflag:$0x2], $0x10, s4, s14, $0xb8;
	[tilespmem:$0x1E000] =	vst v63  }
0xac: {  	s19 =	rddreg [dreg:$0x7]  }
0xad: {  	[spmem:s2] =	stream.indirect.scatter.add.f32 [tilespmem:s18], [sflag:$0x2], $0x10, s19, s14, $0xb8;
	[tilespmem:$0x1E000] =	vst v63  }
0xae: {  	s4 =	rddreg [dreg:$0x8]  }
0xaf: {  	[spmem:s2] =	stream.indirect.scatter.add.f32 [tilespmem:s20], [sflag:$0x2], $0x10, s4, s14, $0xb8;
	[tilespmem:$0x1E000] =	vst v63  }
0xb0: {  	_ =	swait.ge [sflag:s29], $0x800  }
0xb1: {  	[sflag:s29] =	ssyncset.done $0x0  }
0xb2: {  	[sflag:s29] =	ssyncadd.s32 $0xFFFFF800  }
0xb3: {  	_ =	swait.ge [sflag:s29], $0x800  }
0xb4: {  	[sflag:s29] =	ssyncset.done $0x0  }
0xb5: {  	[sflag:s29] =	ssyncadd.s32 $0xFFFFF800  }
0xb6: {  	_ =	swait.ge [sflag:s29], $0x800  }
0xb7: {  	[sflag:s29] =	ssyncset.done $0x0  }
0xb8: {  	p1 =	seq.s32 s31, $0x3080;
	[sflag:s29] =	ssyncadd.s32 $0xFFFFF800  }
0xb9: {  	s17 =	sadd.s32 @!p1 s31, s6;
	_ =	swait.ge [sflag:s29], $0x800  }
0xba: {  	s17 =	sadd.s32 @!p1 $0x80, s17;
	[sflag:s29] =	ssyncset.done $0x0  }
0xbb: {  	s19 =	simm.s32 @!p1 $0x3;
	s4 =	simm.s32 @!p1 $0x0;
	[sflag:s29] =	ssyncadd.s32 $0xFFFFF800  }
0xbc: {  	[tilespmem:s4], [sflag:$0x3] =	stream.linear.gather @!p1 [hbm4b:s17+s4], $0x200, $0x38;
	[tilespmem:$0x1E000] =	vst v63  }
0xbd: {  	s1 =	smov.u32 s0;
	_ =	swait.ge @!p1 [sflag:s19], $0x200  }
0xbe: {  	s17 =	sadd.s32 @!p1 s31, s7;
	s31 =	smov.u32 s1;
	[sflag:s19] =	ssyncset.done @!p1 $0x0  }
0xbf: {  	s1 =	sadd.s32 @!p1 $0x80, s17;
	s17 =	simm.s32 @!p1 $0x400;
	[sflag:s19] =	ssyncadd.s32 @!p1 $0xFFFFFE00  }
0xc0: {  	[tilespmem:s17], [sflag:$0x3] =	stream.linear.gather @!p1 [hbm4b:s1+s4], $0x200, $0x38;
	[tilespmem:$0x1E000] =	vst v63  }
0xc1: {  	_ =	swait.ge @!p1 [sflag:s19], $0x200  }
0xc2: {  	[sflag:s19] =	ssyncset.done @!p1 $0x0  }
0xc3: {  	[sflag:s19] =	ssyncadd.s32 @!p1 $0xFFFFFE00  }
0xc4: {  	_ =	swait.ge [sflag:s23], $0x800  }
0xc5: {  	[sflag:s23] =	ssyncset.done $0x0  }
0xc6: {  	[sflag:s23] =	ssyncadd.s32 $0xFFFFF800  }
0xc7: {  	_ =	swait.ge [sflag:s23], $0x800  }
0xc8: {  	[sflag:s23] =	ssyncset.done $0x0  }
0xc9: {  	[sflag:s23] =	ssyncadd.s32 $0xFFFFF800  }
0xca: {  	_ =	swait.ge [sflag:s23], $0x800  }
0xcb: {  	[sflag:s23] =	ssyncset.done $0x0  }
0xcc: {  	[sflag:s23] =	ssyncadd.s32 $0xFFFFF800  }
0xcd: {  	_ =	swait.ge [sflag:s23], $0x800  }
0xce: {  	[sflag:s23] =	ssyncset.done $0x0  }
0xcf: {  	s1 =	simm.s32 @!p1 $0x80;
	s17 =	simm.s32 @!p1 $0x800;
	[sflag:s23] =	ssyncadd.s32 $0xFFFFF800  }
0xd0: {  	[tilespmem:s17], [sflag:$0x1] =	stream.indirect.gather @!p1 [hbm4b:s10+s1], $0x10, s4, s1, $0xb8;
	[tilespmem:$0x1E000] =	vst v63  }
0xd1: {  	s4 =	simm.s32 @!p1 $0x1000  }
0xd2: {  	[tilespmem:s4], [sflag:$0x1] =	stream.indirect.gather @!p1 [hbm4b:s10+s1], $0x10, s1, s1, $0xb8;
	[tilespmem:$0x1E000] =	vst v63  }
0xd3: {  	s17 =	simm.s32 @!p1 $0x1800;
	s4 =	simm.s32 @!p1 $0x100  }
0xd4: {  	[tilespmem:s17], [sflag:$0x1] =	stream.indirect.gather @!p1 [hbm4b:s10+s1], $0x10, s4, s1, $0xb8;
	[tilespmem:$0x1E000] =	vst v63  }
0xd5: {  	s4 =	simm.s32 @!p1 $0x180;
	s17 =	simm.s32 @!p1 $0x2000  }
0xd6: {  	[tilespmem:s17], [sflag:$0x1] =	stream.indirect.gather @!p1 [hbm4b:s10+s1], $0x10, s4, s1, $0xb8;
	[tilespmem:$0x1E000] =	vst v63  }
0xd7: {  	_ = 	snop  }
0xd8: {  	[spmem:s2] =	stream.indirect.scatter.add.f32 [tilespmem:s24], [sflag:$0x2], $0x10, s22, s14, $0xb8;
	[tilespmem:$0x1E000] =	vst v63  }
0xd9: {  	s4 =	rddreg [dreg:$0x9]  }
0xda: {  	[spmem:s2] =	stream.indirect.scatter.add.f32 [tilespmem:s25], [sflag:$0x2], $0x10, s4, s14, $0xb8;
	[tilespmem:$0x1E000] =	vst v63  }
0xdb: {  	s17 =	rddreg [dreg:$0xa]  }
0xdc: {  	[spmem:s2] =	stream.indirect.scatter.add.f32 [tilespmem:s26], [sflag:$0x2], $0x10, s17, s14, $0xb8;
	[tilespmem:$0x1E000] =	vst v63  }
0xdd: {  	s19 =	rddreg [dreg:$0xb]  }
0xde: {  	[spmem:s2] =	stream.indirect.scatter.add.f32 [tilespmem:s28], [sflag:$0x2], $0x10, s19, s14, $0xb8;
	[tilespmem:$0x1E000] =	vst v63  }
0xdf: {  	_ =	swait.ge [sflag:s29], $0x800  }
0xe0: {  	[sflag:s29] =	ssyncset.done $0x0  }
0xe1: {  	[sflag:s29] =	ssyncadd.s32 $0xFFFFF800  }
0xe2: {  	_ =	swait.ge [sflag:s29], $0x800  }
0xe3: {  	s0 =	sadd.s32 $0x80, s0;
	[sflag:s29] =	ssyncset.done $0x0  }
0xe4: {  	p0 =	sne.s32 s0, $0x3100;
	[sflag:s29] =	ssyncadd.s32 $0xFFFFF800  }
.Ltmp0:
0xe5: {  	_ =	swait.ge [sflag:s29], $0x800;
	(pc) =	sbr.rel @p0 .LBB2_2-.Ltmp0, $4  }
0xe6: {  	[sflag:s29] =	ssyncset.done $0x0  }
0xe7: {  	[sflag:s29] =	ssyncadd.s32 $0xFFFFF800  }
0xe8: {  	_ =	swait.ge [sflag:s29], $0x800  }
0xe9: {  	s1 =	sadd.s32 s31, s6;
	[sflag:s29] =	ssyncset.done $0x0  }
0xea: {  	s0 =	sadd.s32 $0x40, s1;
	[sflag:s29] =	ssyncadd.s32 $0xFFFFF800  }
0xeb: {  	[tilespmem:s21], [sflag:$0x3] =	stream.linear.gather [hbm4b:s0+s3], $0x200, $0x38;
	[tilespmem:$0x1E000] =	vst v63  }
0xec: {  	_ =	swait.ge [sflag:s12], $0x200  }
0xed: {  	s4 =	sadd.s32 s31, s7;
	[sflag:s12] =	ssyncset.done $0x0  }
0xee: {  	s0 =	sadd.s32 $0x40, s4;
	[sflag:s12] =	ssyncadd.s32 $0xFFFFFE00  }
0xef: {  	[tilespmem:s22], [sflag:$0x3] =	stream.linear.gather [hbm4b:s0+s3], $0x200, $0x38;
	[tilespmem:$0x1E000] =	vst v63  }
0xf0: {  	_ =	swait.ge [sflag:s12], $0x200  }
0xf1: {  	[sflag:s12] =	ssyncset.done $0x0  }
0xf2: {  	[sflag:s12] =	ssyncadd.s32 $0xFFFFFE00  }
0xf3: {  	_ =	swait.ge [sflag:s23], $0x800  }
0xf4: {  	[sflag:s23] =	ssyncset.done $0x0  }
0xf5: {  	[sflag:s23] =	ssyncadd.s32 $0xFFFFF800  }
0xf6: {  	_ =	swait.ge [sflag:s23], $0x800  }
0xf7: {  	[sflag:s23] =	ssyncset.done $0x0  }
0xf8: {  	[sflag:s23] =	ssyncadd.s32 $0xFFFFF800  }
0xf9: {  	_ =	swait.ge [sflag:s23], $0x800  }
0xfa: {  	[sflag:s23] =	ssyncset.done $0x0  }
0xfb: {  	[sflag:s23] =	ssyncadd.s32 $0xFFFFF800  }
0xfc: {  	_ =	swait.ge [sflag:s23], $0x800  }
0xfd: {  	[sflag:s23] =	ssyncset.done $0x0  }
0xfe: {  	[sflag:s23] =	ssyncadd.s32 $0xFFFFF800  }
0xff: {  	[tilespmem:s24], [sflag:$0x1] =	stream.indirect.gather [hbm4b:s10+s14], $0x10, s21, s14, $0xb8;
	[tilespmem:$0x1E000] =	vst v63  }
0x100: {  	s17 =	rddreg [dreg:$0x3]  }
0x101: {  	[tilespmem:s25], [sflag:$0x1] =	stream.indirect.gather [hbm4b:s10+s14], $0x10, s17, s14, $0xb8;
	[tilespmem:$0x1E000] =	vst v63  }
0x102: {  	s19 =	rddreg [dreg:$0x4]  }
0x103: {  	[tilespmem:s26], [sflag:$0x1] =	stream.indirect.gather [hbm4b:s10+s14], $0x10, s19, s14, $0xb8;
	[tilespmem:$0x1E000] =	vst v63  }
0x104: {  	s4 =	rddreg [dreg:$0x5]  }
0x105: {  	[tilespmem:s28], [sflag:$0x1] =	stream.indirect.gather [hbm4b:s10+s14], $0x10, s4, s14, $0xb8;
	[tilespmem:$0x1E000] =	vst v63  }
0x106: {  	_ = 	snop  }
0x107: {  	[spmem:s2] =	stream.indirect.scatter.add.f32 [tilespmem:s15], [sflag:$0x2], $0x10, s13, s14, $0xb8;
	[tilespmem:$0x1E000] =	vst v63  }
0x108: {  	s17 =	rddreg [dreg:$0x6]  }
0x109: {  	[spmem:s2] =	stream.indirect.scatter.add.f32 [tilespmem:s16], [sflag:$0x2], $0x10, s17, s14, $0xb8;
	[tilespmem:$0x1E000] =	vst v63  }
0x10a: {  	s19 =	rddreg [dreg:$0x7]  }
0x10b: {  	[spmem:s2] =	stream.indirect.scatter.add.f32 [tilespmem:s18], [sflag:$0x2], $0x10, s19, s14, $0xb8;
	[tilespmem:$0x1E000] =	vst v63  }
0x10c: {  	s4 =	rddreg [dreg:$0x8]  }
0x10d: {  	[spmem:s2] =	stream.indirect.scatter.add.f32 [tilespmem:s20], [sflag:$0x2], $0x10, s4, s14, $0xb8;
	[tilespmem:$0x1E000] =	vst v63  }
0x10e: {  	_ =	swait.ge [sflag:s29], $0x800  }
0x10f: {  	[sflag:s29] =	ssyncset.done $0x0  }
0x110: {  	[sflag:s29] =	ssyncadd.s32 $0xFFFFF800  }
0x111: {  	_ =	swait.ge [sflag:s29], $0x800  }
0x112: {  	[sflag:s29] =	ssyncset.done $0x0  }
0x113: {  	[sflag:s29] =	ssyncadd.s32 $0xFFFFF800  }
0x114: {  	_ =	swait.ge [sflag:s29], $0x800  }
0x115: {  	[sflag:s29] =	ssyncset.done $0x0  }
0x116: {  	[sflag:s29] =	ssyncadd.s32 $0xFFFFF800  }
0x117: {  	p0 =	seq.s32 s31, $0x3080;
	_ =	swait.ge [sflag:s29], $0x800  }
0x118: {  	s1 =	simm.s32 @!p0 $0x3;
	s0 =	sadd.s32 @!p0 s31, s6;
	[sflag:s29] =	ssyncset.done $0x0  }
0x119: {  	s0 =	sadd.s32 @!p0 $0x80, s0;
	s4 =	simm.s32 @!p0 $0x0;
	[sflag:s29] =	ssyncadd.s32 $0xFFFFF800  }
0x11a: {  	[tilespmem:s4], [sflag:$0x3] =	stream.linear.gather @!p0 [hbm4b:s0+s4], $0x200, $0x38;
	[tilespmem:$0x1E000] =	vst v63  }
0x11b: {  	_ =	swait.ge @!p0 [sflag:s1], $0x200  }
0x11c: {  	s0 =	sadd.s32 @!p0 s31, s7;
	[sflag:s1] =	ssyncset.done @!p0 $0x0  }
0x11d: {  	s17 =	simm.s32 @!p0 $0x400;
	s0 =	sadd.s32 @!p0 $0x80, s0;
	[sflag:s1] =	ssyncadd.s32 @!p0 $0xFFFFFE00  }
0x11e: {  	[tilespmem:s17], [sflag:$0x3] =	stream.linear.gather @!p0 [hbm4b:s0+s4], $0x200, $0x38;
	[tilespmem:$0x1E000] =	vst v63  }
0x11f: {  	_ =	swait.ge @!p0 [sflag:s1], $0x200  }
0x120: {  	[sflag:s1] =	ssyncset.done @!p0 $0x0  }
0x121: {  	[sflag:s1] =	ssyncadd.s32 @!p0 $0xFFFFFE00  }
0x122: {  	_ =	swait.ge [sflag:s23], $0x800  }
0x123: {  	[sflag:s23] =	ssyncset.done $0x0  }
0x124: {  	[sflag:s23] =	ssyncadd.s32 $0xFFFFF800  }
0x125: {  	_ =	swait.ge [sflag:s23], $0x800  }
0x126: {  	[sflag:s23] =	ssyncset.done $0x0  }
0x127: {  	[sflag:s23] =	ssyncadd.s32 $0xFFFFF800  }
0x128: {  	_ =	swait.ge [sflag:s23], $0x800  }
0x129: {  	[sflag:s23] =	ssyncset.done $0x0  }
0x12a: {  	[sflag:s23] =	ssyncadd.s32 $0xFFFFF800  }
0x12b: {  	_ =	swait.ge [sflag:s23], $0x800  }
0x12c: {  	[sflag:s23] =	ssyncset.done $0x0  }
0x12d: {  	s0 =	simm.s32 @!p0 $0x80;
	s1 =	simm.s32 @!p0 $0x800;
	[sflag:s23] =	ssyncadd.s32 $0xFFFFF800  }
0x12e: {  	[tilespmem:s1], [sflag:$0x1] =	stream.indirect.gather @!p0 [hbm4b:s10+s0], $0x10, s4, s0, $0xb8;
	[tilespmem:$0x1E000] =	vst v63  }
0x12f: {  	s1 =	simm.s32 @!p0 $0x1000  }
0x130: {  	[tilespmem:s1], [sflag:$0x1] =	stream.indirect.gather @!p0 [hbm4b:s10+s0], $0x10, s0, s0, $0xb8;
	[tilespmem:$0x1E000] =	vst v63  }
0x131: {  	s4 =	simm.s32 @!p0 $0x1800;
	s1 =	simm.s32 @!p0 $0x100  }
0x132: {  	[tilespmem:s4], [sflag:$0x1] =	stream.indirect.gather @!p0 [hbm4b:s10+s0], $0x10, s1, s0, $0xb8;
	[tilespmem:$0x1E000] =	vst v63  }
0x133: {  	s1 =	simm.s32 @!p0 $0x180;
	s4 =	simm.s32 @!p0 $0x2000  }
0x134: {  	[tilespmem:s4], [sflag:$0x1] =	stream.indirect.gather @!p0 [hbm4b:s10+s0], $0x10, s1, s0, $0xb8;
	[tilespmem:$0x1E000] =	vst v63  }
0x135: {  	_ = 	snop  }
0x136: {  	[spmem:s2] =	stream.indirect.scatter.add.f32 [tilespmem:s24], [sflag:$0x2], $0x10, s22, s14, $0xb8;
	[tilespmem:$0x1E000] =	vst v63  }
0x137: {  	s17 =	rddreg [dreg:$0x9]  }
0x138: {  	[spmem:s2] =	stream.indirect.scatter.add.f32 [tilespmem:s25], [sflag:$0x2], $0x10, s17, s14, $0xb8;
	[tilespmem:$0x1E000] =	vst v63  }
0x139: {  	s19 =	rddreg [dreg:$0xa]  }
0x13a: {  	[spmem:s2] =	stream.indirect.scatter.add.f32 [tilespmem:s26], [sflag:$0x2], $0x10, s19, s14, $0xb8;
	[tilespmem:$0x1E000] =	vst v63  }
0x13b: {  	s31 =	rddreg [dreg:$0xb]  }
0x13c: {  	[spmem:s2] =	stream.indirect.scatter.add.f32 [tilespmem:s28], [sflag:$0x2], $0x10, s31, s14, $0xb8;
	[tilespmem:$0x1E000] =	vst v63  }
0x13d: {  	_ =	swait.ge [sflag:s29], $0x800  }
0x13e: {  	[sflag:s29] =	ssyncset.done $0x0  }
0x13f: {  	[sflag:s29] =	ssyncadd.s32 $0xFFFFF800  }
0x140: {  	_ =	swait.ge [sflag:s29], $0x800  }
0x141: {  	[sflag:s29] =	ssyncset.done $0x0  }
0x142: {  	[sflag:s29] =	ssyncadd.s32 $0xFFFFF800  }
0x143: {  	_ =	swait.ge [sflag:s29], $0x800  }
0x144: {  	[sflag:s29] =	ssyncset.done $0x0  }
0x145: {  	[sflag:s29] =	ssyncadd.s32 $0xFFFFF800  }
0x146: {  	_ =	swait.ge [sflag:s29], $0x800  }
0x147: {  	s30 =	sadd.s32 $0x1, s30;
	[sflag:s29] =	ssyncset.done $0x0  }
0x148: {  	p0 =	sne.s32 s30, s9;
	[sflag:s29] =	ssyncadd.s32 $0xFFFFF800  }
.Ltmp1:
0x149: {  	[bflag:$0x0] =	sbarrier.arrive $0xFFFF;
	(pc) =	sbr.rel @p0 .LBB2_1-.Ltmp1, $4  }
0x14a: {  	[hbm:s8], [sflag:s5] =	dma.local [spmem:s11], $0x3300  }
0x14b: {  	_ =	swait.ge [sflag:s12], $0x3300  }
0x14c: {  	[sflag:s12] =	ssyncset.done $0x0  }
0x14d: {  	[sflag:s12] =	ssyncadd.s32 $0xFFFFCD00  }
0x14e: {  	_ =	sfence.sel $0x180000  }
0x14f: {  	[bflag:$0x0] =	sbarrier.arrive $0xFFFF  }
0x150: {  	_ =	strace $0x9000004A  }
0x151: {  	s0 =	stileid.u32;
	[bflag:$0x2] =	sbarrier.arrive $0xFFFF  }
0x152: {  	p0 =	sne.s32 s0, $0x0;
	s0 =	rddreg [dreg:$0x2]  }
0x153: {  	s0 =	sadd.s32 @!p0 $0x100000, s0  }
0x154: {  	[sflag:s0] =	ssyncadd.tile.s32 @!p0 $0x1;
	_ =	shalt  }
.Lfunc_end2:
_tile_overlayer_lowered:
.L_overlay_start_2:
0x155: {  	(tag) =	ssettag $0x2  }
0x156: {  	s0 =	rddreg [dreg:$0x0];
	s2 =	stileid.u32  }
0x157: {  	s1 =	rddreg [dreg:$0x1];
	p0 =	sne.s32 s2, $0x0  }
0x158: {  	s3 =	rddreg [dreg:$0x2];
	[bflag:$0x3] =	sbarrier.arrive $0xFFFF;
	s2 =	simm.s32 @!p0 $0x1C03  }
0x159: {  	[timem:s3], [sflag:s2] =	dma.local @!p0 [hbm:s0], s1  }
0x15a: {  	s0 =	simm.s32 @!p0 $0x3  }
0x15b: {  	_ =	swait.ge @!p0 [sflag:s0], s1  }
0x15c: {  	s1 =	ssub.s32 @!p0 $0x0, s1;
	[sflag:s0] =	ssyncset.done @!p0 $0x0  }
0x15d: {  	[sflag:s0] =	ssyncadd.s32 @!p0 s1  }
0x15e: {  	[bflag:$0x3] =	sbarrier.arrive $0xFFFF  }
0x15f: {  	_ =	shalt  }

// kernel: kernel.17.cloned.1.call-start
scs
__scs_entry_jumppad:
0x0: {  	(pc) =	sbr.rel $0x88, $3  }
0x1: {  	(tag) =	ssettag $0x0;
	lr =	simm.s32 $0x1  }
0x2: {  	[smem:$0x3F8E] =	sst lr;
	_ =	strace $0xD0000000  }
0x3: {  	_ = 	snop  }
0x4: {  	_ = 	snop  }
0x5: {  	_ = 	snop  }
0x6: {  	_ = 	snop  }
0x7: {  	_ = 	snop  }
__scs_overlays_trampoline_lowered:
0x8: {  	[smem:$0x3F9D] =	sst s0  }
0x9: {  	[smem:$0x3F9E] =	sst s1  }
0xa: {  	[smem:$0x3F9F] =	sst s2  }
0xb: {  	[smem:$0x3FA0] =	sst s3  }
0xc: {  	[smem:$0x3FA1] =	sst s4  }
0xd: {  	[smem:$0x3FA2] =	sst s5  }
0xe: {  	[smem:$0x3FA3] =	sst s6  }
0xf: {  	[smem:$0x3FA4] =	sst s7  }
0x10: {  	[smem:$0x3FA5] =	sst s8  }
0x11: {  	[smem:$0x3FA6] =	sst s9;
	s0 =	simm.s32 @!p0 $0x0  }
0x12: {  	s1 =	sld [smem:$0x3F8C];
	s0 =	simm.s32 @p0 $0x1  }
0x13: {  	[smem:$0x3FA7] =	sst s0;
	s0 =	simm.s32 @!p1 $0x0  }
0x14: {  	s2 =	sld [smem:$0x3F8B];
	s0 =	simm.s32 @p1 $0x1  }
0x15: {  	[smem:$0x3FA8] =	sst s0;
	s0 =	simm.s32 @!p2 $0x0  }
0x16: {  	s3 =	sld [smem:$0x3FDB];
	s0 =	simm.s32 @p2 $0x1  }
0x17: {  	s4 =	simm.s32 $0x1BF5;
	[smem:$0x3FAA] =	sst s0  }
0x18: {  	s0 =	sld [smem:$0x3F8D];
	_ =	swait.ge [sflag:s4], $0x0  }
0x19: {  	s7 =	sld [smem:$0x3F8E]  }
0x1a: {  	s8 =	sadd.s32 $0xFFFFE003, lr  }
0x1b: {  	s9 =	sadd.s32 $0xFFFFFEF7, lr;
	s5 =	simm.s32 $0xFFFFFFFF;
	p2 =	slt.u32 s8, $0xFFFFF086  }
0x1c: {  	p1 =	slt.u32 s9, $0xF7A;
	s5 =	simm.s32 @!p2 $0x0  }
0x1d: {  	s5 =	simm.s32 @p1 $0x1;
	p0 =	seq.s32 s7, s2  }
0x1e: {  	s7 =	smul.u32 @!p0 $0xF7A, s2;
	p2 =	seq.s32 @!p0 s5, $0x0  }
0x1f: {  	s9 =	smul.u32 $0xF7A, s1;
	s8 =	simm.s32 @!p0 $0x1BF5;
	p2 =	por !p2, p0  }
0x20: {  	[sflag:s8] =	ssyncset.s32 @!p0 $0xFFFFF086;
	s6 =	sadd.s32 @!p0 s3, s7;
	s7 =	simm.s32 @!p0 $0x108  }
0x21: {  	s3 =	sadd.s32 s3, s9;
	s6 =	sadd.s32 @!p0 $0x88, s6;
	s7 =	simm.s32 @p2 $0x1082  }
0x22: {  	[simem:s7], [sflag:s8] =	dma.local @!p0 [hbm:s6], $0xF7A  }
0x23: {  	s9 =	sor.u32 $0xD0000000, s2;
	s6 =	simm.s32 $0x108;
	_ =	swait.ge @!p0 [sflag:s8], $0x0  }
0x24: {  	s3 =	sadd.s32 $0x88, s3;
	s6 =	simm.s32 @!p1 $0x1082;
	[sflag:s4] =	ssyncset.s32 $0xFFFFF086  }
0x25: {  	[simem:s6], [sflag:s4] =	dma.local [hbm:s3], $0xF7A  }
0x26: {  	[smem:$0x3F8E] =	sst s1;
	(tag) =	ssettag s2;
	_ =	strace s9  }
0x27: {  	s1 =	sld [smem:$0x3F9E]  }
0x28: {  	s2 =	sld [smem:$0x3F9F]  }
0x29: {  	s4 =	sld [smem:$0x3FA1]  }
0x2a: {  	p0 =	seq.s32 s5, $0x0;
	s5 =	sld [smem:$0x3FA2]  }
0x2b: {  	s6 =	sld [smem:$0x3FA3]  }
0x2c: {  	s7 =	sld [smem:$0x3FA4]  }
0x2d: {  	s3 =	simm.s32 $0x108;
	s8 =	sld [smem:$0x3FA5]  }
0x2e: {  	s3 =	simm.s32 @!p0 $0x1082;
	s9 =	sld [smem:$0x3FA6]  }
0x2f: {  	lr =	sadd.s32 s0, s3;
	s0 =	sld [smem:$0x3F9D]  }
0x30: {  	s3 =	sld [smem:$0x3FA0]  }
0x31: {  	[smem:$0x3FA9] =	sst s10  }
0x32: {  	s10 =	sld [smem:$0x3FA7];
	_ =	sdelay $0x3  }
0x33: {  	p0 =	seq.s32 s10, $0x1;
	s10 =	sld [smem:$0x3FA9];
	_ =	sdelay $0x3  }
0x34: {  	[smem:$0x3FA9] =	sst s10  }
0x35: {  	s10 =	sld [smem:$0x3FA8];
	_ =	sdelay $0x3  }
0x36: {  	p1 =	seq.s32 s10, $0x1;
	s10 =	sld [smem:$0x3FA9];
	_ =	sdelay $0x3  }
0x37: {  	[smem:$0x3FA9] =	sst s10  }
0x38: {  	s10 =	sld [smem:$0x3FAA]  }
0x39: {  	_ = 	snop;
	(pc) =	sbr.ind lr, $3  }
0x3a: {  	_ = 	snop  }
0x3b: {  	_ = 	snop  }
0x3c: {  	p2 =	seq.s32 s10, $0x1;
	s10 =	sld [smem:$0x3FA9]  }
0x3d: {  	_ =	shalt  }
0x3e: {  	_ =	shalt  }
0x3f: {  	_ =	shalt  }
0x40: {  	_ =	shalt  }
0x41: {  	_ =	shalt  }
0x42: {  	_ =	shalt  }
0x43: {  	_ =	shalt  }
0x44: {  	_ =	shalt  }
0x45: {  	_ =	shalt  }
0x46: {  	_ =	shalt  }
0x47: {  	_ =	shalt  }
0x48: {  	_ =	shalt  }
0x49: {  	_ =	shalt  }
0x4a: {  	_ =	shalt  }
0x4b: {  	_ =	shalt  }
0x4c: {  	_ =	shalt  }
0x4d: {  	_ =	shalt  }
0x4e: {  	_ =	shalt  }
0x4f: {  	_ =	shalt  }
0x50: {  	_ =	shalt  }
0x51: {  	_ =	shalt  }
0x52: {  	_ =	shalt  }
0x53: {  	_ =	shalt  }
0x54: {  	_ =	shalt  }
0x55: {  	_ =	shalt  }
0x56: {  	_ =	shalt  }
0x57: {  	_ =	shalt  }
0x58: {  	_ =	shalt  }
0x59: {  	_ =	shalt  }
0x5a: {  	_ =	shalt  }
0x5b: {  	_ =	shalt  }
0x5c: {  	_ =	shalt  }
0x5d: {  	_ =	shalt  }
0x5e: {  	_ =	shalt  }
0x5f: {  	_ =	shalt  }
0x60: {  	_ =	shalt  }
0x61: {  	_ =	shalt  }
0x62: {  	_ =	shalt  }
0x63: {  	_ =	shalt  }
0x64: {  	_ =	shalt  }
0x65: {  	_ =	shalt  }
0x66: {  	_ =	shalt  }
0x67: {  	_ =	shalt  }
0x68: {  	_ =	shalt  }
0x69: {  	_ =	shalt  }
0x6a: {  	_ =	shalt  }
0x6b: {  	_ =	shalt  }
0x6c: {  	_ =	shalt  }
0x6d: {  	_ =	shalt  }
0x6e: {  	_ =	shalt  }
0x6f: {  	_ =	shalt  }
0x70: {  	_ =	shalt  }
0x71: {  	_ =	shalt  }
0x72: {  	_ =	shalt  }
0x73: {  	_ =	shalt  }
0x74: {  	_ =	shalt  }
0x75: {  	_ =	shalt  }
0x76: {  	_ =	shalt  }
0x77: {  	_ =	shalt  }
0x78: {  	_ =	shalt  }
0x79: {  	_ =	shalt  }
0x7a: {  	_ =	shalt  }
0x7b: {  	_ =	shalt  }
0x7c: {  	_ =	shalt  }
0x7d: {  	_ =	shalt  }
0x7e: {  	_ =	shalt  }
0x7f: {  	_ =	shalt  }
0x80: {  	_ =	shalt  }
0x81: {  	_ =	shalt  }
0x82: {  	_ =	shalt  }
0x83: {  	_ =	shalt  }
0x84: {  	_ =	shalt  }
0x85: {  	_ =	shalt  }
0x86: {  	_ =	shalt  }
0x87: {  	_ =	shalt  }
.Lfunc_end0:
.L_simem_size_0:
called_computation.2_lowered:
.L_overlay_start_0:
0x88: {  	s2 =	sld [smem:$0x3FD9]  }
0x89: {  	s3 =	sld [smem:$0x3FFE];
	_ =	sdelay $0x1  }
0x8a: {  	s1 =	srdreg.scid  }
0x8b: {  	s0 =	sand.u32 $0x1, s1  }
0x8c: {  	s16 =	sshll.u32 s0, $0xA;
	s2 =	sadd.s32 s3, s2  }
0x8d: {  	s2 =	sadd.s32 s2, s16  }
0x8e: {  	[smem:$0x3FB5] =	sst s2  }
0x8f: {  	_ = 	snop  }
0x90: {  	(tm) =	ssettm $0x1  }
0x91: {  	s17 =	sld [smem:$0x3FFB];
	_ =	sdelay $0x3  }
0x92: {  	_ =	strace s17  }
0x93: {  	s2 =	sld [smem:$0x3FFC];
	_ =	sdelay $0x3  }
0x94: {  	_ =	strace s2  }
0x95: {  	s2 =	sld [smem:$0x3FFD];
	_ =	sdelay $0x3  }
0x96: {  	_ =	strace s2  }
0x97: {  	_ =	strace $0x8FFFFFFF  }
0x98: {  	s18 =	sld [smem:$0x3FDB];
	_ =	sdelay $0x1  }
0x99: {  	s19 =	simm.s32 $_scs_section_size  }
0x9a: {  	s4 =	simm.s32 $_size__tile_overlayer_lowered;
	s5 =	simm.s32 $_tile_overlayer_lowered  }
0x9b: {  	s22 =	simm.s32 $0x1BFF;
	s21 =	sshll.u32 s5, $0x1;
	s2 =	sadd.s32 s19, s18  }
0x9c: {  	s6 =	simm.s32 $0x0;
	s20 =	sshll.u32 s4, $0x1;
	s4 =	sadd.s32 s21, s2  }
0x9d: {  	[timem:s6], [sflag:s22] =	dma.local [hbm:s4], s20  }
0x9e: {  	_ =	swait.ge [sflag:s22], s20  }
0x9f: {  	s3 =	ssub.s32 $0x0, s20;
	[sflag:s22] =	ssyncset.done $0x0  }
0xa0: {  	[sflag:s22] =	ssyncadd.s32 s3;
	_ =	sdelay $0x1  }
0xa1: {  	s23 =	simm.s32 $0x1B8B  }
0xa2: {  	_ =	swait.ge [sflag:s23], $0x1  }
0xa3: {  	[sflag:s23] =	ssyncset.done $0x0  }
0xa4: {  	s25 =	simm.s32 $0x1B8E;
	s24 =	sld [smem:$0x3FFE];
	[sflag:s23] =	ssyncadd.s32 $0xFFFFFFFF  }
0xa5: {  	s26 =	simm.s32 $execute0_lowered;
	[smem:$0x3FD2] =	sst s25  }
0xa6: {  	s4 =	sshll.u32 s26, $0x1;
	_ =	strace $0x8000004C;
	[dreg:$0x1] =	wrdreg $0xFFFFFFFF  }
0xa7: {  	s28 =	simm.s32 $_size_execute0_lowered;
	s2 =	sadd.s32 s2, s4;
	[dreg:$0x0] =	wrdreg $0x0  }
0xa8: {  	s4 =	sshll.u32 s28, $0x1;
	[dreg:$0x2] =	wrdreg s2  }
0xa9: {  	[dreg:$0x3] =	wrdreg s4  }
0xaa: {  	[dreg:$0x4] =	wrdreg $0xC0  }
0xab: {  	_ =	task [dreg:s6], $0x5FFFF  }
0xac: {  	[dreg:$0x1] =	wrdreg $0xFFFFFFFF  }
0xad: {  	[dreg:$0x0] =	wrdreg $0x60  }
0xae: {  	[dreg:$0x2] =	wrdreg s24  }
0xaf: {  	[dreg:$0x3] =	wrdreg $0x48000  }
0xb0: {  	[dreg:$0x4] =	wrdreg $0x9  }
0xb1: {  	_ =	task.clear_ibuf [dreg:s6], $0x5FFFF;
	_ =	strace $0x9000004C  }
0xb2: {  	s29 =	simm.s32 $0x9;
	_ =	strace $0x8000004E  }
0xb3: {  	_ =	swait.ge [sflag:s29], $0x1  }
0xb4: {  	[sflag:s29] =	ssyncadd.s32 $0xFFFFFFFF  }
0xb5: {  	_ =	strace $0x9000004E  }
0xb6: {  	_ =	sfence  }
0xb7: {  	s30 =	sld [smem:$0x0];
	_ =	sdelay $0x2  }
0xb8: {  	s31 =	sshll.u32 s1, $0xD;
	s1 =	sshrl.u32 s1, $0x2  }
0xb9: {  	s3 =	sand.u32 $0x4000, s31;
	s1 =	sadd.s32 s1, s30  }
0xba: {  	s0 =	sor.u32 s3, s0;
	s1 =	sshll.u32 s1, $0x11  }
0xbb: {  	s0 =	sor.u32 s1, s0  }
0xbc: {  	s0 =	sadd.s32 $0x8F2B, s0  }
0xbd: {  	[sflag:s0] =	ssyncadd.remote.s32 $0x1  }
0xbe: {  	_ =	sfence.sel $0xFFFF  }
0xbf: {  	[dreg:$0x0] =	wrdreg $0xFFFFFFFF;
	(pc) =	sbr.abs _section_cstart, $3  }
0xc0: {  	[dreg:$0x1] =	wrdreg $0xFFFFFFFF  }
0xc1: {  	_ =	task.clear_ibuf [dreg:s6], $0x2FFFF;
	_ =	strace $0x9FFFFFFF  }
0xc2: {  	(tm) =	ssettm $0x7FFFFFFF  }
0xc3: {  	_ =	shalt  }
tec
execute0_lowered:
.L_overlay_start_1:
0x0: {  	(tag) =	ssettag $0x1  }
0x1: {  	s0 =	rddreg [dreg:$0x0]  }
0x2: {  	s2 =	rddreg [dreg:$0x1]  }
0x3: {  	s10 =	stileid.u32;
	s4 =	srdreg.scid  }
0x4: {  	s3 =	simm.s32 $0x0;
	s12 =	simm.s32 $0x3;
	s13 =	simm.s32 $0x400  }
0x5: {  	s14 =	simm.s32 $0x80;
	s15 =	simm.s32 $0x800;
	s19 =	simm.s32 $0x280  }
0x6: {  	s20 =	simm.s32 $0x300;
	s21 =	simm.s32 $0x380;
	s22 =	simm.s32 $0x480  }
0x7: {  	s23 =	simm.s32 $0x500;
	s24 =	simm.s32 $0x580;
	s25 =	simm.s32 $0x680  }
0x8: {  	s26 =	simm.s32 $0x700;
	[smem:$0x7FF] =	sst s3;
	s17 =	sadd.s32 $0x34000, s0  }
0x9: {  	s31 =	simm.s32 $0x780;
	_ =	strace $0x8000004D;
	[dreg:$0xc] =	wrdreg s17  }
0xa: {  	s28 =	simm.s32 $0x4000;
	s29 =	simm.s32 $0x2;
	[dreg:$0x3] =	wrdreg s19  }
0xb: {  	s30 =	simm.s32 $0x0;
	s1 =	smul.u32 $0x3100, s10;
	[dreg:$0x4] =	wrdreg s20  }
0xc: {  	s7 =	sand.u32 $0x1, s4;
	s16 =	smul.u32 $0x3300, s10;
	[dreg:$0x5] =	wrdreg s21  }
0xd: {  	s6 =	smul.u32 $0x66000, s10;
	s10 =	sshll.u32 s10, $0x6;
	[dreg:$0x6] =	wrdreg s22  }
0xe: {  	s5 =	smul.u32 $0x33000, s7;
	s18 =	ssub.s32 $0x2, s7;
	[dreg:$0x7] =	wrdreg s23  }
0xf: {  	p0 =	seq.s32 s7, $0x0;
	s20 =	simm.s32 $0x2000;
	[dreg:$0x8] =	wrdreg s24  }
0x10: {  	s21 =	simm.s32 $0x200;
	s22 =	simm.s32 $0x600;
	[dreg:$0x9] =	wrdreg s25  }
0x11: {  	s23 =	simm.s32 $0x1;
	s24 =	simm.s32 $0x2800;
	[dreg:$0xa] =	wrdreg s26  }
0x12: {  	[dreg:$0xb] =	wrdreg s31;
	s25 =	simm.s32 $0x3000;
	s26 =	simm.s32 $0x3800  }
0x13: {  	s1 =	sadd.s32 s1, s0;
	s9 =	sshrl.u32 s18, $0x1;
	s6 =	sshrl.u32 s6, $0x2  }
0x14: {  	s5 =	sadd.s32 s16, s5;
	s9 =	ssub.s32 s18, s9;
	s11 =	sadd.s32 s6, s2  }
0x15: {  	s6 =	sadd.s32 $0x22D400, s1;
	s7 =	sadd.s32 $0x3000, s1;
	s16 =	simm.s32 $0x1000  }
0x16: {  	s8 =	sadd.s32 s5, s0;
	s5 =	sor.u32 $0x1C03, s10;
	s10 =	simm.s32 $0x1F9400  }
0x17: {  	s18 =	simm.s32 $0x1800;
	s9 =	smax.u32 s9, $0x1;
	s10 =	simm.s32 @!p0 $0x1C7400  }
0x18: {  	s11 =	sshrl.u32 s11, $0x3;
	s8 =	sadd.s32 $0x25E400, s8;
	s10 =	sadd.s32 s10, s0  }
.LBB2_1:
0x19: {  	s0 =	rddreg [dreg:$0xc]  }
0x1a: {  	[spmem:s11], [sflag:s5] =	dma.local [hbm:s0], $0x3300  }
0x1b: {  	_ =	swait.ge [sflag:s12], $0x3300  }
0x1c: {  	[sflag:s12] =	ssyncset.done $0x0  }
0x1d: {  	[sflag:s12] =	ssyncadd.s32 $0xFFFFCD00  }
0x1e: {  	[bflag:$0x0] =	sbarrier.arrive $0xFFFF  }
0x1f: {  	[tilespmem:s3], [sflag:$0x3] =	stream.linear.gather [hbm4b:s6+s3], $0x200, $0x38;
	[tilespmem:$0x1E000] =	vst v63  }
0x20: {  	_ =	swait.ge [sflag:s12], $0x200  }
0x21: {  	[sflag:s12] =	ssyncset.done $0x0  }
0x22: {  	[sflag:s12] =	ssyncadd.s32 $0xFFFFFE00  }
0x23: {  	[tilespmem:s13], [sflag:$0x3] =	stream.linear.gather [hbm4b:s7+s3], $0x200, $0x38;
	[tilespmem:$0x1E000] =	vst v63  }
0x24: {  	_ =	swait.ge [sflag:s12], $0x200  }
0x25: {  	[sflag:s12] =	ssyncset.done $0x0  }
0x26: {  	[sflag:s12] =	ssyncadd.s32 $0xFFFFFE00  }
0x27: {  	[tilespmem:s15], [sflag:$0x1] =	stream.indirect.gather [hbm4b:s10+s14], $0x10, s3, s14, $0xb8;
	[tilespmem:$0x1E000] =	vst v63  }
0x28: {  	_ = 	snop  }
0x29: {  	[tilespmem:s16], [sflag:$0x1] =	stream.indirect.gather [hbm4b:s10+s14], $0x10, s14, s14, $0xb8;
	[tilespmem:$0x1E000] =	vst v63  }
0x2a: {  	s17 =	simm.s32 $0x100  }
0x2b: {  	[tilespmem:s18], [sflag:$0x1] =	stream.indirect.gather [hbm4b:s10+s14], $0x10, s17, s14, $0xb8;
	[tilespmem:$0x1E000] =	vst v63  }
0x2c: {  	s19 =	simm.s32 $0x180;
	s1 =	sadd.s32 $0x0, s6  }
0x2d: {  	[tilespmem:s20], [sflag:$0x1] =	stream.indirect.gather [hbm4b:s10+s14], $0x10, s19, s14, $0xb8;
	[tilespmem:$0x1E000] =	vst v63  }
0x2e: {  	s0 =	sadd.s32 $0x40, s1  }
0x2f: {  	[tilespmem:s21], [sflag:$0x3] =	stream.linear.gather [hbm4b:s0+s3], $0x200, $0x38;
	[tilespmem:$0x1E000] =	vst v63  }
0x30: {  	_ =	swait.ge [sflag:s12], $0x200  }
0x31: {  	s4 =	sadd.s32 $0x0, s7;
	[sflag:s12] =	ssyncset.done $0x0  }
0x32: {  	s0 =	sadd.s32 $0x40, s4;
	[sflag:s12] =	ssyncadd.s32 $0xFFFFFE00  }
0x33: {  	[tilespmem:s22], [sflag:$0x3] =	stream.linear.gather [hbm4b:s0+s3], $0x200, $0x38;
	[tilespmem:$0x1E000] =	vst v63  }
0x34: {  	_ =	swait.ge [sflag:s12], $0x200  }
0x35: {  	[sflag:s12] =	ssyncset.done $0x0  }
0x36: {  	[sflag:s12] =	ssyncadd.s32 $0xFFFFFE00  }
0x37: {  	_ =	swait.ge [sflag:s23], $0x800  }
0x38: {  	[sflag:s23] =	ssyncset.done $0x0  }
0x39: {  	[sflag:s23] =	ssyncadd.s32 $0xFFFFF800  }
0x3a: {  	_ =	swait.ge [sflag:s23], $0x800  }
0x3b: {  	[sflag:s23] =	ssyncset.done $0x0  }
0x3c: {  	[sflag:s23] =	ssyncadd.s32 $0xFFFFF800  }
0x3d: {  	_ =	swait.ge [sflag:s23], $0x800  }
0x3e: {  	[sflag:s23] =	ssyncset.done $0x0  }
0x3f: {  	[sflag:s23] =	ssyncadd.s32 $0xFFFFF800  }
0x40: {  	_ =	swait.ge [sflag:s23], $0x800  }
0x41: {  	[sflag:s23] =	ssyncset.done $0x0  }
0x42: {  	[sflag:s23] =	ssyncadd.s32 $0xFFFFF800  }
0x43: {  	[tilespmem:s24], [sflag:$0x1] =	stream.indirect.gather [hbm4b:s10+s14], $0x10, s21, s14, $0xb8;
	[tilespmem:$0x1E000] =	vst v63  }
0x44: {  	s17 =	rddreg [dreg:$0x3]  }
0x45: {  	[tilespmem:s25], [sflag:$0x1] =	stream.indirect.gather [hbm4b:s10+s14], $0x10, s17, s14, $0xb8;
	[tilespmem:$0x1E000] =	vst v63  }
0x46: {  	s1 =	rddreg [dreg:$0x4]  }
0x47: {  	[tilespmem:s26], [sflag:$0x1] =	stream.indirect.gather [hbm4b:s10+s14], $0x10, s1, s14, $0xb8;
	[tilespmem:$0x1E000] =	vst v63  }
0x48: {  	s19 =	rddreg [dreg:$0x5]  }
0x49: {  	[tilespmem:s28], [sflag:$0x1] =	stream.indirect.gather [hbm4b:s10+s14], $0x10, s19, s14, $0xb8;
	[tilespmem:$0x1E000] =	vst v63  }
0x4a: {  	_ = 	snop  }
0x4b: {  	[spmem:s2] =	stream.indirect.scatter.add.f32 [tilespmem:s15], [sflag:$0x2], $0x10, s13, s14, $0xb8;
	[tilespmem:$0x1E000] =	vst v63  }
0x4c: {  	s4 =	rddreg [dreg:$0x6]  }
0x4d: {  	[spmem:s2] =	stream.indirect.scatter.add.f32 [tilespmem:s16], [sflag:$0x2], $0x10, s4, s14, $0xb8;
	[tilespmem:$0x1E000] =	vst v63  }
0x4e: {  	s17 =	rddreg [dreg:$0x7]  }
0x4f: {  	[spmem:s2] =	stream.indirect.scatter.add.f32 [tilespmem:s18], [sflag:$0x2], $0x10, s17, s14, $0xb8;
	[tilespmem:$0x1E000] =	vst v63  }
0x50: {  	s19 =	rddreg [dreg:$0x8]  }
0x51: {  	[spmem:s2] =	stream.indirect.scatter.add.f32 [tilespmem:s20], [sflag:$0x2], $0x10, s19, s14, $0xb8;
	[tilespmem:$0x1E000] =	vst v63  }
0x52: {  	_ =	swait.ge [sflag:s29], $0x800  }
0x53: {  	[sflag:s29] =	ssyncset.done $0x0  }
0x54: {  	[sflag:s29] =	ssyncadd.s32 $0xFFFFF800  }
0x55: {  	_ =	swait.ge [sflag:s29], $0x800  }
0x56: {  	[sflag:s29] =	ssyncset.done $0x0  }
0x57: {  	[sflag:s29] =	ssyncadd.s32 $0xFFFFF800  }
0x58: {  	_ =	swait.ge [sflag:s29], $0x800  }
0x59: {  	[sflag:s29] =	ssyncset.done $0x0  }
0x5a: {  	[sflag:s29] =	ssyncadd.s32 $0xFFFFF800  }
0x5b: {  	p0 =	por $0x0, $0x0;
	_ =	swait.ge [sflag:s29], $0x800  }
0x5c: {  	s31 =	simm.s32 @!p0 $0x0;
	s0 =	sadd.s32 @!p0 $0x0, s6;
	[sflag:s29] =	ssyncset.done $0x0  }
0x5d: {  	s0 =	sadd.s32 @!p0 $0x80, s0;
	s1 =	simm.s32 @!p0 $0x3;
	[sflag:s29] =	ssyncadd.s32 $0xFFFFF800  }
0x5e: {  	[tilespmem:s31], [sflag:$0x3] =	stream.linear.gather @!p0 [hbm4b:s0+s31], $0x200, $0x38;
	[tilespmem:$0x1E000] =	vst v63  }
0x5f: {  	_ =	swait.ge @!p0 [sflag:s1], $0x200  }
0x60: {  	s0 =	sadd.s32 @!p0 $0x0, s7;
	[sflag:s1] =	ssyncset.done @!p0 $0x0  }
0x61: {  	s17 =	simm.s32 @!p0 $0x400;
	s0 =	sadd.s32 @!p0 $0x80, s0;
	[sflag:s1] =	ssyncadd.s32 @!p0 $0xFFFFFE00  }
0x62: {  	[tilespmem:s17], [sflag:$0x3] =	stream.linear.gather @!p0 [hbm4b:s0+s31], $0x200, $0x38;
	[tilespmem:$0x1E000] =	vst v63  }
0x63: {  	_ =	swait.ge @!p0 [sflag:s1], $0x200  }
0x64: {  	[sflag:s1] =	ssyncset.done @!p0 $0x0  }
0x65: {  	[sflag:s1] =	ssyncadd.s32 @!p0 $0xFFFFFE00  }
0x66: {  	_ =	swait.ge [sflag:s23], $0x800  }
0x67: {  	[sflag:s23] =	ssyncset.done $0x0  }
0x68: {  	[sflag:s23] =	ssyncadd.s32 $0xFFFFF800  }
0x69: {  	_ =	swait.ge [sflag:s23], $0x800  }
0x6a: {  	[sflag:s23] =	ssyncset.done $0x0  }
0x6b: {  	[sflag:s23] =	ssyncadd.s32 $0xFFFFF800  }
0x6c: {  	_ =	swait.ge [sflag:s23], $0x800  }
0x6d: {  	[sflag:s23] =	ssyncset.done $0x0  }
0x6e: {  	[sflag:s23] =	ssyncadd.s32 $0xFFFFF800  }
0x6f: {  	_ =	swait.ge [sflag:s23], $0x800  }
0x70: {  	[sflag:s23] =	ssyncset.done $0x0  }
0x71: {  	s0 =	simm.s32 @!p0 $0x80;
	s1 =	simm.s32 @!p0 $0x800;
	[sflag:s23] =	ssyncadd.s32 $0xFFFFF800  }
0x72: {  	[tilespmem:s1], [sflag:$0x1] =	stream.indirect.gather @!p0 [hbm4b:s10+s0], $0x10, s31, s0, $0xb8;
	[tilespmem:$0x1E000] =	vst v63  }
0x73: {  	s1 =	simm.s32 @!p0 $0x1000  }
0x74: {  	[tilespmem:s1], [sflag:$0x1] =	stream.indirect.gather @!p0 [hbm4b:s10+s0], $0x10, s0, s0, $0xb8;
	[tilespmem:$0x1E000] =	vst v63  }
0x75: {  	s17 =	simm.s32 @!p0 $0x1800;
	s1 =	simm.s32 @!p0 $0x100  }
0x76: {  	[tilespmem:s17], [sflag:$0x1] =	stream.indirect.gather @!p0 [hbm4b:s10+s0], $0x10, s1, s0, $0xb8;
	[tilespmem:$0x1E000] =	vst v63  }
0x77: {  	s1 =	simm.s32 @!p0 $0x180;
	s17 =	simm.s32 @!p0 $0x2000  }
0x78: {  	[tilespmem:s17], [sflag:$0x1] =	stream.indirect.gather @!p0 [hbm4b:s10+s0], $0x10, s1, s0, $0xb8;
	[tilespmem:$0x1E000] =	vst v63  }
0x79: {  	_ = 	snop  }
0x7a: {  	[spmem:s2] =	stream.indirect.scatter.add.f32 [tilespmem:s24], [sflag:$0x2], $0x10, s22, s14, $0xb8;
	[tilespmem:$0x1E000] =	vst v63  }
0x7b: {  	s4 =	rddreg [dreg:$0x9]  }
0x7c: {  	[spmem:s2] =	stream.indirect.scatter.add.f32 [tilespmem:s25], [sflag:$0x2], $0x10, s4, s14, $0xb8;
	[tilespmem:$0x1E000] =	vst v63  }
0x7d: {  	s17 =	rddreg [dreg:$0xa]  }
0x7e: {  	[spmem:s2] =	stream.indirect.scatter.add.f32 [tilespmem:s26], [sflag:$0x2], $0x10, s17, s14, $0xb8;
	[tilespmem:$0x1E000] =	vst v63  }
0x7f: {  	s19 =	rddreg [dreg:$0xb]  }
0x80: {  	[spmem:s2] =	stream.indirect.scatter.add.f32 [tilespmem:s28], [sflag:$0x2], $0x10, s19, s14, $0xb8;
	[tilespmem:$0x1E000] =	vst v63  }
0x81: {  	_ =	swait.ge [sflag:s29], $0x800  }
0x82: {  	[sflag:s29] =	ssyncset.done $0x0  }
0x83: {  	[sflag:s29] =	ssyncadd.s32 $0xFFFFF800  }
0x84: {  	_ =	swait.ge [sflag:s29], $0x800  }
0x85: {  	[sflag:s29] =	ssyncset.done $0x0  }
0x86: {  	[sflag:s29] =	ssyncadd.s32 $0xFFFFF800  }
0x87: {  	_ =	swait.ge [sflag:s29], $0x800  }
0x88: {  	[sflag:s29] =	ssyncset.done $0x0  }
0x89: {  	[sflag:s29] =	ssyncadd.s32 $0xFFFFF800  }
0x8a: {  	s31 =	simm.s32 $0x80;
	_ =	swait.ge [sflag:s29], $0x800  }
0x8b: {  	s0 =	simm.s32 $0x100;
	s1 =	sadd.s32 $0x80, s6;
	[sflag:s29] =	ssyncset.done $0x0  }
.LBB2_2:
0x8c: {  	s17 =	sadd.s32 $0x40, s1;
	[sflag:s29] =	ssyncadd.s32 $0xFFFFF800  }
0x8d: {  	[tilespmem:s21], [sflag:$0x3] =	stream.linear.gather [hbm4b:s17+s3], $0x200, $0x38;
	[tilespmem:$0x1E000] =	vst v63  }
0x8e: {  	_ =	swait.ge [sflag:s12], $0x200  }
0x8f: {  	s19 =	sadd.s32 s31, s7;
	[sflag:s12] =	ssyncset.done $0x0  }
0x90: {  	s17 =	sadd.s32 $0x40, s19;
	[sflag:s12] =	ssyncadd.s32 $0xFFFFFE00  }
0x91: {  	[tilespmem:s22], [sflag:$0x3] =	stream.linear.gather [hbm4b:s17+s3], $0x200, $0x38;
	[tilespmem:$0x1E000] =	vst v63  }
0x92: {  	_ =	swait.ge [sflag:s12], $0x200  }
0x93: {  	[sflag:s12] =	ssyncset.done $0x0  }
0x94: {  	[sflag:s12] =	ssyncadd.s32 $0xFFFFFE00  }
0x95: {  	_ =	swait.ge [sflag:s23], $0x800  }
0x96: {  	[sflag:s23] =	ssyncset.done $0x0  }
0x97: {  	[sflag:s23] =	ssyncadd.s32 $0xFFFFF800  }
0x98: {  	_ =	swait.ge [sflag:s23], $0x800  }
0x99: {  	[sflag:s23] =	ssyncset.done $0x0  }
0x9a: {  	[sflag:s23] =	ssyncadd.s32 $0xFFFFF800  }
0x9b: {  	_ =	swait.ge [sflag:s23], $0x800  }
0x9c: {  	[sflag:s23] =	ssyncset.done $0x0  }
0x9d: {  	[sflag:s23] =	ssyncadd.s32 $0xFFFFF800  }
0x9e: {  	_ =	swait.ge [sflag:s23], $0x800  }
0x9f: {  	[sflag:s23] =	ssyncset.done $0x0  }
0xa0: {  	[sflag:s23] =	ssyncadd.s32 $0xFFFFF800  }
0xa1: {  	[tilespmem:s24], [sflag:$0x1] =	stream.indirect.gather [hbm4b:s10+s14], $0x10, s21, s14, $0xb8;
	[tilespmem:$0x1E000] =	vst v63  }
0xa2: {  	s4 =	rddreg [dreg:$0x3]  }
0xa3: {  	[tilespmem:s25], [sflag:$0x1] =	stream.indirect.gather [hbm4b:s10+s14], $0x10, s4, s14, $0xb8;
	[tilespmem:$0x1E000] =	vst v63  }
0xa4: {  	s19 =	rddreg [dreg:$0x4]  }
0xa5: {  	[tilespmem:s26], [sflag:$0x1] =	stream.indirect.gather [hbm4b:s10+s14], $0x10, s19, s14, $0xb8;
	[tilespmem:$0x1E000] =	vst v63  }
0xa6: {  	s4 =	rddreg [dreg:$0x5]  }
0xa7: {  	[tilespmem:s28], [sflag:$0x1] =	stream.indirect.gather [hbm4b:s10+s14], $0x10, s4, s14, $0xb8;
	[tilespmem:$0x1E000] =	vst v63  }
0xa8: {  	_ = 	snop  }
0xa9: {  	[spmem:s2] =	stream.indirect.scatter.add.f32 [tilespmem:s15], [sflag:$0x2], $0x10, s13, s14, $0xb8;
	[tilespmem:$0x1E000] =	vst v63  }
0xaa: {  	s4 =	rddreg [dreg:$0x6]  }
0xab: {  	[spmem:s2] =	stream.indirect.scatter.add.f32 [tilespmem:s16], [sflag:$0x2], $0x10, s4, s14, $0xb8;
	[tilespmem:$0x1E000] =	vst v63  }
0xac: {  	s19 =	rddreg [dreg:$0x7]  }
0xad: {  	[spmem:s2] =	stream.indirect.scatter.add.f32 [tilespmem:s18], [sflag:$0x2], $0x10, s19, s14, $0xb8;
	[tilespmem:$0x1E000] =	vst v63  }
0xae: {  	s4 =	rddreg [dreg:$0x8]  }
0xaf: {  	[spmem:s2] =	stream.indirect.scatter.add.f32 [tilespmem:s20], [sflag:$0x2], $0x10, s4, s14, $0xb8;
	[tilespmem:$0x1E000] =	vst v63  }
0xb0: {  	_ =	swait.ge [sflag:s29], $0x800  }
0xb1: {  	[sflag:s29] =	ssyncset.done $0x0  }
0xb2: {  	[sflag:s29] =	ssyncadd.s32 $0xFFFFF800  }
0xb3: {  	_ =	swait.ge [sflag:s29], $0x800  }
0xb4: {  	[sflag:s29] =	ssyncset.done $0x0  }
0xb5: {  	[sflag:s29] =	ssyncadd.s32 $0xFFFFF800  }
0xb6: {  	_ =	swait.ge [sflag:s29], $0x800  }
0xb7: {  	[sflag:s29] =	ssyncset.done $0x0  }
0xb8: {  	p1 =	seq.s32 s31, $0x3080;
	[sflag:s29] =	ssyncadd.s32 $0xFFFFF800  }
0xb9: {  	s17 =	sadd.s32 @!p1 s31, s6;
	_ =	swait.ge [sflag:s29], $0x800  }
0xba: {  	s17 =	sadd.s32 @!p1 $0x80, s17;
	[sflag:s29] =	ssyncset.done $0x0  }
0xbb: {  	s19 =	simm.s32 @!p1 $0x3;
	s4 =	simm.s32 @!p1 $0x0;
	[sflag:s29] =	ssyncadd.s32 $0xFFFFF800  }
0xbc: {  	[tilespmem:s4], [sflag:$0x3] =	stream.linear.gather @!p1 [hbm4b:s17+s4], $0x200, $0x38;
	[tilespmem:$0x1E000] =	vst v63  }
0xbd: {  	s1 =	smov.u32 s0;
	_ =	swait.ge @!p1 [sflag:s19], $0x200  }
0xbe: {  	s17 =	sadd.s32 @!p1 s31, s7;
	s31 =	smov.u32 s1;
	[sflag:s19] =	ssyncset.done @!p1 $0x0  }
0xbf: {  	s1 =	sadd.s32 @!p1 $0x80, s17;
	s17 =	simm.s32 @!p1 $0x400;
	[sflag:s19] =	ssyncadd.s32 @!p1 $0xFFFFFE00  }
0xc0: {  	[tilespmem:s17], [sflag:$0x3] =	stream.linear.gather @!p1 [hbm4b:s1+s4], $0x200, $0x38;
	[tilespmem:$0x1E000] =	vst v63  }
0xc1: {  	_ =	swait.ge @!p1 [sflag:s19], $0x200  }
0xc2: {  	[sflag:s19] =	ssyncset.done @!p1 $0x0  }
0xc3: {  	[sflag:s19] =	ssyncadd.s32 @!p1 $0xFFFFFE00  }
0xc4: {  	_ =	swait.ge [sflag:s23], $0x800  }
0xc5: {  	[sflag:s23] =	ssyncset.done $0x0  }
0xc6: {  	[sflag:s23] =	ssyncadd.s32 $0xFFFFF800  }
0xc7: {  	_ =	swait.ge [sflag:s23], $0x800  }
0xc8: {  	[sflag:s23] =	ssyncset.done $0x0  }
0xc9: {  	[sflag:s23] =	ssyncadd.s32 $0xFFFFF800  }
0xca: {  	_ =	swait.ge [sflag:s23], $0x800  }
0xcb: {  	[sflag:s23] =	ssyncset.done $0x0  }
0xcc: {  	[sflag:s23] =	ssyncadd.s32 $0xFFFFF800  }
0xcd: {  	_ =	swait.ge [sflag:s23], $0x800  }
0xce: {  	[sflag:s23] =	ssyncset.done $0x0  }
0xcf: {  	s1 =	simm.s32 @!p1 $0x80;
	s17 =	simm.s32 @!p1 $0x800;
	[sflag:s23] =	ssyncadd.s32 $0xFFFFF800  }
0xd0: {  	[tilespmem:s17], [sflag:$0x1] =	stream.indirect.gather @!p1 [hbm4b:s10+s1], $0x10, s4, s1, $0xb8;
	[tilespmem:$0x1E000] =	vst v63  }
0xd1: {  	s4 =	simm.s32 @!p1 $0x1000  }
0xd2: {  	[tilespmem:s4], [sflag:$0x1] =	stream.indirect.gather @!p1 [hbm4b:s10+s1], $0x10, s1, s1, $0xb8;
	[tilespmem:$0x1E000] =	vst v63  }
0xd3: {  	s17 =	simm.s32 @!p1 $0x1800;
	s4 =	simm.s32 @!p1 $0x100  }
0xd4: {  	[tilespmem:s17], [sflag:$0x1] =	stream.indirect.gather @!p1 [hbm4b:s10+s1], $0x10, s4, s1, $0xb8;
	[tilespmem:$0x1E000] =	vst v63  }
0xd5: {  	s4 =	simm.s32 @!p1 $0x180;
	s17 =	simm.s32 @!p1 $0x2000  }
0xd6: {  	[tilespmem:s17], [sflag:$0x1] =	stream.indirect.gather @!p1 [hbm4b:s10+s1], $0x10, s4, s1, $0xb8;
	[tilespmem:$0x1E000] =	vst v63  }
0xd7: {  	_ = 	snop  }
0xd8: {  	[spmem:s2] =	stream.indirect.scatter.add.f32 [tilespmem:s24], [sflag:$0x2], $0x10, s22, s14, $0xb8;
	[tilespmem:$0x1E000] =	vst v63  }
0xd9: {  	s4 =	rddreg [dreg:$0x9]  }
0xda: {  	[spmem:s2] =	stream.indirect.scatter.add.f32 [tilespmem:s25], [sflag:$0x2], $0x10, s4, s14, $0xb8;
	[tilespmem:$0x1E000] =	vst v63  }
0xdb: {  	s17 =	rddreg [dreg:$0xa]  }
0xdc: {  	[spmem:s2] =	stream.indirect.scatter.add.f32 [tilespmem:s26], [sflag:$0x2], $0x10, s17, s14, $0xb8;
	[tilespmem:$0x1E000] =	vst v63  }
0xdd: {  	s19 =	rddreg [dreg:$0xb]  }
0xde: {  	[spmem:s2] =	stream.indirect.scatter.add.f32 [tilespmem:s28], [sflag:$0x2], $0x10, s19, s14, $0xb8;
	[tilespmem:$0x1E000] =	vst v63  }
0xdf: {  	_ =	swait.ge [sflag:s29], $0x800  }
0xe0: {  	[sflag:s29] =	ssyncset.done $0x0  }
0xe1: {  	[sflag:s29] =	ssyncadd.s32 $0xFFFFF800  }
0xe2: {  	_ =	swait.ge [sflag:s29], $0x800  }
0xe3: {  	s0 =	sadd.s32 $0x80, s0;
	[sflag:s29] =	ssyncset.done $0x0  }
0xe4: {  	p0 =	sne.s32 s0, $0x3100;
	[sflag:s29] =	ssyncadd.s32 $0xFFFFF800  }
.Ltmp0:
0xe5: {  	_ =	swait.ge [sflag:s29], $0x800;
	(pc) =	sbr.rel @p0 .LBB2_2-.Ltmp0, $4  }
0xe6: {  	[sflag:s29] =	ssyncset.done $0x0  }
0xe7: {  	[sflag:s29] =	ssyncadd.s32 $0xFFFFF800  }
0xe8: {  	_ =	swait.ge [sflag:s29], $0x800  }
0xe9: {  	s1 =	sadd.s32 s31, s6;
	[sflag:s29] =	ssyncset.done $0x0  }
0xea: {  	s0 =	sadd.s32 $0x40, s1;
	[sflag:s29] =	ssyncadd.s32 $0xFFFFF800  }
0xeb: {  	[tilespmem:s21], [sflag:$0x3] =	stream.linear.gather [hbm4b:s0+s3], $0x200, $0x38;
	[tilespmem:$0x1E000] =	vst v63  }
0xec: {  	_ =	swait.ge [sflag:s12], $0x200  }
0xed: {  	s4 =	sadd.s32 s31, s7;
	[sflag:s12] =	ssyncset.done $0x0  }
0xee: {  	s0 =	sadd.s32 $0x40, s4;
	[sflag:s12] =	ssyncadd.s32 $0xFFFFFE00  }
0xef: {  	[tilespmem:s22], [sflag:$0x3] =	stream.linear.gather [hbm4b:s0+s3], $0x200, $0x38;
	[tilespmem:$0x1E000] =	vst v63  }
0xf0: {  	_ =	swait.ge [sflag:s12], $0x200  }
0xf1: {  	[sflag:s12] =	ssyncset.done $0x0  }
0xf2: {  	[sflag:s12] =	ssyncadd.s32 $0xFFFFFE00  }
0xf3: {  	_ =	swait.ge [sflag:s23], $0x800  }
0xf4: {  	[sflag:s23] =	ssyncset.done $0x0  }
0xf5: {  	[sflag:s23] =	ssyncadd.s32 $0xFFFFF800  }
0xf6: {  	_ =	swait.ge [sflag:s23], $0x800  }
0xf7: {  	[sflag:s23] =	ssyncset.done $0x0  }
0xf8: {  	[sflag:s23] =	ssyncadd.s32 $0xFFFFF800  }
0xf9: {  	_ =	swait.ge [sflag:s23], $0x800  }
0xfa: {  	[sflag:s23] =	ssyncset.done $0x0  }
0xfb: {  	[sflag:s23] =	ssyncadd.s32 $0xFFFFF800  }
0xfc: {  	_ =	swait.ge [sflag:s23], $0x800  }
0xfd: {  	[sflag:s23] =	ssyncset.done $0x0  }
0xfe: {  	[sflag:s23] =	ssyncadd.s32 $0xFFFFF800  }
0xff: {  	[tilespmem:s24], [sflag:$0x1] =	stream.indirect.gather [hbm4b:s10+s14], $0x10, s21, s14, $0xb8;
	[tilespmem:$0x1E000] =	vst v63  }
0x100: {  	s17 =	rddreg [dreg:$0x3]  }
0x101: {  	[tilespmem:s25], [sflag:$0x1] =	stream.indirect.gather [hbm4b:s10+s14], $0x10, s17, s14, $0xb8;
	[tilespmem:$0x1E000] =	vst v63  }
0x102: {  	s19 =	rddreg [dreg:$0x4]  }
0x103: {  	[tilespmem:s26], [sflag:$0x1] =	stream.indirect.gather [hbm4b:s10+s14], $0x10, s19, s14, $0xb8;
	[tilespmem:$0x1E000] =	vst v63  }
0x104: {  	s4 =	rddreg [dreg:$0x5]  }
0x105: {  	[tilespmem:s28], [sflag:$0x1] =	stream.indirect.gather [hbm4b:s10+s14], $0x10, s4, s14, $0xb8;
	[tilespmem:$0x1E000] =	vst v63  }
0x106: {  	_ = 	snop  }
0x107: {  	[spmem:s2] =	stream.indirect.scatter.add.f32 [tilespmem:s15], [sflag:$0x2], $0x10, s13, s14, $0xb8;
	[tilespmem:$0x1E000] =	vst v63  }
0x108: {  	s17 =	rddreg [dreg:$0x6]  }
0x109: {  	[spmem:s2] =	stream.indirect.scatter.add.f32 [tilespmem:s16], [sflag:$0x2], $0x10, s17, s14, $0xb8;
	[tilespmem:$0x1E000] =	vst v63  }
0x10a: {  	s19 =	rddreg [dreg:$0x7]  }
0x10b: {  	[spmem:s2] =	stream.indirect.scatter.add.f32 [tilespmem:s18], [sflag:$0x2], $0x10, s19, s14, $0xb8;
	[tilespmem:$0x1E000] =	vst v63  }
0x10c: {  	s4 =	rddreg [dreg:$0x8]  }
0x10d: {  	[spmem:s2] =	stream.indirect.scatter.add.f32 [tilespmem:s20], [sflag:$0x2], $0x10, s4, s14, $0xb8;
	[tilespmem:$0x1E000] =	vst v63  }
0x10e: {  	_ =	swait.ge [sflag:s29], $0x800  }
0x10f: {  	[sflag:s29] =	ssyncset.done $0x0  }
0x110: {  	[sflag:s29] =	ssyncadd.s32 $0xFFFFF800  }
0x111: {  	_ =	swait.ge [sflag:s29], $0x800  }
0x112: {  	[sflag:s29] =	ssyncset.done $0x0  }
0x113: {  	[sflag:s29] =	ssyncadd.s32 $0xFFFFF800  }
0x114: {  	_ =	swait.ge [sflag:s29], $0x800  }
0x115: {  	[sflag:s29] =	ssyncset.done $0x0  }
0x116: {  	[sflag:s29] =	ssyncadd.s32 $0xFFFFF800  }
0x117: {  	p0 =	seq.s32 s31, $0x3080;
	_ =	swait.ge [sflag:s29], $0x800  }
0x118: {  	s1 =	simm.s32 @!p0 $0x3;
	s0 =	sadd.s32 @!p0 s31, s6;
	[sflag:s29] =	ssyncset.done $0x0  }
0x119: {  	s0 =	sadd.s32 @!p0 $0x80, s0;
	s4 =	simm.s32 @!p0 $0x0;
	[sflag:s29] =	ssyncadd.s32 $0xFFFFF800  }
0x11a: {  	[tilespmem:s4], [sflag:$0x3] =	stream.linear.gather @!p0 [hbm4b:s0+s4], $0x200, $0x38;
	[tilespmem:$0x1E000] =	vst v63  }
0x11b: {  	_ =	swait.ge @!p0 [sflag:s1], $0x200  }
0x11c: {  	s0 =	sadd.s32 @!p0 s31, s7;
	[sflag:s1] =	ssyncset.done @!p0 $0x0  }
0x11d: {  	s17 =	simm.s32 @!p0 $0x400;
	s0 =	sadd.s32 @!p0 $0x80, s0;
	[sflag:s1] =	ssyncadd.s32 @!p0 $0xFFFFFE00  }
0x11e: {  	[tilespmem:s17], [sflag:$0x3] =	stream.linear.gather @!p0 [hbm4b:s0+s4], $0x200, $0x38;
	[tilespmem:$0x1E000] =	vst v63  }
0x11f: {  	_ =	swait.ge @!p0 [sflag:s1], $0x200  }
0x120: {  	[sflag:s1] =	ssyncset.done @!p0 $0x0  }
0x121: {  	[sflag:s1] =	ssyncadd.s32 @!p0 $0xFFFFFE00  }
0x122: {  	_ =	swait.ge [sflag:s23], $0x800  }
0x123: {  	[sflag:s23] =	ssyncset.done $0x0  }
0x124: {  	[sflag:s23] =	ssyncadd.s32 $0xFFFFF800  }
0x125: {  	_ =	swait.ge [sflag:s23], $0x800  }
0x126: {  	[sflag:s23] =	ssyncset.done $0x0  }
0x127: {  	[sflag:s23] =	ssyncadd.s32 $0xFFFFF800  }
0x128: {  	_ =	swait.ge [sflag:s23], $0x800  }
0x129: {  	[sflag:s23] =	ssyncset.done $0x0  }
0x12a: {  	[sflag:s23] =	ssyncadd.s32 $0xFFFFF800  }
0x12b: {  	_ =	swait.ge [sflag:s23], $0x800  }
0x12c: {  	[sflag:s23] =	ssyncset.done $0x0  }
0x12d: {  	s0 =	simm.s32 @!p0 $0x80;
	s1 =	simm.s32 @!p0 $0x800;
	[sflag:s23] =	ssyncadd.s32 $0xFFFFF800  }
0x12e: {  	[tilespmem:s1], [sflag:$0x1] =	stream.indirect.gather @!p0 [hbm4b:s10+s0], $0x10, s4, s0, $0xb8;
	[tilespmem:$0x1E000] =	vst v63  }
0x12f: {  	s1 =	simm.s32 @!p0 $0x1000  }
0x130: {  	[tilespmem:s1], [sflag:$0x1] =	stream.indirect.gather @!p0 [hbm4b:s10+s0], $0x10, s0, s0, $0xb8;
	[tilespmem:$0x1E000] =	vst v63  }
0x131: {  	s4 =	simm.s32 @!p0 $0x1800;
	s1 =	simm.s32 @!p0 $0x100  }
0x132: {  	[tilespmem:s4], [sflag:$0x1] =	stream.indirect.gather @!p0 [hbm4b:s10+s0], $0x10, s1, s0, $0xb8;
	[tilespmem:$0x1E000] =	vst v63  }
0x133: {  	s1 =	simm.s32 @!p0 $0x180;
	s4 =	simm.s32 @!p0 $0x2000  }
0x134: {  	[tilespmem:s4], [sflag:$0x1] =	stream.indirect.gather @!p0 [hbm4b:s10+s0], $0x10, s1, s0, $0xb8;
	[tilespmem:$0x1E000] =	vst v63  }
0x135: {  	_ = 	snop  }
0x136: {  	[spmem:s2] =	stream.indirect.scatter.add.f32 [tilespmem:s24], [sflag:$0x2], $0x10, s22, s14, $0xb8;
	[tilespmem:$0x1E000] =	vst v63  }
0x137: {  	s17 =	rddreg [dreg:$0x9]  }
0x138: {  	[spmem:s2] =	stream.indirect.scatter.add.f32 [tilespmem:s25], [sflag:$0x2], $0x10, s17, s14, $0xb8;
	[tilespmem:$0x1E000] =	vst v63  }
0x139: {  	s19 =	rddreg [dreg:$0xa]  }
0x13a: {  	[spmem:s2] =	stream.indirect.scatter.add.f32 [tilespmem:s26], [sflag:$0x2], $0x10, s19, s14, $0xb8;
	[tilespmem:$0x1E000] =	vst v63  }
0x13b: {  	s31 =	rddreg [dreg:$0xb]  }
0x13c: {  	[spmem:s2] =	stream.indirect.scatter.add.f32 [tilespmem:s28], [sflag:$0x2], $0x10, s31, s14, $0xb8;
	[tilespmem:$0x1E000] =	vst v63  }
0x13d: {  	_ =	swait.ge [sflag:s29], $0x800  }
0x13e: {  	[sflag:s29] =	ssyncset.done $0x0  }
0x13f: {  	[sflag:s29] =	ssyncadd.s32 $0xFFFFF800  }
0x140: {  	_ =	swait.ge [sflag:s29], $0x800  }
0x141: {  	[sflag:s29] =	ssyncset.done $0x0  }
0x142: {  	[sflag:s29] =	ssyncadd.s32 $0xFFFFF800  }
0x143: {  	_ =	swait.ge [sflag:s29], $0x800  }
0x144: {  	[sflag:s29] =	ssyncset.done $0x0  }
0x145: {  	[sflag:s29] =	ssyncadd.s32 $0xFFFFF800  }
0x146: {  	_ =	swait.ge [sflag:s29], $0x800  }
0x147: {  	s30 =	sadd.s32 $0x1, s30;
	[sflag:s29] =	ssyncset.done $0x0  }
0x148: {  	p0 =	sne.s32 s30, s9;
	[sflag:s29] =	ssyncadd.s32 $0xFFFFF800  }
.Ltmp1:
0x149: {  	[bflag:$0x0] =	sbarrier.arrive $0xFFFF;
	(pc) =	sbr.rel @p0 .LBB2_1-.Ltmp1, $4  }
0x14a: {  	[hbm:s8], [sflag:s5] =	dma.local [spmem:s11], $0x3300  }
0x14b: {  	_ =	swait.ge [sflag:s12], $0x3300  }
0x14c: {  	[sflag:s12] =	ssyncset.done $0x0  }
0x14d: {  	[sflag:s12] =	ssyncadd.s32 $0xFFFFCD00  }
0x14e: {  	_ =	sfence.sel $0x180000  }
0x14f: {  	[bflag:$0x0] =	sbarrier.arrive $0xFFFF  }
0x150: {  	_ =	strace $0x9000004D  }
0x151: {  	s0 =	stileid.u32;
	[bflag:$0x2] =	sbarrier.arrive $0xFFFF  }
0x152: {  	p0 =	sne.s32 s0, $0x0;
	s0 =	rddreg [dreg:$0x2]  }
0x153: {  	s0 =	sadd.s32 @!p0 $0x100000, s0  }
0x154: {  	[sflag:s0] =	ssyncadd.tile.s32 @!p0 $0x1;
	_ =	shalt  }
.Lfunc_end2:
_tile_overlayer_lowered:
.L_overlay_start_2:
0x155: {  	(tag) =	ssettag $0x2  }
0x156: {  	s0 =	rddreg [dreg:$0x0];
	s2 =	stileid.u32  }
0x157: {  	s1 =	rddreg [dreg:$0x1];
	p0 =	sne.s32 s2, $0x0  }
0x158: {  	s3 =	rddreg [dreg:$0x2];
	[bflag:$0x3] =	sbarrier.arrive $0xFFFF;
	s2 =	simm.s32 @!p0 $0x1C03  }
0x159: {  	[timem:s3], [sflag:s2] =	dma.local @!p0 [hbm:s0], s1  }
0x15a: {  	s0 =	simm.s32 @!p0 $0x3  }
0x15b: {  	_ =	swait.ge @!p0 [sflag:s0], s1  }
0x15c: {  	s1 =	ssub.s32 @!p0 $0x0, s1;
	[sflag:s0] =	ssyncset.done @!p0 $0x0  }
0x15d: {  	[sflag:s0] =	ssyncadd.s32 @!p0 s1  }
0x15e: {  	[bflag:$0x3] =	sbarrier.arrive $0xFFFF  }
0x15f: {  	_ =	shalt  }

</sc_bundles>
